<compile_context>
chip_gen: v7x
topology: tpu7x:2x2x1
jax: 0.10.2.dev20260603
libtpu: 0.0.44.dev20260713+nightly
codegen_flags: <defaults>
</compile_context>

<pallas_src>
import jax
import jax.numpy as jnp
from jax import lax
from jax.experimental import pallas as pl
from jax.experimental.pallas import tpu as pltpu
from jax.experimental.pallas import tpu_sc as plsc

N = 10000
D = 128
DOUT = 64
E = 320000

NC = 2
NS = 16
NW = NC * NS
CHUNK = 128
ECHUNKS = E // CHUNK
CHUNKS = 80
CPP = 20
NPAD = 10240
RPT = NPAD // NS
ZB = 40
DEGW = 16
BR = 2560

_sc_mesh = plsc.VectorSubcoreMesh(core_axis_name="c", subcore_axis_name="s")
_f32 = jnp.float32


def _fill(ref, rows, cols, val):
    @pl.loop(0, rows)
    def _(i):
        for j in range(cols // 16):
            ref[i, pl.ds(j * 16, 16)] = jnp.full((16,), val, _f32)


def _sc_agg_body(h_hbm, e_hbm, agg_hbm, ew, rows, zbuf, aggS, gs0, gs1):
    cid = lax.axis_index("c")
    sid = lax.axis_index("s")
    wid = cid * NS + sid
    gsems = (gs0, gs1)

    _fill(zbuf, ZB, D, 0.0)

    @pl.loop(0, RPT // ZB)
    def _(k):
        pltpu.sync_copy(zbuf, aggS.at[pl.ds(sid * RPT + k * ZB, ZB)])

    plsc.subcore_barrier()

    nph = jnp.where(wid < NW - 1, CHUNKS // CPP, 1)

    @pl.loop(0, nph)
    def _(p):
        pltpu.sync_copy(e_hbm.at[pl.ds(wid * CHUNKS + p * CPP, CPP)], ew)
        pltpu.async_copy(h_hbm.at[ew.at[0, 0]], rows.at[0], gs0)
        pltpu.async_copy(h_hbm.at[ew.at[1, 0]], rows.at[1], gs1)

        @pl.loop(0, CPP, step=2)
        def _(j):
            for b in range(2):
                jb = j + b
                pltpu.make_async_copy(
                    h_hbm.at[ew.at[jb, 0]], rows.at[b], gsems[b]).wait()
                pltpu.sync_copy(rows.at[b], aggS.at[ew.at[jb, 1]], add=True)

                @pl.when(jb + 2 < CPP)
                def _():
                    pltpu.async_copy(
                        h_hbm.at[ew.at[jb + 2, 0]], rows.at[b], gsems[b])

    plsc.subcore_barrier()

    pltpu.sync_copy(aggS.at[pl.ds(sid * RPT, RPT)],
                    agg_hbm.at[cid].at[pl.ds(sid * RPT, RPT)])


_agg = pl.kernel(
    _sc_agg_body,
    out_type=jax.ShapeDtypeStruct((NC, NPAD, D), _f32),
    mesh=_sc_mesh,
    scratch_types=[
        pltpu.VMEM((CPP, 2, CHUNK), jnp.int32),
        pltpu.VMEM((2, CHUNK, D), _f32),
        pltpu.VMEM((ZB, D), _f32),
        pltpu.VMEM_SHARED((NPAD, D), _f32),
        pltpu.SemaphoreType.DMA,
        pltpu.SemaphoreType.DMA,
    ],
)


def _sc_deg_body(e_hbm, deg_hbm, ew, onev, zbuf, degS):
    cid = lax.axis_index("c")
    sid = lax.axis_index("s")
    wid = cid * NS + sid

    _fill(onev, CHUNK, D, 1.0)
    _fill(zbuf, ZB, D, 0.0)

    @pl.loop(0, RPT // ZB)
    def _(k):
        pltpu.sync_copy(zbuf, degS.at[pl.ds(sid * RPT + k * ZB, ZB)])

    plsc.subcore_barrier()

    nph = jnp.where(wid < NW - 1, CHUNKS // CPP, 1)

    @pl.loop(0, nph)
    def _(p):
        pltpu.sync_copy(e_hbm.at[pl.ds(wid * CHUNKS + p * CPP, CPP)], ew)

        @pl.loop(0, CPP)
        def _(j):
            pltpu.sync_copy(onev, degS.at[ew.at[j, 1]], add=True)

    plsc.subcore_barrier()
    pltpu.sync_copy(degS.at[pl.ds(sid * RPT, RPT)],
                    deg_hbm.at[cid].at[pl.ds(sid * RPT, RPT)])


_deg = pl.kernel(
    _sc_deg_body,
    out_type=jax.ShapeDtypeStruct((NC, NPAD, D), _f32),
    mesh=_sc_mesh,
    scratch_types=[
        pltpu.VMEM((CPP, 2, CHUNK), jnp.int32),
        pltpu.VMEM((CHUNK, D), _f32),
        pltpu.VMEM((ZB, D), _f32),
        pltpu.VMEM_SHARED((NPAD, D), _f32),
    ],
)


def _l2norm(x):
    def body(x_ref, o_ref):
        xv = x_ref[...]
        nrm = jnp.sqrt(jnp.sum(xv * xv, axis=1, keepdims=True))
        o_ref[...] = xv / jnp.maximum(nrm, 1e-12)

    return pl.pallas_call(
        body,
        out_shape=jax.ShapeDtypeStruct((NPAD, D), _f32),
        grid=(NPAD // BR,),
        in_specs=[pl.BlockSpec((BR, D), lambda i: (i, 0))],
        out_specs=pl.BlockSpec((BR, D), lambda i: (i, 0)),
    )(x)


def _sage_mean_layer(h, aggP, inv_b, wsT, wnT, b, dout, relu):
    def body(h_ref, agg_ref, inv_ref, ws_ref, wn_ref, b_ref, o_ref):
        hv = h_ref[...]
        hn = (agg_ref[0] + agg_ref[1]) * inv_ref[...]
        acc = jnp.dot(hv, ws_ref[...], preferred_element_type=_f32)
        acc = acc + jnp.dot(hn, wn_ref[...], preferred_element_type=_f32)
        acc = acc + b_ref[...]
        if relu:
            acc = jnp.maximum(acc, 0.0)
        o_ref[...] = acc

    return pl.pallas_call(
        body,
        out_shape=jax.ShapeDtypeStruct((NPAD, dout), _f32),
        grid=(NPAD // BR,),
        in_specs=[
            pl.BlockSpec((BR, D), lambda i: (i, 0)),
            pl.BlockSpec((NC, BR, D), lambda i: (0, i, 0)),
            pl.BlockSpec((BR, D), lambda i: (i, 0)),
            pl.BlockSpec((D, dout), lambda i: (0, 0)),
            pl.BlockSpec((D, dout), lambda i: (0, 0)),
            pl.BlockSpec((1, dout), lambda i: (0, 0)),
        ],
        out_specs=pl.BlockSpec((BR, dout), lambda i: (i, 0)),
    )(h, aggP, inv_b, wsT, wnT, b)


def _sage_gcn_layer(h, aggP, invh_b, wT, b):
    def body(h_ref, agg_ref, inv_ref, w_ref, b_ref, o_ref):
        rst = (h_ref[...] + agg_ref[0] + agg_ref[1]) * inv_ref[...]
        acc = jnp.dot(rst, w_ref[...], preferred_element_type=_f32)
        o_ref[...] = jnp.maximum(acc + b_ref[...], 0.0)

    return pl.pallas_call(
        body,
        out_shape=jax.ShapeDtypeStruct((NPAD, D), _f32),
        grid=(NPAD // BR,),
        in_specs=[
            pl.BlockSpec((BR, D), lambda i: (i, 0)),
            pl.BlockSpec((NC, BR, D), lambda i: (0, i, 0)),
            pl.BlockSpec((BR, D), lambda i: (i, 0)),
            pl.BlockSpec((D, D), lambda i: (0, 0)),
            pl.BlockSpec((1, D), lambda i: (0, 0)),
        ],
        out_specs=pl.BlockSpec((BR, D), lambda i: (i, 0)),
    )(h, aggP, invh_b, wT, b)


def kernel(x, edge_index, Ws0, Wn0, b0, W1, b1, W2, b2, Ws3, Wn3, b3):
    e3 = jnp.transpose(
        edge_index.astype(jnp.int32).reshape(2, ECHUNKS, CHUNK), (1, 0, 2))

    x_pad = jnp.zeros((NPAD, D), _f32).at[:N].set(x.astype(_f32))

    degP = _deg(e3)
    h0 = _l2norm(x_pad)
    deg = degP[0, :, 0] + degP[1, :, 0]
    inv0 = jnp.broadcast_to((1.0 / jnp.maximum(deg, 1.0))[:, None], (NPAD, D))
    invh = jnp.broadcast_to((1.0 / (deg + 1.0))[:, None], (NPAD, D))

    aggP0 = _agg(h0, e3)
    h1 = _sage_mean_layer(h0, aggP0, inv0, Ws0.T, Wn0.T,
                          b0.reshape(1, D), D, True)
    aggP1 = _agg(h1, e3)
    h2 = _sage_gcn_layer(h1, aggP1, invh, W1.T, b1.reshape(1, D))
    aggP2 = _agg(h2, e3)
    h3 = _sage_gcn_layer(h2, aggP2, invh, W2.T, b2.reshape(1, D))
    aggP3 = _agg(h3, e3)
    out = _sage_mean_layer(h3, aggP3, inv0, Ws3.T, Wn3.T,
                           b3.reshape(1, DOUT), DOUT, False)
    return out[:N]

# --- scband reference (transcript-rebuilt; emitter-appended) ---
"""Pipeline reference for scband-sage-16587163697542 (READ-ONLY COPY).

The authoritative reference and input builder live on the scoring server;
editing this copy changes nothing except your own understanding.
"""

import jax, jax.numpy as jnp
import numpy as np

N = 10000
E = 320000
D_IN = 128
D_HID = 128
D_OUT = 64


def setup_inputs(seed: int = 0) -> dict:
    key = jax.random.key(seed)
    ks = jax.random.split(key, 12)
    x = jax.random.normal(ks[0], (N, D_IN), dtype=jnp.float32)
    edge_index = jax.random.randint(ks[1], (2, E), 0, N)
    s_in = 1.0 / np.sqrt(D_IN)
    s_hid = 1.0 / np.sqrt(D_HID)
    Ws0 = jax.random.normal(ks[2], (D_HID, D_IN), dtype=jnp.float32) * s_in
    Wn0 = jax.random.normal(ks[3], (D_HID, D_IN), dtype=jnp.float32) * s_in
    b0 = jnp.zeros((D_HID,), dtype=jnp.float32)
    W1 = jax.random.normal(ks[4], (D_HID, D_HID), dtype=jnp.float32) * s_hid
    b1 = jnp.zeros((D_HID,), dtype=jnp.float32)
    W2 = jax.random.normal(ks[5], (D_HID, D_HID), dtype=jnp.float32) * s_hid
    b2 = jnp.zeros((D_HID,), dtype=jnp.float32)
    Ws3 = jax.random.normal(ks[6], (D_OUT, D_HID), dtype=jnp.float32) * s_hid
    Wn3 = jax.random.normal(ks[7], (D_OUT, D_HID), dtype=jnp.float32) * s_hid
    b3 = jnp.zeros((D_OUT,), dtype=jnp.float32)
    return {"x": x, "edge_index": edge_index, "Ws0": Ws0, "Wn0": Wn0, "b0": b0,
            "W1": W1, "b1": b1, "W2": W2, "b2": b2, "Ws3": Ws3, "Wn3": Wn3, "b3": b3}


def _l2_normalize(x):
    nrm = jnp.linalg.norm(x, axis=1, keepdims=True)
    return x / jnp.maximum(nrm, 1e-12)


def _mean_agg(h, src, dst):
    msg = jnp.take(h, src, axis=0)
    agg = jax.ops.segment_sum(msg, dst, num_segments=N)
    deg = jax.ops.segment_sum(jnp.ones((src.shape[0], 1), h.dtype), dst, num_segments=N)
    return agg / jnp.maximum(deg, 1.0)


def reference(x, edge_index, Ws0, Wn0, b0, W1, b1, W2, b2, Ws3, Wn3, b3):
    src = edge_index[0]
    dst = edge_index[1]
    h = _l2_normalize(x)
    # layer 0: SAGEConv mean aggregator: fc_self(h) + fc_neigh(mean_neigh(h))
    hn = _mean_agg(h, src, dst)
    h = h @ Ws0.T + hn @ Wn0.T + b0
    h = jax.nn.relu(h)
    # hidden layers: SAGEConv gcn aggregator: fc_neigh((h_self + sum_neigh) / (deg + 1))
    deg = jax.ops.segment_sum(jnp.ones((E, 1), h.dtype), dst, num_segments=N)
    for W, b in ((W1, b1), (W2, b2)):
        agg = jax.ops.segment_sum(jnp.take(h, src, axis=0), dst, num_segments=N)
        rst = (h + agg) / (deg + 1.0)
        h = rst @ W.T + b
        h = jax.nn.relu(h)
    # output layer: mean aggregator, no activation
    hn = _mean_agg(h, src, dst)
    h = h @ Ws3.T + hn @ Wn3.T + b3
    return h

if __name__ == "__main__":
    import jax
    _d = setup_inputs()
    print(jax.jit(kernel)(*tuple(_d.values())))

</pallas_src>

<mosaic_0001>
#map = affine_map<(d0, d1) -> (0, 0, 0)>
module attributes {stable_mosaic.version = 14 : i64} {
  func.func @_sc_deg_body(%arg0: i32, %arg1: i32, %arg2: memref<2500x2x128xi32, #tpu.memory_space<hbm>>, %arg3: memref<2x10240x128xf32, #tpu.memory_space<hbm>>, %arg4: memref<20x2x128xi32, #tpu.memory_space<vmem>>, %arg5: memref<128x128xf32, #tpu.memory_space<vmem>>, %arg6: memref<40x128xf32, #tpu.memory_space<vmem>>, %arg7: memref<10240x128xf32, #tpu.memory_space<vmem_shared>>) attributes {dimension_semantics = [#tpu.dimension_semantics<core_parallel>, #tpu.dimension_semantics<subcore_parallel>], iteration_bounds = array<i64: 2, 16>, scalar_prefetch = 0 : i64, scratch_operands = 4 : i64, tpu.core_type = #tpu.core_type<sc_vector_subcore>, window_params = [{transform_indices = #map}, {transform_indices = #map}]} {
    %mul3A = arith.constant 16 : i32
    %mul3A_0 = arith.muli %arg0, %mul3A : i32
    %add3A = arith.addi %mul3A_0, %arg1 : i32
    %scan3A = arith.constant 0 : i32
    %scan3A_1 = arith.constant 128 : i32
    %scan3A_2 = arith.addi %scan3A, %scan3A_1 : i32
    %scan3A_3 = arith.constant 1 : i32
    scf.for %scan3A_38 = %scan3A to %scan3A_2 step %scan3A_3  : i32 {
      %mul3A_39 = arith.constant 1 : i32
      %mul3A_40 = arith.muli %scan3A_38, %mul3A_39 : i32
      %add3A_41 = arith.constant 0 : i32
      %add3A_42 = arith.addi %add3A_41, %mul3A_40 : i32
      %broadcast_in_dim3A = arith.constant 1.000000e+00 : f32
      %broadcast_in_dim3A_43 = vector.broadcast %broadcast_in_dim3A : f32 to vector<16xf32>
      %swap3A = arith.index_cast %add3A_42 : i32 to index
      %swap3A_44 = arith.constant 0 : index
      %swap3A_45 = tpu.vector_load %arg5[%swap3A, %swap3A_44] {strides = array<i32>} : memref<128x128xf32, #tpu.memory_space<vmem>>, vector<1x16xf32>,
      %swap3A_46 = vector.shape_cast %swap3A_45 : vector<1x16xf32> to vector<16xf32>
      %swap3A_47 = vector.shape_cast %broadcast_in_dim3A_43 : vector<16xf32> to vector<1x16xf32>
      tpu.vector_store %arg5[%swap3A, %swap3A_44], %swap3A_47 {strides = array<i32>} : memref<128x128xf32, #tpu.memory_space<vmem>>, vector<1x16xf32>,
      %broadcast_in_dim3A_48 = arith.constant 1.000000e+00 : f32
      %broadcast_in_dim3A_49 = vector.broadcast %broadcast_in_dim3A_48 : f32 to vector<16xf32>
      %swap3A_50 = arith.index_cast %add3A_42 : i32 to index
      %swap3A_51 = arith.constant 16 : index
      %swap3A_52 = tpu.vector_load %arg5[%swap3A_50, %swap3A_51] {strides = array<i32>} : memref<128x128xf32, #tpu.memory_space<vmem>>, vector<1x16xf32>,
      %swap3A_53 = vector.shape_cast %swap3A_52 : vector<1x16xf32> to vector<16xf32>
      %swap3A_54 = vector.shape_cast %broadcast_in_dim3A_49 : vector<16xf32> to vector<1x16xf32>
      tpu.vector_store %arg5[%swap3A_50, %swap3A_51], %swap3A_54 {strides = array<i32>} : memref<128x128xf32, #tpu.memory_space<vmem>>, vector<1x16xf32>,
      %broadcast_in_dim3A_55 = arith.constant 1.000000e+00 : f32
      %broadcast_in_dim3A_56 = vector.broadcast %broadcast_in_dim3A_55 : f32 to vector<16xf32>
      %swap3A_57 = arith.index_cast %add3A_42 : i32 to index
      %swap3A_58 = arith.constant 32 : index
      %swap3A_59 = tpu.vector_load %arg5[%swap3A_57, %swap3A_58] {strides = array<i32>} : memref<128x128xf32, #tpu.memory_space<vmem>>, vector<1x16xf32>,
      %swap3A_60 = vector.shape_cast %swap3A_59 : vector<1x16xf32> to vector<16xf32>
      %swap3A_61 = vector.shape_cast %broadcast_in_dim3A_56 : vector<16xf32> to vector<1x16xf32>
      tpu.vector_store %arg5[%swap3A_57, %swap3A_58], %swap3A_61 {strides = array<i32>} : memref<128x128xf32, #tpu.memory_space<vmem>>, vector<1x16xf32>,
      %broadcast_in_dim3A_62 = arith.constant 1.000000e+00 : f32
      %broadcast_in_dim3A_63 = vector.broadcast %broadcast_in_dim3A_62 : f32 to vector<16xf32>
      %swap3A_64 = arith.index_cast %add3A_42 : i32 to index
      %swap3A_65 = arith.constant 48 : index
      %swap3A_66 = tpu.vector_load %arg5[%swap3A_64, %swap3A_65] {strides = array<i32>} : memref<128x128xf32, #tpu.memory_space<vmem>>, vector<1x16xf32>,
      %swap3A_67 = vector.shape_cast %swap3A_66 : vector<1x16xf32> to vector<16xf32>
      %swap3A_68 = vector.shape_cast %broadcast_in_dim3A_63 : vector<16xf32> to vector<1x16xf32>
      tpu.vector_store %arg5[%swap3A_64, %swap3A_65], %swap3A_68 {strides = array<i32>} : memref<128x128xf32, #tpu.memory_space<vmem>>, vector<1x16xf32>,
      %broadcast_in_dim3A_69 = arith.constant 1.000000e+00 : f32
      %broadcast_in_dim3A_70 = vector.broadcast %broadcast_in_dim3A_69 : f32 to vector<16xf32>
      %swap3A_71 = arith.index_cast %add3A_42 : i32 to index
      %swap3A_72 = arith.constant 64 : index
      %swap3A_73 = tpu.vector_load %arg5[%swap3A_71, %swap3A_72] {strides = array<i32>} : memref<128x128xf32, #tpu.memory_space<vmem>>, vector<1x16xf32>,
      %swap3A_74 = vector.shape_cast %swap3A_73 : vector<1x16xf32> to vector<16xf32>
      %swap3A_75 = vector.shape_cast %broadcast_in_dim3A_70 : vector<16xf32> to vector<1x16xf32>
      tpu.vector_store %arg5[%swap3A_71, %swap3A_72], %swap3A_75 {strides = array<i32>} : memref<128x128xf32, #tpu.memory_space<vmem>>, vector<1x16xf32>,
      %broadcast_in_dim3A_76 = arith.constant 1.000000e+00 : f32
      %broadcast_in_dim3A_77 = vector.broadcast %broadcast_in_dim3A_76 : f32 to vector<16xf32>
      %swap3A_78 = arith.index_cast %add3A_42 : i32 to index
      %swap3A_79 = arith.constant 80 : index
      %swap3A_80 = tpu.vector_load %arg5[%swap3A_78, %swap3A_79] {strides = array<i32>} : memref<128x128xf32, #tpu.memory_space<vmem>>, vector<1x16xf32>,
      %swap3A_81 = vector.shape_cast %swap3A_80 : vector<1x16xf32> to vector<16xf32>
      %swap3A_82 = vector.shape_cast %broadcast_in_dim3A_77 : vector<16xf32> to vector<1x16xf32>
      tpu.vector_store %arg5[%swap3A_78, %swap3A_79], %swap3A_82 {strides = array<i32>} : memref<128x128xf32, #tpu.memory_space<vmem>>, vector<1x16xf32>,
      %broadcast_in_dim3A_83 = arith.constant 1.000000e+00 : f32
      %broadcast_in_dim3A_84 = vector.broadcast %broadcast_in_dim3A_83 : f32 to vector<16xf32>
      %swap3A_85 = arith.index_cast %add3A_42 : i32 to index
      %swap3A_86 = arith.constant 96 : index
      %swap3A_87 = tpu.vector_load %arg5[%swap3A_85, %swap3A_86] {strides = array<i32>} : memref<128x128xf32, #tpu.memory_space<vmem>>, vector<1x16xf32>,
      %swap3A_88 = vector.shape_cast %swap3A_87 : vector<1x16xf32> to vector<16xf32>
      %swap3A_89 = vector.shape_cast %broadcast_in_dim3A_84 : vector<16xf32> to vector<1x16xf32>
      tpu.vector_store %arg5[%swap3A_85, %swap3A_86], %swap3A_89 {strides = array<i32>} : memref<128x128xf32, #tpu.memory_space<vmem>>, vector<1x16xf32>,
      %broadcast_in_dim3A_90 = arith.constant 1.000000e+00 : f32
      %broadcast_in_dim3A_91 = vector.broadcast %broadcast_in_dim3A_90 : f32 to vector<16xf32>
      %swap3A_92 = arith.index_cast %add3A_42 : i32 to index
      %swap3A_93 = arith.constant 112 : index
      %swap3A_94 = tpu.vector_load %arg5[%swap3A_92, %swap3A_93] {strides = array<i32>} : memref<128x128xf32, #tpu.memory_space<vmem>>, vector<1x16xf32>,
      %swap3A_95 = vector.shape_cast %swap3A_94 : vector<1x16xf32> to vector<16xf32>
      %swap3A_96 = vector.shape_cast %broadcast_in_dim3A_91 : vector<16xf32> to vector<1x16xf32>
      tpu.vector_store %arg5[%swap3A_92, %swap3A_93], %swap3A_96 {strides = array<i32>} : memref<128x128xf32, #tpu.memory_space<vmem>>, vector<1x16xf32>,
    }
    %scan3A_4 = arith.constant 128 : i32
    %scan3A_5 = arith.constant 0 : i32
    %scan3A_6 = arith.constant 40 : i32
    %scan3A_7 = arith.addi %scan3A_5, %scan3A_6 : i32
    %scan3A_8 = arith.constant 1 : i32
    scf.for %scan3A_38 = %scan3A_5 to %scan3A_7 step %scan3A_8  : i32 {
      %mul3A_39 = arith.constant 1 : i32
      %mul3A_40 = arith.muli %scan3A_38, %mul3A_39 : i32
      %add3A_41 = arith.constant 0 : i32
      %add3A_42 = arith.addi %add3A_41, %mul3A_40 : i32
      %broadcast_in_dim3A = arith.constant 0.000000e+00 : f32
      %broadcast_in_dim3A_43 = vector.broadcast %broadcast_in_dim3A : f32 to vector<16xf32>
      %swap3A = arith.index_cast %add3A_42 : i32 to index
      %swap3A_44 = arith.constant 0 : index
      %swap3A_45 = tpu.vector_load %arg6[%swap3A, %swap3A_44] {strides = array<i32>} : memref<40x128xf32, #tpu.memory_space<vmem>>, vector<1x16xf32>,
      %swap3A_46 = vector.shape_cast %swap3A_45 : vector<1x16xf32> to vector<16xf32>
      %swap3A_47 = vector.shape_cast %broadcast_in_dim3A_43 : vector<16xf32> to vector<1x16xf32>
      tpu.vector_store %arg6[%swap3A, %swap3A_44], %swap3A_47 {strides = array<i32>} : memref<40x128xf32, #tpu.memory_space<vmem>>, vector<1x16xf32>,
      %broadcast_in_dim3A_48 = arith.constant 0.000000e+00 : f32
      %broadcast_in_dim3A_49 = vector.broadcast %broadcast_in_dim3A_48 : f32 to vector<16xf32>
      %swap3A_50 = arith.index_cast %add3A_42 : i32 to index
      %swap3A_51 = arith.constant 16 : index
      %swap3A_52 = tpu.vector_load %arg6[%swap3A_50, %swap3A_51] {strides = array<i32>} : memref<40x128xf32, #tpu.memory_space<vmem>>, vector<1x16xf32>,
      %swap3A_53 = vector.shape_cast %swap3A_52 : vector<1x16xf32> to vector<16xf32>
      %swap3A_54 = vector.shape_cast %broadcast_in_dim3A_49 : vector<16xf32> to vector<1x16xf32>
      tpu.vector_store %arg6[%swap3A_50, %swap3A_51], %swap3A_54 {strides = array<i32>} : memref<40x128xf32, #tpu.memory_space<vmem>>, vector<1x16xf32>,
      %broadcast_in_dim3A_55 = arith.constant 0.000000e+00 : f32
      %broadcast_in_dim3A_56 = vector.broadcast %broadcast_in_dim3A_55 : f32 to vector<16xf32>
      %swap3A_57 = arith.index_cast %add3A_42 : i32 to index
      %swap3A_58 = arith.constant 32 : index
      %swap3A_59 = tpu.vector_load %arg6[%swap3A_57, %swap3A_58] {strides = array<i32>} : memref<40x128xf32, #tpu.memory_space<vmem>>, vector<1x16xf32>,
      %swap3A_60 = vector.shape_cast %swap3A_59 : vector<1x16xf32> to vector<16xf32>
      %swap3A_61 = vector.shape_cast %broadcast_in_dim3A_56 : vector<16xf32> to vector<1x16xf32>
      tpu.vector_store %arg6[%swap3A_57, %swap3A_58], %swap3A_61 {strides = array<i32>} : memref<40x128xf32, #tpu.memory_space<vmem>>, vector<1x16xf32>,
      %broadcast_in_dim3A_62 = arith.constant 0.000000e+00 : f32
      %broadcast_in_dim3A_63 = vector.broadcast %broadcast_in_dim3A_62 : f32 to vector<16xf32>
      %swap3A_64 = arith.index_cast %add3A_42 : i32 to index
      %swap3A_65 = arith.constant 48 : index
      %swap3A_66 = tpu.vector_load %arg6[%swap3A_64, %swap3A_65] {strides = array<i32>} : memref<40x128xf32, #tpu.memory_space<vmem>>, vector<1x16xf32>,
      %swap3A_67 = vector.shape_cast %swap3A_66 : vector<1x16xf32> to vector<16xf32>
      %swap3A_68 = vector.shape_cast %broadcast_in_dim3A_63 : vector<16xf32> to vector<1x16xf32>
      tpu.vector_store %arg6[%swap3A_64, %swap3A_65], %swap3A_68 {strides = array<i32>} : memref<40x128xf32, #tpu.memory_space<vmem>>, vector<1x16xf32>,
      %broadcast_in_dim3A_69 = arith.constant 0.000000e+00 : f32
      %broadcast_in_dim3A_70 = vector.broadcast %broadcast_in_dim3A_69 : f32 to vector<16xf32>
      %swap3A_71 = arith.index_cast %add3A_42 : i32 to index
      %swap3A_72 = arith.constant 64 : index
      %swap3A_73 = tpu.vector_load %arg6[%swap3A_71, %swap3A_72] {strides = array<i32>} : memref<40x128xf32, #tpu.memory_space<vmem>>, vector<1x16xf32>,
      %swap3A_74 = vector.shape_cast %swap3A_73 : vector<1x16xf32> to vector<16xf32>
      %swap3A_75 = vector.shape_cast %broadcast_in_dim3A_70 : vector<16xf32> to vector<1x16xf32>
      tpu.vector_store %arg6[%swap3A_71, %swap3A_72], %swap3A_75 {strides = array<i32>} : memref<40x128xf32, #tpu.memory_space<vmem>>, vector<1x16xf32>,
      %broadcast_in_dim3A_76 = arith.constant 0.000000e+00 : f32
      %broadcast_in_dim3A_77 = vector.broadcast %broadcast_in_dim3A_76 : f32 to vector<16xf32>
      %swap3A_78 = arith.index_cast %add3A_42 : i32 to index
      %swap3A_79 = arith.constant 80 : index
      %swap3A_80 = tpu.vector_load %arg6[%swap3A_78, %swap3A_79] {strides = array<i32>} : memref<40x128xf32, #tpu.memory_space<vmem>>, vector<1x16xf32>,
      %swap3A_81 = vector.shape_cast %swap3A_80 : vector<1x16xf32> to vector<16xf32>
      %swap3A_82 = vector.shape_cast %broadcast_in_dim3A_77 : vector<16xf32> to vector<1x16xf32>
      tpu.vector_store %arg6[%swap3A_78, %swap3A_79], %swap3A_82 {strides = array<i32>} : memref<40x128xf32, #tpu.memory_space<vmem>>, vector<1x16xf32>,
      %broadcast_in_dim3A_83 = arith.constant 0.000000e+00 : f32
      %broadcast_in_dim3A_84 = vector.broadcast %broadcast_in_dim3A_83 : f32 to vector<16xf32>
      %swap3A_85 = arith.index_cast %add3A_42 : i32 to index
      %swap3A_86 = arith.constant 96 : index
      %swap3A_87 = tpu.vector_load %arg6[%swap3A_85, %swap3A_86] {strides = array<i32>} : memref<40x128xf32, #tpu.memory_space<vmem>>, vector<1x16xf32>,
      %swap3A_88 = vector.shape_cast %swap3A_87 : vector<1x16xf32> to vector<16xf32>
      %swap3A_89 = vector.shape_cast %broadcast_in_dim3A_84 : vector<16xf32> to vector<1x16xf32>
      tpu.vector_store %arg6[%swap3A_85, %swap3A_86], %swap3A_89 {strides = array<i32>} : memref<40x128xf32, #tpu.memory_space<vmem>>, vector<1x16xf32>,
      %broadcast_in_dim3A_90 = arith.constant 0.000000e+00 : f32
      %broadcast_in_dim3A_91 = vector.broadcast %broadcast_in_dim3A_90 : f32 to vector<16xf32>
      %swap3A_92 = arith.index_cast %add3A_42 : i32 to index
      %swap3A_93 = arith.constant 112 : index
      %swap3A_94 = tpu.vector_load %arg6[%swap3A_92, %swap3A_93] {strides = array<i32>} : memref<40x128xf32, #tpu.memory_space<vmem>>, vector<1x16xf32>,
      %swap3A_95 = vector.shape_cast %swap3A_94 : vector<1x16xf32> to vector<16xf32>
      %swap3A_96 = vector.shape_cast %broadcast_in_dim3A_91 : vector<16xf32> to vector<1x16xf32>
      tpu.vector_store %arg6[%swap3A_92, %swap3A_93], %swap3A_96 {strides = array<i32>} : memref<40x128xf32, #tpu.memory_space<vmem>>, vector<1x16xf32>,
    }
    %scan3A_9 = arith.constant 40 : i32
    %scan3A_10 = arith.constant 0 : i32
    %scan3A_11 = arith.constant 16 : i32
    %scan3A_12 = arith.addi %scan3A_10, %scan3A_11 : i32
    %scan3A_13 = arith.constant 1 : i32
    scf.for %scan3A_38 = %scan3A_10 to %scan3A_12 step %scan3A_13  : i32 {
      %mul3A_39 = arith.constant 1 : i32
      %mul3A_40 = arith.muli %scan3A_38, %mul3A_39 : i32
      %add3A_41 = arith.constant 0 : i32
      %add3A_42 = arith.addi %add3A_41, %mul3A_40 : i32
      %mul3A_43 = arith.constant 640 : i32
      %mul3A_44 = arith.muli %arg1, %mul3A_43 : i32
      %mul3A_45 = arith.constant 40 : i32
      %mul3A_46 = arith.muli %add3A_42, %mul3A_45 : i32
      %add3A_47 = arith.addi %mul3A_44, %mul3A_46 : i32
      "tpu.region"() ({
        %run_scoped3A = tpu.sem_alloc : memref<!tpu.dma_semaphore, #tpu.memory_space<semaphore_mem>>
        %dma_start3A = arith.constant 0 : i32
        %dma_start3A_48 = tpu.memref_slice %arg7[%add3A_47, %dma_start3A] : memref<10240x128xf32, #tpu.memory_space<vmem_shared>> -> memref<40x128xf32, #tpu.memory_space<vmem_shared>>
        %dma_start3A_49 = arith.constant 0 : i32
        %dma_start3A_50 = tpu.memref_slice %arg7[%add3A_47, %dma_start3A_49] : memref<10240x128xf32, #tpu.memory_space<vmem_shared>> -> memref<40x128xf32, #tpu.memory_space<vmem_shared>>
        tpu.enqueue_dma source(%arg6 : memref<40x128xf32, #tpu.memory_space<vmem>>) target(%dma_start3A_50 : memref<40x128xf32, #tpu.memory_space<vmem_shared>>) target_semaphore(%run_scoped3A : memref<!tpu.dma_semaphore, #tpu.memory_space<semaphore_mem>>)
        %dma_wait3A = arith.constant 0 : i32
        %dma_wait3A_51 = tpu.memref_slice %arg7[%add3A_47, %dma_wait3A] : memref<10240x128xf32, #tpu.memory_space<vmem_shared>> -> memref<40x128xf32, #tpu.memory_space<vmem_shared>>
        %dma_wait3A_52 = arith.constant 0 : i32
        %dma_wait3A_53 = tpu.memref_slice %arg7[%add3A_47, %dma_wait3A_52] : memref<10240x128xf32, #tpu.memory_space<vmem_shared>> -> memref<40x128xf32, #tpu.memory_space<vmem_shared>>
        tpu.wait_dma2 semaphore(%run_scoped3A : memref<!tpu.dma_semaphore, #tpu.memory_space<semaphore_mem>>) src(%arg6 : memref<40x128xf32, #tpu.memory_space<vmem>>) dst(%dma_wait3A_53 : memref<40x128xf32, #tpu.memory_space<vmem_shared>>)
        tpu.yield
      }) : () -> ()
    }
    %scan3A_14 = arith.constant 16 : i32
    %barrier3A = arith.constant 0 : index
    tpu.barrier barrier_id(%barrier3A)
    %lt3A = arith.constant 31 : i32
    %lt3A_15 = arith.cmpi slt, %add3A, %lt3A : i32
    %jit3A = arith.constant 4 : i32
    %jit3A_16 = arith.constant 1 : i32
    %select_n3A = arith.select %lt3A_15, %jit3A, %jit3A_16 : i32
    %sub3A = arith.constant 0 : i32
    %sub3A_17 = arith.subi %select_n3A, %sub3A : i32
    %sub3A_18 = arith.constant 1 : i32
    %sub3A_19 = arith.constant 1 : i32
    %sub3A_20 = arith.subi %sub3A_18, %sub3A_19 : i32
    %add3A_21 = arith.addi %sub3A_17, %sub3A_20 : i32
    %div3A = arith.constant 1 : i32
    %div3A_22 = arith.divsi %add3A_21, %div3A : i32
    %while3A = arith.constant 1 : i32
    %while3A_23 = arith.constant 0 : i32
    %while3A_24 = arith.constant 0 : i32
    %while3A_25 = arith.subi %div3A_22, %while3A_24 : i32
    %while3A_26 = arith.addi %while3A_24, %while3A_25 : i32
    %while3A_27 = arith.constant 1 : i32
    %while3A_28 = arith.divsi %while3A_25, %while3A_27 : i32
    %while3A_29 = arith.muli %while3A_28, %while3A_27 : i32
    %while3A_30 = arith.addi %while3A_24, %while3A_29 : i32
    %while3A_31 = arith.constant 1 : i32
    scf.for %while3A_38 = %while3A_24 to %while3A_30 step %while3A_31  : i32 {
      %mul3A_39 = arith.muli %while3A_38, %while3A : i32
      %add3A_40 = arith.addi %while3A_23, %mul3A_39 : i32
      %mul3A_41 = arith.constant 80 : i32
      %mul3A_42 = arith.muli %add3A, %mul3A_41 : i32
      %mul3A_43 = arith.constant 20 : i32
      %mul3A_44 = arith.muli %add3A_40, %mul3A_43 : i32
      %add3A_45 = arith.addi %mul3A_42, %mul3A_44 : i32
      "tpu.region"() ({
        %run_scoped3A = tpu.sem_alloc : memref<!tpu.dma_semaphore, #tpu.memory_space<semaphore_mem>>
        %dma_start3A = arith.constant 0 : i32
        %dma_start3A_51 = arith.constant 0 : i32
        %dma_start3A_52 = tpu.memref_slice %arg2[%add3A_45, %dma_start3A, %dma_start3A_51] : memref<2500x2x128xi32, #tpu.memory_space<hbm>> -> memref<20x2x128xi32, #tpu.memory_space<hbm>>
        %dma_start3A_53 = arith.constant 0 : i32
        %dma_start3A_54 = arith.constant 0 : i32
        %dma_start3A_55 = tpu.memref_slice %arg2[%add3A_45, %dma_start3A_53, %dma_start3A_54] : memref<2500x2x128xi32, #tpu.memory_space<hbm>> -> memref<20x2x128xi32, #tpu.memory_space<hbm>>
        tpu.enqueue_dma source(%dma_start3A_55 : memref<20x2x128xi32, #tpu.memory_space<hbm>>) target(%arg4 : memref<20x2x128xi32, #tpu.memory_space<vmem>>) target_semaphore(%run_scoped3A : memref<!tpu.dma_semaphore, #tpu.memory_space<semaphore_mem>>)
        %dma_wait3A = arith.constant 0 : i32
        %dma_wait3A_56 = arith.constant 0 : i32
        %dma_wait3A_57 = tpu.memref_slice %arg2[%add3A_45, %dma_wait3A, %dma_wait3A_56] : memref<2500x2x128xi32, #tpu.memory_space<hbm>> -> memref<20x2x128xi32, #tpu.memory_space<hbm>>
        %dma_wait3A_58 = arith.constant 0 : i32
        %dma_wait3A_59 = arith.constant 0 : i32
        %dma_wait3A_60 = tpu.memref_slice %arg2[%add3A_45, %dma_wait3A_58, %dma_wait3A_59] : memref<2500x2x128xi32, #tpu.memory_space<hbm>> -> memref<20x2x128xi32, #tpu.memory_space<hbm>>
        tpu.wait_dma2 semaphore(%run_scoped3A : memref<!tpu.dma_semaphore, #tpu.memory_space<semaphore_mem>>) src(%dma_wait3A_60 : memref<20x2x128xi32, #tpu.memory_space<hbm>>) dst(%arg4 : memref<20x2x128xi32, #tpu.memory_space<vmem>>)
        tpu.yield
      }) : () -> ()
      %scan3A_46 = arith.constant 0 : i32
      %scan3A_47 = arith.constant 20 : i32
      %scan3A_48 = arith.addi %scan3A_46, %scan3A_47 : i32
      %scan3A_49 = arith.constant 1 : i32
      scf.for %scan3A_51 = %scan3A_46 to %scan3A_48 step %scan3A_49  : i32 {
        %mul3A_52 = arith.constant 1 : i32
        %mul3A_53 = arith.muli %scan3A_51, %mul3A_52 : i32
        %add3A_54 = arith.constant 0 : i32
        %add3A_55 = arith.addi %add3A_54, %mul3A_53 : i32
        %run_scoped3A = arith.constant 1 : i32
        "tpu.region"() ({
          %run_scoped3A_56 = tpu.sem_alloc : memref<!tpu.dma_semaphore, #tpu.memory_space<semaphore_mem>>
          %dma_start3A = arith.constant 0 : i32
          %dma_start3A_57 = tpu.memref_slice %arg4[%add3A_55, %run_scoped3A, %dma_start3A] : memref<20x2x128xi32, #tpu.memory_space<vmem>> -> memref<1x1x128xi32, #tpu.memory_space<vmem>>
          %dma_start3A_58 = tpu.memref_squeeze %dma_start3A_57 : memref<1x1x128xi32, #tpu.memory_space<vmem>> -> memref<128xi32, #tpu.memory_space<vmem>>
          %dma_start3A_59 = arith.constant 0 : i32
          %dma_start3A_60 = arith.constant 0 : i32
          %dma_start3A_61 = tpu.memref_slice %arg7[%dma_start3A_59, %dma_start3A_60] : memref<10240x128xf32, #tpu.memory_space<vmem_shared>> -> memref<10240x128xf32, #tpu.memory_space<vmem_shared>>
          tpu.enqueue_indirect_dma source(%arg5 : memref<128x128xf32, #tpu.memory_space<vmem>>) target(%dma_start3A_61 : memref<10240x128xf32, #tpu.memory_space<vmem_shared>>) offsets(%dma_start3A_58 : memref<128xi32, #tpu.memory_space<vmem>>) semaphore(%run_scoped3A_56 : memref<!tpu.dma_semaphore, #tpu.memory_space<semaphore_mem>>) {add = true}
          %dma_wait3A = arith.constant 0 : i32
          %dma_wait3A_62 = tpu.memref_slice %arg4[%add3A_55, %run_scoped3A, %dma_wait3A] : memref<20x2x128xi32, #tpu.memory_space<vmem>> -> memref<1x1x128xi32, #tpu.memory_space<vmem>>
          %dma_wait3A_63 = tpu.memref_squeeze %dma_wait3A_62 : memref<1x1x128xi32, #tpu.memory_space<vmem>> -> memref<128xi32, #tpu.memory_space<vmem>>
          %dma_wait3A_64 = arith.constant 0 : i32
          %dma_wait3A_65 = arith.constant 0 : i32
          %dma_wait3A_66 = tpu.memref_slice %arg7[%dma_wait3A_64, %dma_wait3A_65] : memref<10240x128xf32, #tpu.memory_space<vmem_shared>> -> memref<10240x128xf32, #tpu.memory_space<vmem_shared>>
          tpu.wait_indirect_dma semaphore(%run_scoped3A_56 : memref<!tpu.dma_semaphore, #tpu.memory_space<semaphore_mem>>) src(%arg5 : memref<128x128xf32, #tpu.memory_space<vmem>>) dst(%dma_wait3A_66 : memref<10240x128xf32, #tpu.memory_space<vmem_shared>>)
          tpu.yield
        }) : () -> ()
      }
      %scan3A_50 = arith.constant 20 : i32
    }
    %while3A_32 = arith.constant 1 : i32
    scf.for %while3A_38 = %while3A_30 to %while3A_26 step %while3A_32  : i32 {
      %mul3A_39 = arith.muli %while3A_38, %while3A : i32
      %add3A_40 = arith.addi %while3A_23, %mul3A_39 : i32
      %mul3A_41 = arith.constant 80 : i32
      %mul3A_42 = arith.muli %add3A, %mul3A_41 : i32
      %mul3A_43 = arith.constant 20 : i32
      %mul3A_44 = arith.muli %add3A_40, %mul3A_43 : i32
      %add3A_45 = arith.addi %mul3A_42, %mul3A_44 : i32
      "tpu.region"() ({
        %run_scoped3A = tpu.sem_alloc : memref<!tpu.dma_semaphore, #tpu.memory_space<semaphore_mem>>
        %dma_start3A = arith.constant 0 : i32
        %dma_start3A_51 = arith.constant 0 : i32
        %dma_start3A_52 = tpu.memref_slice %arg2[%add3A_45, %dma_start3A, %dma_start3A_51] : memref<2500x2x128xi32, #tpu.memory_space<hbm>> -> memref<20x2x128xi32, #tpu.memory_space<hbm>>
        %dma_start3A_53 = arith.constant 0 : i32
        %dma_start3A_54 = arith.constant 0 : i32
        %dma_start3A_55 = tpu.memref_slice %arg2[%add3A_45, %dma_start3A_53, %dma_start3A_54] : memref<2500x2x128xi32, #tpu.memory_space<hbm>> -> memref<20x2x128xi32, #tpu.memory_space<hbm>>
        tpu.enqueue_dma source(%dma_start3A_55 : memref<20x2x128xi32, #tpu.memory_space<hbm>>) target(%arg4 : memref<20x2x128xi32, #tpu.memory_space<vmem>>) target_semaphore(%run_scoped3A : memref<!tpu.dma_semaphore, #tpu.memory_space<semaphore_mem>>)
        %dma_wait3A = arith.constant 0 : i32
        %dma_wait3A_56 = arith.constant 0 : i32
        %dma_wait3A_57 = tpu.memref_slice %arg2[%add3A_45, %dma_wait3A, %dma_wait3A_56] : memref<2500x2x128xi32, #tpu.memory_space<hbm>> -> memref<20x2x128xi32, #tpu.memory_space<hbm>>
        %dma_wait3A_58 = arith.constant 0 : i32
        %dma_wait3A_59 = arith.constant 0 : i32
        %dma_wait3A_60 = tpu.memref_slice %arg2[%add3A_45, %dma_wait3A_58, %dma_wait3A_59] : memref<2500x2x128xi32, #tpu.memory_space<hbm>> -> memref<20x2x128xi32, #tpu.memory_space<hbm>>
        tpu.wait_dma2 semaphore(%run_scoped3A : memref<!tpu.dma_semaphore, #tpu.memory_space<semaphore_mem>>) src(%dma_wait3A_60 : memref<20x2x128xi32, #tpu.memory_space<hbm>>) dst(%arg4 : memref<20x2x128xi32, #tpu.memory_space<vmem>>)
        tpu.yield
      }) : () -> ()
      %scan3A_46 = arith.constant 0 : i32
      %scan3A_47 = arith.constant 20 : i32
      %scan3A_48 = arith.addi %scan3A_46, %scan3A_47 : i32
      %scan3A_49 = arith.constant 1 : i32
      scf.for %scan3A_51 = %scan3A_46 to %scan3A_48 step %scan3A_49  : i32 {
        %mul3A_52 = arith.constant 1 : i32
        %mul3A_53 = arith.muli %scan3A_51, %mul3A_52 : i32
        %add3A_54 = arith.constant 0 : i32
        %add3A_55 = arith.addi %add3A_54, %mul3A_53 : i32
        %run_scoped3A = arith.constant 1 : i32
        "tpu.region"() ({
          %run_scoped3A_56 = tpu.sem_alloc : memref<!tpu.dma_semaphore, #tpu.memory_space<semaphore_mem>>
          %dma_start3A = arith.constant 0 : i32
          %dma_start3A_57 = tpu.memref_slice %arg4[%add3A_55, %run_scoped3A, %dma_start3A] : memref<20x2x128xi32, #tpu.memory_space<vmem>> -> memref<1x1x128xi32, #tpu.memory_space<vmem>>
          %dma_start3A_58 = tpu.memref_squeeze %dma_start3A_57 : memref<1x1x128xi32, #tpu.memory_space<vmem>> -> memref<128xi32, #tpu.memory_space<vmem>>
          %dma_start3A_59 = arith.constant 0 : i32
          %dma_start3A_60 = arith.constant 0 : i32
          %dma_start3A_61 = tpu.memref_slice %arg7[%dma_start3A_59, %dma_start3A_60] : memref<10240x128xf32, #tpu.memory_space<vmem_shared>> -> memref<10240x128xf32, #tpu.memory_space<vmem_shared>>
          tpu.enqueue_indirect_dma source(%arg5 : memref<128x128xf32, #tpu.memory_space<vmem>>) target(%dma_start3A_61 : memref<10240x128xf32, #tpu.memory_space<vmem_shared>>) offsets(%dma_start3A_58 : memref<128xi32, #tpu.memory_space<vmem>>) semaphore(%run_scoped3A_56 : memref<!tpu.dma_semaphore, #tpu.memory_space<semaphore_mem>>) {add = true}
          %dma_wait3A = arith.constant 0 : i32
          %dma_wait3A_62 = tpu.memref_slice %arg4[%add3A_55, %run_scoped3A, %dma_wait3A] : memref<20x2x128xi32, #tpu.memory_space<vmem>> -> memref<1x1x128xi32, #tpu.memory_space<vmem>>
          %dma_wait3A_63 = tpu.memref_squeeze %dma_wait3A_62 : memref<1x1x128xi32, #tpu.memory_space<vmem>> -> memref<128xi32, #tpu.memory_space<vmem>>
          %dma_wait3A_64 = arith.constant 0 : i32
          %dma_wait3A_65 = arith.constant 0 : i32
          %dma_wait3A_66 = tpu.memref_slice %arg7[%dma_wait3A_64, %dma_wait3A_65] : memref<10240x128xf32, #tpu.memory_space<vmem_shared>> -> memref<10240x128xf32, #tpu.memory_space<vmem_shared>>
          tpu.wait_indirect_dma semaphore(%run_scoped3A_56 : memref<!tpu.dma_semaphore, #tpu.memory_space<semaphore_mem>>) src(%arg5 : memref<128x128xf32, #tpu.memory_space<vmem>>) dst(%dma_wait3A_66 : memref<10240x128xf32, #tpu.memory_space<vmem_shared>>)
          tpu.yield
        }) : () -> ()
      }
      %scan3A_50 = arith.constant 20 : i32
    }
    %barrier3A_33 = arith.constant 0 : index
    tpu.barrier barrier_id(%barrier3A_33)
    %mul3A_34 = arith.constant 640 : i32
    %mul3A_35 = arith.muli %arg1, %mul3A_34 : i32
    %mul3A_36 = arith.constant 640 : i32
    %mul3A_37 = arith.muli %arg1, %mul3A_36 : i32
    "tpu.region"() ({
      %run_scoped3A = tpu.sem_alloc : memref<!tpu.dma_semaphore, #tpu.memory_space<semaphore_mem>>
      %dma_start3A = arith.constant 0 : i32
      %dma_start3A_38 = arith.constant 0 : i32
      %dma_start3A_39 = tpu.memref_slice %arg3[%arg0, %dma_start3A, %dma_start3A_38] : memref<2x10240x128xf32, #tpu.memory_space<hbm>> -> memref<1x10240x128xf32, #tpu.memory_space<hbm>>
      %dma_start3A_40 = tpu.memref_squeeze %dma_start3A_39 : memref<1x10240x128xf32, #tpu.memory_space<hbm>> -> memref<10240x128xf32, #tpu.memory_space<hbm>>
      %dma_start3A_41 = arith.constant 0 : i32
      %dma_start3A_42 = tpu.memref_slice %dma_start3A_40[%mul3A_37, %dma_start3A_41] : memref<10240x128xf32, #tpu.memory_space<hbm>> -> memref<640x128xf32, #tpu.memory_space<hbm>>
      %dma_start3A_43 = arith.constant 0 : i32
      %dma_start3A_44 = tpu.memref_slice %arg7[%mul3A_35, %dma_start3A_43] : memref<10240x128xf32, #tpu.memory_space<vmem_shared>> -> memref<640x128xf32, #tpu.memory_space<vmem_shared>>
      tpu.enqueue_dma source(%dma_start3A_44 : memref<640x128xf32, #tpu.memory_space<vmem_shared>>) target(%dma_start3A_42 : memref<640x128xf32, #tpu.memory_space<hbm>>) target_semaphore(%run_scoped3A : memref<!tpu.dma_semaphore, #tpu.memory_space<semaphore_mem>>)
      %dma_wait3A = arith.constant 0 : i32
      %dma_wait3A_45 = arith.constant 0 : i32
      %dma_wait3A_46 = tpu.memref_slice %arg3[%arg0, %dma_wait3A, %dma_wait3A_45] : memref<2x10240x128xf32, #tpu.memory_space<hbm>> -> memref<1x10240x128xf32, #tpu.memory_space<hbm>>
      %dma_wait3A_47 = tpu.memref_squeeze %dma_wait3A_46 : memref<1x10240x128xf32, #tpu.memory_space<hbm>> -> memref<10240x128xf32, #tpu.memory_space<hbm>>
      %dma_wait3A_48 = arith.constant 0 : i32
      %dma_wait3A_49 = tpu.memref_slice %dma_wait3A_47[%mul3A_37, %dma_wait3A_48] : memref<10240x128xf32, #tpu.memory_space<hbm>> -> memref<640x128xf32, #tpu.memory_space<hbm>>
      %dma_wait3A_50 = arith.constant 0 : i32
      %dma_wait3A_51 = tpu.memref_slice %arg7[%mul3A_35, %dma_wait3A_50] : memref<10240x128xf32, #tpu.memory_space<vmem_shared>> -> memref<640x128xf32, #tpu.memory_space<vmem_shared>>
      tpu.wait_dma2 semaphore(%run_scoped3A : memref<!tpu.dma_semaphore, #tpu.memory_space<semaphore_mem>>) src(%dma_wait3A_51 : memref<640x128xf32, #tpu.memory_space<vmem_shared>>) dst(%dma_wait3A_49 : memref<640x128xf32, #tpu.memory_space<hbm>>)
      tpu.yield
    }) : () -> ()
    return
  }
}

#map = affine_map<(d0, d1) -> (0, 0)>
#map1 = affine_map<(d0, d1) -> (0, 0, 0)>
module attributes {stable_mosaic.version = 14 : i64} {
  func.func @_sc_agg_body(%arg0: i32, %arg1: i32, %arg2: memref<10240x128xf32, #tpu.memory_space<hbm>>, %arg3: memref<2500x2x128xi32, #tpu.memory_space<hbm>>, %arg4: memref<2x10240x128xf32, #tpu.memory_space<hbm>>, %arg5: memref<20x2x128xi32, #tpu.memory_space<vmem>>, %arg6: memref<2x128x128xf32, #tpu.memory_space<vmem>>, %arg7: memref<40x128xf32, #tpu.memory_space<vmem>>, %arg8: memref<10240x128xf32, #tpu.memory_space<vmem_shared>>, %arg9: memref<!tpu.dma_semaphore, #tpu.memory_space<semaphore_mem>>, %arg10: memref<!tpu.dma_semaphore, #tpu.memory_space<semaphore_mem>>) attributes {dimension_semantics = [#tpu.dimension_semantics<core_parallel>, #tpu.dimension_semantics<subcore_parallel>], iteration_bounds = array<i64: 2, 16>, scalar_prefetch = 0 : i64, scratch_operands = 6 : i64, tpu.core_type = #tpu.core_type<sc_vector_subcore>, window_params = [{transform_indices = #map}, {transform_indices = #map1}, {transform_indices = #map1}]} {
    %mul3A = arith.constant 16 : i32
    %mul3A_0 = arith.muli %arg0, %mul3A : i32
    %add3A = arith.addi %mul3A_0, %arg1 : i32
    %scan3A = arith.constant 0 : i32
    %scan3A_1 = arith.constant 40 : i32
    %scan3A_2 = arith.addi %scan3A, %scan3A_1 : i32
    %scan3A_3 = arith.constant 1 : i32
    scf.for %scan3A_33 = %scan3A to %scan3A_2 step %scan3A_3  : i32 {
      %mul3A_34 = arith.constant 1 : i32
      %mul3A_35 = arith.muli %scan3A_33, %mul3A_34 : i32
      %add3A_36 = arith.constant 0 : i32
      %add3A_37 = arith.addi %add3A_36, %mul3A_35 : i32
      %broadcast_in_dim3A = arith.constant 0.000000e+00 : f32
      %broadcast_in_dim3A_38 = vector.broadcast %broadcast_in_dim3A : f32 to vector<16xf32>
      %swap3A = arith.index_cast %add3A_37 : i32 to index
      %swap3A_39 = arith.constant 0 : index
      %swap3A_40 = tpu.vector_load %arg7[%swap3A, %swap3A_39] {strides = array<i32>} : memref<40x128xf32, #tpu.memory_space<vmem>>, vector<1x16xf32>,
      %swap3A_41 = vector.shape_cast %swap3A_40 : vector<1x16xf32> to vector<16xf32>
      %swap3A_42 = vector.shape_cast %broadcast_in_dim3A_38 : vector<16xf32> to vector<1x16xf32>
      tpu.vector_store %arg7[%swap3A, %swap3A_39], %swap3A_42 {strides = array<i32>} : memref<40x128xf32, #tpu.memory_space<vmem>>, vector<1x16xf32>,
      %broadcast_in_dim3A_43 = arith.constant 0.000000e+00 : f32
      %broadcast_in_dim3A_44 = vector.broadcast %broadcast_in_dim3A_43 : f32 to vector<16xf32>
      %swap3A_45 = arith.index_cast %add3A_37 : i32 to index
      %swap3A_46 = arith.constant 16 : index
      %swap3A_47 = tpu.vector_load %arg7[%swap3A_45, %swap3A_46] {strides = array<i32>} : memref<40x128xf32, #tpu.memory_space<vmem>>, vector<1x16xf32>,
      %swap3A_48 = vector.shape_cast %swap3A_47 : vector<1x16xf32> to vector<16xf32>
      %swap3A_49 = vector.shape_cast %broadcast_in_dim3A_44 : vector<16xf32> to vector<1x16xf32>
      tpu.vector_store %arg7[%swap3A_45, %swap3A_46], %swap3A_49 {strides = array<i32>} : memref<40x128xf32, #tpu.memory_space<vmem>>, vector<1x16xf32>,
      %broadcast_in_dim3A_50 = arith.constant 0.000000e+00 : f32
      %broadcast_in_dim3A_51 = vector.broadcast %broadcast_in_dim3A_50 : f32 to vector<16xf32>
      %swap3A_52 = arith.index_cast %add3A_37 : i32 to index
      %swap3A_53 = arith.constant 32 : index
      %swap3A_54 = tpu.vector_load %arg7[%swap3A_52, %swap3A_53] {strides = array<i32>} : memref<40x128xf32, #tpu.memory_space<vmem>>, vector<1x16xf32>,
      %swap3A_55 = vector.shape_cast %swap3A_54 : vector<1x16xf32> to vector<16xf32>
      %swap3A_56 = vector.shape_cast %broadcast_in_dim3A_51 : vector<16xf32> to vector<1x16xf32>
      tpu.vector_store %arg7[%swap3A_52, %swap3A_53], %swap3A_56 {strides = array<i32>} : memref<40x128xf32, #tpu.memory_space<vmem>>, vector<1x16xf32>,
      %broadcast_in_dim3A_57 = arith.constant 0.000000e+00 : f32
      %broadcast_in_dim3A_58 = vector.broadcast %broadcast_in_dim3A_57 : f32 to vector<16xf32>
      %swap3A_59 = arith.index_cast %add3A_37 : i32 to index
      %swap3A_60 = arith.constant 48 : index
      %swap3A_61 = tpu.vector_load %arg7[%swap3A_59, %swap3A_60] {strides = array<i32>} : memref<40x128xf32, #tpu.memory_space<vmem>>, vector<1x16xf32>,
      %swap3A_62 = vector.shape_cast %swap3A_61 : vector<1x16xf32> to vector<16xf32>
      %swap3A_63 = vector.shape_cast %broadcast_in_dim3A_58 : vector<16xf32> to vector<1x16xf32>
      tpu.vector_store %arg7[%swap3A_59, %swap3A_60], %swap3A_63 {strides = array<i32>} : memref<40x128xf32, #tpu.memory_space<vmem>>, vector<1x16xf32>,
      %broadcast_in_dim3A_64 = arith.constant 0.000000e+00 : f32
      %broadcast_in_dim3A_65 = vector.broadcast %broadcast_in_dim3A_64 : f32 to vector<16xf32>
      %swap3A_66 = arith.index_cast %add3A_37 : i32 to index
      %swap3A_67 = arith.constant 64 : index
      %swap3A_68 = tpu.vector_load %arg7[%swap3A_66, %swap3A_67] {strides = array<i32>} : memref<40x128xf32, #tpu.memory_space<vmem>>, vector<1x16xf32>,
      %swap3A_69 = vector.shape_cast %swap3A_68 : vector<1x16xf32> to vector<16xf32>
      %swap3A_70 = vector.shape_cast %broadcast_in_dim3A_65 : vector<16xf32> to vector<1x16xf32>
      tpu.vector_store %arg7[%swap3A_66, %swap3A_67], %swap3A_70 {strides = array<i32>} : memref<40x128xf32, #tpu.memory_space<vmem>>, vector<1x16xf32>,
      %broadcast_in_dim3A_71 = arith.constant 0.000000e+00 : f32
      %broadcast_in_dim3A_72 = vector.broadcast %broadcast_in_dim3A_71 : f32 to vector<16xf32>
      %swap3A_73 = arith.index_cast %add3A_37 : i32 to index
      %swap3A_74 = arith.constant 80 : index
      %swap3A_75 = tpu.vector_load %arg7[%swap3A_73, %swap3A_74] {strides = array<i32>} : memref<40x128xf32, #tpu.memory_space<vmem>>, vector<1x16xf32>,
      %swap3A_76 = vector.shape_cast %swap3A_75 : vector<1x16xf32> to vector<16xf32>
      %swap3A_77 = vector.shape_cast %broadcast_in_dim3A_72 : vector<16xf32> to vector<1x16xf32>
      tpu.vector_store %arg7[%swap3A_73, %swap3A_74], %swap3A_77 {strides = array<i32>} : memref<40x128xf32, #tpu.memory_space<vmem>>, vector<1x16xf32>,
      %broadcast_in_dim3A_78 = arith.constant 0.000000e+00 : f32
      %broadcast_in_dim3A_79 = vector.broadcast %broadcast_in_dim3A_78 : f32 to vector<16xf32>
      %swap3A_80 = arith.index_cast %add3A_37 : i32 to index
      %swap3A_81 = arith.constant 96 : index
      %swap3A_82 = tpu.vector_load %arg7[%swap3A_80, %swap3A_81] {strides = array<i32>} : memref<40x128xf32, #tpu.memory_space<vmem>>, vector<1x16xf32>,
      %swap3A_83 = vector.shape_cast %swap3A_82 : vector<1x16xf32> to vector<16xf32>
      %swap3A_84 = vector.shape_cast %broadcast_in_dim3A_79 : vector<16xf32> to vector<1x16xf32>
      tpu.vector_store %arg7[%swap3A_80, %swap3A_81], %swap3A_84 {strides = array<i32>} : memref<40x128xf32, #tpu.memory_space<vmem>>, vector<1x16xf32>,
      %broadcast_in_dim3A_85 = arith.constant 0.000000e+00 : f32
      %broadcast_in_dim3A_86 = vector.broadcast %broadcast_in_dim3A_85 : f32 to vector<16xf32>
      %swap3A_87 = arith.index_cast %add3A_37 : i32 to index
      %swap3A_88 = arith.constant 112 : index
      %swap3A_89 = tpu.vector_load %arg7[%swap3A_87, %swap3A_88] {strides = array<i32>} : memref<40x128xf32, #tpu.memory_space<vmem>>, vector<1x16xf32>,
      %swap3A_90 = vector.shape_cast %swap3A_89 : vector<1x16xf32> to vector<16xf32>
      %swap3A_91 = vector.shape_cast %broadcast_in_dim3A_86 : vector<16xf32> to vector<1x16xf32>
      tpu.vector_store %arg7[%swap3A_87, %swap3A_88], %swap3A_91 {strides = array<i32>} : memref<40x128xf32, #tpu.memory_space<vmem>>, vector<1x16xf32>,
    }
    %scan3A_4 = arith.constant 40 : i32
    %scan3A_5 = arith.constant 0 : i32
    %scan3A_6 = arith.constant 16 : i32
    %scan3A_7 = arith.addi %scan3A_5, %scan3A_6 : i32
    %scan3A_8 = arith.constant 1 : i32
    scf.for %scan3A_33 = %scan3A_5 to %scan3A_7 step %scan3A_8  : i32 {
      %mul3A_34 = arith.constant 1 : i32
      %mul3A_35 = arith.muli %scan3A_33, %mul3A_34 : i32
      %add3A_36 = arith.constant 0 : i32
      %add3A_37 = arith.addi %add3A_36, %mul3A_35 : i32
      %mul3A_38 = arith.constant 640 : i32
      %mul3A_39 = arith.muli %arg1, %mul3A_38 : i32
      %mul3A_40 = arith.constant 40 : i32
      %mul3A_41 = arith.muli %add3A_37, %mul3A_40 : i32
      %add3A_42 = arith.addi %mul3A_39, %mul3A_41 : i32
      "tpu.region"() ({
        %run_scoped3A = tpu.sem_alloc : memref<!tpu.dma_semaphore, #tpu.memory_space<semaphore_mem>>
        %dma_start3A = arith.constant 0 : i32
        %dma_start3A_43 = tpu.memref_slice %arg8[%add3A_42, %dma_start3A] : memref<10240x128xf32, #tpu.memory_space<vmem_shared>> -> memref<40x128xf32, #tpu.memory_space<vmem_shared>>
        %dma_start3A_44 = arith.constant 0 : i32
        %dma_start3A_45 = tpu.memref_slice %arg8[%add3A_42, %dma_start3A_44] : memref<10240x128xf32, #tpu.memory_space<vmem_shared>> -> memref<40x128xf32, #tpu.memory_space<vmem_shared>>
        tpu.enqueue_dma source(%arg7 : memref<40x128xf32, #tpu.memory_space<vmem>>) target(%dma_start3A_45 : memref<40x128xf32, #tpu.memory_space<vmem_shared>>) target_semaphore(%run_scoped3A : memref<!tpu.dma_semaphore, #tpu.memory_space<semaphore_mem>>)
        %dma_wait3A = arith.constant 0 : i32
        %dma_wait3A_46 = tpu.memref_slice %arg8[%add3A_42, %dma_wait3A] : memref<10240x128xf32, #tpu.memory_space<vmem_shared>> -> memref<40x128xf32, #tpu.memory_space<vmem_shared>>
        %dma_wait3A_47 = arith.constant 0 : i32
        %dma_wait3A_48 = tpu.memref_slice %arg8[%add3A_42, %dma_wait3A_47] : memref<10240x128xf32, #tpu.memory_space<vmem_shared>> -> memref<40x128xf32, #tpu.memory_space<vmem_shared>>
        tpu.wait_dma2 semaphore(%run_scoped3A : memref<!tpu.dma_semaphore, #tpu.memory_space<semaphore_mem>>) src(%arg7 : memref<40x128xf32, #tpu.memory_space<vmem>>) dst(%dma_wait3A_48 : memref<40x128xf32, #tpu.memory_space<vmem_shared>>)
        tpu.yield
      }) : () -> ()
    }
    %scan3A_9 = arith.constant 16 : i32
    %barrier3A = arith.constant 0 : index
    tpu.barrier barrier_id(%barrier3A)
    %lt3A = arith.constant 31 : i32
    %lt3A_10 = arith.cmpi slt, %add3A, %lt3A : i32
    %jit3A = arith.constant 4 : i32
    %jit3A_11 = arith.constant 1 : i32
    %select_n3A = arith.select %lt3A_10, %jit3A, %jit3A_11 : i32
    %sub3A = arith.constant 0 : i32
    %sub3A_12 = arith.subi %select_n3A, %sub3A : i32
    %sub3A_13 = arith.constant 1 : i32
    %sub3A_14 = arith.constant 1 : i32
    %sub3A_15 = arith.subi %sub3A_13, %sub3A_14 : i32
    %add3A_16 = arith.addi %sub3A_12, %sub3A_15 : i32
    %div3A = arith.constant 1 : i32
    %div3A_17 = arith.divsi %add3A_16, %div3A : i32
    %while3A = arith.constant 1 : i32
    %while3A_18 = arith.constant 0 : i32
    %while3A_19 = arith.constant 0 : i32
    %while3A_20 = arith.subi %div3A_17, %while3A_19 : i32
    %while3A_21 = arith.addi %while3A_19, %while3A_20 : i32
    %while3A_22 = arith.constant 1 : i32
    %while3A_23 = arith.divsi %while3A_20, %while3A_22 : i32
    %while3A_24 = arith.muli %while3A_23, %while3A_22 : i32
    %while3A_25 = arith.addi %while3A_19, %while3A_24 : i32
    %while3A_26 = arith.constant 1 : i32
    scf.for %while3A_33 = %while3A_19 to %while3A_25 step %while3A_26  : i32 {
      %mul3A_34 = arith.muli %while3A_33, %while3A : i32
      %add3A_35 = arith.addi %while3A_18, %mul3A_34 : i32
      %mul3A_36 = arith.constant 80 : i32
      %mul3A_37 = arith.muli %add3A, %mul3A_36 : i32
      %mul3A_38 = arith.constant 20 : i32
      %mul3A_39 = arith.muli %add3A_35, %mul3A_38 : i32
      %add3A_40 = arith.addi %mul3A_37, %mul3A_39 : i32
      "tpu.region"() ({
        %run_scoped3A = tpu.sem_alloc : memref<!tpu.dma_semaphore, #tpu.memory_space<semaphore_mem>>
        %dma_start3A_71 = arith.constant 0 : i32
        %dma_start3A_72 = arith.constant 0 : i32
        %dma_start3A_73 = tpu.memref_slice %arg3[%add3A_40, %dma_start3A_71, %dma_start3A_72] : memref<2500x2x128xi32, #tpu.memory_space<hbm>> -> memref<20x2x128xi32, #tpu.memory_space<hbm>>
        %dma_start3A_74 = arith.constant 0 : i32
        %dma_start3A_75 = arith.constant 0 : i32
        %dma_start3A_76 = tpu.memref_slice %arg3[%add3A_40, %dma_start3A_74, %dma_start3A_75] : memref<2500x2x128xi32, #tpu.memory_space<hbm>> -> memref<20x2x128xi32, #tpu.memory_space<hbm>>
        tpu.enqueue_dma source(%dma_start3A_76 : memref<20x2x128xi32, #tpu.memory_space<hbm>>) target(%arg5 : memref<20x2x128xi32, #tpu.memory_space<vmem>>) target_semaphore(%run_scoped3A : memref<!tpu.dma_semaphore, #tpu.memory_space<semaphore_mem>>)
        %dma_wait3A = arith.constant 0 : i32
        %dma_wait3A_77 = arith.constant 0 : i32
        %dma_wait3A_78 = tpu.memref_slice %arg3[%add3A_40, %dma_wait3A, %dma_wait3A_77] : memref<2500x2x128xi32, #tpu.memory_space<hbm>> -> memref<20x2x128xi32, #tpu.memory_space<hbm>>
        %dma_wait3A_79 = arith.constant 0 : i32
        %dma_wait3A_80 = arith.constant 0 : i32
        %dma_wait3A_81 = tpu.memref_slice %arg3[%add3A_40, %dma_wait3A_79, %dma_wait3A_80] : memref<2500x2x128xi32, #tpu.memory_space<hbm>> -> memref<20x2x128xi32, #tpu.memory_space<hbm>>
        tpu.wait_dma2 semaphore(%run_scoped3A : memref<!tpu.dma_semaphore, #tpu.memory_space<semaphore_mem>>) src(%dma_wait3A_81 : memref<20x2x128xi32, #tpu.memory_space<hbm>>) dst(%arg5 : memref<20x2x128xi32, #tpu.memory_space<vmem>>)
        tpu.yield
      }) : () -> ()
      %dma_start3A = arith.constant 0 : i32
      %dma_start3A_41 = arith.constant 0 : i32
      %dma_start3A_42 = arith.constant 0 : i32
      %dma_start3A_43 = arith.constant 0 : i32
      %dma_start3A_44 = arith.constant 0 : i32
      %dma_start3A_45 = tpu.memref_slice %arg6[%dma_start3A_42, %dma_start3A_43, %dma_start3A_44] : memref<2x128x128xf32, #tpu.memory_space<vmem>> -> memref<1x128x128xf32, #tpu.memory_space<vmem>>
      %dma_start3A_46 = tpu.memref_squeeze %dma_start3A_45 : memref<1x128x128xf32, #tpu.memory_space<vmem>> -> memref<128x128xf32, #tpu.memory_space<vmem>>
      %dma_start3A_47 = arith.constant 0 : i32
      %dma_start3A_48 = tpu.memref_slice %arg5[%dma_start3A, %dma_start3A_41, %dma_start3A_47] : memref<20x2x128xi32, #tpu.memory_space<vmem>> -> memref<1x1x128xi32, #tpu.memory_space<vmem>>
      %dma_start3A_49 = tpu.memref_squeeze %dma_start3A_48 : memref<1x1x128xi32, #tpu.memory_space<vmem>> -> memref<128xi32, #tpu.memory_space<vmem>>
      %dma_start3A_50 = arith.constant 0 : i32
      %dma_start3A_51 = arith.constant 0 : i32
      %dma_start3A_52 = tpu.memref_slice %arg2[%dma_start3A_50, %dma_start3A_51] : memref<10240x128xf32, #tpu.memory_space<hbm>> -> memref<10240x128xf32, #tpu.memory_space<hbm>>
      tpu.enqueue_indirect_dma source(%dma_start3A_52 : memref<10240x128xf32, #tpu.memory_space<hbm>>) target(%dma_start3A_46 : memref<128x128xf32, #tpu.memory_space<vmem>>) offsets(%dma_start3A_49 : memref<128xi32, #tpu.memory_space<vmem>>) semaphore(%arg9 : memref<!tpu.dma_semaphore, #tpu.memory_space<semaphore_mem>>)
      %dma_start3A_53 = arith.constant 1 : i32
      %dma_start3A_54 = arith.constant 0 : i32
      %dma_start3A_55 = arith.constant 1 : i32
      %dma_start3A_56 = arith.constant 0 : i32
      %dma_start3A_57 = arith.constant 0 : i32
      %dma_start3A_58 = tpu.memref_slice %arg6[%dma_start3A_55, %dma_start3A_56, %dma_start3A_57] : memref<2x128x128xf32, #tpu.memory_space<vmem>> -> memref<1x128x128xf32, #tpu.memory_space<vmem>>
      %dma_start3A_59 = tpu.memref_squeeze %dma_start3A_58 : memref<1x128x128xf32, #tpu.memory_space<vmem>> -> memref<128x128xf32, #tpu.memory_space<vmem>>
      %dma_start3A_60 = arith.constant 0 : i32
      %dma_start3A_61 = tpu.memref_slice %arg5[%dma_start3A_53, %dma_start3A_54, %dma_start3A_60] : memref<20x2x128xi32, #tpu.memory_space<vmem>> -> memref<1x1x128xi32, #tpu.memory_space<vmem>>
      %dma_start3A_62 = tpu.memref_squeeze %dma_start3A_61 : memref<1x1x128xi32, #tpu.memory_space<vmem>> -> memref<128xi32, #tpu.memory_space<vmem>>
      %dma_start3A_63 = arith.constant 0 : i32
      %dma_start3A_64 = arith.constant 0 : i32
      %dma_start3A_65 = tpu.memref_slice %arg2[%dma_start3A_63, %dma_start3A_64] : memref<10240x128xf32, #tpu.memory_space<hbm>> -> memref<10240x128xf32, #tpu.memory_space<hbm>>
      tpu.enqueue_indirect_dma source(%dma_start3A_65 : memref<10240x128xf32, #tpu.memory_space<hbm>>) target(%dma_start3A_59 : memref<128x128xf32, #tpu.memory_space<vmem>>) offsets(%dma_start3A_62 : memref<128xi32, #tpu.memory_space<vmem>>) semaphore(%arg10 : memref<!tpu.dma_semaphore, #tpu.memory_space<semaphore_mem>>)
      %scan3A_66 = arith.constant 0 : i32
      %scan3A_67 = arith.constant 10 : i32
      %scan3A_68 = arith.addi %scan3A_66, %scan3A_67 : i32
      %scan3A_69 = arith.constant 1 : i32
      scf.for %scan3A_71 = %scan3A_66 to %scan3A_68 step %scan3A_69  : i32 {
        %mul3A_72 = arith.constant 2 : i32
        %mul3A_73 = arith.muli %scan3A_71, %mul3A_72 : i32
        %add3A_74 = arith.constant 0 : i32
        %add3A_75 = arith.addi %add3A_74, %mul3A_73 : i32
        %add3A_76 = arith.constant 0 : i32
        %add3A_77 = arith.addi %add3A_75, %add3A_76 : i32
        %dma_wait3A = arith.constant 0 : i32
        %dma_wait3A_78 = arith.constant 0 : i32
        %dma_wait3A_79 = arith.constant 0 : i32
        %dma_wait3A_80 = arith.constant 0 : i32
        %dma_wait3A_81 = tpu.memref_slice %arg6[%dma_wait3A_78, %dma_wait3A_79, %dma_wait3A_80] : memref<2x128x128xf32, #tpu.memory_space<vmem>> -> memref<1x128x128xf32, #tpu.memory_space<vmem>>
        %dma_wait3A_82 = tpu.memref_squeeze %dma_wait3A_81 : memref<1x128x128xf32, #tpu.memory_space<vmem>> -> memref<128x128xf32, #tpu.memory_space<vmem>>
        %dma_wait3A_83 = arith.constant 0 : i32
        %dma_wait3A_84 = tpu.memref_slice %arg5[%add3A_77, %dma_wait3A, %dma_wait3A_83] : memref<20x2x128xi32, #tpu.memory_space<vmem>> -> memref<1x1x128xi32, #tpu.memory_space<vmem>>
        %dma_wait3A_85 = tpu.memref_squeeze %dma_wait3A_84 : memref<1x1x128xi32, #tpu.memory_space<vmem>> -> memref<128xi32, #tpu.memory_space<vmem>>
        %dma_wait3A_86 = arith.constant 0 : i32
        %dma_wait3A_87 = arith.constant 0 : i32
        %dma_wait3A_88 = tpu.memref_slice %arg2[%dma_wait3A_86, %dma_wait3A_87] : memref<10240x128xf32, #tpu.memory_space<hbm>> -> memref<10240x128xf32, #tpu.memory_space<hbm>>
        tpu.wait_indirect_dma semaphore(%arg9 : memref<!tpu.dma_semaphore, #tpu.memory_space<semaphore_mem>>) src(%dma_wait3A_88 : memref<10240x128xf32, #tpu.memory_space<hbm>>) dst(%dma_wait3A_82 : memref<128x128xf32, #tpu.memory_space<vmem>>)
        %run_scoped3A = arith.constant 0 : i32
        %run_scoped3A_89 = arith.constant 1 : i32
        "tpu.region"() ({
          %run_scoped3A_118 = tpu.sem_alloc : memref<!tpu.dma_semaphore, #tpu.memory_space<semaphore_mem>>
          %dma_start3A_119 = arith.constant 0 : i32
          %dma_start3A_120 = arith.constant 0 : i32
          %dma_start3A_121 = tpu.memref_slice %arg6[%run_scoped3A, %dma_start3A_119, %dma_start3A_120] : memref<2x128x128xf32, #tpu.memory_space<vmem>> -> memref<1x128x128xf32, #tpu.memory_space<vmem>>
          %dma_start3A_122 = tpu.memref_squeeze %dma_start3A_121 : memref<1x128x128xf32, #tpu.memory_space<vmem>> -> memref<128x128xf32, #tpu.memory_space<vmem>>
          %dma_start3A_123 = arith.constant 0 : i32
          %dma_start3A_124 = tpu.memref_slice %arg5[%add3A_77, %run_scoped3A_89, %dma_start3A_123] : memref<20x2x128xi32, #tpu.memory_space<vmem>> -> memref<1x1x128xi32, #tpu.memory_space<vmem>>
          %dma_start3A_125 = tpu.memref_squeeze %dma_start3A_124 : memref<1x1x128xi32, #tpu.memory_space<vmem>> -> memref<128xi32, #tpu.memory_space<vmem>>
          %dma_start3A_126 = arith.constant 0 : i32
          %dma_start3A_127 = arith.constant 0 : i32
          %dma_start3A_128 = tpu.memref_slice %arg8[%dma_start3A_126, %dma_start3A_127] : memref<10240x128xf32, #tpu.memory_space<vmem_shared>> -> memref<10240x128xf32, #tpu.memory_space<vmem_shared>>
          tpu.enqueue_indirect_dma source(%dma_start3A_122 : memref<128x128xf32, #tpu.memory_space<vmem>>) target(%dma_start3A_128 : memref<10240x128xf32, #tpu.memory_space<vmem_shared>>) offsets(%dma_start3A_125 : memref<128xi32, #tpu.memory_space<vmem>>) semaphore(%run_scoped3A_118 : memref<!tpu.dma_semaphore, #tpu.memory_space<semaphore_mem>>) {add = true}
          %dma_wait3A_129 = arith.constant 0 : i32
          %dma_wait3A_130 = arith.constant 0 : i32
          %dma_wait3A_131 = tpu.memref_slice %arg6[%run_scoped3A, %dma_wait3A_129, %dma_wait3A_130] : memref<2x128x128xf32, #tpu.memory_space<vmem>> -> memref<1x128x128xf32, #tpu.memory_space<vmem>>
          %dma_wait3A_132 = tpu.memref_squeeze %dma_wait3A_131 : memref<1x128x128xf32, #tpu.memory_space<vmem>> -> memref<128x128xf32, #tpu.memory_space<vmem>>
          %dma_wait3A_133 = arith.constant 0 : i32
          %dma_wait3A_134 = tpu.memref_slice %arg5[%add3A_77, %run_scoped3A_89, %dma_wait3A_133] : memref<20x2x128xi32, #tpu.memory_space<vmem>> -> memref<1x1x128xi32, #tpu.memory_space<vmem>>
          %dma_wait3A_135 = tpu.memref_squeeze %dma_wait3A_134 : memref<1x1x128xi32, #tpu.memory_space<vmem>> -> memref<128xi32, #tpu.memory_space<vmem>>
          %dma_wait3A_136 = arith.constant 0 : i32
          %dma_wait3A_137 = arith.constant 0 : i32
          %dma_wait3A_138 = tpu.memref_slice %arg8[%dma_wait3A_136, %dma_wait3A_137] : memref<10240x128xf32, #tpu.memory_space<vmem_shared>> -> memref<10240x128xf32, #tpu.memory_space<vmem_shared>>
          tpu.wait_indirect_dma semaphore(%run_scoped3A_118 : memref<!tpu.dma_semaphore, #tpu.memory_space<semaphore_mem>>) src(%dma_wait3A_132 : memref<128x128xf32, #tpu.memory_space<vmem>>) dst(%dma_wait3A_138 : memref<10240x128xf32, #tpu.memory_space<vmem_shared>>)
          tpu.yield
        }) : () -> ()
        %add3A_90 = arith.constant 2 : i32
        %add3A_91 = arith.addi %add3A_77, %add3A_90 : i32
        %lt3A_92 = arith.constant 20 : i32
        %lt3A_93 = arith.cmpi slt, %add3A_91, %lt3A_92 : i32
        %convert_element_type3A = arith.extui %lt3A_93 : i1 to i32
        %cond3A = arith.constant 0 : i32
        %cond3A_94 = arith.cmpi ne, %convert_element_type3A, %cond3A : i32
        scf.if %cond3A_94 {
          %add3A_118 = arith.constant 2 : i32
          %add3A_119 = arith.addi %add3A_77, %add3A_118 : i32
          %dma_start3A_120 = arith.constant 0 : i32
          %dma_start3A_121 = arith.constant 0 : i32
          %dma_start3A_122 = arith.constant 0 : i32
          %dma_start3A_123 = arith.constant 0 : i32
          %dma_start3A_124 = tpu.memref_slice %arg6[%dma_start3A_121, %dma_start3A_122, %dma_start3A_123] : memref<2x128x128xf32, #tpu.memory_space<vmem>> -> memref<1x128x128xf32, #tpu.memory_space<vmem>>
          %dma_start3A_125 = tpu.memref_squeeze %dma_start3A_124 : memref<1x128x128xf32, #tpu.memory_space<vmem>> -> memref<128x128xf32, #tpu.memory_space<vmem>>
          %dma_start3A_126 = arith.constant 0 : i32
          %dma_start3A_127 = tpu.memref_slice %arg5[%add3A_119, %dma_start3A_120, %dma_start3A_126] : memref<20x2x128xi32, #tpu.memory_space<vmem>> -> memref<1x1x128xi32, #tpu.memory_space<vmem>>
          %dma_start3A_128 = tpu.memref_squeeze %dma_start3A_127 : memref<1x1x128xi32, #tpu.memory_space<vmem>> -> memref<128xi32, #tpu.memory_space<vmem>>
          %dma_start3A_129 = arith.constant 0 : i32
          %dma_start3A_130 = arith.constant 0 : i32
          %dma_start3A_131 = tpu.memref_slice %arg2[%dma_start3A_129, %dma_start3A_130] : memref<10240x128xf32, #tpu.memory_space<hbm>> -> memref<10240x128xf32, #tpu.memory_space<hbm>>
          tpu.enqueue_indirect_dma source(%dma_start3A_131 : memref<10240x128xf32, #tpu.memory_space<hbm>>) target(%dma_start3A_125 : memref<128x128xf32, #tpu.memory_space<vmem>>) offsets(%dma_start3A_128 : memref<128xi32, #tpu.memory_space<vmem>>) semaphore(%arg9 : memref<!tpu.dma_semaphore, #tpu.memory_space<semaphore_mem>>)
        } else {
        }
        %add3A_95 = arith.constant 1 : i32
        %add3A_96 = arith.addi %add3A_75, %add3A_95 : i32
        %dma_wait3A_97 = arith.constant 0 : i32
        %dma_wait3A_98 = arith.constant 1 : i32
        %dma_wait3A_99 = arith.constant 0 : i32
        %dma_wait3A_100 = arith.constant 0 : i32
        %dma_wait3A_101 = tpu.memref_slice %arg6[%dma_wait3A_98, %dma_wait3A_99, %dma_wait3A_100] : memref<2x128x128xf32, #tpu.memory_space<vmem>> -> memref<1x128x128xf32, #tpu.memory_space<vmem>>
        %dma_wait3A_102 = tpu.memref_squeeze %dma_wait3A_101 : memref<1x128x128xf32, #tpu.memory_space<vmem>> -> memref<128x128xf32, #tpu.memory_space<vmem>>
        %dma_wait3A_103 = arith.constant 0 : i32
        %dma_wait3A_104 = tpu.memref_slice %arg5[%add3A_96, %dma_wait3A_97, %dma_wait3A_103] : memref<20x2x128xi32, #tpu.memory_space<vmem>> -> memref<1x1x128xi32, #tpu.memory_space<vmem>>
        %dma_wait3A_105 = tpu.memref_squeeze %dma_wait3A_104 : memref<1x1x128xi32, #tpu.memory_space<vmem>> -> memref<128xi32, #tpu.memory_space<vmem>>
        %dma_wait3A_106 = arith.constant 0 : i32
        %dma_wait3A_107 = arith.constant 0 : i32
        %dma_wait3A_108 = tpu.memref_slice %arg2[%dma_wait3A_106, %dma_wait3A_107] : memref<10240x128xf32, #tpu.memory_space<hbm>> -> memref<10240x128xf32, #tpu.memory_space<hbm>>
        tpu.wait_indirect_dma semaphore(%arg10 : memref<!tpu.dma_semaphore, #tpu.memory_space<semaphore_mem>>) src(%dma_wait3A_108 : memref<10240x128xf32, #tpu.memory_space<hbm>>) dst(%dma_wait3A_102 : memref<128x128xf32, #tpu.memory_space<vmem>>)
        %run_scoped3A_109 = arith.constant 1 : i32
        %run_scoped3A_110 = arith.constant 1 : i32
        "tpu.region"() ({
          %run_scoped3A_118 = tpu.sem_alloc : memref<!tpu.dma_semaphore, #tpu.memory_space<semaphore_mem>>
          %dma_start3A_119 = arith.constant 0 : i32
          %dma_start3A_120 = arith.constant 0 : i32
          %dma_start3A_121 = tpu.memref_slice %arg6[%run_scoped3A_109, %dma_start3A_119, %dma_start3A_120] : memref<2x128x128xf32, #tpu.memory_space<vmem>> -> memref<1x128x128xf32, #tpu.memory_space<vmem>>
          %dma_start3A_122 = tpu.memref_squeeze %dma_start3A_121 : memref<1x128x128xf32, #tpu.memory_space<vmem>> -> memref<128x128xf32, #tpu.memory_space<vmem>>
          %dma_start3A_123 = arith.constant 0 : i32
          %dma_start3A_124 = tpu.memref_slice %arg5[%add3A_96, %run_scoped3A_110, %dma_start3A_123] : memref<20x2x128xi32, #tpu.memory_space<vmem>> -> memref<1x1x128xi32, #tpu.memory_space<vmem>>
          %dma_start3A_125 = tpu.memref_squeeze %dma_start3A_124 : memref<1x1x128xi32, #tpu.memory_space<vmem>> -> memref<128xi32, #tpu.memory_space<vmem>>
          %dma_start3A_126 = arith.constant 0 : i32
          %dma_start3A_127 = arith.constant 0 : i32
          %dma_start3A_128 = tpu.memref_slice %arg8[%dma_start3A_126, %dma_start3A_127] : memref<10240x128xf32, #tpu.memory_space<vmem_shared>> -> memref<10240x128xf32, #tpu.memory_space<vmem_shared>>
          tpu.enqueue_indirect_dma source(%dma_start3A_122 : memref<128x128xf32, #tpu.memory_space<vmem>>) target(%dma_start3A_128 : memref<10240x128xf32, #tpu.memory_space<vmem_shared>>) offsets(%dma_start3A_125 : memref<128xi32, #tpu.memory_space<vmem>>) semaphore(%run_scoped3A_118 : memref<!tpu.dma_semaphore, #tpu.memory_space<semaphore_mem>>) {add = true}
          %dma_wait3A_129 = arith.constant 0 : i32
          %dma_wait3A_130 = arith.constant 0 : i32
          %dma_wait3A_131 = tpu.memref_slice %arg6[%run_scoped3A_109, %dma_wait3A_129, %dma_wait3A_130] : memref<2x128x128xf32, #tpu.memory_space<vmem>> -> memref<1x128x128xf32, #tpu.memory_space<vmem>>
          %dma_wait3A_132 = tpu.memref_squeeze %dma_wait3A_131 : memref<1x128x128xf32, #tpu.memory_space<vmem>> -> memref<128x128xf32, #tpu.memory_space<vmem>>
          %dma_wait3A_133 = arith.constant 0 : i32
          %dma_wait3A_134 = tpu.memref_slice %arg5[%add3A_96, %run_scoped3A_110, %dma_wait3A_133] : memref<20x2x128xi32, #tpu.memory_space<vmem>> -> memref<1x1x128xi32, #tpu.memory_space<vmem>>
          %dma_wait3A_135 = tpu.memref_squeeze %dma_wait3A_134 : memref<1x1x128xi32, #tpu.memory_space<vmem>> -> memref<128xi32, #tpu.memory_space<vmem>>
          %dma_wait3A_136 = arith.constant 0 : i32
          %dma_wait3A_137 = arith.constant 0 : i32
          %dma_wait3A_138 = tpu.memref_slice %arg8[%dma_wait3A_136, %dma_wait3A_137] : memref<10240x128xf32, #tpu.memory_space<vmem_shared>> -> memref<10240x128xf32, #tpu.memory_space<vmem_shared>>
          tpu.wait_indirect_dma semaphore(%run_scoped3A_118 : memref<!tpu.dma_semaphore, #tpu.memory_space<semaphore_mem>>) src(%dma_wait3A_132 : memref<128x128xf32, #tpu.memory_space<vmem>>) dst(%dma_wait3A_138 : memref<10240x128xf32, #tpu.memory_space<vmem_shared>>)
          tpu.yield
        }) : () -> ()
        %add3A_111 = arith.constant 2 : i32
        %add3A_112 = arith.addi %add3A_96, %add3A_111 : i32
        %lt3A_113 = arith.constant 20 : i32
        %lt3A_114 = arith.cmpi slt, %add3A_112, %lt3A_113 : i32
        %convert_element_type3A_115 = arith.extui %lt3A_114 : i1 to i32
        %cond3A_116 = arith.constant 0 : i32
        %cond3A_117 = arith.cmpi ne, %convert_element_type3A_115, %cond3A_116 : i32
        scf.if %cond3A_117 {
          %add3A_118 = arith.constant 2 : i32
          %add3A_119 = arith.addi %add3A_96, %add3A_118 : i32
          %dma_start3A_120 = arith.constant 0 : i32
          %dma_start3A_121 = arith.constant 1 : i32
          %dma_start3A_122 = arith.constant 0 : i32
          %dma_start3A_123 = arith.constant 0 : i32
          %dma_start3A_124 = tpu.memref_slice %arg6[%dma_start3A_121, %dma_start3A_122, %dma_start3A_123] : memref<2x128x128xf32, #tpu.memory_space<vmem>> -> memref<1x128x128xf32, #tpu.memory_space<vmem>>
          %dma_start3A_125 = tpu.memref_squeeze %dma_start3A_124 : memref<1x128x128xf32, #tpu.memory_space<vmem>> -> memref<128x128xf32, #tpu.memory_space<vmem>>
          %dma_start3A_126 = arith.constant 0 : i32
          %dma_start3A_127 = tpu.memref_slice %arg5[%add3A_119, %dma_start3A_120, %dma_start3A_126] : memref<20x2x128xi32, #tpu.memory_space<vmem>> -> memref<1x1x128xi32, #tpu.memory_space<vmem>>
          %dma_start3A_128 = tpu.memref_squeeze %dma_start3A_127 : memref<1x1x128xi32, #tpu.memory_space<vmem>> -> memref<128xi32, #tpu.memory_space<vmem>>
          %dma_start3A_129 = arith.constant 0 : i32
          %dma_start3A_130 = arith.constant 0 : i32
          %dma_start3A_131 = tpu.memref_slice %arg2[%dma_start3A_129, %dma_start3A_130] : memref<10240x128xf32, #tpu.memory_space<hbm>> -> memref<10240x128xf32, #tpu.memory_space<hbm>>
          tpu.enqueue_indirect_dma source(%dma_start3A_131 : memref<10240x128xf32, #tpu.memory_space<hbm>>) target(%dma_start3A_125 : memref<128x128xf32, #tpu.memory_space<vmem>>) offsets(%dma_start3A_128 : memref<128xi32, #tpu.memory_space<vmem>>) semaphore(%arg10 : memref<!tpu.dma_semaphore, #tpu.memory_space<semaphore_mem>>)
        } else {
        }
      }
      %scan3A_70 = arith.constant 10 : i32
    }
    %while3A_27 = arith.constant 1 : i32
    scf.for %while3A_33 = %while3A_25 to %while3A_21 step %while3A_27  : i32 {
      %mul3A_34 = arith.muli %while3A_33, %while3A : i32
      %add3A_35 = arith.addi %while3A_18, %mul3A_34 : i32
      %mul3A_36 = arith.constant 80 : i32
      %mul3A_37 = arith.muli %add3A, %mul3A_36 : i32
      %mul3A_38 = arith.constant 20 : i32
      %mul3A_39 = arith.muli %add3A_35, %mul3A_38 : i32
      %add3A_40 = arith.addi %mul3A_37, %mul3A_39 : i32
      "tpu.region"() ({
        %run_scoped3A = tpu.sem_alloc : memref<!tpu.dma_semaphore, #tpu.memory_space<semaphore_mem>>
        %dma_start3A_71 = arith.constant 0 : i32
        %dma_start3A_72 = arith.constant 0 : i32
        %dma_start3A_73 = tpu.memref_slice %arg3[%add3A_40, %dma_start3A_71, %dma_start3A_72] : memref<2500x2x128xi32, #tpu.memory_space<hbm>> -> memref<20x2x128xi32, #tpu.memory_space<hbm>>
        %dma_start3A_74 = arith.constant 0 : i32
        %dma_start3A_75 = arith.constant 0 : i32
        %dma_start3A_76 = tpu.memref_slice %arg3[%add3A_40, %dma_start3A_74, %dma_start3A_75] : memref<2500x2x128xi32, #tpu.memory_space<hbm>> -> memref<20x2x128xi32, #tpu.memory_space<hbm>>
        tpu.enqueue_dma source(%dma_start3A_76 : memref<20x2x128xi32, #tpu.memory_space<hbm>>) target(%arg5 : memref<20x2x128xi32, #tpu.memory_space<vmem>>) target_semaphore(%run_scoped3A : memref<!tpu.dma_semaphore, #tpu.memory_space<semaphore_mem>>)
        %dma_wait3A = arith.constant 0 : i32
        %dma_wait3A_77 = arith.constant 0 : i32
        %dma_wait3A_78 = tpu.memref_slice %arg3[%add3A_40, %dma_wait3A, %dma_wait3A_77] : memref<2500x2x128xi32, #tpu.memory_space<hbm>> -> memref<20x2x128xi32, #tpu.memory_space<hbm>>
        %dma_wait3A_79 = arith.constant 0 : i32
        %dma_wait3A_80 = arith.constant 0 : i32
        %dma_wait3A_81 = tpu.memref_slice %arg3[%add3A_40, %dma_wait3A_79, %dma_wait3A_80] : memref<2500x2x128xi32, #tpu.memory_space<hbm>> -> memref<20x2x128xi32, #tpu.memory_space<hbm>>
        tpu.wait_dma2 semaphore(%run_scoped3A : memref<!tpu.dma_semaphore, #tpu.memory_space<semaphore_mem>>) src(%dma_wait3A_81 : memref<20x2x128xi32, #tpu.memory_space<hbm>>) dst(%arg5 : memref<20x2x128xi32, #tpu.memory_space<vmem>>)
        tpu.yield
      }) : () -> ()
      %dma_start3A = arith.constant 0 : i32
      %dma_start3A_41 = arith.constant 0 : i32
      %dma_start3A_42 = arith.constant 0 : i32
      %dma_start3A_43 = arith.constant 0 : i32
      %dma_start3A_44 = arith.constant 0 : i32
      %dma_start3A_45 = tpu.memref_slice %arg6[%dma_start3A_42, %dma_start3A_43, %dma_start3A_44] : memref<2x128x128xf32, #tpu.memory_space<vmem>> -> memref<1x128x128xf32, #tpu.memory_space<vmem>>
      %dma_start3A_46 = tpu.memref_squeeze %dma_start3A_45 : memref<1x128x128xf32, #tpu.memory_space<vmem>> -> memref<128x128xf32, #tpu.memory_space<vmem>>
      %dma_start3A_47 = arith.constant 0 : i32
      %dma_start3A_48 = tpu.memref_slice %arg5[%dma_start3A, %dma_start3A_41, %dma_start3A_47] : memref<20x2x128xi32, #tpu.memory_space<vmem>> -> memref<1x1x128xi32, #tpu.memory_space<vmem>>
      %dma_start3A_49 = tpu.memref_squeeze %dma_start3A_48 : memref<1x1x128xi32, #tpu.memory_space<vmem>> -> memref<128xi32, #tpu.memory_space<vmem>>
      %dma_start3A_50 = arith.constant 0 : i32
      %dma_start3A_51 = arith.constant 0 : i32
      %dma_start3A_52 = tpu.memref_slice %arg2[%dma_start3A_50, %dma_start3A_51] : memref<10240x128xf32, #tpu.memory_space<hbm>> -> memref<10240x128xf32, #tpu.memory_space<hbm>>
      tpu.enqueue_indirect_dma source(%dma_start3A_52 : memref<10240x128xf32, #tpu.memory_space<hbm>>) target(%dma_start3A_46 : memref<128x128xf32, #tpu.memory_space<vmem>>) offsets(%dma_start3A_49 : memref<128xi32, #tpu.memory_space<vmem>>) semaphore(%arg9 : memref<!tpu.dma_semaphore, #tpu.memory_space<semaphore_mem>>)
      %dma_start3A_53 = arith.constant 1 : i32
      %dma_start3A_54 = arith.constant 0 : i32
      %dma_start3A_55 = arith.constant 1 : i32
      %dma_start3A_56 = arith.constant 0 : i32
      %dma_start3A_57 = arith.constant 0 : i32
      %dma_start3A_58 = tpu.memref_slice %arg6[%dma_start3A_55, %dma_start3A_56, %dma_start3A_57] : memref<2x128x128xf32, #tpu.memory_space<vmem>> -> memref<1x128x128xf32, #tpu.memory_space<vmem>>
      %dma_start3A_59 = tpu.memref_squeeze %dma_start3A_58 : memref<1x128x128xf32, #tpu.memory_space<vmem>> -> memref<128x128xf32, #tpu.memory_space<vmem>>
      %dma_start3A_60 = arith.constant 0 : i32
      %dma_start3A_61 = tpu.memref_slice %arg5[%dma_start3A_53, %dma_start3A_54, %dma_start3A_60] : memref<20x2x128xi32, #tpu.memory_space<vmem>> -> memref<1x1x128xi32, #tpu.memory_space<vmem>>
      %dma_start3A_62 = tpu.memref_squeeze %dma_start3A_61 : memref<1x1x128xi32, #tpu.memory_space<vmem>> -> memref<128xi32, #tpu.memory_space<vmem>>
      %dma_start3A_63 = arith.constant 0 : i32
      %dma_start3A_64 = arith.constant 0 : i32
      %dma_start3A_65 = tpu.memref_slice %arg2[%dma_start3A_63, %dma_start3A_64] : memref<10240x128xf32, #tpu.memory_space<hbm>> -> memref<10240x128xf32, #tpu.memory_space<hbm>>
      tpu.enqueue_indirect_dma source(%dma_start3A_65 : memref<10240x128xf32, #tpu.memory_space<hbm>>) target(%dma_start3A_59 : memref<128x128xf32, #tpu.memory_space<vmem>>) offsets(%dma_start3A_62 : memref<128xi32, #tpu.memory_space<vmem>>) semaphore(%arg10 : memref<!tpu.dma_semaphore, #tpu.memory_space<semaphore_mem>>)
      %scan3A_66 = arith.constant 0 : i32
      %scan3A_67 = arith.constant 10 : i32
      %scan3A_68 = arith.addi %scan3A_66, %scan3A_67 : i32
      %scan3A_69 = arith.constant 1 : i32
      scf.for %scan3A_71 = %scan3A_66 to %scan3A_68 step %scan3A_69  : i32 {
        %mul3A_72 = arith.constant 2 : i32
        %mul3A_73 = arith.muli %scan3A_71, %mul3A_72 : i32
        %add3A_74 = arith.constant 0 : i32
        %add3A_75 = arith.addi %add3A_74, %mul3A_73 : i32
        %add3A_76 = arith.constant 0 : i32
        %add3A_77 = arith.addi %add3A_75, %add3A_76 : i32
        %dma_wait3A = arith.constant 0 : i32
        %dma_wait3A_78 = arith.constant 0 : i32
        %dma_wait3A_79 = arith.constant 0 : i32
        %dma_wait3A_80 = arith.constant 0 : i32
        %dma_wait3A_81 = tpu.memref_slice %arg6[%dma_wait3A_78, %dma_wait3A_79, %dma_wait3A_80] : memref<2x128x128xf32, #tpu.memory_space<vmem>> -> memref<1x128x128xf32, #tpu.memory_space<vmem>>
        %dma_wait3A_82 = tpu.memref_squeeze %dma_wait3A_81 : memref<1x128x128xf32, #tpu.memory_space<vmem>> -> memref<128x128xf32, #tpu.memory_space<vmem>>
        %dma_wait3A_83 = arith.constant 0 : i32
        %dma_wait3A_84 = tpu.memref_slice %arg5[%add3A_77, %dma_wait3A, %dma_wait3A_83] : memref<20x2x128xi32, #tpu.memory_space<vmem>> -> memref<1x1x128xi32, #tpu.memory_space<vmem>>
        %dma_wait3A_85 = tpu.memref_squeeze %dma_wait3A_84 : memref<1x1x128xi32, #tpu.memory_space<vmem>> -> memref<128xi32, #tpu.memory_space<vmem>>
        %dma_wait3A_86 = arith.constant 0 : i32
        %dma_wait3A_87 = arith.constant 0 : i32
        %dma_wait3A_88 = tpu.memref_slice %arg2[%dma_wait3A_86, %dma_wait3A_87] : memref<10240x128xf32, #tpu.memory_space<hbm>> -> memref<10240x128xf32, #tpu.memory_space<hbm>>
        tpu.wait_indirect_dma semaphore(%arg9 : memref<!tpu.dma_semaphore, #tpu.memory_space<semaphore_mem>>) src(%dma_wait3A_88 : memref<10240x128xf32, #tpu.memory_space<hbm>>) dst(%dma_wait3A_82 : memref<128x128xf32, #tpu.memory_space<vmem>>)
        %run_scoped3A = arith.constant 0 : i32
        %run_scoped3A_89 = arith.constant 1 : i32
        "tpu.region"() ({
          %run_scoped3A_118 = tpu.sem_alloc : memref<!tpu.dma_semaphore, #tpu.memory_space<semaphore_mem>>
          %dma_start3A_119 = arith.constant 0 : i32
          %dma_start3A_120 = arith.constant 0 : i32
          %dma_start3A_121 = tpu.memref_slice %arg6[%run_scoped3A, %dma_start3A_119, %dma_start3A_120] : memref<2x128x128xf32, #tpu.memory_space<vmem>> -> memref<1x128x128xf32, #tpu.memory_space<vmem>>
          %dma_start3A_122 = tpu.memref_squeeze %dma_start3A_121 : memref<1x128x128xf32, #tpu.memory_space<vmem>> -> memref<128x128xf32, #tpu.memory_space<vmem>>
          %dma_start3A_123 = arith.constant 0 : i32
          %dma_start3A_124 = tpu.memref_slice %arg5[%add3A_77, %run_scoped3A_89, %dma_start3A_123] : memref<20x2x128xi32, #tpu.memory_space<vmem>> -> memref<1x1x128xi32, #tpu.memory_space<vmem>>
          %dma_start3A_125 = tpu.memref_squeeze %dma_start3A_124 : memref<1x1x128xi32, #tpu.memory_space<vmem>> -> memref<128xi32, #tpu.memory_space<vmem>>
          %dma_start3A_126 = arith.constant 0 : i32
          %dma_start3A_127 = arith.constant 0 : i32
          %dma_start3A_128 = tpu.memref_slice %arg8[%dma_start3A_126, %dma_start3A_127] : memref<10240x128xf32, #tpu.memory_space<vmem_shared>> -> memref<10240x128xf32, #tpu.memory_space<vmem_shared>>
          tpu.enqueue_indirect_dma source(%dma_start3A_122 : memref<128x128xf32, #tpu.memory_space<vmem>>) target(%dma_start3A_128 : memref<10240x128xf32, #tpu.memory_space<vmem_shared>>) offsets(%dma_start3A_125 : memref<128xi32, #tpu.memory_space<vmem>>) semaphore(%run_scoped3A_118 : memref<!tpu.dma_semaphore, #tpu.memory_space<semaphore_mem>>) {add = true}
          %dma_wait3A_129 = arith.constant 0 : i32
          %dma_wait3A_130 = arith.constant 0 : i32
          %dma_wait3A_131 = tpu.memref_slice %arg6[%run_scoped3A, %dma_wait3A_129, %dma_wait3A_130] : memref<2x128x128xf32, #tpu.memory_space<vmem>> -> memref<1x128x128xf32, #tpu.memory_space<vmem>>
          %dma_wait3A_132 = tpu.memref_squeeze %dma_wait3A_131 : memref<1x128x128xf32, #tpu.memory_space<vmem>> -> memref<128x128xf32, #tpu.memory_space<vmem>>
          %dma_wait3A_133 = arith.constant 0 : i32
          %dma_wait3A_134 = tpu.memref_slice %arg5[%add3A_77, %run_scoped3A_89, %dma_wait3A_133] : memref<20x2x128xi32, #tpu.memory_space<vmem>> -> memref<1x1x128xi32, #tpu.memory_space<vmem>>
          %dma_wait3A_135 = tpu.memref_squeeze %dma_wait3A_134 : memref<1x1x128xi32, #tpu.memory_space<vmem>> -> memref<128xi32, #tpu.memory_space<vmem>>
          %dma_wait3A_136 = arith.constant 0 : i32
          %dma_wait3A_137 = arith.constant 0 : i32
          %dma_wait3A_138 = tpu.memref_slice %arg8[%dma_wait3A_136, %dma_wait3A_137] : memref<10240x128xf32, #tpu.memory_space<vmem_shared>> -> memref<10240x128xf32, #tpu.memory_space<vmem_shared>>
          tpu.wait_indirect_dma semaphore(%run_scoped3A_118 : memref<!tpu.dma_semaphore, #tpu.memory_space<semaphore_mem>>) src(%dma_wait3A_132 : memref<128x128xf32, #tpu.memory_space<vmem>>) dst(%dma_wait3A_138 : memref<10240x128xf32, #tpu.memory_space<vmem_shared>>)
          tpu.yield
        }) : () -> ()
        %add3A_90 = arith.constant 2 : i32
        %add3A_91 = arith.addi %add3A_77, %add3A_90 : i32
        %lt3A_92 = arith.constant 20 : i32
        %lt3A_93 = arith.cmpi slt, %add3A_91, %lt3A_92 : i32
        %convert_element_type3A = arith.extui %lt3A_93 : i1 to i32
        %cond3A = arith.constant 0 : i32
        %cond3A_94 = arith.cmpi ne, %convert_element_type3A, %cond3A : i32
        scf.if %cond3A_94 {
          %add3A_118 = arith.constant 2 : i32
          %add3A_119 = arith.addi %add3A_77, %add3A_118 : i32
          %dma_start3A_120 = arith.constant 0 : i32
          %dma_start3A_121 = arith.constant 0 : i32
          %dma_start3A_122 = arith.constant 0 : i32
          %dma_start3A_123 = arith.constant 0 : i32
          %dma_start3A_124 = tpu.memref_slice %arg6[%dma_start3A_121, %dma_start3A_122, %dma_start3A_123] : memref<2x128x128xf32, #tpu.memory_space<vmem>> -> memref<1x128x128xf32, #tpu.memory_space<vmem>>
          %dma_start3A_125 = tpu.memref_squeeze %dma_start3A_124 : memref<1x128x128xf32, #tpu.memory_space<vmem>> -> memref<128x128xf32, #tpu.memory_space<vmem>>
          %dma_start3A_126 = arith.constant 0 : i32
          %dma_start3A_127 = tpu.memref_slice %arg5[%add3A_119, %dma_start3A_120, %dma_start3A_126] : memref<20x2x128xi32, #tpu.memory_space<vmem>> -> memref<1x1x128xi32, #tpu.memory_space<vmem>>
          %dma_start3A_128 = tpu.memref_squeeze %dma_start3A_127 : memref<1x1x128xi32, #tpu.memory_space<vmem>> -> memref<128xi32, #tpu.memory_space<vmem>>
          %dma_start3A_129 = arith.constant 0 : i32
          %dma_start3A_130 = arith.constant 0 : i32
          %dma_start3A_131 = tpu.memref_slice %arg2[%dma_start3A_129, %dma_start3A_130] : memref<10240x128xf32, #tpu.memory_space<hbm>> -> memref<10240x128xf32, #tpu.memory_space<hbm>>
          tpu.enqueue_indirect_dma source(%dma_start3A_131 : memref<10240x128xf32, #tpu.memory_space<hbm>>) target(%dma_start3A_125 : memref<128x128xf32, #tpu.memory_space<vmem>>) offsets(%dma_start3A_128 : memref<128xi32, #tpu.memory_space<vmem>>) semaphore(%arg9 : memref<!tpu.dma_semaphore, #tpu.memory_space<semaphore_mem>>)
        } else {
        }
        %add3A_95 = arith.constant 1 : i32
        %add3A_96 = arith.addi %add3A_75, %add3A_95 : i32
        %dma_wait3A_97 = arith.constant 0 : i32
        %dma_wait3A_98 = arith.constant 1 : i32
        %dma_wait3A_99 = arith.constant 0 : i32
        %dma_wait3A_100 = arith.constant 0 : i32
        %dma_wait3A_101 = tpu.memref_slice %arg6[%dma_wait3A_98, %dma_wait3A_99, %dma_wait3A_100] : memref<2x128x128xf32, #tpu.memory_space<vmem>> -> memref<1x128x128xf32, #tpu.memory_space<vmem>>
        %dma_wait3A_102 = tpu.memref_squeeze %dma_wait3A_101 : memref<1x128x128xf32, #tpu.memory_space<vmem>> -> memref<128x128xf32, #tpu.memory_space<vmem>>
        %dma_wait3A_103 = arith.constant 0 : i32
        %dma_wait3A_104 = tpu.memref_slice %arg5[%add3A_96, %dma_wait3A_97, %dma_wait3A_103] : memref<20x2x128xi32, #tpu.memory_space<vmem>> -> memref<1x1x128xi32, #tpu.memory_space<vmem>>
        %dma_wait3A_105 = tpu.memref_squeeze %dma_wait3A_104 : memref<1x1x128xi32, #tpu.memory_space<vmem>> -> memref<128xi32, #tpu.memory_space<vmem>>
        %dma_wait3A_106 = arith.constant 0 : i32
        %dma_wait3A_107 = arith.constant 0 : i32
        %dma_wait3A_108 = tpu.memref_slice %arg2[%dma_wait3A_106, %dma_wait3A_107] : memref<10240x128xf32, #tpu.memory_space<hbm>> -> memref<10240x128xf32, #tpu.memory_space<hbm>>
        tpu.wait_indirect_dma semaphore(%arg10 : memref<!tpu.dma_semaphore, #tpu.memory_space<semaphore_mem>>) src(%dma_wait3A_108 : memref<10240x128xf32, #tpu.memory_space<hbm>>) dst(%dma_wait3A_102 : memref<128x128xf32, #tpu.memory_space<vmem>>)
        %run_scoped3A_109 = arith.constant 1 : i32
        %run_scoped3A_110 = arith.constant 1 : i32
        "tpu.region"() ({
          %run_scoped3A_118 = tpu.sem_alloc : memref<!tpu.dma_semaphore, #tpu.memory_space<semaphore_mem>>
          %dma_start3A_119 = arith.constant 0 : i32
          %dma_start3A_120 = arith.constant 0 : i32
          %dma_start3A_121 = tpu.memref_slice %arg6[%run_scoped3A_109, %dma_start3A_119, %dma_start3A_120] : memref<2x128x128xf32, #tpu.memory_space<vmem>> -> memref<1x128x128xf32, #tpu.memory_space<vmem>>
          %dma_start3A_122 = tpu.memref_squeeze %dma_start3A_121 : memref<1x128x128xf32, #tpu.memory_space<vmem>> -> memref<128x128xf32, #tpu.memory_space<vmem>>
          %dma_start3A_123 = arith.constant 0 : i32
          %dma_start3A_124 = tpu.memref_slice %arg5[%add3A_96, %run_scoped3A_110, %dma_start3A_123] : memref<20x2x128xi32, #tpu.memory_space<vmem>> -> memref<1x1x128xi32, #tpu.memory_space<vmem>>
          %dma_start3A_125 = tpu.memref_squeeze %dma_start3A_124 : memref<1x1x128xi32, #tpu.memory_space<vmem>> -> memref<128xi32, #tpu.memory_space<vmem>>
          %dma_start3A_126 = arith.constant 0 : i32
          %dma_start3A_127 = arith.constant 0 : i32
          %dma_start3A_128 = tpu.memref_slice %arg8[%dma_start3A_126, %dma_start3A_127] : memref<10240x128xf32, #tpu.memory_space<vmem_shared>> -> memref<10240x128xf32, #tpu.memory_space<vmem_shared>>
          tpu.enqueue_indirect_dma source(%dma_start3A_122 : memref<128x128xf32, #tpu.memory_space<vmem>>) target(%dma_start3A_128 : memref<10240x128xf32, #tpu.memory_space<vmem_shared>>) offsets(%dma_start3A_125 : memref<128xi32, #tpu.memory_space<vmem>>) semaphore(%run_scoped3A_118 : memref<!tpu.dma_semaphore, #tpu.memory_space<semaphore_mem>>) {add = true}
          %dma_wait3A_129 = arith.constant 0 : i32
          %dma_wait3A_130 = arith.constant 0 : i32
          %dma_wait3A_131 = tpu.memref_slice %arg6[%run_scoped3A_109, %dma_wait3A_129, %dma_wait3A_130] : memref<2x128x128xf32, #tpu.memory_space<vmem>> -> memref<1x128x128xf32, #tpu.memory_space<vmem>>
          %dma_wait3A_132 = tpu.memref_squeeze %dma_wait3A_131 : memref<1x128x128xf32, #tpu.memory_space<vmem>> -> memref<128x128xf32, #tpu.memory_space<vmem>>
          %dma_wait3A_133 = arith.constant 0 : i32
          %dma_wait3A_134 = tpu.memref_slice %arg5[%add3A_96, %run_scoped3A_110, %dma_wait3A_133] : memref<20x2x128xi32, #tpu.memory_space<vmem>> -> memref<1x1x128xi32, #tpu.memory_space<vmem>>
          %dma_wait3A_135 = tpu.memref_squeeze %dma_wait3A_134 : memref<1x1x128xi32, #tpu.memory_space<vmem>> -> memref<128xi32, #tpu.memory_space<vmem>>
          %dma_wait3A_136 = arith.constant 0 : i32
          %dma_wait3A_137 = arith.constant 0 : i32
          %dma_wait3A_138 = tpu.memref_slice %arg8[%dma_wait3A_136, %dma_wait3A_137] : memref<10240x128xf32, #tpu.memory_space<vmem_shared>> -> memref<10240x128xf32, #tpu.memory_space<vmem_shared>>
          tpu.wait_indirect_dma semaphore(%run_scoped3A_118 : memref<!tpu.dma_semaphore, #tpu.memory_space<semaphore_mem>>) src(%dma_wait3A_132 : memref<128x128xf32, #tpu.memory_space<vmem>>) dst(%dma_wait3A_138 : memref<10240x128xf32, #tpu.memory_space<vmem_shared>>)
          tpu.yield
        }) : () -> ()
        %add3A_111 = arith.constant 2 : i32
        %add3A_112 = arith.addi %add3A_96, %add3A_111 : i32
        %lt3A_113 = arith.constant 20 : i32
        %lt3A_114 = arith.cmpi slt, %add3A_112, %lt3A_113 : i32
        %convert_element_type3A_115 = arith.extui %lt3A_114 : i1 to i32
        %cond3A_116 = arith.constant 0 : i32
        %cond3A_117 = arith.cmpi ne, %convert_element_type3A_115, %cond3A_116 : i32
        scf.if %cond3A_117 {
          %add3A_118 = arith.constant 2 : i32
          %add3A_119 = arith.addi %add3A_96, %add3A_118 : i32
          %dma_start3A_120 = arith.constant 0 : i32
          %dma_start3A_121 = arith.constant 1 : i32
          %dma_start3A_122 = arith.constant 0 : i32
          %dma_start3A_123 = arith.constant 0 : i32
          %dma_start3A_124 = tpu.memref_slice %arg6[%dma_start3A_121, %dma_start3A_122, %dma_start3A_123] : memref<2x128x128xf32, #tpu.memory_space<vmem>> -> memref<1x128x128xf32, #tpu.memory_space<vmem>>
          %dma_start3A_125 = tpu.memref_squeeze %dma_start3A_124 : memref<1x128x128xf32, #tpu.memory_space<vmem>> -> memref<128x128xf32, #tpu.memory_space<vmem>>
          %dma_start3A_126 = arith.constant 0 : i32
          %dma_start3A_127 = tpu.memref_slice %arg5[%add3A_119, %dma_start3A_120, %dma_start3A_126] : memref<20x2x128xi32, #tpu.memory_space<vmem>> -> memref<1x1x128xi32, #tpu.memory_space<vmem>>
          %dma_start3A_128 = tpu.memref_squeeze %dma_start3A_127 : memref<1x1x128xi32, #tpu.memory_space<vmem>> -> memref<128xi32, #tpu.memory_space<vmem>>
          %dma_start3A_129 = arith.constant 0 : i32
          %dma_start3A_130 = arith.constant 0 : i32
          %dma_start3A_131 = tpu.memref_slice %arg2[%dma_start3A_129, %dma_start3A_130] : memref<10240x128xf32, #tpu.memory_space<hbm>> -> memref<10240x128xf32, #tpu.memory_space<hbm>>
          tpu.enqueue_indirect_dma source(%dma_start3A_131 : memref<10240x128xf32, #tpu.memory_space<hbm>>) target(%dma_start3A_125 : memref<128x128xf32, #tpu.memory_space<vmem>>) offsets(%dma_start3A_128 : memref<128xi32, #tpu.memory_space<vmem>>) semaphore(%arg10 : memref<!tpu.dma_semaphore, #tpu.memory_space<semaphore_mem>>)
        } else {
        }
      }
      %scan3A_70 = arith.constant 10 : i32
    }
    %barrier3A_28 = arith.constant 0 : index
    tpu.barrier barrier_id(%barrier3A_28)
    %mul3A_29 = arith.constant 640 : i32
    %mul3A_30 = arith.muli %arg1, %mul3A_29 : i32
    %mul3A_31 = arith.constant 640 : i32
    %mul3A_32 = arith.muli %arg1, %mul3A_31 : i32
    "tpu.region"() ({
      %run_scoped3A = tpu.sem_alloc : memref<!tpu.dma_semaphore, #tpu.memory_space<semaphore_mem>>
      %dma_start3A = arith.constant 0 : i32
      %dma_start3A_33 = arith.constant 0 : i32
      %dma_start3A_34 = tpu.memref_slice %arg4[%arg0, %dma_start3A, %dma_start3A_33] : memref<2x10240x128xf32, #tpu.memory_space<hbm>> -> memref<1x10240x128xf32, #tpu.memory_space<hbm>>
      %dma_start3A_35 = tpu.memref_squeeze %dma_start3A_34 : memref<1x10240x128xf32, #tpu.memory_space<hbm>> -> memref<10240x128xf32, #tpu.memory_space<hbm>>
      %dma_start3A_36 = arith.constant 0 : i32
      %dma_start3A_37 = tpu.memref_slice %dma_start3A_35[%mul3A_32, %dma_start3A_36] : memref<10240x128xf32, #tpu.memory_space<hbm>> -> memref<640x128xf32, #tpu.memory_space<hbm>>
      %dma_start3A_38 = arith.constant 0 : i32
      %dma_start3A_39 = tpu.memref_slice %arg8[%mul3A_30, %dma_start3A_38] : memref<10240x128xf32, #tpu.memory_space<vmem_shared>> -> memref<640x128xf32, #tpu.memory_space<vmem_shared>>
      tpu.enqueue_dma source(%dma_start3A_39 : memref<640x128xf32, #tpu.memory_space<vmem_shared>>) target(%dma_start3A_37 : memref<640x128xf32, #tpu.memory_space<hbm>>) target_semaphore(%run_scoped3A : memref<!tpu.dma_semaphore, #tpu.memory_space<semaphore_mem>>)
      %dma_wait3A = arith.constant 0 : i32
      %dma_wait3A_40 = arith.constant 0 : i32
      %dma_wait3A_41 = tpu.memref_slice %arg4[%arg0, %dma_wait3A, %dma_wait3A_40] : memref<2x10240x128xf32, #tpu.memory_space<hbm>> -> memref<1x10240x128xf32, #tpu.memory_space<hbm>>
      %dma_wait3A_42 = tpu.memref_squeeze %dma_wait3A_41 : memref<1x10240x128xf32, #tpu.memory_space<hbm>> -> memref<10240x128xf32, #tpu.memory_space<hbm>>
      %dma_wait3A_43 = arith.constant 0 : i32
      %dma_wait3A_44 = tpu.memref_slice %dma_wait3A_42[%mul3A_32, %dma_wait3A_43] : memref<10240x128xf32, #tpu.memory_space<hbm>> -> memref<640x128xf32, #tpu.memory_space<hbm>>
      %dma_wait3A_45 = arith.constant 0 : i32
      %dma_wait3A_46 = tpu.memref_slice %arg8[%mul3A_30, %dma_wait3A_45] : memref<10240x128xf32, #tpu.memory_space<vmem_shared>> -> memref<640x128xf32, #tpu.memory_space<vmem_shared>>
      tpu.wait_dma2 semaphore(%run_scoped3A : memref<!tpu.dma_semaphore, #tpu.memory_space<semaphore_mem>>) src(%dma_wait3A_46 : memref<640x128xf32, #tpu.memory_space<vmem_shared>>) dst(%dma_wait3A_44 : memref<640x128xf32, #tpu.memory_space<hbm>>)
      tpu.yield
    }) : () -> ()
    return
  }
}

#map = affine_map<(d0, d1) -> (0, 0)>
#map1 = affine_map<(d0, d1) -> (0, 0, 0)>
module attributes {stable_mosaic.version = 14 : i64} {
  func.func @_sc_agg_body(%arg0: i32, %arg1: i32, %arg2: memref<10240x128xf32, #tpu.memory_space<hbm>>, %arg3: memref<2500x2x128xi32, #tpu.memory_space<hbm>>, %arg4: memref<2x10240x128xf32, #tpu.memory_space<hbm>>, %arg5: memref<20x2x128xi32, #tpu.memory_space<vmem>>, %arg6: memref<2x128x128xf32, #tpu.memory_space<vmem>>, %arg7: memref<40x128xf32, #tpu.memory_space<vmem>>, %arg8: memref<10240x128xf32, #tpu.memory_space<vmem_shared>>, %arg9: memref<!tpu.dma_semaphore, #tpu.memory_space<semaphore_mem>>, %arg10: memref<!tpu.dma_semaphore, #tpu.memory_space<semaphore_mem>>) attributes {dimension_semantics = [#tpu.dimension_semantics<core_parallel>, #tpu.dimension_semantics<subcore_parallel>], iteration_bounds = array<i64: 2, 16>, scalar_prefetch = 0 : i64, scratch_operands = 6 : i64, tpu.core_type = #tpu.core_type<sc_vector_subcore>, window_params = [{transform_indices = #map}, {transform_indices = #map1}, {transform_indices = #map1}]} {
    %mul3A = arith.constant 16 : i32
    %mul3A_0 = arith.muli %arg0, %mul3A : i32
    %add3A = arith.addi %mul3A_0, %arg1 : i32
    %scan3A = arith.constant 0 : i32
    %scan3A_1 = arith.constant 40 : i32
    %scan3A_2 = arith.addi %scan3A, %scan3A_1 : i32
    %scan3A_3 = arith.constant 1 : i32
    scf.for %scan3A_33 = %scan3A to %scan3A_2 step %scan3A_3  : i32 {
      %mul3A_34 = arith.constant 1 : i32
      %mul3A_35 = arith.muli %scan3A_33, %mul3A_34 : i32
      %add3A_36 = arith.constant 0 : i32
      %add3A_37 = arith.addi %add3A_36, %mul3A_35 : i32
      %broadcast_in_dim3A = arith.constant 0.000000e+00 : f32
      %broadcast_in_dim3A_38 = vector.broadcast %broadcast_in_dim3A : f32 to vector<16xf32>
      %swap3A = arith.index_cast %add3A_37 : i32 to index
      %swap3A_39 = arith.constant 0 : index
      %swap3A_40 = tpu.vector_load %arg7[%swap3A, %swap3A_39] {strides = array<i32>} : memref<40x128xf32, #tpu.memory_space<vmem>>, vector<1x16xf32>,
      %swap3A_41 = vector.shape_cast %swap3A_40 : vector<1x16xf32> to vector<16xf32>
      %swap3A_42 = vector.shape_cast %broadcast_in_dim3A_38 : vector<16xf32> to vector<1x16xf32>
      tpu.vector_store %arg7[%swap3A, %swap3A_39], %swap3A_42 {strides = array<i32>} : memref<40x128xf32, #tpu.memory_space<vmem>>, vector<1x16xf32>,
      %broadcast_in_dim3A_43 = arith.constant 0.000000e+00 : f32
      %broadcast_in_dim3A_44 = vector.broadcast %broadcast_in_dim3A_43 : f32 to vector<16xf32>
      %swap3A_45 = arith.index_cast %add3A_37 : i32 to index
      %swap3A_46 = arith.constant 16 : index
      %swap3A_47 = tpu.vector_load %arg7[%swap3A_45, %swap3A_46] {strides = array<i32>} : memref<40x128xf32, #tpu.memory_space<vmem>>, vector<1x16xf32>,
      %swap3A_48 = vector.shape_cast %swap3A_47 : vector<1x16xf32> to vector<16xf32>
      %swap3A_49 = vector.shape_cast %broadcast_in_dim3A_44 : vector<16xf32> to vector<1x16xf32>
      tpu.vector_store %arg7[%swap3A_45, %swap3A_46], %swap3A_49 {strides = array<i32>} : memref<40x128xf32, #tpu.memory_space<vmem>>, vector<1x16xf32>,
      %broadcast_in_dim3A_50 = arith.constant 0.000000e+00 : f32
      %broadcast_in_dim3A_51 = vector.broadcast %broadcast_in_dim3A_50 : f32 to vector<16xf32>
      %swap3A_52 = arith.index_cast %add3A_37 : i32 to index
      %swap3A_53 = arith.constant 32 : index
      %swap3A_54 = tpu.vector_load %arg7[%swap3A_52, %swap3A_53] {strides = array<i32>} : memref<40x128xf32, #tpu.memory_space<vmem>>, vector<1x16xf32>,
      %swap3A_55 = vector.shape_cast %swap3A_54 : vector<1x16xf32> to vector<16xf32>
      %swap3A_56 = vector.shape_cast %broadcast_in_dim3A_51 : vector<16xf32> to vector<1x16xf32>
      tpu.vector_store %arg7[%swap3A_52, %swap3A_53], %swap3A_56 {strides = array<i32>} : memref<40x128xf32, #tpu.memory_space<vmem>>, vector<1x16xf32>,
      %broadcast_in_dim3A_57 = arith.constant 0.000000e+00 : f32
      %broadcast_in_dim3A_58 = vector.broadcast %broadcast_in_dim3A_57 : f32 to vector<16xf32>
      %swap3A_59 = arith.index_cast %add3A_37 : i32 to index
      %swap3A_60 = arith.constant 48 : index
      %swap3A_61 = tpu.vector_load %arg7[%swap3A_59, %swap3A_60] {strides = array<i32>} : memref<40x128xf32, #tpu.memory_space<vmem>>, vector<1x16xf32>,
      %swap3A_62 = vector.shape_cast %swap3A_61 : vector<1x16xf32> to vector<16xf32>
      %swap3A_63 = vector.shape_cast %broadcast_in_dim3A_58 : vector<16xf32> to vector<1x16xf32>
      tpu.vector_store %arg7[%swap3A_59, %swap3A_60], %swap3A_63 {strides = array<i32>} : memref<40x128xf32, #tpu.memory_space<vmem>>, vector<1x16xf32>,
      %broadcast_in_dim3A_64 = arith.constant 0.000000e+00 : f32
      %broadcast_in_dim3A_65 = vector.broadcast %broadcast_in_dim3A_64 : f32 to vector<16xf32>
      %swap3A_66 = arith.index_cast %add3A_37 : i32 to index
      %swap3A_67 = arith.constant 64 : index
      %swap3A_68 = tpu.vector_load %arg7[%swap3A_66, %swap3A_67] {strides = array<i32>} : memref<40x128xf32, #tpu.memory_space<vmem>>, vector<1x16xf32>,
      %swap3A_69 = vector.shape_cast %swap3A_68 : vector<1x16xf32> to vector<16xf32>
      %swap3A_70 = vector.shape_cast %broadcast_in_dim3A_65 : vector<16xf32> to vector<1x16xf32>
      tpu.vector_store %arg7[%swap3A_66, %swap3A_67], %swap3A_70 {strides = array<i32>} : memref<40x128xf32, #tpu.memory_space<vmem>>, vector<1x16xf32>,
      %broadcast_in_dim3A_71 = arith.constant 0.000000e+00 : f32
      %broadcast_in_dim3A_72 = vector.broadcast %broadcast_in_dim3A_71 : f32 to vector<16xf32>
      %swap3A_73 = arith.index_cast %add3A_37 : i32 to index
      %swap3A_74 = arith.constant 80 : index
      %swap3A_75 = tpu.vector_load %arg7[%swap3A_73, %swap3A_74] {strides = array<i32>} : memref<40x128xf32, #tpu.memory_space<vmem>>, vector<1x16xf32>,
      %swap3A_76 = vector.shape_cast %swap3A_75 : vector<1x16xf32> to vector<16xf32>
      %swap3A_77 = vector.shape_cast %broadcast_in_dim3A_72 : vector<16xf32> to vector<1x16xf32>
      tpu.vector_store %arg7[%swap3A_73, %swap3A_74], %swap3A_77 {strides = array<i32>} : memref<40x128xf32, #tpu.memory_space<vmem>>, vector<1x16xf32>,
      %broadcast_in_dim3A_78 = arith.constant 0.000000e+00 : f32
      %broadcast_in_dim3A_79 = vector.broadcast %broadcast_in_dim3A_78 : f32 to vector<16xf32>
      %swap3A_80 = arith.index_cast %add3A_37 : i32 to index
      %swap3A_81 = arith.constant 96 : index
      %swap3A_82 = tpu.vector_load %arg7[%swap3A_80, %swap3A_81] {strides = array<i32>} : memref<40x128xf32, #tpu.memory_space<vmem>>, vector<1x16xf32>,
      %swap3A_83 = vector.shape_cast %swap3A_82 : vector<1x16xf32> to vector<16xf32>
      %swap3A_84 = vector.shape_cast %broadcast_in_dim3A_79 : vector<16xf32> to vector<1x16xf32>
      tpu.vector_store %arg7[%swap3A_80, %swap3A_81], %swap3A_84 {strides = array<i32>} : memref<40x128xf32, #tpu.memory_space<vmem>>, vector<1x16xf32>,
      %broadcast_in_dim3A_85 = arith.constant 0.000000e+00 : f32
      %broadcast_in_dim3A_86 = vector.broadcast %broadcast_in_dim3A_85 : f32 to vector<16xf32>
      %swap3A_87 = arith.index_cast %add3A_37 : i32 to index
      %swap3A_88 = arith.constant 112 : index
      %swap3A_89 = tpu.vector_load %arg7[%swap3A_87, %swap3A_88] {strides = array<i32>} : memref<40x128xf32, #tpu.memory_space<vmem>>, vector<1x16xf32>,
      %swap3A_90 = vector.shape_cast %swap3A_89 : vector<1x16xf32> to vector<16xf32>
      %swap3A_91 = vector.shape_cast %broadcast_in_dim3A_86 : vector<16xf32> to vector<1x16xf32>
      tpu.vector_store %arg7[%swap3A_87, %swap3A_88], %swap3A_91 {strides = array<i32>} : memref<40x128xf32, #tpu.memory_space<vmem>>, vector<1x16xf32>,
    }
    %scan3A_4 = arith.constant 40 : i32
    %scan3A_5 = arith.constant 0 : i32
    %scan3A_6 = arith.constant 16 : i32
    %scan3A_7 = arith.addi %scan3A_5, %scan3A_6 : i32
    %scan3A_8 = arith.constant 1 : i32
    scf.for %scan3A_33 = %scan3A_5 to %scan3A_7 step %scan3A_8  : i32 {
      %mul3A_34 = arith.constant 1 : i32
      %mul3A_35 = arith.muli %scan3A_33, %mul3A_34 : i32
      %add3A_36 = arith.constant 0 : i32
      %add3A_37 = arith.addi %add3A_36, %mul3A_35 : i32
      %mul3A_38 = arith.constant 640 : i32
      %mul3A_39 = arith.muli %arg1, %mul3A_38 : i32
      %mul3A_40 = arith.constant 40 : i32
      %mul3A_41 = arith.muli %add3A_37, %mul3A_40 : i32
      %add3A_42 = arith.addi %mul3A_39, %mul3A_41 : i32
      "tpu.region"() ({
        %run_scoped3A = tpu.sem_alloc : memref<!tpu.dma_semaphore, #tpu.memory_space<semaphore_mem>>
        %dma_start3A = arith.constant 0 : i32
        %dma_start3A_43 = tpu.memref_slice %arg8[%add3A_42, %dma_start3A] : memref<10240x128xf32, #tpu.memory_space<vmem_shared>> -> memref<40x128xf32, #tpu.memory_space<vmem_shared>>
        %dma_start3A_44 = arith.constant 0 : i32
        %dma_start3A_45 = tpu.memref_slice %arg8[%add3A_42, %dma_start3A_44] : memref<10240x128xf32, #tpu.memory_space<vmem_shared>> -> memref<40x128xf32, #tpu.memory_space<vmem_shared>>
        tpu.enqueue_dma source(%arg7 : memref<40x128xf32, #tpu.memory_space<vmem>>) target(%dma_start3A_45 : memref<40x128xf32, #tpu.memory_space<vmem_shared>>) target_semaphore(%run_scoped3A : memref<!tpu.dma_semaphore, #tpu.memory_space<semaphore_mem>>)
        %dma_wait3A = arith.constant 0 : i32
        %dma_wait3A_46 = tpu.memref_slice %arg8[%add3A_42, %dma_wait3A] : memref<10240x128xf32, #tpu.memory_space<vmem_shared>> -> memref<40x128xf32, #tpu.memory_space<vmem_shared>>
        %dma_wait3A_47 = arith.constant 0 : i32
        %dma_wait3A_48 = tpu.memref_slice %arg8[%add3A_42, %dma_wait3A_47] : memref<10240x128xf32, #tpu.memory_space<vmem_shared>> -> memref<40x128xf32, #tpu.memory_space<vmem_shared>>
        tpu.wait_dma2 semaphore(%run_scoped3A : memref<!tpu.dma_semaphore, #tpu.memory_space<semaphore_mem>>) src(%arg7 : memref<40x128xf32, #tpu.memory_space<vmem>>) dst(%dma_wait3A_48 : memref<40x128xf32, #tpu.memory_space<vmem_shared>>)
        tpu.yield
      }) : () -> ()
    }
    %scan3A_9 = arith.constant 16 : i32
    %barrier3A = arith.constant 0 : index
    tpu.barrier barrier_id(%barrier3A)
    %lt3A = arith.constant 31 : i32
    %lt3A_10 = arith.cmpi slt, %add3A, %lt3A : i32
    %jit3A = arith.constant 4 : i32
    %jit3A_11 = arith.constant 1 : i32
    %select_n3A = arith.select %lt3A_10, %jit3A, %jit3A_11 : i32
    %sub3A = arith.constant 0 : i32
    %sub3A_12 = arith.subi %select_n3A, %sub3A : i32
    %sub3A_13 = arith.constant 1 : i32
    %sub3A_14 = arith.constant 1 : i32
    %sub3A_15 = arith.subi %sub3A_13, %sub3A_14 : i32
    %add3A_16 = arith.addi %sub3A_12, %sub3A_15 : i32
    %div3A = arith.constant 1 : i32
    %div3A_17 = arith.divsi %add3A_16, %div3A : i32
    %while3A = arith.constant 1 : i32
    %while3A_18 = arith.constant 0 : i32
    %while3A_19 = arith.constant 0 : i32
    %while3A_20 = arith.subi %div3A_17, %while3A_19 : i32
    %while3A_21 = arith.addi %while3A_19, %while3A_20 : i32
    %while3A_22 = arith.constant 1 : i32
    %while3A_23 = arith.divsi %while3A_20, %while3A_22 : i32
    %while3A_24 = arith.muli %while3A_23, %while3A_22 : i32
    %while3A_25 = arith.addi %while3A_19, %while3A_24 : i32
    %while3A_26 = arith.constant 1 : i32
    scf.for %while3A_33 = %while3A_19 to %while3A_25 step %while3A_26  : i32 {
      %mul3A_34 = arith.muli %while3A_33, %while3A : i32
      %add3A_35 = arith.addi %while3A_18, %mul3A_34 : i32
      %mul3A_36 = arith.constant 80 : i32
      %mul3A_37 = arith.muli %add3A, %mul3A_36 : i32
      %mul3A_38 = arith.constant 20 : i32
      %mul3A_39 = arith.muli %add3A_35, %mul3A_38 : i32
      %add3A_40 = arith.addi %mul3A_37, %mul3A_39 : i32
      "tpu.region"() ({
        %run_scoped3A = tpu.sem_alloc : memref<!tpu.dma_semaphore, #tpu.memory_space<semaphore_mem>>
        %dma_start3A_71 = arith.constant 0 : i32
        %dma_start3A_72 = arith.constant 0 : i32
        %dma_start3A_73 = tpu.memref_slice %arg3[%add3A_40, %dma_start3A_71, %dma_start3A_72] : memref<2500x2x128xi32, #tpu.memory_space<hbm>> -> memref<20x2x128xi32, #tpu.memory_space<hbm>>
        %dma_start3A_74 = arith.constant 0 : i32
        %dma_start3A_75 = arith.constant 0 : i32
        %dma_start3A_76 = tpu.memref_slice %arg3[%add3A_40, %dma_start3A_74, %dma_start3A_75] : memref<2500x2x128xi32, #tpu.memory_space<hbm>> -> memref<20x2x128xi32, #tpu.memory_space<hbm>>
        tpu.enqueue_dma source(%dma_start3A_76 : memref<20x2x128xi32, #tpu.memory_space<hbm>>) target(%arg5 : memref<20x2x128xi32, #tpu.memory_space<vmem>>) target_semaphore(%run_scoped3A : memref<!tpu.dma_semaphore, #tpu.memory_space<semaphore_mem>>)
        %dma_wait3A = arith.constant 0 : i32
        %dma_wait3A_77 = arith.constant 0 : i32
        %dma_wait3A_78 = tpu.memref_slice %arg3[%add3A_40, %dma_wait3A, %dma_wait3A_77] : memref<2500x2x128xi32, #tpu.memory_space<hbm>> -> memref<20x2x128xi32, #tpu.memory_space<hbm>>
        %dma_wait3A_79 = arith.constant 0 : i32
        %dma_wait3A_80 = arith.constant 0 : i32
        %dma_wait3A_81 = tpu.memref_slice %arg3[%add3A_40, %dma_wait3A_79, %dma_wait3A_80] : memref<2500x2x128xi32, #tpu.memory_space<hbm>> -> memref<20x2x128xi32, #tpu.memory_space<hbm>>
        tpu.wait_dma2 semaphore(%run_scoped3A : memref<!tpu.dma_semaphore, #tpu.memory_space<semaphore_mem>>) src(%dma_wait3A_81 : memref<20x2x128xi32, #tpu.memory_space<hbm>>) dst(%arg5 : memref<20x2x128xi32, #tpu.memory_space<vmem>>)
        tpu.yield
      }) : () -> ()
      %dma_start3A = arith.constant 0 : i32
      %dma_start3A_41 = arith.constant 0 : i32
      %dma_start3A_42 = arith.constant 0 : i32
      %dma_start3A_43 = arith.constant 0 : i32
      %dma_start3A_44 = arith.constant 0 : i32
      %dma_start3A_45 = tpu.memref_slice %arg6[%dma_start3A_42, %dma_start3A_43, %dma_start3A_44] : memref<2x128x128xf32, #tpu.memory_space<vmem>> -> memref<1x128x128xf32, #tpu.memory_space<vmem>>
      %dma_start3A_46 = tpu.memref_squeeze %dma_start3A_45 : memref<1x128x128xf32, #tpu.memory_space<vmem>> -> memref<128x128xf32, #tpu.memory_space<vmem>>
      %dma_start3A_47 = arith.constant 0 : i32
      %dma_start3A_48 = tpu.memref_slice %arg5[%dma_start3A, %dma_start3A_41, %dma_start3A_47] : memref<20x2x128xi32, #tpu.memory_space<vmem>> -> memref<1x1x128xi32, #tpu.memory_space<vmem>>
      %dma_start3A_49 = tpu.memref_squeeze %dma_start3A_48 : memref<1x1x128xi32, #tpu.memory_space<vmem>> -> memref<128xi32, #tpu.memory_space<vmem>>
      %dma_start3A_50 = arith.constant 0 : i32
      %dma_start3A_51 = arith.constant 0 : i32
      %dma_start3A_52 = tpu.memref_slice %arg2[%dma_start3A_50, %dma_start3A_51] : memref<10240x128xf32, #tpu.memory_space<hbm>> -> memref<10240x128xf32, #tpu.memory_space<hbm>>
      tpu.enqueue_indirect_dma source(%dma_start3A_52 : memref<10240x128xf32, #tpu.memory_space<hbm>>) target(%dma_start3A_46 : memref<128x128xf32, #tpu.memory_space<vmem>>) offsets(%dma_start3A_49 : memref<128xi32, #tpu.memory_space<vmem>>) semaphore(%arg9 : memref<!tpu.dma_semaphore, #tpu.memory_space<semaphore_mem>>)
      %dma_start3A_53 = arith.constant 1 : i32
      %dma_start3A_54 = arith.constant 0 : i32
      %dma_start3A_55 = arith.constant 1 : i32
      %dma_start3A_56 = arith.constant 0 : i32
      %dma_start3A_57 = arith.constant 0 : i32
      %dma_start3A_58 = tpu.memref_slice %arg6[%dma_start3A_55, %dma_start3A_56, %dma_start3A_57] : memref<2x128x128xf32, #tpu.memory_space<vmem>> -> memref<1x128x128xf32, #tpu.memory_space<vmem>>
      %dma_start3A_59 = tpu.memref_squeeze %dma_start3A_58 : memref<1x128x128xf32, #tpu.memory_space<vmem>> -> memref<128x128xf32, #tpu.memory_space<vmem>>
      %dma_start3A_60 = arith.constant 0 : i32
      %dma_start3A_61 = tpu.memref_slice %arg5[%dma_start3A_53, %dma_start3A_54, %dma_start3A_60] : memref<20x2x128xi32, #tpu.memory_space<vmem>> -> memref<1x1x128xi32, #tpu.memory_space<vmem>>
      %dma_start3A_62 = tpu.memref_squeeze %dma_start3A_61 : memref<1x1x128xi32, #tpu.memory_space<vmem>> -> memref<128xi32, #tpu.memory_space<vmem>>
      %dma_start3A_63 = arith.constant 0 : i32
      %dma_start3A_64 = arith.constant 0 : i32
      %dma_start3A_65 = tpu.memref_slice %arg2[%dma_start3A_63, %dma_start3A_64] : memref<10240x128xf32, #tpu.memory_space<hbm>> -> memref<10240x128xf32, #tpu.memory_space<hbm>>
      tpu.enqueue_indirect_dma source(%dma_start3A_65 : memref<10240x128xf32, #tpu.memory_space<hbm>>) target(%dma_start3A_59 : memref<128x128xf32, #tpu.memory_space<vmem>>) offsets(%dma_start3A_62 : memref<128xi32, #tpu.memory_space<vmem>>) semaphore(%arg10 : memref<!tpu.dma_semaphore, #tpu.memory_space<semaphore_mem>>)
      %scan3A_66 = arith.constant 0 : i32
      %scan3A_67 = arith.constant 10 : i32
      %scan3A_68 = arith.addi %scan3A_66, %scan3A_67 : i32
      %scan3A_69 = arith.constant 1 : i32
      scf.for %scan3A_71 = %scan3A_66 to %scan3A_68 step %scan3A_69  : i32 {
        %mul3A_72 = arith.constant 2 : i32
        %mul3A_73 = arith.muli %scan3A_71, %mul3A_72 : i32
        %add3A_74 = arith.constant 0 : i32
        %add3A_75 = arith.addi %add3A_74, %mul3A_73 : i32
        %add3A_76 = arith.constant 0 : i32
        %add3A_77 = arith.addi %add3A_75, %add3A_76 : i32
        %dma_wait3A = arith.constant 0 : i32
        %dma_wait3A_78 = arith.constant 0 : i32
        %dma_wait3A_79 = arith.constant 0 : i32
        %dma_wait3A_80 = arith.constant 0 : i32
        %dma_wait3A_81 = tpu.memref_slice %arg6[%dma_wait3A_78, %dma_wait3A_79, %dma_wait3A_80] : memref<2x128x128xf32, #tpu.memory_space<vmem>> -> memref<1x128x128xf32, #tpu.memory_space<vmem>>
        %dma_wait3A_82 = tpu.memref_squeeze %dma_wait3A_81 : memref<1x128x128xf32, #tpu.memory_space<vmem>> -> memref<128x128xf32, #tpu.memory_space<vmem>>
        %dma_wait3A_83 = arith.constant 0 : i32
        %dma_wait3A_84 = tpu.memref_slice %arg5[%add3A_77, %dma_wait3A, %dma_wait3A_83] : memref<20x2x128xi32, #tpu.memory_space<vmem>> -> memref<1x1x128xi32, #tpu.memory_space<vmem>>
        %dma_wait3A_85 = tpu.memref_squeeze %dma_wait3A_84 : memref<1x1x128xi32, #tpu.memory_space<vmem>> -> memref<128xi32, #tpu.memory_space<vmem>>
        %dma_wait3A_86 = arith.constant 0 : i32
        %dma_wait3A_87 = arith.constant 0 : i32
        %dma_wait3A_88 = tpu.memref_slice %arg2[%dma_wait3A_86, %dma_wait3A_87] : memref<10240x128xf32, #tpu.memory_space<hbm>> -> memref<10240x128xf32, #tpu.memory_space<hbm>>
        tpu.wait_indirect_dma semaphore(%arg9 : memref<!tpu.dma_semaphore, #tpu.memory_space<semaphore_mem>>) src(%dma_wait3A_88 : memref<10240x128xf32, #tpu.memory_space<hbm>>) dst(%dma_wait3A_82 : memref<128x128xf32, #tpu.memory_space<vmem>>)
        %run_scoped3A = arith.constant 0 : i32
        %run_scoped3A_89 = arith.constant 1 : i32
        "tpu.region"() ({
          %run_scoped3A_118 = tpu.sem_alloc : memref<!tpu.dma_semaphore, #tpu.memory_space<semaphore_mem>>
          %dma_start3A_119 = arith.constant 0 : i32
          %dma_start3A_120 = arith.constant 0 : i32
          %dma_start3A_121 = tpu.memref_slice %arg6[%run_scoped3A, %dma_start3A_119, %dma_start3A_120] : memref<2x128x128xf32, #tpu.memory_space<vmem>> -> memref<1x128x128xf32, #tpu.memory_space<vmem>>
          %dma_start3A_122 = tpu.memref_squeeze %dma_start3A_121 : memref<1x128x128xf32, #tpu.memory_space<vmem>> -> memref<128x128xf32, #tpu.memory_space<vmem>>
          %dma_start3A_123 = arith.constant 0 : i32
          %dma_start3A_124 = tpu.memref_slice %arg5[%add3A_77, %run_scoped3A_89, %dma_start3A_123] : memref<20x2x128xi32, #tpu.memory_space<vmem>> -> memref<1x1x128xi32, #tpu.memory_space<vmem>>
          %dma_start3A_125 = tpu.memref_squeeze %dma_start3A_124 : memref<1x1x128xi32, #tpu.memory_space<vmem>> -> memref<128xi32, #tpu.memory_space<vmem>>
          %dma_start3A_126 = arith.constant 0 : i32
          %dma_start3A_127 = arith.constant 0 : i32
          %dma_start3A_128 = tpu.memref_slice %arg8[%dma_start3A_126, %dma_start3A_127] : memref<10240x128xf32, #tpu.memory_space<vmem_shared>> -> memref<10240x128xf32, #tpu.memory_space<vmem_shared>>
          tpu.enqueue_indirect_dma source(%dma_start3A_122 : memref<128x128xf32, #tpu.memory_space<vmem>>) target(%dma_start3A_128 : memref<10240x128xf32, #tpu.memory_space<vmem_shared>>) offsets(%dma_start3A_125 : memref<128xi32, #tpu.memory_space<vmem>>) semaphore(%run_scoped3A_118 : memref<!tpu.dma_semaphore, #tpu.memory_space<semaphore_mem>>) {add = true}
          %dma_wait3A_129 = arith.constant 0 : i32
          %dma_wait3A_130 = arith.constant 0 : i32
          %dma_wait3A_131 = tpu.memref_slice %arg6[%run_scoped3A, %dma_wait3A_129, %dma_wait3A_130] : memref<2x128x128xf32, #tpu.memory_space<vmem>> -> memref<1x128x128xf32, #tpu.memory_space<vmem>>
          %dma_wait3A_132 = tpu.memref_squeeze %dma_wait3A_131 : memref<1x128x128xf32, #tpu.memory_space<vmem>> -> memref<128x128xf32, #tpu.memory_space<vmem>>
          %dma_wait3A_133 = arith.constant 0 : i32
          %dma_wait3A_134 = tpu.memref_slice %arg5[%add3A_77, %run_scoped3A_89, %dma_wait3A_133] : memref<20x2x128xi32, #tpu.memory_space<vmem>> -> memref<1x1x128xi32, #tpu.memory_space<vmem>>
          %dma_wait3A_135 = tpu.memref_squeeze %dma_wait3A_134 : memref<1x1x128xi32, #tpu.memory_space<vmem>> -> memref<128xi32, #tpu.memory_space<vmem>>
          %dma_wait3A_136 = arith.constant 0 : i32
          %dma_wait3A_137 = arith.constant 0 : i32
          %dma_wait3A_138 = tpu.memref_slice %arg8[%dma_wait3A_136, %dma_wait3A_137] : memref<10240x128xf32, #tpu.memory_space<vmem_shared>> -> memref<10240x128xf32, #tpu.memory_space<vmem_shared>>
          tpu.wait_indirect_dma semaphore(%run_scoped3A_118 : memref<!tpu.dma_semaphore, #tpu.memory_space<semaphore_mem>>) src(%dma_wait3A_132 : memref<128x128xf32, #tpu.memory_space<vmem>>) dst(%dma_wait3A_138 : memref<10240x128xf32, #tpu.memory_space<vmem_shared>>)
          tpu.yield
        }) : () -> ()
        %add3A_90 = arith.constant 2 : i32
        %add3A_91 = arith.addi %add3A_77, %add3A_90 : i32
        %lt3A_92 = arith.constant 20 : i32
        %lt3A_93 = arith.cmpi slt, %add3A_91, %lt3A_92 : i32
        %convert_element_type3A = arith.extui %lt3A_93 : i1 to i32
        %cond3A = arith.constant 0 : i32
        %cond3A_94 = arith.cmpi ne, %convert_element_type3A, %cond3A : i32
        scf.if %cond3A_94 {
          %add3A_118 = arith.constant 2 : i32
          %add3A_119 = arith.addi %add3A_77, %add3A_118 : i32
          %dma_start3A_120 = arith.constant 0 : i32
          %dma_start3A_121 = arith.constant 0 : i32
          %dma_start3A_122 = arith.constant 0 : i32
          %dma_start3A_123 = arith.constant 0 : i32
          %dma_start3A_124 = tpu.memref_slice %arg6[%dma_start3A_121, %dma_start3A_122, %dma_start3A_123] : memref<2x128x128xf32, #tpu.memory_space<vmem>> -> memref<1x128x128xf32, #tpu.memory_space<vmem>>
          %dma_start3A_125 = tpu.memref_squeeze %dma_start3A_124 : memref<1x128x128xf32, #tpu.memory_space<vmem>> -> memref<128x128xf32, #tpu.memory_space<vmem>>
          %dma_start3A_126 = arith.constant 0 : i32
          %dma_start3A_127 = tpu.memref_slice %arg5[%add3A_119, %dma_start3A_120, %dma_start3A_126] : memref<20x2x128xi32, #tpu.memory_space<vmem>> -> memref<1x1x128xi32, #tpu.memory_space<vmem>>
          %dma_start3A_128 = tpu.memref_squeeze %dma_start3A_127 : memref<1x1x128xi32, #tpu.memory_space<vmem>> -> memref<128xi32, #tpu.memory_space<vmem>>
          %dma_start3A_129 = arith.constant 0 : i32
          %dma_start3A_130 = arith.constant 0 : i32
          %dma_start3A_131 = tpu.memref_slice %arg2[%dma_start3A_129, %dma_start3A_130] : memref<10240x128xf32, #tpu.memory_space<hbm>> -> memref<10240x128xf32, #tpu.memory_space<hbm>>
          tpu.enqueue_indirect_dma source(%dma_start3A_131 : memref<10240x128xf32, #tpu.memory_space<hbm>>) target(%dma_start3A_125 : memref<128x128xf32, #tpu.memory_space<vmem>>) offsets(%dma_start3A_128 : memref<128xi32, #tpu.memory_space<vmem>>) semaphore(%arg9 : memref<!tpu.dma_semaphore, #tpu.memory_space<semaphore_mem>>)
        } else {
        }
        %add3A_95 = arith.constant 1 : i32
        %add3A_96 = arith.addi %add3A_75, %add3A_95 : i32
        %dma_wait3A_97 = arith.constant 0 : i32
        %dma_wait3A_98 = arith.constant 1 : i32
        %dma_wait3A_99 = arith.constant 0 : i32
        %dma_wait3A_100 = arith.constant 0 : i32
        %dma_wait3A_101 = tpu.memref_slice %arg6[%dma_wait3A_98, %dma_wait3A_99, %dma_wait3A_100] : memref<2x128x128xf32, #tpu.memory_space<vmem>> -> memref<1x128x128xf32, #tpu.memory_space<vmem>>
        %dma_wait3A_102 = tpu.memref_squeeze %dma_wait3A_101 : memref<1x128x128xf32, #tpu.memory_space<vmem>> -> memref<128x128xf32, #tpu.memory_space<vmem>>
        %dma_wait3A_103 = arith.constant 0 : i32
        %dma_wait3A_104 = tpu.memref_slice %arg5[%add3A_96, %dma_wait3A_97, %dma_wait3A_103] : memref<20x2x128xi32, #tpu.memory_space<vmem>> -> memref<1x1x128xi32, #tpu.memory_space<vmem>>
        %dma_wait3A_105 = tpu.memref_squeeze %dma_wait3A_104 : memref<1x1x128xi32, #tpu.memory_space<vmem>> -> memref<128xi32, #tpu.memory_space<vmem>>
        %dma_wait3A_106 = arith.constant 0 : i32
        %dma_wait3A_107 = arith.constant 0 : i32
        %dma_wait3A_108 = tpu.memref_slice %arg2[%dma_wait3A_106, %dma_wait3A_107] : memref<10240x128xf32, #tpu.memory_space<hbm>> -> memref<10240x128xf32, #tpu.memory_space<hbm>>
        tpu.wait_indirect_dma semaphore(%arg10 : memref<!tpu.dma_semaphore, #tpu.memory_space<semaphore_mem>>) src(%dma_wait3A_108 : memref<10240x128xf32, #tpu.memory_space<hbm>>) dst(%dma_wait3A_102 : memref<128x128xf32, #tpu.memory_space<vmem>>)
        %run_scoped3A_109 = arith.constant 1 : i32
        %run_scoped3A_110 = arith.constant 1 : i32
        "tpu.region"() ({
          %run_scoped3A_118 = tpu.sem_alloc : memref<!tpu.dma_semaphore, #tpu.memory_space<semaphore_mem>>
          %dma_start3A_119 = arith.constant 0 : i32
          %dma_start3A_120 = arith.constant 0 : i32
          %dma_start3A_121 = tpu.memref_slice %arg6[%run_scoped3A_109, %dma_start3A_119, %dma_start3A_120] : memref<2x128x128xf32, #tpu.memory_space<vmem>> -> memref<1x128x128xf32, #tpu.memory_space<vmem>>
          %dma_start3A_122 = tpu.memref_squeeze %dma_start3A_121 : memref<1x128x128xf32, #tpu.memory_space<vmem>> -> memref<128x128xf32, #tpu.memory_space<vmem>>
          %dma_start3A_123 = arith.constant 0 : i32
          %dma_start3A_124 = tpu.memref_slice %arg5[%add3A_96, %run_scoped3A_110, %dma_start3A_123] : memref<20x2x128xi32, #tpu.memory_space<vmem>> -> memref<1x1x128xi32, #tpu.memory_space<vmem>>
          %dma_start3A_125 = tpu.memref_squeeze %dma_start3A_124 : memref<1x1x128xi32, #tpu.memory_space<vmem>> -> memref<128xi32, #tpu.memory_space<vmem>>
          %dma_start3A_126 = arith.constant 0 : i32
          %dma_start3A_127 = arith.constant 0 : i32
          %dma_start3A_128 = tpu.memref_slice %arg8[%dma_start3A_126, %dma_start3A_127] : memref<10240x128xf32, #tpu.memory_space<vmem_shared>> -> memref<10240x128xf32, #tpu.memory_space<vmem_shared>>
          tpu.enqueue_indirect_dma source(%dma_start3A_122 : memref<128x128xf32, #tpu.memory_space<vmem>>) target(%dma_start3A_128 : memref<10240x128xf32, #tpu.memory_space<vmem_shared>>) offsets(%dma_start3A_125 : memref<128xi32, #tpu.memory_space<vmem>>) semaphore(%run_scoped3A_118 : memref<!tpu.dma_semaphore, #tpu.memory_space<semaphore_mem>>) {add = true}
          %dma_wait3A_129 = arith.constant 0 : i32
          %dma_wait3A_130 = arith.constant 0 : i32
          %dma_wait3A_131 = tpu.memref_slice %arg6[%run_scoped3A_109, %dma_wait3A_129, %dma_wait3A_130] : memref<2x128x128xf32, #tpu.memory_space<vmem>> -> memref<1x128x128xf32, #tpu.memory_space<vmem>>
          %dma_wait3A_132 = tpu.memref_squeeze %dma_wait3A_131 : memref<1x128x128xf32, #tpu.memory_space<vmem>> -> memref<128x128xf32, #tpu.memory_space<vmem>>
          %dma_wait3A_133 = arith.constant 0 : i32
          %dma_wait3A_134 = tpu.memref_slice %arg5[%add3A_96, %run_scoped3A_110, %dma_wait3A_133] : memref<20x2x128xi32, #tpu.memory_space<vmem>> -> memref<1x1x128xi32, #tpu.memory_space<vmem>>
          %dma_wait3A_135 = tpu.memref_squeeze %dma_wait3A_134 : memref<1x1x128xi32, #tpu.memory_space<vmem>> -> memref<128xi32, #tpu.memory_space<vmem>>
          %dma_wait3A_136 = arith.constant 0 : i32
          %dma_wait3A_137 = arith.constant 0 : i32
          %dma_wait3A_138 = tpu.memref_slice %arg8[%dma_wait3A_136, %dma_wait3A_137] : memref<10240x128xf32, #tpu.memory_space<vmem_shared>> -> memref<10240x128xf32, #tpu.memory_space<vmem_shared>>
          tpu.wait_indirect_dma semaphore(%run_scoped3A_118 : memref<!tpu.dma_semaphore, #tpu.memory_space<semaphore_mem>>) src(%dma_wait3A_132 : memref<128x128xf32, #tpu.memory_space<vmem>>) dst(%dma_wait3A_138 : memref<10240x128xf32, #tpu.memory_space<vmem_shared>>)
          tpu.yield
        }) : () -> ()
        %add3A_111 = arith.constant 2 : i32
        %add3A_112 = arith.addi %add3A_96, %add3A_111 : i32
        %lt3A_113 = arith.constant 20 : i32
        %lt3A_114 = arith.cmpi slt, %add3A_112, %lt3A_113 : i32
        %convert_element_type3A_115 = arith.extui %lt3A_114 : i1 to i32
        %cond3A_116 = arith.constant 0 : i32
        %cond3A_117 = arith.cmpi ne, %convert_element_type3A_115, %cond3A_116 : i32
        scf.if %cond3A_117 {
          %add3A_118 = arith.constant 2 : i32
          %add3A_119 = arith.addi %add3A_96, %add3A_118 : i32
          %dma_start3A_120 = arith.constant 0 : i32
          %dma_start3A_121 = arith.constant 1 : i32
          %dma_start3A_122 = arith.constant 0 : i32
          %dma_start3A_123 = arith.constant 0 : i32
          %dma_start3A_124 = tpu.memref_slice %arg6[%dma_start3A_121, %dma_start3A_122, %dma_start3A_123] : memref<2x128x128xf32, #tpu.memory_space<vmem>> -> memref<1x128x128xf32, #tpu.memory_space<vmem>>
          %dma_start3A_125 = tpu.memref_squeeze %dma_start3A_124 : memref<1x128x128xf32, #tpu.memory_space<vmem>> -> memref<128x128xf32, #tpu.memory_space<vmem>>
          %dma_start3A_126 = arith.constant 0 : i32
          %dma_start3A_127 = tpu.memref_slice %arg5[%add3A_119, %dma_start3A_120, %dma_start3A_126] : memref<20x2x128xi32, #tpu.memory_space<vmem>> -> memref<1x1x128xi32, #tpu.memory_space<vmem>>
          %dma_start3A_128 = tpu.memref_squeeze %dma_start3A_127 : memref<1x1x128xi32, #tpu.memory_space<vmem>> -> memref<128xi32, #tpu.memory_space<vmem>>
          %dma_start3A_129 = arith.constant 0 : i32
          %dma_start3A_130 = arith.constant 0 : i32
          %dma_start3A_131 = tpu.memref_slice %arg2[%dma_start3A_129, %dma_start3A_130] : memref<10240x128xf32, #tpu.memory_space<hbm>> -> memref<10240x128xf32, #tpu.memory_space<hbm>>
          tpu.enqueue_indirect_dma source(%dma_start3A_131 : memref<10240x128xf32, #tpu.memory_space<hbm>>) target(%dma_start3A_125 : memref<128x128xf32, #tpu.memory_space<vmem>>) offsets(%dma_start3A_128 : memref<128xi32, #tpu.memory_space<vmem>>) semaphore(%arg10 : memref<!tpu.dma_semaphore, #tpu.memory_space<semaphore_mem>>)
        } else {
        }
      }
      %scan3A_70 = arith.constant 10 : i32
    }
    %while3A_27 = arith.constant 1 : i32
    scf.for %while3A_33 = %while3A_25 to %while3A_21 step %while3A_27  : i32 {
      %mul3A_34 = arith.muli %while3A_33, %while3A : i32
      %add3A_35 = arith.addi %while3A_18, %mul3A_34 : i32
      %mul3A_36 = arith.constant 80 : i32
      %mul3A_37 = arith.muli %add3A, %mul3A_36 : i32
      %mul3A_38 = arith.constant 20 : i32
      %mul3A_39 = arith.muli %add3A_35, %mul3A_38 : i32
      %add3A_40 = arith.addi %mul3A_37, %mul3A_39 : i32
      "tpu.region"() ({
        %run_scoped3A = tpu.sem_alloc : memref<!tpu.dma_semaphore, #tpu.memory_space<semaphore_mem>>
        %dma_start3A_71 = arith.constant 0 : i32
        %dma_start3A_72 = arith.constant 0 : i32
        %dma_start3A_73 = tpu.memref_slice %arg3[%add3A_40, %dma_start3A_71, %dma_start3A_72] : memref<2500x2x128xi32, #tpu.memory_space<hbm>> -> memref<20x2x128xi32, #tpu.memory_space<hbm>>
        %dma_start3A_74 = arith.constant 0 : i32
        %dma_start3A_75 = arith.constant 0 : i32
        %dma_start3A_76 = tpu.memref_slice %arg3[%add3A_40, %dma_start3A_74, %dma_start3A_75] : memref<2500x2x128xi32, #tpu.memory_space<hbm>> -> memref<20x2x128xi32, #tpu.memory_space<hbm>>
        tpu.enqueue_dma source(%dma_start3A_76 : memref<20x2x128xi32, #tpu.memory_space<hbm>>) target(%arg5 : memref<20x2x128xi32, #tpu.memory_space<vmem>>) target_semaphore(%run_scoped3A : memref<!tpu.dma_semaphore, #tpu.memory_space<semaphore_mem>>)
        %dma_wait3A = arith.constant 0 : i32
        %dma_wait3A_77 = arith.constant 0 : i32
        %dma_wait3A_78 = tpu.memref_slice %arg3[%add3A_40, %dma_wait3A, %dma_wait3A_77] : memref<2500x2x128xi32, #tpu.memory_space<hbm>> -> memref<20x2x128xi32, #tpu.memory_space<hbm>>
        %dma_wait3A_79 = arith.constant 0 : i32
        %dma_wait3A_80 = arith.constant 0 : i32
        %dma_wait3A_81 = tpu.memref_slice %arg3[%add3A_40, %dma_wait3A_79, %dma_wait3A_80] : memref<2500x2x128xi32, #tpu.memory_space<hbm>> -> memref<20x2x128xi32, #tpu.memory_space<hbm>>
        tpu.wait_dma2 semaphore(%run_scoped3A : memref<!tpu.dma_semaphore, #tpu.memory_space<semaphore_mem>>) src(%dma_wait3A_81 : memref<20x2x128xi32, #tpu.memory_space<hbm>>) dst(%arg5 : memref<20x2x128xi32, #tpu.memory_space<vmem>>)
        tpu.yield
      }) : () -> ()
      %dma_start3A = arith.constant 0 : i32
      %dma_start3A_41 = arith.constant 0 : i32
      %dma_start3A_42 = arith.constant 0 : i32
      %dma_start3A_43 = arith.constant 0 : i32
      %dma_start3A_44 = arith.constant 0 : i32
      %dma_start3A_45 = tpu.memref_slice %arg6[%dma_start3A_42, %dma_start3A_43, %dma_start3A_44] : memref<2x128x128xf32, #tpu.memory_space<vmem>> -> memref<1x128x128xf32, #tpu.memory_space<vmem>>
      %dma_start3A_46 = tpu.memref_squeeze %dma_start3A_45 : memref<1x128x128xf32, #tpu.memory_space<vmem>> -> memref<128x128xf32, #tpu.memory_space<vmem>>
      %dma_start3A_47 = arith.constant 0 : i32
      %dma_start3A_48 = tpu.memref_slice %arg5[%dma_start3A, %dma_start3A_41, %dma_start3A_47] : memref<20x2x128xi32, #tpu.memory_space<vmem>> -> memref<1x1x128xi32, #tpu.memory_space<vmem>>
      %dma_start3A_49 = tpu.memref_squeeze %dma_start3A_48 : memref<1x1x128xi32, #tpu.memory_space<vmem>> -> memref<128xi32, #tpu.memory_space<vmem>>
      %dma_start3A_50 = arith.constant 0 : i32
      %dma_start3A_51 = arith.constant 0 : i32
      %dma_start3A_52 = tpu.memref_slice %arg2[%dma_start3A_50, %dma_start3A_51] : memref<10240x128xf32, #tpu.memory_space<hbm>> -> memref<10240x128xf32, #tpu.memory_space<hbm>>
      tpu.enqueue_indirect_dma source(%dma_start3A_52 : memref<10240x128xf32, #tpu.memory_space<hbm>>) target(%dma_start3A_46 : memref<128x128xf32, #tpu.memory_space<vmem>>) offsets(%dma_start3A_49 : memref<128xi32, #tpu.memory_space<vmem>>) semaphore(%arg9 : memref<!tpu.dma_semaphore, #tpu.memory_space<semaphore_mem>>)
      %dma_start3A_53 = arith.constant 1 : i32
      %dma_start3A_54 = arith.constant 0 : i32
      %dma_start3A_55 = arith.constant 1 : i32
      %dma_start3A_56 = arith.constant 0 : i32
      %dma_start3A_57 = arith.constant 0 : i32
      %dma_start3A_58 = tpu.memref_slice %arg6[%dma_start3A_55, %dma_start3A_56, %dma_start3A_57] : memref<2x128x128xf32, #tpu.memory_space<vmem>> -> memref<1x128x128xf32, #tpu.memory_space<vmem>>
      %dma_start3A_59 = tpu.memref_squeeze %dma_start3A_58 : memref<1x128x128xf32, #tpu.memory_space<vmem>> -> memref<128x128xf32, #tpu.memory_space<vmem>>
      %dma_start3A_60 = arith.constant 0 : i32
      %dma_start3A_61 = tpu.memref_slice %arg5[%dma_start3A_53, %dma_start3A_54, %dma_start3A_60] : memref<20x2x128xi32, #tpu.memory_space<vmem>> -> memref<1x1x128xi32, #tpu.memory_space<vmem>>
      %dma_start3A_62 = tpu.memref_squeeze %dma_start3A_61 : memref<1x1x128xi32, #tpu.memory_space<vmem>> -> memref<128xi32, #tpu.memory_space<vmem>>
      %dma_start3A_63 = arith.constant 0 : i32
      %dma_start3A_64 = arith.constant 0 : i32
      %dma_start3A_65 = tpu.memref_slice %arg2[%dma_start3A_63, %dma_start3A_64] : memref<10240x128xf32, #tpu.memory_space<hbm>> -> memref<10240x128xf32, #tpu.memory_space<hbm>>
      tpu.enqueue_indirect_dma source(%dma_start3A_65 : memref<10240x128xf32, #tpu.memory_space<hbm>>) target(%dma_start3A_59 : memref<128x128xf32, #tpu.memory_space<vmem>>) offsets(%dma_start3A_62 : memref<128xi32, #tpu.memory_space<vmem>>) semaphore(%arg10 : memref<!tpu.dma_semaphore, #tpu.memory_space<semaphore_mem>>)
      %scan3A_66 = arith.constant 0 : i32
      %scan3A_67 = arith.constant 10 : i32
      %scan3A_68 = arith.addi %scan3A_66, %scan3A_67 : i32
      %scan3A_69 = arith.constant 1 : i32
      scf.for %scan3A_71 = %scan3A_66 to %scan3A_68 step %scan3A_69  : i32 {
        %mul3A_72 = arith.constant 2 : i32
        %mul3A_73 = arith.muli %scan3A_71, %mul3A_72 : i32
        %add3A_74 = arith.constant 0 : i32
        %add3A_75 = arith.addi %add3A_74, %mul3A_73 : i32
        %add3A_76 = arith.constant 0 : i32
        %add3A_77 = arith.addi %add3A_75, %add3A_76 : i32
        %dma_wait3A = arith.constant 0 : i32
        %dma_wait3A_78 = arith.constant 0 : i32
        %dma_wait3A_79 = arith.constant 0 : i32
        %dma_wait3A_80 = arith.constant 0 : i32
        %dma_wait3A_81 = tpu.memref_slice %arg6[%dma_wait3A_78, %dma_wait3A_79, %dma_wait3A_80] : memref<2x128x128xf32, #tpu.memory_space<vmem>> -> memref<1x128x128xf32, #tpu.memory_space<vmem>>
        %dma_wait3A_82 = tpu.memref_squeeze %dma_wait3A_81 : memref<1x128x128xf32, #tpu.memory_space<vmem>> -> memref<128x128xf32, #tpu.memory_space<vmem>>
        %dma_wait3A_83 = arith.constant 0 : i32
        %dma_wait3A_84 = tpu.memref_slice %arg5[%add3A_77, %dma_wait3A, %dma_wait3A_83] : memref<20x2x128xi32, #tpu.memory_space<vmem>> -> memref<1x1x128xi32, #tpu.memory_space<vmem>>
        %dma_wait3A_85 = tpu.memref_squeeze %dma_wait3A_84 : memref<1x1x128xi32, #tpu.memory_space<vmem>> -> memref<128xi32, #tpu.memory_space<vmem>>
        %dma_wait3A_86 = arith.constant 0 : i32
        %dma_wait3A_87 = arith.constant 0 : i32
        %dma_wait3A_88 = tpu.memref_slice %arg2[%dma_wait3A_86, %dma_wait3A_87] : memref<10240x128xf32, #tpu.memory_space<hbm>> -> memref<10240x128xf32, #tpu.memory_space<hbm>>
        tpu.wait_indirect_dma semaphore(%arg9 : memref<!tpu.dma_semaphore, #tpu.memory_space<semaphore_mem>>) src(%dma_wait3A_88 : memref<10240x128xf32, #tpu.memory_space<hbm>>) dst(%dma_wait3A_82 : memref<128x128xf32, #tpu.memory_space<vmem>>)
        %run_scoped3A = arith.constant 0 : i32
        %run_scoped3A_89 = arith.constant 1 : i32
        "tpu.region"() ({
          %run_scoped3A_118 = tpu.sem_alloc : memref<!tpu.dma_semaphore, #tpu.memory_space<semaphore_mem>>
          %dma_start3A_119 = arith.constant 0 : i32
          %dma_start3A_120 = arith.constant 0 : i32
          %dma_start3A_121 = tpu.memref_slice %arg6[%run_scoped3A, %dma_start3A_119, %dma_start3A_120] : memref<2x128x128xf32, #tpu.memory_space<vmem>> -> memref<1x128x128xf32, #tpu.memory_space<vmem>>
          %dma_start3A_122 = tpu.memref_squeeze %dma_start3A_121 : memref<1x128x128xf32, #tpu.memory_space<vmem>> -> memref<128x128xf32, #tpu.memory_space<vmem>>
          %dma_start3A_123 = arith.constant 0 : i32
          %dma_start3A_124 = tpu.memref_slice %arg5[%add3A_77, %run_scoped3A_89, %dma_start3A_123] : memref<20x2x128xi32, #tpu.memory_space<vmem>> -> memref<1x1x128xi32, #tpu.memory_space<vmem>>
          %dma_start3A_125 = tpu.memref_squeeze %dma_start3A_124 : memref<1x1x128xi32, #tpu.memory_space<vmem>> -> memref<128xi32, #tpu.memory_space<vmem>>
          %dma_start3A_126 = arith.constant 0 : i32
          %dma_start3A_127 = arith.constant 0 : i32
          %dma_start3A_128 = tpu.memref_slice %arg8[%dma_start3A_126, %dma_start3A_127] : memref<10240x128xf32, #tpu.memory_space<vmem_shared>> -> memref<10240x128xf32, #tpu.memory_space<vmem_shared>>
          tpu.enqueue_indirect_dma source(%dma_start3A_122 : memref<128x128xf32, #tpu.memory_space<vmem>>) target(%dma_start3A_128 : memref<10240x128xf32, #tpu.memory_space<vmem_shared>>) offsets(%dma_start3A_125 : memref<128xi32, #tpu.memory_space<vmem>>) semaphore(%run_scoped3A_118 : memref<!tpu.dma_semaphore, #tpu.memory_space<semaphore_mem>>) {add = true}
          %dma_wait3A_129 = arith.constant 0 : i32
          %dma_wait3A_130 = arith.constant 0 : i32
          %dma_wait3A_131 = tpu.memref_slice %arg6[%run_scoped3A, %dma_wait3A_129, %dma_wait3A_130] : memref<2x128x128xf32, #tpu.memory_space<vmem>> -> memref<1x128x128xf32, #tpu.memory_space<vmem>>
          %dma_wait3A_132 = tpu.memref_squeeze %dma_wait3A_131 : memref<1x128x128xf32, #tpu.memory_space<vmem>> -> memref<128x128xf32, #tpu.memory_space<vmem>>
          %dma_wait3A_133 = arith.constant 0 : i32
          %dma_wait3A_134 = tpu.memref_slice %arg5[%add3A_77, %run_scoped3A_89, %dma_wait3A_133] : memref<20x2x128xi32, #tpu.memory_space<vmem>> -> memref<1x1x128xi32, #tpu.memory_space<vmem>>
          %dma_wait3A_135 = tpu.memref_squeeze %dma_wait3A_134 : memref<1x1x128xi32, #tpu.memory_space<vmem>> -> memref<128xi32, #tpu.memory_space<vmem>>
          %dma_wait3A_136 = arith.constant 0 : i32
          %dma_wait3A_137 = arith.constant 0 : i32
          %dma_wait3A_138 = tpu.memref_slice %arg8[%dma_wait3A_136, %dma_wait3A_137] : memref<10240x128xf32, #tpu.memory_space<vmem_shared>> -> memref<10240x128xf32, #tpu.memory_space<vmem_shared>>
          tpu.wait_indirect_dma semaphore(%run_scoped3A_118 : memref<!tpu.dma_semaphore, #tpu.memory_space<semaphore_mem>>) src(%dma_wait3A_132 : memref<128x128xf32, #tpu.memory_space<vmem>>) dst(%dma_wait3A_138 : memref<10240x128xf32, #tpu.memory_space<vmem_shared>>)
          tpu.yield
        }) : () -> ()
        %add3A_90 = arith.constant 2 : i32
        %add3A_91 = arith.addi %add3A_77, %add3A_90 : i32
        %lt3A_92 = arith.constant 20 : i32
        %lt3A_93 = arith.cmpi slt, %add3A_91, %lt3A_92 : i32
        %convert_element_type3A = arith.extui %lt3A_93 : i1 to i32
        %cond3A = arith.constant 0 : i32
        %cond3A_94 = arith.cmpi ne, %convert_element_type3A, %cond3A : i32
        scf.if %cond3A_94 {
          %add3A_118 = arith.constant 2 : i32
          %add3A_119 = arith.addi %add3A_77, %add3A_118 : i32
          %dma_start3A_120 = arith.constant 0 : i32
          %dma_start3A_121 = arith.constant 0 : i32
          %dma_start3A_122 = arith.constant 0 : i32
          %dma_start3A_123 = arith.constant 0 : i32
          %dma_start3A_124 = tpu.memref_slice %arg6[%dma_start3A_121, %dma_start3A_122, %dma_start3A_123] : memref<2x128x128xf32, #tpu.memory_space<vmem>> -> memref<1x128x128xf32, #tpu.memory_space<vmem>>
          %dma_start3A_125 = tpu.memref_squeeze %dma_start3A_124 : memref<1x128x128xf32, #tpu.memory_space<vmem>> -> memref<128x128xf32, #tpu.memory_space<vmem>>
          %dma_start3A_126 = arith.constant 0 : i32
          %dma_start3A_127 = tpu.memref_slice %arg5[%add3A_119, %dma_start3A_120, %dma_start3A_126] : memref<20x2x128xi32, #tpu.memory_space<vmem>> -> memref<1x1x128xi32, #tpu.memory_space<vmem>>
          %dma_start3A_128 = tpu.memref_squeeze %dma_start3A_127 : memref<1x1x128xi32, #tpu.memory_space<vmem>> -> memref<128xi32, #tpu.memory_space<vmem>>
          %dma_start3A_129 = arith.constant 0 : i32
          %dma_start3A_130 = arith.constant 0 : i32
          %dma_start3A_131 = tpu.memref_slice %arg2[%dma_start3A_129, %dma_start3A_130] : memref<10240x128xf32, #tpu.memory_space<hbm>> -> memref<10240x128xf32, #tpu.memory_space<hbm>>
          tpu.enqueue_indirect_dma source(%dma_start3A_131 : memref<10240x128xf32, #tpu.memory_space<hbm>>) target(%dma_start3A_125 : memref<128x128xf32, #tpu.memory_space<vmem>>) offsets(%dma_start3A_128 : memref<128xi32, #tpu.memory_space<vmem>>) semaphore(%arg9 : memref<!tpu.dma_semaphore, #tpu.memory_space<semaphore_mem>>)
        } else {
        }
        %add3A_95 = arith.constant 1 : i32
        %add3A_96 = arith.addi %add3A_75, %add3A_95 : i32
        %dma_wait3A_97 = arith.constant 0 : i32
        %dma_wait3A_98 = arith.constant 1 : i32
        %dma_wait3A_99 = arith.constant 0 : i32
        %dma_wait3A_100 = arith.constant 0 : i32
        %dma_wait3A_101 = tpu.memref_slice %arg6[%dma_wait3A_98, %dma_wait3A_99, %dma_wait3A_100] : memref<2x128x128xf32, #tpu.memory_space<vmem>> -> memref<1x128x128xf32, #tpu.memory_space<vmem>>
        %dma_wait3A_102 = tpu.memref_squeeze %dma_wait3A_101 : memref<1x128x128xf32, #tpu.memory_space<vmem>> -> memref<128x128xf32, #tpu.memory_space<vmem>>
        %dma_wait3A_103 = arith.constant 0 : i32
        %dma_wait3A_104 = tpu.memref_slice %arg5[%add3A_96, %dma_wait3A_97, %dma_wait3A_103] : memref<20x2x128xi32, #tpu.memory_space<vmem>> -> memref<1x1x128xi32, #tpu.memory_space<vmem>>
        %dma_wait3A_105 = tpu.memref_squeeze %dma_wait3A_104 : memref<1x1x128xi32, #tpu.memory_space<vmem>> -> memref<128xi32, #tpu.memory_space<vmem>>
        %dma_wait3A_106 = arith.constant 0 : i32
        %dma_wait3A_107 = arith.constant 0 : i32
        %dma_wait3A_108 = tpu.memref_slice %arg2[%dma_wait3A_106, %dma_wait3A_107] : memref<10240x128xf32, #tpu.memory_space<hbm>> -> memref<10240x128xf32, #tpu.memory_space<hbm>>
        tpu.wait_indirect_dma semaphore(%arg10 : memref<!tpu.dma_semaphore, #tpu.memory_space<semaphore_mem>>) src(%dma_wait3A_108 : memref<10240x128xf32, #tpu.memory_space<hbm>>) dst(%dma_wait3A_102 : memref<128x128xf32, #tpu.memory_space<vmem>>)
        %run_scoped3A_109 = arith.constant 1 : i32
        %run_scoped3A_110 = arith.constant 1 : i32
        "tpu.region"() ({
          %run_scoped3A_118 = tpu.sem_alloc : memref<!tpu.dma_semaphore, #tpu.memory_space<semaphore_mem>>
          %dma_start3A_119 = arith.constant 0 : i32
          %dma_start3A_120 = arith.constant 0 : i32
          %dma_start3A_121 = tpu.memref_slice %arg6[%run_scoped3A_109, %dma_start3A_119, %dma_start3A_120] : memref<2x128x128xf32, #tpu.memory_space<vmem>> -> memref<1x128x128xf32, #tpu.memory_space<vmem>>
          %dma_start3A_122 = tpu.memref_squeeze %dma_start3A_121 : memref<1x128x128xf32, #tpu.memory_space<vmem>> -> memref<128x128xf32, #tpu.memory_space<vmem>>
          %dma_start3A_123 = arith.constant 0 : i32
          %dma_start3A_124 = tpu.memref_slice %arg5[%add3A_96, %run_scoped3A_110, %dma_start3A_123] : memref<20x2x128xi32, #tpu.memory_space<vmem>> -> memref<1x1x128xi32, #tpu.memory_space<vmem>>
          %dma_start3A_125 = tpu.memref_squeeze %dma_start3A_124 : memref<1x1x128xi32, #tpu.memory_space<vmem>> -> memref<128xi32, #tpu.memory_space<vmem>>
          %dma_start3A_126 = arith.constant 0 : i32
          %dma_start3A_127 = arith.constant 0 : i32
          %dma_start3A_128 = tpu.memref_slice %arg8[%dma_start3A_126, %dma_start3A_127] : memref<10240x128xf32, #tpu.memory_space<vmem_shared>> -> memref<10240x128xf32, #tpu.memory_space<vmem_shared>>
          tpu.enqueue_indirect_dma source(%dma_start3A_122 : memref<128x128xf32, #tpu.memory_space<vmem>>) target(%dma_start3A_128 : memref<10240x128xf32, #tpu.memory_space<vmem_shared>>) offsets(%dma_start3A_125 : memref<128xi32, #tpu.memory_space<vmem>>) semaphore(%run_scoped3A_118 : memref<!tpu.dma_semaphore, #tpu.memory_space<semaphore_mem>>) {add = true}
          %dma_wait3A_129 = arith.constant 0 : i32
          %dma_wait3A_130 = arith.constant 0 : i32
          %dma_wait3A_131 = tpu.memref_slice %arg6[%run_scoped3A_109, %dma_wait3A_129, %dma_wait3A_130] : memref<2x128x128xf32, #tpu.memory_space<vmem>> -> memref<1x128x128xf32, #tpu.memory_space<vmem>>
          %dma_wait3A_132 = tpu.memref_squeeze %dma_wait3A_131 : memref<1x128x128xf32, #tpu.memory_space<vmem>> -> memref<128x128xf32, #tpu.memory_space<vmem>>
          %dma_wait3A_133 = arith.constant 0 : i32
          %dma_wait3A_134 = tpu.memref_slice %arg5[%add3A_96, %run_scoped3A_110, %dma_wait3A_133] : memref<20x2x128xi32, #tpu.memory_space<vmem>> -> memref<1x1x128xi32, #tpu.memory_space<vmem>>
          %dma_wait3A_135 = tpu.memref_squeeze %dma_wait3A_134 : memref<1x1x128xi32, #tpu.memory_space<vmem>> -> memref<128xi32, #tpu.memory_space<vmem>>
          %dma_wait3A_136 = arith.constant 0 : i32
          %dma_wait3A_137 = arith.constant 0 : i32
          %dma_wait3A_138 = tpu.memref_slice %arg8[%dma_wait3A_136, %dma_wait3A_137] : memref<10240x128xf32, #tpu.memory_space<vmem_shared>> -> memref<10240x128xf32, #tpu.memory_space<vmem_shared>>
          tpu.wait_indirect_dma semaphore(%run_scoped3A_118 : memref<!tpu.dma_semaphore, #tpu.memory_space<semaphore_mem>>) src(%dma_wait3A_132 : memref<128x128xf32, #tpu.memory_space<vmem>>) dst(%dma_wait3A_138 : memref<10240x128xf32, #tpu.memory_space<vmem_shared>>)
          tpu.yield
        }) : () -> ()
        %add3A_111 = arith.constant 2 : i32
        %add3A_112 = arith.addi %add3A_96, %add3A_111 : i32
        %lt3A_113 = arith.constant 20 : i32
        %lt3A_114 = arith.cmpi slt, %add3A_112, %lt3A_113 : i32
        %convert_element_type3A_115 = arith.extui %lt3A_114 : i1 to i32
        %cond3A_116 = arith.constant 0 : i32
        %cond3A_117 = arith.cmpi ne, %convert_element_type3A_115, %cond3A_116 : i32
        scf.if %cond3A_117 {
          %add3A_118 = arith.constant 2 : i32
          %add3A_119 = arith.addi %add3A_96, %add3A_118 : i32
          %dma_start3A_120 = arith.constant 0 : i32
          %dma_start3A_121 = arith.constant 1 : i32
          %dma_start3A_122 = arith.constant 0 : i32
          %dma_start3A_123 = arith.constant 0 : i32
          %dma_start3A_124 = tpu.memref_slice %arg6[%dma_start3A_121, %dma_start3A_122, %dma_start3A_123] : memref<2x128x128xf32, #tpu.memory_space<vmem>> -> memref<1x128x128xf32, #tpu.memory_space<vmem>>
          %dma_start3A_125 = tpu.memref_squeeze %dma_start3A_124 : memref<1x128x128xf32, #tpu.memory_space<vmem>> -> memref<128x128xf32, #tpu.memory_space<vmem>>
          %dma_start3A_126 = arith.constant 0 : i32
          %dma_start3A_127 = tpu.memref_slice %arg5[%add3A_119, %dma_start3A_120, %dma_start3A_126] : memref<20x2x128xi32, #tpu.memory_space<vmem>> -> memref<1x1x128xi32, #tpu.memory_space<vmem>>
          %dma_start3A_128 = tpu.memref_squeeze %dma_start3A_127 : memref<1x1x128xi32, #tpu.memory_space<vmem>> -> memref<128xi32, #tpu.memory_space<vmem>>
          %dma_start3A_129 = arith.constant 0 : i32
          %dma_start3A_130 = arith.constant 0 : i32
          %dma_start3A_131 = tpu.memref_slice %arg2[%dma_start3A_129, %dma_start3A_130] : memref<10240x128xf32, #tpu.memory_space<hbm>> -> memref<10240x128xf32, #tpu.memory_space<hbm>>
          tpu.enqueue_indirect_dma source(%dma_start3A_131 : memref<10240x128xf32, #tpu.memory_space<hbm>>) target(%dma_start3A_125 : memref<128x128xf32, #tpu.memory_space<vmem>>) offsets(%dma_start3A_128 : memref<128xi32, #tpu.memory_space<vmem>>) semaphore(%arg10 : memref<!tpu.dma_semaphore, #tpu.memory_space<semaphore_mem>>)
        } else {
        }
      }
      %scan3A_70 = arith.constant 10 : i32
    }
    %barrier3A_28 = arith.constant 0 : index
    tpu.barrier barrier_id(%barrier3A_28)
    %mul3A_29 = arith.constant 640 : i32
    %mul3A_30 = arith.muli %arg1, %mul3A_29 : i32
    %mul3A_31 = arith.constant 640 : i32
    %mul3A_32 = arith.muli %arg1, %mul3A_31 : i32
    "tpu.region"() ({
      %run_scoped3A = tpu.sem_alloc : memref<!tpu.dma_semaphore, #tpu.memory_space<semaphore_mem>>
      %dma_start3A = arith.constant 0 : i32
      %dma_start3A_33 = arith.constant 0 : i32
      %dma_start3A_34 = tpu.memref_slice %arg4[%arg0, %dma_start3A, %dma_start3A_33] : memref<2x10240x128xf32, #tpu.memory_space<hbm>> -> memref<1x10240x128xf32, #tpu.memory_space<hbm>>
      %dma_start3A_35 = tpu.memref_squeeze %dma_start3A_34 : memref<1x10240x128xf32, #tpu.memory_space<hbm>> -> memref<10240x128xf32, #tpu.memory_space<hbm>>
      %dma_start3A_36 = arith.constant 0 : i32
      %dma_start3A_37 = tpu.memref_slice %dma_start3A_35[%mul3A_32, %dma_start3A_36] : memref<10240x128xf32, #tpu.memory_space<hbm>> -> memref<640x128xf32, #tpu.memory_space<hbm>>
      %dma_start3A_38 = arith.constant 0 : i32
      %dma_start3A_39 = tpu.memref_slice %arg8[%mul3A_30, %dma_start3A_38] : memref<10240x128xf32, #tpu.memory_space<vmem_shared>> -> memref<640x128xf32, #tpu.memory_space<vmem_shared>>
      tpu.enqueue_dma source(%dma_start3A_39 : memref<640x128xf32, #tpu.memory_space<vmem_shared>>) target(%dma_start3A_37 : memref<640x128xf32, #tpu.memory_space<hbm>>) target_semaphore(%run_scoped3A : memref<!tpu.dma_semaphore, #tpu.memory_space<semaphore_mem>>)
      %dma_wait3A = arith.constant 0 : i32
      %dma_wait3A_40 = arith.constant 0 : i32
      %dma_wait3A_41 = tpu.memref_slice %arg4[%arg0, %dma_wait3A, %dma_wait3A_40] : memref<2x10240x128xf32, #tpu.memory_space<hbm>> -> memref<1x10240x128xf32, #tpu.memory_space<hbm>>
      %dma_wait3A_42 = tpu.memref_squeeze %dma_wait3A_41 : memref<1x10240x128xf32, #tpu.memory_space<hbm>> -> memref<10240x128xf32, #tpu.memory_space<hbm>>
      %dma_wait3A_43 = arith.constant 0 : i32
      %dma_wait3A_44 = tpu.memref_slice %dma_wait3A_42[%mul3A_32, %dma_wait3A_43] : memref<10240x128xf32, #tpu.memory_space<hbm>> -> memref<640x128xf32, #tpu.memory_space<hbm>>
      %dma_wait3A_45 = arith.constant 0 : i32
      %dma_wait3A_46 = tpu.memref_slice %arg8[%mul3A_30, %dma_wait3A_45] : memref<10240x128xf32, #tpu.memory_space<vmem_shared>> -> memref<640x128xf32, #tpu.memory_space<vmem_shared>>
      tpu.wait_dma2 semaphore(%run_scoped3A : memref<!tpu.dma_semaphore, #tpu.memory_space<semaphore_mem>>) src(%dma_wait3A_46 : memref<640x128xf32, #tpu.memory_space<vmem_shared>>) dst(%dma_wait3A_44 : memref<640x128xf32, #tpu.memory_space<hbm>>)
      tpu.yield
    }) : () -> ()
    return
  }
}

#map = affine_map<(d0, d1) -> (0, 0)>
#map1 = affine_map<(d0, d1) -> (0, 0, 0)>
module attributes {stable_mosaic.version = 14 : i64} {
  func.func @_sc_agg_body(%arg0: i32, %arg1: i32, %arg2: memref<10240x128xf32, #tpu.memory_space<hbm>>, %arg3: memref<2500x2x128xi32, #tpu.memory_space<hbm>>, %arg4: memref<2x10240x128xf32, #tpu.memory_space<hbm>>, %arg5: memref<20x2x128xi32, #tpu.memory_space<vmem>>, %arg6: memref<2x128x128xf32, #tpu.memory_space<vmem>>, %arg7: memref<40x128xf32, #tpu.memory_space<vmem>>, %arg8: memref<10240x128xf32, #tpu.memory_space<vmem_shared>>, %arg9: memref<!tpu.dma_semaphore, #tpu.memory_space<semaphore_mem>>, %arg10: memref<!tpu.dma_semaphore, #tpu.memory_space<semaphore_mem>>) attributes {dimension_semantics = [#tpu.dimension_semantics<core_parallel>, #tpu.dimension_semantics<subcore_parallel>], iteration_bounds = array<i64: 2, 16>, scalar_prefetch = 0 : i64, scratch_operands = 6 : i64, tpu.core_type = #tpu.core_type<sc_vector_subcore>, window_params = [{transform_indices = #map}, {transform_indices = #map1}, {transform_indices = #map1}]} {
    %mul3A = arith.constant 16 : i32
    %mul3A_0 = arith.muli %arg0, %mul3A : i32
    %add3A = arith.addi %mul3A_0, %arg1 : i32
    %scan3A = arith.constant 0 : i32
    %scan3A_1 = arith.constant 40 : i32
    %scan3A_2 = arith.addi %scan3A, %scan3A_1 : i32
    %scan3A_3 = arith.constant 1 : i32
    scf.for %scan3A_33 = %scan3A to %scan3A_2 step %scan3A_3  : i32 {
      %mul3A_34 = arith.constant 1 : i32
      %mul3A_35 = arith.muli %scan3A_33, %mul3A_34 : i32
      %add3A_36 = arith.constant 0 : i32
      %add3A_37 = arith.addi %add3A_36, %mul3A_35 : i32
      %broadcast_in_dim3A = arith.constant 0.000000e+00 : f32
      %broadcast_in_dim3A_38 = vector.broadcast %broadcast_in_dim3A : f32 to vector<16xf32>
      %swap3A = arith.index_cast %add3A_37 : i32 to index
      %swap3A_39 = arith.constant 0 : index
      %swap3A_40 = tpu.vector_load %arg7[%swap3A, %swap3A_39] {strides = array<i32>} : memref<40x128xf32, #tpu.memory_space<vmem>>, vector<1x16xf32>,
      %swap3A_41 = vector.shape_cast %swap3A_40 : vector<1x16xf32> to vector<16xf32>
      %swap3A_42 = vector.shape_cast %broadcast_in_dim3A_38 : vector<16xf32> to vector<1x16xf32>
      tpu.vector_store %arg7[%swap3A, %swap3A_39], %swap3A_42 {strides = array<i32>} : memref<40x128xf32, #tpu.memory_space<vmem>>, vector<1x16xf32>,
      %broadcast_in_dim3A_43 = arith.constant 0.000000e+00 : f32
      %broadcast_in_dim3A_44 = vector.broadcast %broadcast_in_dim3A_43 : f32 to vector<16xf32>
      %swap3A_45 = arith.index_cast %add3A_37 : i32 to index
      %swap3A_46 = arith.constant 16 : index
      %swap3A_47 = tpu.vector_load %arg7[%swap3A_45, %swap3A_46] {strides = array<i32>} : memref<40x128xf32, #tpu.memory_space<vmem>>, vector<1x16xf32>,
      %swap3A_48 = vector.shape_cast %swap3A_47 : vector<1x16xf32> to vector<16xf32>
      %swap3A_49 = vector.shape_cast %broadcast_in_dim3A_44 : vector<16xf32> to vector<1x16xf32>
      tpu.vector_store %arg7[%swap3A_45, %swap3A_46], %swap3A_49 {strides = array<i32>} : memref<40x128xf32, #tpu.memory_space<vmem>>, vector<1x16xf32>,
      %broadcast_in_dim3A_50 = arith.constant 0.000000e+00 : f32
      %broadcast_in_dim3A_51 = vector.broadcast %broadcast_in_dim3A_50 : f32 to vector<16xf32>
      %swap3A_52 = arith.index_cast %add3A_37 : i32 to index
      %swap3A_53 = arith.constant 32 : index
      %swap3A_54 = tpu.vector_load %arg7[%swap3A_52, %swap3A_53] {strides = array<i32>} : memref<40x128xf32, #tpu.memory_space<vmem>>, vector<1x16xf32>,
      %swap3A_55 = vector.shape_cast %swap3A_54 : vector<1x16xf32> to vector<16xf32>
      %swap3A_56 = vector.shape_cast %broadcast_in_dim3A_51 : vector<16xf32> to vector<1x16xf32>
      tpu.vector_store %arg7[%swap3A_52, %swap3A_53], %swap3A_56 {strides = array<i32>} : memref<40x128xf32, #tpu.memory_space<vmem>>, vector<1x16xf32>,
      %broadcast_in_dim3A_57 = arith.constant 0.000000e+00 : f32
      %broadcast_in_dim3A_58 = vector.broadcast %broadcast_in_dim3A_57 : f32 to vector<16xf32>
      %swap3A_59 = arith.index_cast %add3A_37 : i32 to index
      %swap3A_60 = arith.constant 48 : index
      %swap3A_61 = tpu.vector_load %arg7[%swap3A_59, %swap3A_60] {strides = array<i32>} : memref<40x128xf32, #tpu.memory_space<vmem>>, vector<1x16xf32>,
      %swap3A_62 = vector.shape_cast %swap3A_61 : vector<1x16xf32> to vector<16xf32>
      %swap3A_63 = vector.shape_cast %broadcast_in_dim3A_58 : vector<16xf32> to vector<1x16xf32>
      tpu.vector_store %arg7[%swap3A_59, %swap3A_60], %swap3A_63 {strides = array<i32>} : memref<40x128xf32, #tpu.memory_space<vmem>>, vector<1x16xf32>,
      %broadcast_in_dim3A_64 = arith.constant 0.000000e+00 : f32
      %broadcast_in_dim3A_65 = vector.broadcast %broadcast_in_dim3A_64 : f32 to vector<16xf32>
      %swap3A_66 = arith.index_cast %add3A_37 : i32 to index
      %swap3A_67 = arith.constant 64 : index
      %swap3A_68 = tpu.vector_load %arg7[%swap3A_66, %swap3A_67] {strides = array<i32>} : memref<40x128xf32, #tpu.memory_space<vmem>>, vector<1x16xf32>,
      %swap3A_69 = vector.shape_cast %swap3A_68 : vector<1x16xf32> to vector<16xf32>
      %swap3A_70 = vector.shape_cast %broadcast_in_dim3A_65 : vector<16xf32> to vector<1x16xf32>
      tpu.vector_store %arg7[%swap3A_66, %swap3A_67], %swap3A_70 {strides = array<i32>} : memref<40x128xf32, #tpu.memory_space<vmem>>, vector<1x16xf32>,
      %broadcast_in_dim3A_71 = arith.constant 0.000000e+00 : f32
      %broadcast_in_dim3A_72 = vector.broadcast %broadcast_in_dim3A_71 : f32 to vector<16xf32>
      %swap3A_73 = arith.index_cast %add3A_37 : i32 to index
      %swap3A_74 = arith.constant 80 : index
      %swap3A_75 = tpu.vector_load %arg7[%swap3A_73, %swap3A_74] {strides = array<i32>} : memref<40x128xf32, #tpu.memory_space<vmem>>, vector<1x16xf32>,
      %swap3A_76 = vector.shape_cast %swap3A_75 : vector<1x16xf32> to vector<16xf32>
      %swap3A_77 = vector.shape_cast %broadcast_in_dim3A_72 : vector<16xf32> to vector<1x16xf32>
      tpu.vector_store %arg7[%swap3A_73, %swap3A_74], %swap3A_77 {strides = array<i32>} : memref<40x128xf32, #tpu.memory_space<vmem>>, vector<1x16xf32>,
      %broadcast_in_dim3A_78 = arith.constant 0.000000e+00 : f32
      %broadcast_in_dim3A_79 = vector.broadcast %broadcast_in_dim3A_78 : f32 to vector<16xf32>
      %swap3A_80 = arith.index_cast %add3A_37 : i32 to index
      %swap3A_81 = arith.constant 96 : index
      %swap3A_82 = tpu.vector_load %arg7[%swap3A_80, %swap3A_81] {strides = array<i32>} : memref<40x128xf32, #tpu.memory_space<vmem>>, vector<1x16xf32>,
      %swap3A_83 = vector.shape_cast %swap3A_82 : vector<1x16xf32> to vector<16xf32>
      %swap3A_84 = vector.shape_cast %broadcast_in_dim3A_79 : vector<16xf32> to vector<1x16xf32>
      tpu.vector_store %arg7[%swap3A_80, %swap3A_81], %swap3A_84 {strides = array<i32>} : memref<40x128xf32, #tpu.memory_space<vmem>>, vector<1x16xf32>,
      %broadcast_in_dim3A_85 = arith.constant 0.000000e+00 : f32
      %broadcast_in_dim3A_86 = vector.broadcast %broadcast_in_dim3A_85 : f32 to vector<16xf32>
      %swap3A_87 = arith.index_cast %add3A_37 : i32 to index
      %swap3A_88 = arith.constant 112 : index
      %swap3A_89 = tpu.vector_load %arg7[%swap3A_87, %swap3A_88] {strides = array<i32>} : memref<40x128xf32, #tpu.memory_space<vmem>>, vector<1x16xf32>,
      %swap3A_90 = vector.shape_cast %swap3A_89 : vector<1x16xf32> to vector<16xf32>
      %swap3A_91 = vector.shape_cast %broadcast_in_dim3A_86 : vector<16xf32> to vector<1x16xf32>
      tpu.vector_store %arg7[%swap3A_87, %swap3A_88], %swap3A_91 {strides = array<i32>} : memref<40x128xf32, #tpu.memory_space<vmem>>, vector<1x16xf32>,
    }
    %scan3A_4 = arith.constant 40 : i32
    %scan3A_5 = arith.constant 0 : i32
    %scan3A_6 = arith.constant 16 : i32
    %scan3A_7 = arith.addi %scan3A_5, %scan3A_6 : i32
    %scan3A_8 = arith.constant 1 : i32
    scf.for %scan3A_33 = %scan3A_5 to %scan3A_7 step %scan3A_8  : i32 {
      %mul3A_34 = arith.constant 1 : i32
      %mul3A_35 = arith.muli %scan3A_33, %mul3A_34 : i32
      %add3A_36 = arith.constant 0 : i32
      %add3A_37 = arith.addi %add3A_36, %mul3A_35 : i32
      %mul3A_38 = arith.constant 640 : i32
      %mul3A_39 = arith.muli %arg1, %mul3A_38 : i32
      %mul3A_40 = arith.constant 40 : i32
      %mul3A_41 = arith.muli %add3A_37, %mul3A_40 : i32
      %add3A_42 = arith.addi %mul3A_39, %mul3A_41 : i32
      "tpu.region"() ({
        %run_scoped3A = tpu.sem_alloc : memref<!tpu.dma_semaphore, #tpu.memory_space<semaphore_mem>>
        %dma_start3A = arith.constant 0 : i32
        %dma_start3A_43 = tpu.memref_slice %arg8[%add3A_42, %dma_start3A] : memref<10240x128xf32, #tpu.memory_space<vmem_shared>> -> memref<40x128xf32, #tpu.memory_space<vmem_shared>>
        %dma_start3A_44 = arith.constant 0 : i32
        %dma_start3A_45 = tpu.memref_slice %arg8[%add3A_42, %dma_start3A_44] : memref<10240x128xf32, #tpu.memory_space<vmem_shared>> -> memref<40x128xf32, #tpu.memory_space<vmem_shared>>
        tpu.enqueue_dma source(%arg7 : memref<40x128xf32, #tpu.memory_space<vmem>>) target(%dma_start3A_45 : memref<40x128xf32, #tpu.memory_space<vmem_shared>>) target_semaphore(%run_scoped3A : memref<!tpu.dma_semaphore, #tpu.memory_space<semaphore_mem>>)
        %dma_wait3A = arith.constant 0 : i32
        %dma_wait3A_46 = tpu.memref_slice %arg8[%add3A_42, %dma_wait3A] : memref<10240x128xf32, #tpu.memory_space<vmem_shared>> -> memref<40x128xf32, #tpu.memory_space<vmem_shared>>
        %dma_wait3A_47 = arith.constant 0 : i32
        %dma_wait3A_48 = tpu.memref_slice %arg8[%add3A_42, %dma_wait3A_47] : memref<10240x128xf32, #tpu.memory_space<vmem_shared>> -> memref<40x128xf32, #tpu.memory_space<vmem_shared>>
        tpu.wait_dma2 semaphore(%run_scoped3A : memref<!tpu.dma_semaphore, #tpu.memory_space<semaphore_mem>>) src(%arg7 : memref<40x128xf32, #tpu.memory_space<vmem>>) dst(%dma_wait3A_48 : memref<40x128xf32, #tpu.memory_space<vmem_shared>>)
        tpu.yield
      }) : () -> ()
    }
    %scan3A_9 = arith.constant 16 : i32
    %barrier3A = arith.constant 0 : index
    tpu.barrier barrier_id(%barrier3A)
    %lt3A = arith.constant 31 : i32
    %lt3A_10 = arith.cmpi slt, %add3A, %lt3A : i32
    %jit3A = arith.constant 4 : i32
    %jit3A_11 = arith.constant 1 : i32
    %select_n3A = arith.select %lt3A_10, %jit3A, %jit3A_11 : i32
    %sub3A = arith.constant 0 : i32
    %sub3A_12 = arith.subi %select_n3A, %sub3A : i32
    %sub3A_13 = arith.constant 1 : i32
    %sub3A_14 = arith.constant 1 : i32
    %sub3A_15 = arith.subi %sub3A_13, %sub3A_14 : i32
    %add3A_16 = arith.addi %sub3A_12, %sub3A_15 : i32
    %div3A = arith.constant 1 : i32
    %div3A_17 = arith.divsi %add3A_16, %div3A : i32
    %while3A = arith.constant 1 : i32
    %while3A_18 = arith.constant 0 : i32
    %while3A_19 = arith.constant 0 : i32
    %while3A_20 = arith.subi %div3A_17, %while3A_19 : i32
    %while3A_21 = arith.addi %while3A_19, %while3A_20 : i32
    %while3A_22 = arith.constant 1 : i32
    %while3A_23 = arith.divsi %while3A_20, %while3A_22 : i32
    %while3A_24 = arith.muli %while3A_23, %while3A_22 : i32
    %while3A_25 = arith.addi %while3A_19, %while3A_24 : i32
    %while3A_26 = arith.constant 1 : i32
    scf.for %while3A_33 = %while3A_19 to %while3A_25 step %while3A_26  : i32 {
      %mul3A_34 = arith.muli %while3A_33, %while3A : i32
      %add3A_35 = arith.addi %while3A_18, %mul3A_34 : i32
      %mul3A_36 = arith.constant 80 : i32
      %mul3A_37 = arith.muli %add3A, %mul3A_36 : i32
      %mul3A_38 = arith.constant 20 : i32
      %mul3A_39 = arith.muli %add3A_35, %mul3A_38 : i32
      %add3A_40 = arith.addi %mul3A_37, %mul3A_39 : i32
      "tpu.region"() ({
        %run_scoped3A = tpu.sem_alloc : memref<!tpu.dma_semaphore, #tpu.memory_space<semaphore_mem>>
        %dma_start3A_71 = arith.constant 0 : i32
        %dma_start3A_72 = arith.constant 0 : i32
        %dma_start3A_73 = tpu.memref_slice %arg3[%add3A_40, %dma_start3A_71, %dma_start3A_72] : memref<2500x2x128xi32, #tpu.memory_space<hbm>> -> memref<20x2x128xi32, #tpu.memory_space<hbm>>
        %dma_start3A_74 = arith.constant 0 : i32
        %dma_start3A_75 = arith.constant 0 : i32
        %dma_start3A_76 = tpu.memref_slice %arg3[%add3A_40, %dma_start3A_74, %dma_start3A_75] : memref<2500x2x128xi32, #tpu.memory_space<hbm>> -> memref<20x2x128xi32, #tpu.memory_space<hbm>>
        tpu.enqueue_dma source(%dma_start3A_76 : memref<20x2x128xi32, #tpu.memory_space<hbm>>) target(%arg5 : memref<20x2x128xi32, #tpu.memory_space<vmem>>) target_semaphore(%run_scoped3A : memref<!tpu.dma_semaphore, #tpu.memory_space<semaphore_mem>>)
        %dma_wait3A = arith.constant 0 : i32
        %dma_wait3A_77 = arith.constant 0 : i32
        %dma_wait3A_78 = tpu.memref_slice %arg3[%add3A_40, %dma_wait3A, %dma_wait3A_77] : memref<2500x2x128xi32, #tpu.memory_space<hbm>> -> memref<20x2x128xi32, #tpu.memory_space<hbm>>
        %dma_wait3A_79 = arith.constant 0 : i32
        %dma_wait3A_80 = arith.constant 0 : i32
        %dma_wait3A_81 = tpu.memref_slice %arg3[%add3A_40, %dma_wait3A_79, %dma_wait3A_80] : memref<2500x2x128xi32, #tpu.memory_space<hbm>> -> memref<20x2x128xi32, #tpu.memory_space<hbm>>
        tpu.wait_dma2 semaphore(%run_scoped3A : memref<!tpu.dma_semaphore, #tpu.memory_space<semaphore_mem>>) src(%dma_wait3A_81 : memref<20x2x128xi32, #tpu.memory_space<hbm>>) dst(%arg5 : memref<20x2x128xi32, #tpu.memory_space<vmem>>)
        tpu.yield
      }) : () -> ()
      %dma_start3A = arith.constant 0 : i32
      %dma_start3A_41 = arith.constant 0 : i32
      %dma_start3A_42 = arith.constant 0 : i32
      %dma_start3A_43 = arith.constant 0 : i32
      %dma_start3A_44 = arith.constant 0 : i32
      %dma_start3A_45 = tpu.memref_slice %arg6[%dma_start3A_42, %dma_start3A_43, %dma_start3A_44] : memref<2x128x128xf32, #tpu.memory_space<vmem>> -> memref<1x128x128xf32, #tpu.memory_space<vmem>>
      %dma_start3A_46 = tpu.memref_squeeze %dma_start3A_45 : memref<1x128x128xf32, #tpu.memory_space<vmem>> -> memref<128x128xf32, #tpu.memory_space<vmem>>
      %dma_start3A_47 = arith.constant 0 : i32
      %dma_start3A_48 = tpu.memref_slice %arg5[%dma_start3A, %dma_start3A_41, %dma_start3A_47] : memref<20x2x128xi32, #tpu.memory_space<vmem>> -> memref<1x1x128xi32, #tpu.memory_space<vmem>>
      %dma_start3A_49 = tpu.memref_squeeze %dma_start3A_48 : memref<1x1x128xi32, #tpu.memory_space<vmem>> -> memref<128xi32, #tpu.memory_space<vmem>>
      %dma_start3A_50 = arith.constant 0 : i32
      %dma_start3A_51 = arith.constant 0 : i32
      %dma_start3A_52 = tpu.memref_slice %arg2[%dma_start3A_50, %dma_start3A_51] : memref<10240x128xf32, #tpu.memory_space<hbm>> -> memref<10240x128xf32, #tpu.memory_space<hbm>>
      tpu.enqueue_indirect_dma source(%dma_start3A_52 : memref<10240x128xf32, #tpu.memory_space<hbm>>) target(%dma_start3A_46 : memref<128x128xf32, #tpu.memory_space<vmem>>) offsets(%dma_start3A_49 : memref<128xi32, #tpu.memory_space<vmem>>) semaphore(%arg9 : memref<!tpu.dma_semaphore, #tpu.memory_space<semaphore_mem>>)
      %dma_start3A_53 = arith.constant 1 : i32
      %dma_start3A_54 = arith.constant 0 : i32
      %dma_start3A_55 = arith.constant 1 : i32
      %dma_start3A_56 = arith.constant 0 : i32
      %dma_start3A_57 = arith.constant 0 : i32
      %dma_start3A_58 = tpu.memref_slice %arg6[%dma_start3A_55, %dma_start3A_56, %dma_start3A_57] : memref<2x128x128xf32, #tpu.memory_space<vmem>> -> memref<1x128x128xf32, #tpu.memory_space<vmem>>
      %dma_start3A_59 = tpu.memref_squeeze %dma_start3A_58 : memref<1x128x128xf32, #tpu.memory_space<vmem>> -> memref<128x128xf32, #tpu.memory_space<vmem>>
      %dma_start3A_60 = arith.constant 0 : i32
      %dma_start3A_61 = tpu.memref_slice %arg5[%dma_start3A_53, %dma_start3A_54, %dma_start3A_60] : memref<20x2x128xi32, #tpu.memory_space<vmem>> -> memref<1x1x128xi32, #tpu.memory_space<vmem>>
      %dma_start3A_62 = tpu.memref_squeeze %dma_start3A_61 : memref<1x1x128xi32, #tpu.memory_space<vmem>> -> memref<128xi32, #tpu.memory_space<vmem>>
      %dma_start3A_63 = arith.constant 0 : i32
      %dma_start3A_64 = arith.constant 0 : i32
      %dma_start3A_65 = tpu.memref_slice %arg2[%dma_start3A_63, %dma_start3A_64] : memref<10240x128xf32, #tpu.memory_space<hbm>> -> memref<10240x128xf32, #tpu.memory_space<hbm>>
      tpu.enqueue_indirect_dma source(%dma_start3A_65 : memref<10240x128xf32, #tpu.memory_space<hbm>>) target(%dma_start3A_59 : memref<128x128xf32, #tpu.memory_space<vmem>>) offsets(%dma_start3A_62 : memref<128xi32, #tpu.memory_space<vmem>>) semaphore(%arg10 : memref<!tpu.dma_semaphore, #tpu.memory_space<semaphore_mem>>)
      %scan3A_66 = arith.constant 0 : i32
      %scan3A_67 = arith.constant 10 : i32
      %scan3A_68 = arith.addi %scan3A_66, %scan3A_67 : i32
      %scan3A_69 = arith.constant 1 : i32
      scf.for %scan3A_71 = %scan3A_66 to %scan3A_68 step %scan3A_69  : i32 {
        %mul3A_72 = arith.constant 2 : i32
        %mul3A_73 = arith.muli %scan3A_71, %mul3A_72 : i32
        %add3A_74 = arith.constant 0 : i32
        %add3A_75 = arith.addi %add3A_74, %mul3A_73 : i32
        %add3A_76 = arith.constant 0 : i32
        %add3A_77 = arith.addi %add3A_75, %add3A_76 : i32
        %dma_wait3A = arith.constant 0 : i32
        %dma_wait3A_78 = arith.constant 0 : i32
        %dma_wait3A_79 = arith.constant 0 : i32
        %dma_wait3A_80 = arith.constant 0 : i32
        %dma_wait3A_81 = tpu.memref_slice %arg6[%dma_wait3A_78, %dma_wait3A_79, %dma_wait3A_80] : memref<2x128x128xf32, #tpu.memory_space<vmem>> -> memref<1x128x128xf32, #tpu.memory_space<vmem>>
        %dma_wait3A_82 = tpu.memref_squeeze %dma_wait3A_81 : memref<1x128x128xf32, #tpu.memory_space<vmem>> -> memref<128x128xf32, #tpu.memory_space<vmem>>
        %dma_wait3A_83 = arith.constant 0 : i32
        %dma_wait3A_84 = tpu.memref_slice %arg5[%add3A_77, %dma_wait3A, %dma_wait3A_83] : memref<20x2x128xi32, #tpu.memory_space<vmem>> -> memref<1x1x128xi32, #tpu.memory_space<vmem>>
        %dma_wait3A_85 = tpu.memref_squeeze %dma_wait3A_84 : memref<1x1x128xi32, #tpu.memory_space<vmem>> -> memref<128xi32, #tpu.memory_space<vmem>>
        %dma_wait3A_86 = arith.constant 0 : i32
        %dma_wait3A_87 = arith.constant 0 : i32
        %dma_wait3A_88 = tpu.memref_slice %arg2[%dma_wait3A_86, %dma_wait3A_87] : memref<10240x128xf32, #tpu.memory_space<hbm>> -> memref<10240x128xf32, #tpu.memory_space<hbm>>
        tpu.wait_indirect_dma semaphore(%arg9 : memref<!tpu.dma_semaphore, #tpu.memory_space<semaphore_mem>>) src(%dma_wait3A_88 : memref<10240x128xf32, #tpu.memory_space<hbm>>) dst(%dma_wait3A_82 : memref<128x128xf32, #tpu.memory_space<vmem>>)
        %run_scoped3A = arith.constant 0 : i32
        %run_scoped3A_89 = arith.constant 1 : i32
        "tpu.region"() ({
          %run_scoped3A_118 = tpu.sem_alloc : memref<!tpu.dma_semaphore, #tpu.memory_space<semaphore_mem>>
          %dma_start3A_119 = arith.constant 0 : i32
          %dma_start3A_120 = arith.constant 0 : i32
          %dma_start3A_121 = tpu.memref_slice %arg6[%run_scoped3A, %dma_start3A_119, %dma_start3A_120] : memref<2x128x128xf32, #tpu.memory_space<vmem>> -> memref<1x128x128xf32, #tpu.memory_space<vmem>>
          %dma_start3A_122 = tpu.memref_squeeze %dma_start3A_121 : memref<1x128x128xf32, #tpu.memory_space<vmem>> -> memref<128x128xf32, #tpu.memory_space<vmem>>
          %dma_start3A_123 = arith.constant 0 : i32
          %dma_start3A_124 = tpu.memref_slice %arg5[%add3A_77, %run_scoped3A_89, %dma_start3A_123] : memref<20x2x128xi32, #tpu.memory_space<vmem>> -> memref<1x1x128xi32, #tpu.memory_space<vmem>>
          %dma_start3A_125 = tpu.memref_squeeze %dma_start3A_124 : memref<1x1x128xi32, #tpu.memory_space<vmem>> -> memref<128xi32, #tpu.memory_space<vmem>>
          %dma_start3A_126 = arith.constant 0 : i32
          %dma_start3A_127 = arith.constant 0 : i32
          %dma_start3A_128 = tpu.memref_slice %arg8[%dma_start3A_126, %dma_start3A_127] : memref<10240x128xf32, #tpu.memory_space<vmem_shared>> -> memref<10240x128xf32, #tpu.memory_space<vmem_shared>>
          tpu.enqueue_indirect_dma source(%dma_start3A_122 : memref<128x128xf32, #tpu.memory_space<vmem>>) target(%dma_start3A_128 : memref<10240x128xf32, #tpu.memory_space<vmem_shared>>) offsets(%dma_start3A_125 : memref<128xi32, #tpu.memory_space<vmem>>) semaphore(%run_scoped3A_118 : memref<!tpu.dma_semaphore, #tpu.memory_space<semaphore_mem>>) {add = true}
          %dma_wait3A_129 = arith.constant 0 : i32
          %dma_wait3A_130 = arith.constant 0 : i32
          %dma_wait3A_131 = tpu.memref_slice %arg6[%run_scoped3A, %dma_wait3A_129, %dma_wait3A_130] : memref<2x128x128xf32, #tpu.memory_space<vmem>> -> memref<1x128x128xf32, #tpu.memory_space<vmem>>
          %dma_wait3A_132 = tpu.memref_squeeze %dma_wait3A_131 : memref<1x128x128xf32, #tpu.memory_space<vmem>> -> memref<128x128xf32, #tpu.memory_space<vmem>>
          %dma_wait3A_133 = arith.constant 0 : i32
          %dma_wait3A_134 = tpu.memref_slice %arg5[%add3A_77, %run_scoped3A_89, %dma_wait3A_133] : memref<20x2x128xi32, #tpu.memory_space<vmem>> -> memref<1x1x128xi32, #tpu.memory_space<vmem>>
          %dma_wait3A_135 = tpu.memref_squeeze %dma_wait3A_134 : memref<1x1x128xi32, #tpu.memory_space<vmem>> -> memref<128xi32, #tpu.memory_space<vmem>>
          %dma_wait3A_136 = arith.constant 0 : i32
          %dma_wait3A_137 = arith.constant 0 : i32
          %dma_wait3A_138 = tpu.memref_slice %arg8[%dma_wait3A_136, %dma_wait3A_137] : memref<10240x128xf32, #tpu.memory_space<vmem_shared>> -> memref<10240x128xf32, #tpu.memory_space<vmem_shared>>
          tpu.wait_indirect_dma semaphore(%run_scoped3A_118 : memref<!tpu.dma_semaphore, #tpu.memory_space<semaphore_mem>>) src(%dma_wait3A_132 : memref<128x128xf32, #tpu.memory_space<vmem>>) dst(%dma_wait3A_138 : memref<10240x128xf32, #tpu.memory_space<vmem_shared>>)
          tpu.yield
        }) : () -> ()
        %add3A_90 = arith.constant 2 : i32
        %add3A_91 = arith.addi %add3A_77, %add3A_90 : i32
        %lt3A_92 = arith.constant 20 : i32
        %lt3A_93 = arith.cmpi slt, %add3A_91, %lt3A_92 : i32
        %convert_element_type3A = arith.extui %lt3A_93 : i1 to i32
        %cond3A = arith.constant 0 : i32
        %cond3A_94 = arith.cmpi ne, %convert_element_type3A, %cond3A : i32
        scf.if %cond3A_94 {
          %add3A_118 = arith.constant 2 : i32
          %add3A_119 = arith.addi %add3A_77, %add3A_118 : i32
          %dma_start3A_120 = arith.constant 0 : i32
          %dma_start3A_121 = arith.constant 0 : i32
          %dma_start3A_122 = arith.constant 0 : i32
          %dma_start3A_123 = arith.constant 0 : i32
          %dma_start3A_124 = tpu.memref_slice %arg6[%dma_start3A_121, %dma_start3A_122, %dma_start3A_123] : memref<2x128x128xf32, #tpu.memory_space<vmem>> -> memref<1x128x128xf32, #tpu.memory_space<vmem>>
          %dma_start3A_125 = tpu.memref_squeeze %dma_start3A_124 : memref<1x128x128xf32, #tpu.memory_space<vmem>> -> memref<128x128xf32, #tpu.memory_space<vmem>>
          %dma_start3A_126 = arith.constant 0 : i32
          %dma_start3A_127 = tpu.memref_slice %arg5[%add3A_119, %dma_start3A_120, %dma_start3A_126] : memref<20x2x128xi32, #tpu.memory_space<vmem>> -> memref<1x1x128xi32, #tpu.memory_space<vmem>>
          %dma_start3A_128 = tpu.memref_squeeze %dma_start3A_127 : memref<1x1x128xi32, #tpu.memory_space<vmem>> -> memref<128xi32, #tpu.memory_space<vmem>>
          %dma_start3A_129 = arith.constant 0 : i32
          %dma_start3A_130 = arith.constant 0 : i32
          %dma_start3A_131 = tpu.memref_slice %arg2[%dma_start3A_129, %dma_start3A_130] : memref<10240x128xf32, #tpu.memory_space<hbm>> -> memref<10240x128xf32, #tpu.memory_space<hbm>>
          tpu.enqueue_indirect_dma source(%dma_start3A_131 : memref<10240x128xf32, #tpu.memory_space<hbm>>) target(%dma_start3A_125 : memref<128x128xf32, #tpu.memory_space<vmem>>) offsets(%dma_start3A_128 : memref<128xi32, #tpu.memory_space<vmem>>) semaphore(%arg9 : memref<!tpu.dma_semaphore, #tpu.memory_space<semaphore_mem>>)
        } else {
        }
        %add3A_95 = arith.constant 1 : i32
        %add3A_96 = arith.addi %add3A_75, %add3A_95 : i32
        %dma_wait3A_97 = arith.constant 0 : i32
        %dma_wait3A_98 = arith.constant 1 : i32
        %dma_wait3A_99 = arith.constant 0 : i32
        %dma_wait3A_100 = arith.constant 0 : i32
        %dma_wait3A_101 = tpu.memref_slice %arg6[%dma_wait3A_98, %dma_wait3A_99, %dma_wait3A_100] : memref<2x128x128xf32, #tpu.memory_space<vmem>> -> memref<1x128x128xf32, #tpu.memory_space<vmem>>
        %dma_wait3A_102 = tpu.memref_squeeze %dma_wait3A_101 : memref<1x128x128xf32, #tpu.memory_space<vmem>> -> memref<128x128xf32, #tpu.memory_space<vmem>>
        %dma_wait3A_103 = arith.constant 0 : i32
        %dma_wait3A_104 = tpu.memref_slice %arg5[%add3A_96, %dma_wait3A_97, %dma_wait3A_103] : memref<20x2x128xi32, #tpu.memory_space<vmem>> -> memref<1x1x128xi32, #tpu.memory_space<vmem>>
        %dma_wait3A_105 = tpu.memref_squeeze %dma_wait3A_104 : memref<1x1x128xi32, #tpu.memory_space<vmem>> -> memref<128xi32, #tpu.memory_space<vmem>>
        %dma_wait3A_106 = arith.constant 0 : i32
        %dma_wait3A_107 = arith.constant 0 : i32
        %dma_wait3A_108 = tpu.memref_slice %arg2[%dma_wait3A_106, %dma_wait3A_107] : memref<10240x128xf32, #tpu.memory_space<hbm>> -> memref<10240x128xf32, #tpu.memory_space<hbm>>
        tpu.wait_indirect_dma semaphore(%arg10 : memref<!tpu.dma_semaphore, #tpu.memory_space<semaphore_mem>>) src(%dma_wait3A_108 : memref<10240x128xf32, #tpu.memory_space<hbm>>) dst(%dma_wait3A_102 : memref<128x128xf32, #tpu.memory_space<vmem>>)
        %run_scoped3A_109 = arith.constant 1 : i32
        %run_scoped3A_110 = arith.constant 1 : i32
        "tpu.region"() ({
          %run_scoped3A_118 = tpu.sem_alloc : memref<!tpu.dma_semaphore, #tpu.memory_space<semaphore_mem>>
          %dma_start3A_119 = arith.constant 0 : i32
          %dma_start3A_120 = arith.constant 0 : i32
          %dma_start3A_121 = tpu.memref_slice %arg6[%run_scoped3A_109, %dma_start3A_119, %dma_start3A_120] : memref<2x128x128xf32, #tpu.memory_space<vmem>> -> memref<1x128x128xf32, #tpu.memory_space<vmem>>
          %dma_start3A_122 = tpu.memref_squeeze %dma_start3A_121 : memref<1x128x128xf32, #tpu.memory_space<vmem>> -> memref<128x128xf32, #tpu.memory_space<vmem>>
          %dma_start3A_123 = arith.constant 0 : i32
          %dma_start3A_124 = tpu.memref_slice %arg5[%add3A_96, %run_scoped3A_110, %dma_start3A_123] : memref<20x2x128xi32, #tpu.memory_space<vmem>> -> memref<1x1x128xi32, #tpu.memory_space<vmem>>
          %dma_start3A_125 = tpu.memref_squeeze %dma_start3A_124 : memref<1x1x128xi32, #tpu.memory_space<vmem>> -> memref<128xi32, #tpu.memory_space<vmem>>
          %dma_start3A_126 = arith.constant 0 : i32
          %dma_start3A_127 = arith.constant 0 : i32
          %dma_start3A_128 = tpu.memref_slice %arg8[%dma_start3A_126, %dma_start3A_127] : memref<10240x128xf32, #tpu.memory_space<vmem_shared>> -> memref<10240x128xf32, #tpu.memory_space<vmem_shared>>
          tpu.enqueue_indirect_dma source(%dma_start3A_122 : memref<128x128xf32, #tpu.memory_space<vmem>>) target(%dma_start3A_128 : memref<10240x128xf32, #tpu.memory_space<vmem_shared>>) offsets(%dma_start3A_125 : memref<128xi32, #tpu.memory_space<vmem>>) semaphore(%run_scoped3A_118 : memref<!tpu.dma_semaphore, #tpu.memory_space<semaphore_mem>>) {add = true}
          %dma_wait3A_129 = arith.constant 0 : i32
          %dma_wait3A_130 = arith.constant 0 : i32
          %dma_wait3A_131 = tpu.memref_slice %arg6[%run_scoped3A_109, %dma_wait3A_129, %dma_wait3A_130] : memref<2x128x128xf32, #tpu.memory_space<vmem>> -> memref<1x128x128xf32, #tpu.memory_space<vmem>>
          %dma_wait3A_132 = tpu.memref_squeeze %dma_wait3A_131 : memref<1x128x128xf32, #tpu.memory_space<vmem>> -> memref<128x128xf32, #tpu.memory_space<vmem>>
          %dma_wait3A_133 = arith.constant 0 : i32
          %dma_wait3A_134 = tpu.memref_slice %arg5[%add3A_96, %run_scoped3A_110, %dma_wait3A_133] : memref<20x2x128xi32, #tpu.memory_space<vmem>> -> memref<1x1x128xi32, #tpu.memory_space<vmem>>
          %dma_wait3A_135 = tpu.memref_squeeze %dma_wait3A_134 : memref<1x1x128xi32, #tpu.memory_space<vmem>> -> memref<128xi32, #tpu.memory_space<vmem>>
          %dma_wait3A_136 = arith.constant 0 : i32
          %dma_wait3A_137 = arith.constant 0 : i32
          %dma_wait3A_138 = tpu.memref_slice %arg8[%dma_wait3A_136, %dma_wait3A_137] : memref<10240x128xf32, #tpu.memory_space<vmem_shared>> -> memref<10240x128xf32, #tpu.memory_space<vmem_shared>>
          tpu.wait_indirect_dma semaphore(%run_scoped3A_118 : memref<!tpu.dma_semaphore, #tpu.memory_space<semaphore_mem>>) src(%dma_wait3A_132 : memref<128x128xf32, #tpu.memory_space<vmem>>) dst(%dma_wait3A_138 : memref<10240x128xf32, #tpu.memory_space<vmem_shared>>)
          tpu.yield
        }) : () -> ()
        %add3A_111 = arith.constant 2 : i32
        %add3A_112 = arith.addi %add3A_96, %add3A_111 : i32
        %lt3A_113 = arith.constant 20 : i32
        %lt3A_114 = arith.cmpi slt, %add3A_112, %lt3A_113 : i32
        %convert_element_type3A_115 = arith.extui %lt3A_114 : i1 to i32
        %cond3A_116 = arith.constant 0 : i32
        %cond3A_117 = arith.cmpi ne, %convert_element_type3A_115, %cond3A_116 : i32
        scf.if %cond3A_117 {
          %add3A_118 = arith.constant 2 : i32
          %add3A_119 = arith.addi %add3A_96, %add3A_118 : i32
          %dma_start3A_120 = arith.constant 0 : i32
          %dma_start3A_121 = arith.constant 1 : i32
          %dma_start3A_122 = arith.constant 0 : i32
          %dma_start3A_123 = arith.constant 0 : i32
          %dma_start3A_124 = tpu.memref_slice %arg6[%dma_start3A_121, %dma_start3A_122, %dma_start3A_123] : memref<2x128x128xf32, #tpu.memory_space<vmem>> -> memref<1x128x128xf32, #tpu.memory_space<vmem>>
          %dma_start3A_125 = tpu.memref_squeeze %dma_start3A_124 : memref<1x128x128xf32, #tpu.memory_space<vmem>> -> memref<128x128xf32, #tpu.memory_space<vmem>>
          %dma_start3A_126 = arith.constant 0 : i32
          %dma_start3A_127 = tpu.memref_slice %arg5[%add3A_119, %dma_start3A_120, %dma_start3A_126] : memref<20x2x128xi32, #tpu.memory_space<vmem>> -> memref<1x1x128xi32, #tpu.memory_space<vmem>>
          %dma_start3A_128 = tpu.memref_squeeze %dma_start3A_127 : memref<1x1x128xi32, #tpu.memory_space<vmem>> -> memref<128xi32, #tpu.memory_space<vmem>>
          %dma_start3A_129 = arith.constant 0 : i32
          %dma_start3A_130 = arith.constant 0 : i32
          %dma_start3A_131 = tpu.memref_slice %arg2[%dma_start3A_129, %dma_start3A_130] : memref<10240x128xf32, #tpu.memory_space<hbm>> -> memref<10240x128xf32, #tpu.memory_space<hbm>>
          tpu.enqueue_indirect_dma source(%dma_start3A_131 : memref<10240x128xf32, #tpu.memory_space<hbm>>) target(%dma_start3A_125 : memref<128x128xf32, #tpu.memory_space<vmem>>) offsets(%dma_start3A_128 : memref<128xi32, #tpu.memory_space<vmem>>) semaphore(%arg10 : memref<!tpu.dma_semaphore, #tpu.memory_space<semaphore_mem>>)
        } else {
        }
      }
      %scan3A_70 = arith.constant 10 : i32
    }
    %while3A_27 = arith.constant 1 : i32
    scf.for %while3A_33 = %while3A_25 to %while3A_21 step %while3A_27  : i32 {
      %mul3A_34 = arith.muli %while3A_33, %while3A : i32
      %add3A_35 = arith.addi %while3A_18, %mul3A_34 : i32
      %mul3A_36 = arith.constant 80 : i32
      %mul3A_37 = arith.muli %add3A, %mul3A_36 : i32
      %mul3A_38 = arith.constant 20 : i32
      %mul3A_39 = arith.muli %add3A_35, %mul3A_38 : i32
      %add3A_40 = arith.addi %mul3A_37, %mul3A_39 : i32
      "tpu.region"() ({
        %run_scoped3A = tpu.sem_alloc : memref<!tpu.dma_semaphore, #tpu.memory_space<semaphore_mem>>
        %dma_start3A_71 = arith.constant 0 : i32
        %dma_start3A_72 = arith.constant 0 : i32
        %dma_start3A_73 = tpu.memref_slice %arg3[%add3A_40, %dma_start3A_71, %dma_start3A_72] : memref<2500x2x128xi32, #tpu.memory_space<hbm>> -> memref<20x2x128xi32, #tpu.memory_space<hbm>>
        %dma_start3A_74 = arith.constant 0 : i32
        %dma_start3A_75 = arith.constant 0 : i32
        %dma_start3A_76 = tpu.memref_slice %arg3[%add3A_40, %dma_start3A_74, %dma_start3A_75] : memref<2500x2x128xi32, #tpu.memory_space<hbm>> -> memref<20x2x128xi32, #tpu.memory_space<hbm>>
        tpu.enqueue_dma source(%dma_start3A_76 : memref<20x2x128xi32, #tpu.memory_space<hbm>>) target(%arg5 : memref<20x2x128xi32, #tpu.memory_space<vmem>>) target_semaphore(%run_scoped3A : memref<!tpu.dma_semaphore, #tpu.memory_space<semaphore_mem>>)
        %dma_wait3A = arith.constant 0 : i32
        %dma_wait3A_77 = arith.constant 0 : i32
        %dma_wait3A_78 = tpu.memref_slice %arg3[%add3A_40, %dma_wait3A, %dma_wait3A_77] : memref<2500x2x128xi32, #tpu.memory_space<hbm>> -> memref<20x2x128xi32, #tpu.memory_space<hbm>>
        %dma_wait3A_79 = arith.constant 0 : i32
        %dma_wait3A_80 = arith.constant 0 : i32
        %dma_wait3A_81 = tpu.memref_slice %arg3[%add3A_40, %dma_wait3A_79, %dma_wait3A_80] : memref<2500x2x128xi32, #tpu.memory_space<hbm>> -> memref<20x2x128xi32, #tpu.memory_space<hbm>>
        tpu.wait_dma2 semaphore(%run_scoped3A : memref<!tpu.dma_semaphore, #tpu.memory_space<semaphore_mem>>) src(%dma_wait3A_81 : memref<20x2x128xi32, #tpu.memory_space<hbm>>) dst(%arg5 : memref<20x2x128xi32, #tpu.memory_space<vmem>>)
        tpu.yield
      }) : () -> ()
      %dma_start3A = arith.constant 0 : i32
      %dma_start3A_41 = arith.constant 0 : i32
      %dma_start3A_42 = arith.constant 0 : i32
      %dma_start3A_43 = arith.constant 0 : i32
      %dma_start3A_44 = arith.constant 0 : i32
      %dma_start3A_45 = tpu.memref_slice %arg6[%dma_start3A_42, %dma_start3A_43, %dma_start3A_44] : memref<2x128x128xf32, #tpu.memory_space<vmem>> -> memref<1x128x128xf32, #tpu.memory_space<vmem>>
      %dma_start3A_46 = tpu.memref_squeeze %dma_start3A_45 : memref<1x128x128xf32, #tpu.memory_space<vmem>> -> memref<128x128xf32, #tpu.memory_space<vmem>>
      %dma_start3A_47 = arith.constant 0 : i32
      %dma_start3A_48 = tpu.memref_slice %arg5[%dma_start3A, %dma_start3A_41, %dma_start3A_47] : memref<20x2x128xi32, #tpu.memory_space<vmem>> -> memref<1x1x128xi32, #tpu.memory_space<vmem>>
      %dma_start3A_49 = tpu.memref_squeeze %dma_start3A_48 : memref<1x1x128xi32, #tpu.memory_space<vmem>> -> memref<128xi32, #tpu.memory_space<vmem>>
      %dma_start3A_50 = arith.constant 0 : i32
      %dma_start3A_51 = arith.constant 0 : i32
      %dma_start3A_52 = tpu.memref_slice %arg2[%dma_start3A_50, %dma_start3A_51] : memref<10240x128xf32, #tpu.memory_space<hbm>> -> memref<10240x128xf32, #tpu.memory_space<hbm>>
      tpu.enqueue_indirect_dma source(%dma_start3A_52 : memref<10240x128xf32, #tpu.memory_space<hbm>>) target(%dma_start3A_46 : memref<128x128xf32, #tpu.memory_space<vmem>>) offsets(%dma_start3A_49 : memref<128xi32, #tpu.memory_space<vmem>>) semaphore(%arg9 : memref<!tpu.dma_semaphore, #tpu.memory_space<semaphore_mem>>)
      %dma_start3A_53 = arith.constant 1 : i32
      %dma_start3A_54 = arith.constant 0 : i32
      %dma_start3A_55 = arith.constant 1 : i32
      %dma_start3A_56 = arith.constant 0 : i32
      %dma_start3A_57 = arith.constant 0 : i32
      %dma_start3A_58 = tpu.memref_slice %arg6[%dma_start3A_55, %dma_start3A_56, %dma_start3A_57] : memref<2x128x128xf32, #tpu.memory_space<vmem>> -> memref<1x128x128xf32, #tpu.memory_space<vmem>>
      %dma_start3A_59 = tpu.memref_squeeze %dma_start3A_58 : memref<1x128x128xf32, #tpu.memory_space<vmem>> -> memref<128x128xf32, #tpu.memory_space<vmem>>
      %dma_start3A_60 = arith.constant 0 : i32
      %dma_start3A_61 = tpu.memref_slice %arg5[%dma_start3A_53, %dma_start3A_54, %dma_start3A_60] : memref<20x2x128xi32, #tpu.memory_space<vmem>> -> memref<1x1x128xi32, #tpu.memory_space<vmem>>
      %dma_start3A_62 = tpu.memref_squeeze %dma_start3A_61 : memref<1x1x128xi32, #tpu.memory_space<vmem>> -> memref<128xi32, #tpu.memory_space<vmem>>
      %dma_start3A_63 = arith.constant 0 : i32
      %dma_start3A_64 = arith.constant 0 : i32
      %dma_start3A_65 = tpu.memref_slice %arg2[%dma_start3A_63, %dma_start3A_64] : memref<10240x128xf32, #tpu.memory_space<hbm>> -> memref<10240x128xf32, #tpu.memory_space<hbm>>
      tpu.enqueue_indirect_dma source(%dma_start3A_65 : memref<10240x128xf32, #tpu.memory_space<hbm>>) target(%dma_start3A_59 : memref<128x128xf32, #tpu.memory_space<vmem>>) offsets(%dma_start3A_62 : memref<128xi32, #tpu.memory_space<vmem>>) semaphore(%arg10 : memref<!tpu.dma_semaphore, #tpu.memory_space<semaphore_mem>>)
      %scan3A_66 = arith.constant 0 : i32
      %scan3A_67 = arith.constant 10 : i32
      %scan3A_68 = arith.addi %scan3A_66, %scan3A_67 : i32
      %scan3A_69 = arith.constant 1 : i32
      scf.for %scan3A_71 = %scan3A_66 to %scan3A_68 step %scan3A_69  : i32 {
        %mul3A_72 = arith.constant 2 : i32
        %mul3A_73 = arith.muli %scan3A_71, %mul3A_72 : i32
        %add3A_74 = arith.constant 0 : i32
        %add3A_75 = arith.addi %add3A_74, %mul3A_73 : i32
        %add3A_76 = arith.constant 0 : i32
        %add3A_77 = arith.addi %add3A_75, %add3A_76 : i32
        %dma_wait3A = arith.constant 0 : i32
        %dma_wait3A_78 = arith.constant 0 : i32
        %dma_wait3A_79 = arith.constant 0 : i32
        %dma_wait3A_80 = arith.constant 0 : i32
        %dma_wait3A_81 = tpu.memref_slice %arg6[%dma_wait3A_78, %dma_wait3A_79, %dma_wait3A_80] : memref<2x128x128xf32, #tpu.memory_space<vmem>> -> memref<1x128x128xf32, #tpu.memory_space<vmem>>
        %dma_wait3A_82 = tpu.memref_squeeze %dma_wait3A_81 : memref<1x128x128xf32, #tpu.memory_space<vmem>> -> memref<128x128xf32, #tpu.memory_space<vmem>>
        %dma_wait3A_83 = arith.constant 0 : i32
        %dma_wait3A_84 = tpu.memref_slice %arg5[%add3A_77, %dma_wait3A, %dma_wait3A_83] : memref<20x2x128xi32, #tpu.memory_space<vmem>> -> memref<1x1x128xi32, #tpu.memory_space<vmem>>
        %dma_wait3A_85 = tpu.memref_squeeze %dma_wait3A_84 : memref<1x1x128xi32, #tpu.memory_space<vmem>> -> memref<128xi32, #tpu.memory_space<vmem>>
        %dma_wait3A_86 = arith.constant 0 : i32
        %dma_wait3A_87 = arith.constant 0 : i32
        %dma_wait3A_88 = tpu.memref_slice %arg2[%dma_wait3A_86, %dma_wait3A_87] : memref<10240x128xf32, #tpu.memory_space<hbm>> -> memref<10240x128xf32, #tpu.memory_space<hbm>>
        tpu.wait_indirect_dma semaphore(%arg9 : memref<!tpu.dma_semaphore, #tpu.memory_space<semaphore_mem>>) src(%dma_wait3A_88 : memref<10240x128xf32, #tpu.memory_space<hbm>>) dst(%dma_wait3A_82 : memref<128x128xf32, #tpu.memory_space<vmem>>)
        %run_scoped3A = arith.constant 0 : i32
        %run_scoped3A_89 = arith.constant 1 : i32
        "tpu.region"() ({
          %run_scoped3A_118 = tpu.sem_alloc : memref<!tpu.dma_semaphore, #tpu.memory_space<semaphore_mem>>
          %dma_start3A_119 = arith.constant 0 : i32
          %dma_start3A_120 = arith.constant 0 : i32
          %dma_start3A_121 = tpu.memref_slice %arg6[%run_scoped3A, %dma_start3A_119, %dma_start3A_120] : memref<2x128x128xf32, #tpu.memory_space<vmem>> -> memref<1x128x128xf32, #tpu.memory_space<vmem>>
          %dma_start3A_122 = tpu.memref_squeeze %dma_start3A_121 : memref<1x128x128xf32, #tpu.memory_space<vmem>> -> memref<128x128xf32, #tpu.memory_space<vmem>>
          %dma_start3A_123 = arith.constant 0 : i32
          %dma_start3A_124 = tpu.memref_slice %arg5[%add3A_77, %run_scoped3A_89, %dma_start3A_123] : memref<20x2x128xi32, #tpu.memory_space<vmem>> -> memref<1x1x128xi32, #tpu.memory_space<vmem>>
          %dma_start3A_125 = tpu.memref_squeeze %dma_start3A_124 : memref<1x1x128xi32, #tpu.memory_space<vmem>> -> memref<128xi32, #tpu.memory_space<vmem>>
          %dma_start3A_126 = arith.constant 0 : i32
          %dma_start3A_127 = arith.constant 0 : i32
          %dma_start3A_128 = tpu.memref_slice %arg8[%dma_start3A_126, %dma_start3A_127] : memref<10240x128xf32, #tpu.memory_space<vmem_shared>> -> memref<10240x128xf32, #tpu.memory_space<vmem_shared>>
          tpu.enqueue_indirect_dma source(%dma_start3A_122 : memref<128x128xf32, #tpu.memory_space<vmem>>) target(%dma_start3A_128 : memref<10240x128xf32, #tpu.memory_space<vmem_shared>>) offsets(%dma_start3A_125 : memref<128xi32, #tpu.memory_space<vmem>>) semaphore(%run_scoped3A_118 : memref<!tpu.dma_semaphore, #tpu.memory_space<semaphore_mem>>) {add = true}
          %dma_wait3A_129 = arith.constant 0 : i32
          %dma_wait3A_130 = arith.constant 0 : i32
          %dma_wait3A_131 = tpu.memref_slice %arg6[%run_scoped3A, %dma_wait3A_129, %dma_wait3A_130] : memref<2x128x128xf32, #tpu.memory_space<vmem>> -> memref<1x128x128xf32, #tpu.memory_space<vmem>>
          %dma_wait3A_132 = tpu.memref_squeeze %dma_wait3A_131 : memref<1x128x128xf32, #tpu.memory_space<vmem>> -> memref<128x128xf32, #tpu.memory_space<vmem>>
          %dma_wait3A_133 = arith.constant 0 : i32
          %dma_wait3A_134 = tpu.memref_slice %arg5[%add3A_77, %run_scoped3A_89, %dma_wait3A_133] : memref<20x2x128xi32, #tpu.memory_space<vmem>> -> memref<1x1x128xi32, #tpu.memory_space<vmem>>
          %dma_wait3A_135 = tpu.memref_squeeze %dma_wait3A_134 : memref<1x1x128xi32, #tpu.memory_space<vmem>> -> memref<128xi32, #tpu.memory_space<vmem>>
          %dma_wait3A_136 = arith.constant 0 : i32
          %dma_wait3A_137 = arith.constant 0 : i32
          %dma_wait3A_138 = tpu.memref_slice %arg8[%dma_wait3A_136, %dma_wait3A_137] : memref<10240x128xf32, #tpu.memory_space<vmem_shared>> -> memref<10240x128xf32, #tpu.memory_space<vmem_shared>>
          tpu.wait_indirect_dma semaphore(%run_scoped3A_118 : memref<!tpu.dma_semaphore, #tpu.memory_space<semaphore_mem>>) src(%dma_wait3A_132 : memref<128x128xf32, #tpu.memory_space<vmem>>) dst(%dma_wait3A_138 : memref<10240x128xf32, #tpu.memory_space<vmem_shared>>)
          tpu.yield
        }) : () -> ()
        %add3A_90 = arith.constant 2 : i32
        %add3A_91 = arith.addi %add3A_77, %add3A_90 : i32
        %lt3A_92 = arith.constant 20 : i32
        %lt3A_93 = arith.cmpi slt, %add3A_91, %lt3A_92 : i32
        %convert_element_type3A = arith.extui %lt3A_93 : i1 to i32
        %cond3A = arith.constant 0 : i32
        %cond3A_94 = arith.cmpi ne, %convert_element_type3A, %cond3A : i32
        scf.if %cond3A_94 {
          %add3A_118 = arith.constant 2 : i32
          %add3A_119 = arith.addi %add3A_77, %add3A_118 : i32
          %dma_start3A_120 = arith.constant 0 : i32
          %dma_start3A_121 = arith.constant 0 : i32
          %dma_start3A_122 = arith.constant 0 : i32
          %dma_start3A_123 = arith.constant 0 : i32
          %dma_start3A_124 = tpu.memref_slice %arg6[%dma_start3A_121, %dma_start3A_122, %dma_start3A_123] : memref<2x128x128xf32, #tpu.memory_space<vmem>> -> memref<1x128x128xf32, #tpu.memory_space<vmem>>
          %dma_start3A_125 = tpu.memref_squeeze %dma_start3A_124 : memref<1x128x128xf32, #tpu.memory_space<vmem>> -> memref<128x128xf32, #tpu.memory_space<vmem>>
          %dma_start3A_126 = arith.constant 0 : i32
          %dma_start3A_127 = tpu.memref_slice %arg5[%add3A_119, %dma_start3A_120, %dma_start3A_126] : memref<20x2x128xi32, #tpu.memory_space<vmem>> -> memref<1x1x128xi32, #tpu.memory_space<vmem>>
          %dma_start3A_128 = tpu.memref_squeeze %dma_start3A_127 : memref<1x1x128xi32, #tpu.memory_space<vmem>> -> memref<128xi32, #tpu.memory_space<vmem>>
          %dma_start3A_129 = arith.constant 0 : i32
          %dma_start3A_130 = arith.constant 0 : i32
          %dma_start3A_131 = tpu.memref_slice %arg2[%dma_start3A_129, %dma_start3A_130] : memref<10240x128xf32, #tpu.memory_space<hbm>> -> memref<10240x128xf32, #tpu.memory_space<hbm>>
          tpu.enqueue_indirect_dma source(%dma_start3A_131 : memref<10240x128xf32, #tpu.memory_space<hbm>>) target(%dma_start3A_125 : memref<128x128xf32, #tpu.memory_space<vmem>>) offsets(%dma_start3A_128 : memref<128xi32, #tpu.memory_space<vmem>>) semaphore(%arg9 : memref<!tpu.dma_semaphore, #tpu.memory_space<semaphore_mem>>)
        } else {
        }
        %add3A_95 = arith.constant 1 : i32
        %add3A_96 = arith.addi %add3A_75, %add3A_95 : i32
        %dma_wait3A_97 = arith.constant 0 : i32
        %dma_wait3A_98 = arith.constant 1 : i32
        %dma_wait3A_99 = arith.constant 0 : i32
        %dma_wait3A_100 = arith.constant 0 : i32
        %dma_wait3A_101 = tpu.memref_slice %arg6[%dma_wait3A_98, %dma_wait3A_99, %dma_wait3A_100] : memref<2x128x128xf32, #tpu.memory_space<vmem>> -> memref<1x128x128xf32, #tpu.memory_space<vmem>>
        %dma_wait3A_102 = tpu.memref_squeeze %dma_wait3A_101 : memref<1x128x128xf32, #tpu.memory_space<vmem>> -> memref<128x128xf32, #tpu.memory_space<vmem>>
        %dma_wait3A_103 = arith.constant 0 : i32
        %dma_wait3A_104 = tpu.memref_slice %arg5[%add3A_96, %dma_wait3A_97, %dma_wait3A_103] : memref<20x2x128xi32, #tpu.memory_space<vmem>> -> memref<1x1x128xi32, #tpu.memory_space<vmem>>
        %dma_wait3A_105 = tpu.memref_squeeze %dma_wait3A_104 : memref<1x1x128xi32, #tpu.memory_space<vmem>> -> memref<128xi32, #tpu.memory_space<vmem>>
        %dma_wait3A_106 = arith.constant 0 : i32
        %dma_wait3A_107 = arith.constant 0 : i32
        %dma_wait3A_108 = tpu.memref_slice %arg2[%dma_wait3A_106, %dma_wait3A_107] : memref<10240x128xf32, #tpu.memory_space<hbm>> -> memref<10240x128xf32, #tpu.memory_space<hbm>>
        tpu.wait_indirect_dma semaphore(%arg10 : memref<!tpu.dma_semaphore, #tpu.memory_space<semaphore_mem>>) src(%dma_wait3A_108 : memref<10240x128xf32, #tpu.memory_space<hbm>>) dst(%dma_wait3A_102 : memref<128x128xf32, #tpu.memory_space<vmem>>)
        %run_scoped3A_109 = arith.constant 1 : i32
        %run_scoped3A_110 = arith.constant 1 : i32
        "tpu.region"() ({
          %run_scoped3A_118 = tpu.sem_alloc : memref<!tpu.dma_semaphore, #tpu.memory_space<semaphore_mem>>
          %dma_start3A_119 = arith.constant 0 : i32
          %dma_start3A_120 = arith.constant 0 : i32
          %dma_start3A_121 = tpu.memref_slice %arg6[%run_scoped3A_109, %dma_start3A_119, %dma_start3A_120] : memref<2x128x128xf32, #tpu.memory_space<vmem>> -> memref<1x128x128xf32, #tpu.memory_space<vmem>>
          %dma_start3A_122 = tpu.memref_squeeze %dma_start3A_121 : memref<1x128x128xf32, #tpu.memory_space<vmem>> -> memref<128x128xf32, #tpu.memory_space<vmem>>
          %dma_start3A_123 = arith.constant 0 : i32
          %dma_start3A_124 = tpu.memref_slice %arg5[%add3A_96, %run_scoped3A_110, %dma_start3A_123] : memref<20x2x128xi32, #tpu.memory_space<vmem>> -> memref<1x1x128xi32, #tpu.memory_space<vmem>>
          %dma_start3A_125 = tpu.memref_squeeze %dma_start3A_124 : memref<1x1x128xi32, #tpu.memory_space<vmem>> -> memref<128xi32, #tpu.memory_space<vmem>>
          %dma_start3A_126 = arith.constant 0 : i32
          %dma_start3A_127 = arith.constant 0 : i32
          %dma_start3A_128 = tpu.memref_slice %arg8[%dma_start3A_126, %dma_start3A_127] : memref<10240x128xf32, #tpu.memory_space<vmem_shared>> -> memref<10240x128xf32, #tpu.memory_space<vmem_shared>>
          tpu.enqueue_indirect_dma source(%dma_start3A_122 : memref<128x128xf32, #tpu.memory_space<vmem>>) target(%dma_start3A_128 : memref<10240x128xf32, #tpu.memory_space<vmem_shared>>) offsets(%dma_start3A_125 : memref<128xi32, #tpu.memory_space<vmem>>) semaphore(%run_scoped3A_118 : memref<!tpu.dma_semaphore, #tpu.memory_space<semaphore_mem>>) {add = true}
          %dma_wait3A_129 = arith.constant 0 : i32
          %dma_wait3A_130 = arith.constant 0 : i32
          %dma_wait3A_131 = tpu.memref_slice %arg6[%run_scoped3A_109, %dma_wait3A_129, %dma_wait3A_130] : memref<2x128x128xf32, #tpu.memory_space<vmem>> -> memref<1x128x128xf32, #tpu.memory_space<vmem>>
          %dma_wait3A_132 = tpu.memref_squeeze %dma_wait3A_131 : memref<1x128x128xf32, #tpu.memory_space<vmem>> -> memref<128x128xf32, #tpu.memory_space<vmem>>
          %dma_wait3A_133 = arith.constant 0 : i32
          %dma_wait3A_134 = tpu.memref_slice %arg5[%add3A_96, %run_scoped3A_110, %dma_wait3A_133] : memref<20x2x128xi32, #tpu.memory_space<vmem>> -> memref<1x1x128xi32, #tpu.memory_space<vmem>>
          %dma_wait3A_135 = tpu.memref_squeeze %dma_wait3A_134 : memref<1x1x128xi32, #tpu.memory_space<vmem>> -> memref<128xi32, #tpu.memory_space<vmem>>
          %dma_wait3A_136 = arith.constant 0 : i32
          %dma_wait3A_137 = arith.constant 0 : i32
          %dma_wait3A_138 = tpu.memref_slice %arg8[%dma_wait3A_136, %dma_wait3A_137] : memref<10240x128xf32, #tpu.memory_space<vmem_shared>> -> memref<10240x128xf32, #tpu.memory_space<vmem_shared>>
          tpu.wait_indirect_dma semaphore(%run_scoped3A_118 : memref<!tpu.dma_semaphore, #tpu.memory_space<semaphore_mem>>) src(%dma_wait3A_132 : memref<128x128xf32, #tpu.memory_space<vmem>>) dst(%dma_wait3A_138 : memref<10240x128xf32, #tpu.memory_space<vmem_shared>>)
          tpu.yield
        }) : () -> ()
        %add3A_111 = arith.constant 2 : i32
        %add3A_112 = arith.addi %add3A_96, %add3A_111 : i32
        %lt3A_113 = arith.constant 20 : i32
        %lt3A_114 = arith.cmpi slt, %add3A_112, %lt3A_113 : i32
        %convert_element_type3A_115 = arith.extui %lt3A_114 : i1 to i32
        %cond3A_116 = arith.constant 0 : i32
        %cond3A_117 = arith.cmpi ne, %convert_element_type3A_115, %cond3A_116 : i32
        scf.if %cond3A_117 {
          %add3A_118 = arith.constant 2 : i32
          %add3A_119 = arith.addi %add3A_96, %add3A_118 : i32
          %dma_start3A_120 = arith.constant 0 : i32
          %dma_start3A_121 = arith.constant 1 : i32
          %dma_start3A_122 = arith.constant 0 : i32
          %dma_start3A_123 = arith.constant 0 : i32
          %dma_start3A_124 = tpu.memref_slice %arg6[%dma_start3A_121, %dma_start3A_122, %dma_start3A_123] : memref<2x128x128xf32, #tpu.memory_space<vmem>> -> memref<1x128x128xf32, #tpu.memory_space<vmem>>
          %dma_start3A_125 = tpu.memref_squeeze %dma_start3A_124 : memref<1x128x128xf32, #tpu.memory_space<vmem>> -> memref<128x128xf32, #tpu.memory_space<vmem>>
          %dma_start3A_126 = arith.constant 0 : i32
          %dma_start3A_127 = tpu.memref_slice %arg5[%add3A_119, %dma_start3A_120, %dma_start3A_126] : memref<20x2x128xi32, #tpu.memory_space<vmem>> -> memref<1x1x128xi32, #tpu.memory_space<vmem>>
          %dma_start3A_128 = tpu.memref_squeeze %dma_start3A_127 : memref<1x1x128xi32, #tpu.memory_space<vmem>> -> memref<128xi32, #tpu.memory_space<vmem>>
          %dma_start3A_129 = arith.constant 0 : i32
          %dma_start3A_130 = arith.constant 0 : i32
          %dma_start3A_131 = tpu.memref_slice %arg2[%dma_start3A_129, %dma_start3A_130] : memref<10240x128xf32, #tpu.memory_space<hbm>> -> memref<10240x128xf32, #tpu.memory_space<hbm>>
          tpu.enqueue_indirect_dma source(%dma_start3A_131 : memref<10240x128xf32, #tpu.memory_space<hbm>>) target(%dma_start3A_125 : memref<128x128xf32, #tpu.memory_space<vmem>>) offsets(%dma_start3A_128 : memref<128xi32, #tpu.memory_space<vmem>>) semaphore(%arg10 : memref<!tpu.dma_semaphore, #tpu.memory_space<semaphore_mem>>)
        } else {
        }
      }
      %scan3A_70 = arith.constant 10 : i32
    }
    %barrier3A_28 = arith.constant 0 : index
    tpu.barrier barrier_id(%barrier3A_28)
    %mul3A_29 = arith.constant 640 : i32
    %mul3A_30 = arith.muli %arg1, %mul3A_29 : i32
    %mul3A_31 = arith.constant 640 : i32
    %mul3A_32 = arith.muli %arg1, %mul3A_31 : i32
    "tpu.region"() ({
      %run_scoped3A = tpu.sem_alloc : memref<!tpu.dma_semaphore, #tpu.memory_space<semaphore_mem>>
      %dma_start3A = arith.constant 0 : i32
      %dma_start3A_33 = arith.constant 0 : i32
      %dma_start3A_34 = tpu.memref_slice %arg4[%arg0, %dma_start3A, %dma_start3A_33] : memref<2x10240x128xf32, #tpu.memory_space<hbm>> -> memref<1x10240x128xf32, #tpu.memory_space<hbm>>
      %dma_start3A_35 = tpu.memref_squeeze %dma_start3A_34 : memref<1x10240x128xf32, #tpu.memory_space<hbm>> -> memref<10240x128xf32, #tpu.memory_space<hbm>>
      %dma_start3A_36 = arith.constant 0 : i32
      %dma_start3A_37 = tpu.memref_slice %dma_start3A_35[%mul3A_32, %dma_start3A_36] : memref<10240x128xf32, #tpu.memory_space<hbm>> -> memref<640x128xf32, #tpu.memory_space<hbm>>
      %dma_start3A_38 = arith.constant 0 : i32
      %dma_start3A_39 = tpu.memref_slice %arg8[%mul3A_30, %dma_start3A_38] : memref<10240x128xf32, #tpu.memory_space<vmem_shared>> -> memref<640x128xf32, #tpu.memory_space<vmem_shared>>
      tpu.enqueue_dma source(%dma_start3A_39 : memref<640x128xf32, #tpu.memory_space<vmem_shared>>) target(%dma_start3A_37 : memref<640x128xf32, #tpu.memory_space<hbm>>) target_semaphore(%run_scoped3A : memref<!tpu.dma_semaphore, #tpu.memory_space<semaphore_mem>>)
      %dma_wait3A = arith.constant 0 : i32
      %dma_wait3A_40 = arith.constant 0 : i32
      %dma_wait3A_41 = tpu.memref_slice %arg4[%arg0, %dma_wait3A, %dma_wait3A_40] : memref<2x10240x128xf32, #tpu.memory_space<hbm>> -> memref<1x10240x128xf32, #tpu.memory_space<hbm>>
      %dma_wait3A_42 = tpu.memref_squeeze %dma_wait3A_41 : memref<1x10240x128xf32, #tpu.memory_space<hbm>> -> memref<10240x128xf32, #tpu.memory_space<hbm>>
      %dma_wait3A_43 = arith.constant 0 : i32
      %dma_wait3A_44 = tpu.memref_slice %dma_wait3A_42[%mul3A_32, %dma_wait3A_43] : memref<10240x128xf32, #tpu.memory_space<hbm>> -> memref<640x128xf32, #tpu.memory_space<hbm>>
      %dma_wait3A_45 = arith.constant 0 : i32
      %dma_wait3A_46 = tpu.memref_slice %arg8[%mul3A_30, %dma_wait3A_45] : memref<10240x128xf32, #tpu.memory_space<vmem_shared>> -> memref<640x128xf32, #tpu.memory_space<vmem_shared>>
      tpu.wait_dma2 semaphore(%run_scoped3A : memref<!tpu.dma_semaphore, #tpu.memory_space<semaphore_mem>>) src(%dma_wait3A_46 : memref<640x128xf32, #tpu.memory_space<vmem_shared>>) dst(%dma_wait3A_44 : memref<640x128xf32, #tpu.memory_space<hbm>>)
      tpu.yield
    }) : () -> ()
    return
  }
}

#map = affine_map<(d0, d1) -> (0, 0)>
#map1 = affine_map<(d0, d1) -> (0, 0, 0)>
module attributes {stable_mosaic.version = 14 : i64} {
  func.func @_sc_agg_body(%arg0: i32, %arg1: i32, %arg2: memref<10240x128xf32, #tpu.memory_space<hbm>>, %arg3: memref<2500x2x128xi32, #tpu.memory_space<hbm>>, %arg4: memref<2x10240x128xf32, #tpu.memory_space<hbm>>, %arg5: memref<20x2x128xi32, #tpu.memory_space<vmem>>, %arg6: memref<2x128x128xf32, #tpu.memory_space<vmem>>, %arg7: memref<40x128xf32, #tpu.memory_space<vmem>>, %arg8: memref<10240x128xf32, #tpu.memory_space<vmem_shared>>, %arg9: memref<!tpu.dma_semaphore, #tpu.memory_space<semaphore_mem>>, %arg10: memref<!tpu.dma_semaphore, #tpu.memory_space<semaphore_mem>>) attributes {dimension_semantics = [#tpu.dimension_semantics<core_parallel>, #tpu.dimension_semantics<subcore_parallel>], iteration_bounds = array<i64: 2, 16>, scalar_prefetch = 0 : i64, scratch_operands = 6 : i64, tpu.core_type = #tpu.core_type<sc_vector_subcore>, window_params = [{transform_indices = #map}, {transform_indices = #map1}, {transform_indices = #map1}]} {
    %mul3A = arith.constant 16 : i32
    %mul3A_0 = arith.muli %arg0, %mul3A : i32
    %add3A = arith.addi %mul3A_0, %arg1 : i32
    %scan3A = arith.constant 0 : i32
    %scan3A_1 = arith.constant 40 : i32
    %scan3A_2 = arith.addi %scan3A, %scan3A_1 : i32
    %scan3A_3 = arith.constant 1 : i32
    scf.for %scan3A_33 = %scan3A to %scan3A_2 step %scan3A_3  : i32 {
      %mul3A_34 = arith.constant 1 : i32
      %mul3A_35 = arith.muli %scan3A_33, %mul3A_34 : i32
      %add3A_36 = arith.constant 0 : i32
      %add3A_37 = arith.addi %add3A_36, %mul3A_35 : i32
      %broadcast_in_dim3A = arith.constant 0.000000e+00 : f32
      %broadcast_in_dim3A_38 = vector.broadcast %broadcast_in_dim3A : f32 to vector<16xf32>
      %swap3A = arith.index_cast %add3A_37 : i32 to index
      %swap3A_39 = arith.constant 0 : index
      %swap3A_40 = tpu.vector_load %arg7[%swap3A, %swap3A_39] {strides = array<i32>} : memref<40x128xf32, #tpu.memory_space<vmem>>, vector<1x16xf32>,
      %swap3A_41 = vector.shape_cast %swap3A_40 : vector<1x16xf32> to vector<16xf32>
      %swap3A_42 = vector.shape_cast %broadcast_in_dim3A_38 : vector<16xf32> to vector<1x16xf32>
      tpu.vector_store %arg7[%swap3A, %swap3A_39], %swap3A_42 {strides = array<i32>} : memref<40x128xf32, #tpu.memory_space<vmem>>, vector<1x16xf32>,
      %broadcast_in_dim3A_43 = arith.constant 0.000000e+00 : f32
      %broadcast_in_dim3A_44 = vector.broadcast %broadcast_in_dim3A_43 : f32 to vector<16xf32>
      %swap3A_45 = arith.index_cast %add3A_37 : i32 to index
      %swap3A_46 = arith.constant 16 : index
      %swap3A_47 = tpu.vector_load %arg7[%swap3A_45, %swap3A_46] {strides = array<i32>} : memref<40x128xf32, #tpu.memory_space<vmem>>, vector<1x16xf32>,
      %swap3A_48 = vector.shape_cast %swap3A_47 : vector<1x16xf32> to vector<16xf32>
      %swap3A_49 = vector.shape_cast %broadcast_in_dim3A_44 : vector<16xf32> to vector<1x16xf32>
      tpu.vector_store %arg7[%swap3A_45, %swap3A_46], %swap3A_49 {strides = array<i32>} : memref<40x128xf32, #tpu.memory_space<vmem>>, vector<1x16xf32>,
      %broadcast_in_dim3A_50 = arith.constant 0.000000e+00 : f32
      %broadcast_in_dim3A_51 = vector.broadcast %broadcast_in_dim3A_50 : f32 to vector<16xf32>
      %swap3A_52 = arith.index_cast %add3A_37 : i32 to index
      %swap3A_53 = arith.constant 32 : index
      %swap3A_54 = tpu.vector_load %arg7[%swap3A_52, %swap3A_53] {strides = array<i32>} : memref<40x128xf32, #tpu.memory_space<vmem>>, vector<1x16xf32>,
      %swap3A_55 = vector.shape_cast %swap3A_54 : vector<1x16xf32> to vector<16xf32>
      %swap3A_56 = vector.shape_cast %broadcast_in_dim3A_51 : vector<16xf32> to vector<1x16xf32>
      tpu.vector_store %arg7[%swap3A_52, %swap3A_53], %swap3A_56 {strides = array<i32>} : memref<40x128xf32, #tpu.memory_space<vmem>>, vector<1x16xf32>,
      %broadcast_in_dim3A_57 = arith.constant 0.000000e+00 : f32
      %broadcast_in_dim3A_58 = vector.broadcast %broadcast_in_dim3A_57 : f32 to vector<16xf32>
      %swap3A_59 = arith.index_cast %add3A_37 : i32 to index
      %swap3A_60 = arith.constant 48 : index
      %swap3A_61 = tpu.vector_load %arg7[%swap3A_59, %swap3A_60] {strides = array<i32>} : memref<40x128xf32, #tpu.memory_space<vmem>>, vector<1x16xf32>,
      %swap3A_62 = vector.shape_cast %swap3A_61 : vector<1x16xf32> to vector<16xf32>
      %swap3A_63 = vector.shape_cast %broadcast_in_dim3A_58 : vector<16xf32> to vector<1x16xf32>
      tpu.vector_store %arg7[%swap3A_59, %swap3A_60], %swap3A_63 {strides = array<i32>} : memref<40x128xf32, #tpu.memory_space<vmem>>, vector<1x16xf32>,
      %broadcast_in_dim3A_64 = arith.constant 0.000000e+00 : f32
      %broadcast_in_dim3A_65 = vector.broadcast %broadcast_in_dim3A_64 : f32 to vector<16xf32>
      %swap3A_66 = arith.index_cast %add3A_37 : i32 to index
      %swap3A_67 = arith.constant 64 : index
      %swap3A_68 = tpu.vector_load %arg7[%swap3A_66, %swap3A_67] {strides = array<i32>} : memref<40x128xf32, #tpu.memory_space<vmem>>, vector<1x16xf32>,
      %swap3A_69 = vector.shape_cast %swap3A_68 : vector<1x16xf32> to vector<16xf32>
      %swap3A_70 = vector.shape_cast %broadcast_in_dim3A_65 : vector<16xf32> to vector<1x16xf32>
      tpu.vector_store %arg7[%swap3A_66, %swap3A_67], %swap3A_70 {strides = array<i32>} : memref<40x128xf32, #tpu.memory_space<vmem>>, vector<1x16xf32>,
      %broadcast_in_dim3A_71 = arith.constant 0.000000e+00 : f32
      %broadcast_in_dim3A_72 = vector.broadcast %broadcast_in_dim3A_71 : f32 to vector<16xf32>
      %swap3A_73 = arith.index_cast %add3A_37 : i32 to index
      %swap3A_74 = arith.constant 80 : index
      %swap3A_75 = tpu.vector_load %arg7[%swap3A_73, %swap3A_74] {strides = array<i32>} : memref<40x128xf32, #tpu.memory_space<vmem>>, vector<1x16xf32>,
      %swap3A_76 = vector.shape_cast %swap3A_75 : vector<1x16xf32> to vector<16xf32>
      %swap3A_77 = vector.shape_cast %broadcast_in_dim3A_72 : vector<16xf32> to vector<1x16xf32>
      tpu.vector_store %arg7[%swap3A_73, %swap3A_74], %swap3A_77 {strides = array<i32>} : memref<40x128xf32, #tpu.memory_space<vmem>>, vector<1x16xf32>,
      %broadcast_in_dim3A_78 = arith.constant 0.000000e+00 : f32
      %broadcast_in_dim3A_79 = vector.broadcast %broadcast_in_dim3A_78 : f32 to vector<16xf32>
      %swap3A_80 = arith.index_cast %add3A_37 : i32 to index
      %swap3A_81 = arith.constant 96 : index
      %swap3A_82 = tpu.vector_load %arg7[%swap3A_80, %swap3A_81] {strides = array<i32>} : memref<40x128xf32, #tpu.memory_space<vmem>>, vector<1x16xf32>,
      %swap3A_83 = vector.shape_cast %swap3A_82 : vector<1x16xf32> to vector<16xf32>
      %swap3A_84 = vector.shape_cast %broadcast_in_dim3A_79 : vector<16xf32> to vector<1x16xf32>
      tpu.vector_store %arg7[%swap3A_80, %swap3A_81], %swap3A_84 {strides = array<i32>} : memref<40x128xf32, #tpu.memory_space<vmem>>, vector<1x16xf32>,
      %broadcast_in_dim3A_85 = arith.constant 0.000000e+00 : f32
      %broadcast_in_dim3A_86 = vector.broadcast %broadcast_in_dim3A_85 : f32 to vector<16xf32>
      %swap3A_87 = arith.index_cast %add3A_37 : i32 to index
      %swap3A_88 = arith.constant 112 : index
      %swap3A_89 = tpu.vector_load %arg7[%swap3A_87, %swap3A_88] {strides = array<i32>} : memref<40x128xf32, #tpu.memory_space<vmem>>, vector<1x16xf32>,
      %swap3A_90 = vector.shape_cast %swap3A_89 : vector<1x16xf32> to vector<16xf32>
      %swap3A_91 = vector.shape_cast %broadcast_in_dim3A_86 : vector<16xf32> to vector<1x16xf32>
      tpu.vector_store %arg7[%swap3A_87, %swap3A_88], %swap3A_91 {strides = array<i32>} : memref<40x128xf32, #tpu.memory_space<vmem>>, vector<1x16xf32>,
    }
    %scan3A_4 = arith.constant 40 : i32
    %scan3A_5 = arith.constant 0 : i32
    %scan3A_6 = arith.constant 16 : i32
    %scan3A_7 = arith.addi %scan3A_5, %scan3A_6 : i32
    %scan3A_8 = arith.constant 1 : i32
    scf.for %scan3A_33 = %scan3A_5 to %scan3A_7 step %scan3A_8  : i32 {
      %mul3A_34 = arith.constant 1 : i32
      %mul3A_35 = arith.muli %scan3A_33, %mul3A_34 : i32
      %add3A_36 = arith.constant 0 : i32
      %add3A_37 = arith.addi %add3A_36, %mul3A_35 : i32
      %mul3A_38 = arith.constant 640 : i32
      %mul3A_39 = arith.muli %arg1, %mul3A_38 : i32
      %mul3A_40 = arith.constant 40 : i32
      %mul3A_41 = arith.muli %add3A_37, %mul3A_40 : i32
      %add3A_42 = arith.addi %mul3A_39, %mul3A_41 : i32
      "tpu.region"() ({
        %run_scoped3A = tpu.sem_alloc : memref<!tpu.dma_semaphore, #tpu.memory_space<semaphore_mem>>
        %dma_start3A = arith.constant 0 : i32
        %dma_start3A_43 = tpu.memref_slice %arg8[%add3A_42, %dma_start3A] : memref<10240x128xf32, #tpu.memory_space<vmem_shared>> -> memref<40x128xf32, #tpu.memory_space<vmem_shared>>
        %dma_start3A_44 = arith.constant 0 : i32
        %dma_start3A_45 = tpu.memref_slice %arg8[%add3A_42, %dma_start3A_44] : memref<10240x128xf32, #tpu.memory_space<vmem_shared>> -> memref<40x128xf32, #tpu.memory_space<vmem_shared>>
        tpu.enqueue_dma source(%arg7 : memref<40x128xf32, #tpu.memory_space<vmem>>) target(%dma_start3A_45 : memref<40x128xf32, #tpu.memory_space<vmem_shared>>) target_semaphore(%run_scoped3A : memref<!tpu.dma_semaphore, #tpu.memory_space<semaphore_mem>>)
        %dma_wait3A = arith.constant 0 : i32
        %dma_wait3A_46 = tpu.memref_slice %arg8[%add3A_42, %dma_wait3A] : memref<10240x128xf32, #tpu.memory_space<vmem_shared>> -> memref<40x128xf32, #tpu.memory_space<vmem_shared>>
        %dma_wait3A_47 = arith.constant 0 : i32
        %dma_wait3A_48 = tpu.memref_slice %arg8[%add3A_42, %dma_wait3A_47] : memref<10240x128xf32, #tpu.memory_space<vmem_shared>> -> memref<40x128xf32, #tpu.memory_space<vmem_shared>>
        tpu.wait_dma2 semaphore(%run_scoped3A : memref<!tpu.dma_semaphore, #tpu.memory_space<semaphore_mem>>) src(%arg7 : memref<40x128xf32, #tpu.memory_space<vmem>>) dst(%dma_wait3A_48 : memref<40x128xf32, #tpu.memory_space<vmem_shared>>)
        tpu.yield
      }) : () -> ()
    }
    %scan3A_9 = arith.constant 16 : i32
    %barrier3A = arith.constant 0 : index
    tpu.barrier barrier_id(%barrier3A)
    %lt3A = arith.constant 31 : i32
    %lt3A_10 = arith.cmpi slt, %add3A, %lt3A : i32
    %jit3A = arith.constant 4 : i32
    %jit3A_11 = arith.constant 1 : i32
    %select_n3A = arith.select %lt3A_10, %jit3A, %jit3A_11 : i32
    %sub3A = arith.constant 0 : i32
    %sub3A_12 = arith.subi %select_n3A, %sub3A : i32
    %sub3A_13 = arith.constant 1 : i32
    %sub3A_14 = arith.constant 1 : i32
    %sub3A_15 = arith.subi %sub3A_13, %sub3A_14 : i32
    %add3A_16 = arith.addi %sub3A_12, %sub3A_15 : i32
    %div3A = arith.constant 1 : i32
    %div3A_17 = arith.divsi %add3A_16, %div3A : i32
    %while3A = arith.constant 1 : i32
    %while3A_18 = arith.constant 0 : i32
    %while3A_19 = arith.constant 0 : i32
    %while3A_20 = arith.subi %div3A_17, %while3A_19 : i32
    %while3A_21 = arith.addi %while3A_19, %while3A_20 : i32
    %while3A_22 = arith.constant 1 : i32
    %while3A_23 = arith.divsi %while3A_20, %while3A_22 : i32
    %while3A_24 = arith.muli %while3A_23, %while3A_22 : i32
    %while3A_25 = arith.addi %while3A_19, %while3A_24 : i32
    %while3A_26 = arith.constant 1 : i32
    scf.for %while3A_33 = %while3A_19 to %while3A_25 step %while3A_26  : i32 {
      %mul3A_34 = arith.muli %while3A_33, %while3A : i32
      %add3A_35 = arith.addi %while3A_18, %mul3A_34 : i32
      %mul3A_36 = arith.constant 80 : i32
      %mul3A_37 = arith.muli %add3A, %mul3A_36 : i32
      %mul3A_38 = arith.constant 20 : i32
      %mul3A_39 = arith.muli %add3A_35, %mul3A_38 : i32
      %add3A_40 = arith.addi %mul3A_37, %mul3A_39 : i32
      "tpu.region"() ({
        %run_scoped3A = tpu.sem_alloc : memref<!tpu.dma_semaphore, #tpu.memory_space<semaphore_mem>>
        %dma_start3A_71 = arith.constant 0 : i32
        %dma_start3A_72 = arith.constant 0 : i32
        %dma_start3A_73 = tpu.memref_slice %arg3[%add3A_40, %dma_start3A_71, %dma_start3A_72] : memref<2500x2x128xi32, #tpu.memory_space<hbm>> -> memref<20x2x128xi32, #tpu.memory_space<hbm>>
        %dma_start3A_74 = arith.constant 0 : i32
        %dma_start3A_75 = arith.constant 0 : i32
        %dma_start3A_76 = tpu.memref_slice %arg3[%add3A_40, %dma_start3A_74, %dma_start3A_75] : memref<2500x2x128xi32, #tpu.memory_space<hbm>> -> memref<20x2x128xi32, #tpu.memory_space<hbm>>
        tpu.enqueue_dma source(%dma_start3A_76 : memref<20x2x128xi32, #tpu.memory_space<hbm>>) target(%arg5 : memref<20x2x128xi32, #tpu.memory_space<vmem>>) target_semaphore(%run_scoped3A : memref<!tpu.dma_semaphore, #tpu.memory_space<semaphore_mem>>)
        %dma_wait3A = arith.constant 0 : i32
        %dma_wait3A_77 = arith.constant 0 : i32
        %dma_wait3A_78 = tpu.memref_slice %arg3[%add3A_40, %dma_wait3A, %dma_wait3A_77] : memref<2500x2x128xi32, #tpu.memory_space<hbm>> -> memref<20x2x128xi32, #tpu.memory_space<hbm>>
        %dma_wait3A_79 = arith.constant 0 : i32
        %dma_wait3A_80 = arith.constant 0 : i32
        %dma_wait3A_81 = tpu.memref_slice %arg3[%add3A_40, %dma_wait3A_79, %dma_wait3A_80] : memref<2500x2x128xi32, #tpu.memory_space<hbm>> -> memref<20x2x128xi32, #tpu.memory_space<hbm>>
        tpu.wait_dma2 semaphore(%run_scoped3A : memref<!tpu.dma_semaphore, #tpu.memory_space<semaphore_mem>>) src(%dma_wait3A_81 : memref<20x2x128xi32, #tpu.memory_space<hbm>>) dst(%arg5 : memref<20x2x128xi32, #tpu.memory_space<vmem>>)
        tpu.yield
      }) : () -> ()
      %dma_start3A = arith.constant 0 : i32
      %dma_start3A_41 = arith.constant 0 : i32
      %dma_start3A_42 = arith.constant 0 : i32
      %dma_start3A_43 = arith.constant 0 : i32
      %dma_start3A_44 = arith.constant 0 : i32
      %dma_start3A_45 = tpu.memref_slice %arg6[%dma_start3A_42, %dma_start3A_43, %dma_start3A_44] : memref<2x128x128xf32, #tpu.memory_space<vmem>> -> memref<1x128x128xf32, #tpu.memory_space<vmem>>
      %dma_start3A_46 = tpu.memref_squeeze %dma_start3A_45 : memref<1x128x128xf32, #tpu.memory_space<vmem>> -> memref<128x128xf32, #tpu.memory_space<vmem>>
      %dma_start3A_47 = arith.constant 0 : i32
      %dma_start3A_48 = tpu.memref_slice %arg5[%dma_start3A, %dma_start3A_41, %dma_start3A_47] : memref<20x2x128xi32, #tpu.memory_space<vmem>> -> memref<1x1x128xi32, #tpu.memory_space<vmem>>
      %dma_start3A_49 = tpu.memref_squeeze %dma_start3A_48 : memref<1x1x128xi32, #tpu.memory_space<vmem>> -> memref<128xi32, #tpu.memory_space<vmem>>
      %dma_start3A_50 = arith.constant 0 : i32
      %dma_start3A_51 = arith.constant 0 : i32
      %dma_start3A_52 = tpu.memref_slice %arg2[%dma_start3A_50, %dma_start3A_51] : memref<10240x128xf32, #tpu.memory_space<hbm>> -> memref<10240x128xf32, #tpu.memory_space<hbm>>
      tpu.enqueue_indirect_dma source(%dma_start3A_52 : memref<10240x128xf32, #tpu.memory_space<hbm>>) target(%dma_start3A_46 : memref<128x128xf32, #tpu.memory_space<vmem>>) offsets(%dma_start3A_49 : memref<128xi32, #tpu.memory_space<vmem>>) semaphore(%arg9 : memref<!tpu.dma_semaphore, #tpu.memory_space<semaphore_mem>>)
      %dma_start3A_53 = arith.constant 1 : i32
      %dma_start3A_54 = arith.constant 0 : i32
      %dma_start3A_55 = arith.constant 1 : i32
      %dma_start3A_56 = arith.constant 0 : i32
      %dma_start3A_57 = arith.constant 0 : i32
      %dma_start3A_58 = tpu.memref_slice %arg6[%dma_start3A_55, %dma_start3A_56, %dma_start3A_57] : memref<2x128x128xf32, #tpu.memory_space<vmem>> -> memref<1x128x128xf32, #tpu.memory_space<vmem>>
      %dma_start3A_59 = tpu.memref_squeeze %dma_start3A_58 : memref<1x128x128xf32, #tpu.memory_space<vmem>> -> memref<128x128xf32, #tpu.memory_space<vmem>>
      %dma_start3A_60 = arith.constant 0 : i32
      %dma_start3A_61 = tpu.memref_slice %arg5[%dma_start3A_53, %dma_start3A_54, %dma_start3A_60] : memref<20x2x128xi32, #tpu.memory_space<vmem>> -> memref<1x1x128xi32, #tpu.memory_space<vmem>>
      %dma_start3A_62 = tpu.memref_squeeze %dma_start3A_61 : memref<1x1x128xi32, #tpu.memory_space<vmem>> -> memref<128xi32, #tpu.memory_space<vmem>>
      %dma_start3A_63 = arith.constant 0 : i32
      %dma_start3A_64 = arith.constant 0 : i32
      %dma_start3A_65 = tpu.memref_slice %arg2[%dma_start3A_63, %dma_start3A_64] : memref<10240x128xf32, #tpu.memory_space<hbm>> -> memref<10240x128xf32, #tpu.memory_space<hbm>>
      tpu.enqueue_indirect_dma source(%dma_start3A_65 : memref<10240x128xf32, #tpu.memory_space<hbm>>) target(%dma_start3A_59 : memref<128x128xf32, #tpu.memory_space<vmem>>) offsets(%dma_start3A_62 : memref<128xi32, #tpu.memory_space<vmem>>) semaphore(%arg10 : memref<!tpu.dma_semaphore, #tpu.memory_space<semaphore_mem>>)
      %scan3A_66 = arith.constant 0 : i32
      %scan3A_67 = arith.constant 10 : i32
      %scan3A_68 = arith.addi %scan3A_66, %scan3A_67 : i32
      %scan3A_69 = arith.constant 1 : i32
      scf.for %scan3A_71 = %scan3A_66 to %scan3A_68 step %scan3A_69  : i32 {
        %mul3A_72 = arith.constant 2 : i32
        %mul3A_73 = arith.muli %scan3A_71, %mul3A_72 : i32
        %add3A_74 = arith.constant 0 : i32
        %add3A_75 = arith.addi %add3A_74, %mul3A_73 : i32
        %add3A_76 = arith.constant 0 : i32
        %add3A_77 = arith.addi %add3A_75, %add3A_76 : i32
        %dma_wait3A = arith.constant 0 : i32
        %dma_wait3A_78 = arith.constant 0 : i32
        %dma_wait3A_79 = arith.constant 0 : i32
        %dma_wait3A_80 = arith.constant 0 : i32
        %dma_wait3A_81 = tpu.memref_slice %arg6[%dma_wait3A_78, %dma_wait3A_79, %dma_wait3A_80] : memref<2x128x128xf32, #tpu.memory_space<vmem>> -> memref<1x128x128xf32, #tpu.memory_space<vmem>>
        %dma_wait3A_82 = tpu.memref_squeeze %dma_wait3A_81 : memref<1x128x128xf32, #tpu.memory_space<vmem>> -> memref<128x128xf32, #tpu.memory_space<vmem>>
        %dma_wait3A_83 = arith.constant 0 : i32
        %dma_wait3A_84 = tpu.memref_slice %arg5[%add3A_77, %dma_wait3A, %dma_wait3A_83] : memref<20x2x128xi32, #tpu.memory_space<vmem>> -> memref<1x1x128xi32, #tpu.memory_space<vmem>>
        %dma_wait3A_85 = tpu.memref_squeeze %dma_wait3A_84 : memref<1x1x128xi32, #tpu.memory_space<vmem>> -> memref<128xi32, #tpu.memory_space<vmem>>
        %dma_wait3A_86 = arith.constant 0 : i32
        %dma_wait3A_87 = arith.constant 0 : i32
        %dma_wait3A_88 = tpu.memref_slice %arg2[%dma_wait3A_86, %dma_wait3A_87] : memref<10240x128xf32, #tpu.memory_space<hbm>> -> memref<10240x128xf32, #tpu.memory_space<hbm>>
        tpu.wait_indirect_dma semaphore(%arg9 : memref<!tpu.dma_semaphore, #tpu.memory_space<semaphore_mem>>) src(%dma_wait3A_88 : memref<10240x128xf32, #tpu.memory_space<hbm>>) dst(%dma_wait3A_82 : memref<128x128xf32, #tpu.memory_space<vmem>>)
        %run_scoped3A = arith.constant 0 : i32
        %run_scoped3A_89 = arith.constant 1 : i32
        "tpu.region"() ({
          %run_scoped3A_118 = tpu.sem_alloc : memref<!tpu.dma_semaphore, #tpu.memory_space<semaphore_mem>>
          %dma_start3A_119 = arith.constant 0 : i32
          %dma_start3A_120 = arith.constant 0 : i32
          %dma_start3A_121 = tpu.memref_slice %arg6[%run_scoped3A, %dma_start3A_119, %dma_start3A_120] : memref<2x128x128xf32, #tpu.memory_space<vmem>> -> memref<1x128x128xf32, #tpu.memory_space<vmem>>
          %dma_start3A_122 = tpu.memref_squeeze %dma_start3A_121 : memref<1x128x128xf32, #tpu.memory_space<vmem>> -> memref<128x128xf32, #tpu.memory_space<vmem>>
          %dma_start3A_123 = arith.constant 0 : i32
          %dma_start3A_124 = tpu.memref_slice %arg5[%add3A_77, %run_scoped3A_89, %dma_start3A_123] : memref<20x2x128xi32, #tpu.memory_space<vmem>> -> memref<1x1x128xi32, #tpu.memory_space<vmem>>
          %dma_start3A_125 = tpu.memref_squeeze %dma_start3A_124 : memref<1x1x128xi32, #tpu.memory_space<vmem>> -> memref<128xi32, #tpu.memory_space<vmem>>
          %dma_start3A_126 = arith.constant 0 : i32
          %dma_start3A_127 = arith.constant 0 : i32
          %dma_start3A_128 = tpu.memref_slice %arg8[%dma_start3A_126, %dma_start3A_127] : memref<10240x128xf32, #tpu.memory_space<vmem_shared>> -> memref<10240x128xf32, #tpu.memory_space<vmem_shared>>
          tpu.enqueue_indirect_dma source(%dma_start3A_122 : memref<128x128xf32, #tpu.memory_space<vmem>>) target(%dma_start3A_128 : memref<10240x128xf32, #tpu.memory_space<vmem_shared>>) offsets(%dma_start3A_125 : memref<128xi32, #tpu.memory_space<vmem>>) semaphore(%run_scoped3A_118 : memref<!tpu.dma_semaphore, #tpu.memory_space<semaphore_mem>>) {add = true}
          %dma_wait3A_129 = arith.constant 0 : i32
          %dma_wait3A_130 = arith.constant 0 : i32
          %dma_wait3A_131 = tpu.memref_slice %arg6[%run_scoped3A, %dma_wait3A_129, %dma_wait3A_130] : memref<2x128x128xf32, #tpu.memory_space<vmem>> -> memref<1x128x128xf32, #tpu.memory_space<vmem>>
          %dma_wait3A_132 = tpu.memref_squeeze %dma_wait3A_131 : memref<1x128x128xf32, #tpu.memory_space<vmem>> -> memref<128x128xf32, #tpu.memory_space<vmem>>
          %dma_wait3A_133 = arith.constant 0 : i32
          %dma_wait3A_134 = tpu.memref_slice %arg5[%add3A_77, %run_scoped3A_89, %dma_wait3A_133] : memref<20x2x128xi32, #tpu.memory_space<vmem>> -> memref<1x1x128xi32, #tpu.memory_space<vmem>>
          %dma_wait3A_135 = tpu.memref_squeeze %dma_wait3A_134 : memref<1x1x128xi32, #tpu.memory_space<vmem>> -> memref<128xi32, #tpu.memory_space<vmem>>
          %dma_wait3A_136 = arith.constant 0 : i32
          %dma_wait3A_137 = arith.constant 0 : i32
          %dma_wait3A_138 = tpu.memref_slice %arg8[%dma_wait3A_136, %dma_wait3A_137] : memref<10240x128xf32, #tpu.memory_space<vmem_shared>> -> memref<10240x128xf32, #tpu.memory_space<vmem_shared>>
          tpu.wait_indirect_dma semaphore(%run_scoped3A_118 : memref<!tpu.dma_semaphore, #tpu.memory_space<semaphore_mem>>) src(%dma_wait3A_132 : memref<128x128xf32, #tpu.memory_space<vmem>>) dst(%dma_wait3A_138 : memref<10240x128xf32, #tpu.memory_space<vmem_shared>>)
          tpu.yield
        }) : () -> ()
        %add3A_90 = arith.constant 2 : i32
        %add3A_91 = arith.addi %add3A_77, %add3A_90 : i32
        %lt3A_92 = arith.constant 20 : i32
        %lt3A_93 = arith.cmpi slt, %add3A_91, %lt3A_92 : i32
        %convert_element_type3A = arith.extui %lt3A_93 : i1 to i32
        %cond3A = arith.constant 0 : i32
        %cond3A_94 = arith.cmpi ne, %convert_element_type3A, %cond3A : i32
        scf.if %cond3A_94 {
          %add3A_118 = arith.constant 2 : i32
          %add3A_119 = arith.addi %add3A_77, %add3A_118 : i32
          %dma_start3A_120 = arith.constant 0 : i32
          %dma_start3A_121 = arith.constant 0 : i32
          %dma_start3A_122 = arith.constant 0 : i32
          %dma_start3A_123 = arith.constant 0 : i32
          %dma_start3A_124 = tpu.memref_slice %arg6[%dma_start3A_121, %dma_start3A_122, %dma_start3A_123] : memref<2x128x128xf32, #tpu.memory_space<vmem>> -> memref<1x128x128xf32, #tpu.memory_space<vmem>>
          %dma_start3A_125 = tpu.memref_squeeze %dma_start3A_124 : memref<1x128x128xf32, #tpu.memory_space<vmem>> -> memref<128x128xf32, #tpu.memory_space<vmem>>
          %dma_start3A_126 = arith.constant 0 : i32
          %dma_start3A_127 = tpu.memref_slice %arg5[%add3A_119, %dma_start3A_120, %dma_start3A_126] : memref<20x2x128xi32, #tpu.memory_space<vmem>> -> memref<1x1x128xi32, #tpu.memory_space<vmem>>
          %dma_start3A_128 = tpu.memref_squeeze %dma_start3A_127 : memref<1x1x128xi32, #tpu.memory_space<vmem>> -> memref<128xi32, #tpu.memory_space<vmem>>
          %dma_start3A_129 = arith.constant 0 : i32
          %dma_start3A_130 = arith.constant 0 : i32
          %dma_start3A_131 = tpu.memref_slice %arg2[%dma_start3A_129, %dma_start3A_130] : memref<10240x128xf32, #tpu.memory_space<hbm>> -> memref<10240x128xf32, #tpu.memory_space<hbm>>
          tpu.enqueue_indirect_dma source(%dma_start3A_131 : memref<10240x128xf32, #tpu.memory_space<hbm>>) target(%dma_start3A_125 : memref<128x128xf32, #tpu.memory_space<vmem>>) offsets(%dma_start3A_128 : memref<128xi32, #tpu.memory_space<vmem>>) semaphore(%arg9 : memref<!tpu.dma_semaphore, #tpu.memory_space<semaphore_mem>>)
        } else {
        }
        %add3A_95 = arith.constant 1 : i32
        %add3A_96 = arith.addi %add3A_75, %add3A_95 : i32
        %dma_wait3A_97 = arith.constant 0 : i32
        %dma_wait3A_98 = arith.constant 1 : i32
        %dma_wait3A_99 = arith.constant 0 : i32
        %dma_wait3A_100 = arith.constant 0 : i32
        %dma_wait3A_101 = tpu.memref_slice %arg6[%dma_wait3A_98, %dma_wait3A_99, %dma_wait3A_100] : memref<2x128x128xf32, #tpu.memory_space<vmem>> -> memref<1x128x128xf32, #tpu.memory_space<vmem>>
        %dma_wait3A_102 = tpu.memref_squeeze %dma_wait3A_101 : memref<1x128x128xf32, #tpu.memory_space<vmem>> -> memref<128x128xf32, #tpu.memory_space<vmem>>
        %dma_wait3A_103 = arith.constant 0 : i32
        %dma_wait3A_104 = tpu.memref_slice %arg5[%add3A_96, %dma_wait3A_97, %dma_wait3A_103] : memref<20x2x128xi32, #tpu.memory_space<vmem>> -> memref<1x1x128xi32, #tpu.memory_space<vmem>>
        %dma_wait3A_105 = tpu.memref_squeeze %dma_wait3A_104 : memref<1x1x128xi32, #tpu.memory_space<vmem>> -> memref<128xi32, #tpu.memory_space<vmem>>
        %dma_wait3A_106 = arith.constant 0 : i32
        %dma_wait3A_107 = arith.constant 0 : i32
        %dma_wait3A_108 = tpu.memref_slice %arg2[%dma_wait3A_106, %dma_wait3A_107] : memref<10240x128xf32, #tpu.memory_space<hbm>> -> memref<10240x128xf32, #tpu.memory_space<hbm>>
        tpu.wait_indirect_dma semaphore(%arg10 : memref<!tpu.dma_semaphore, #tpu.memory_space<semaphore_mem>>) src(%dma_wait3A_108 : memref<10240x128xf32, #tpu.memory_space<hbm>>) dst(%dma_wait3A_102 : memref<128x128xf32, #tpu.memory_space<vmem>>)
        %run_scoped3A_109 = arith.constant 1 : i32
        %run_scoped3A_110 = arith.constant 1 : i32
        "tpu.region"() ({
          %run_scoped3A_118 = tpu.sem_alloc : memref<!tpu.dma_semaphore, #tpu.memory_space<semaphore_mem>>
          %dma_start3A_119 = arith.constant 0 : i32
          %dma_start3A_120 = arith.constant 0 : i32
          %dma_start3A_121 = tpu.memref_slice %arg6[%run_scoped3A_109, %dma_start3A_119, %dma_start3A_120] : memref<2x128x128xf32, #tpu.memory_space<vmem>> -> memref<1x128x128xf32, #tpu.memory_space<vmem>>
          %dma_start3A_122 = tpu.memref_squeeze %dma_start3A_121 : memref<1x128x128xf32, #tpu.memory_space<vmem>> -> memref<128x128xf32, #tpu.memory_space<vmem>>
          %dma_start3A_123 = arith.constant 0 : i32
          %dma_start3A_124 = tpu.memref_slice %arg5[%add3A_96, %run_scoped3A_110, %dma_start3A_123] : memref<20x2x128xi32, #tpu.memory_space<vmem>> -> memref<1x1x128xi32, #tpu.memory_space<vmem>>
          %dma_start3A_125 = tpu.memref_squeeze %dma_start3A_124 : memref<1x1x128xi32, #tpu.memory_space<vmem>> -> memref<128xi32, #tpu.memory_space<vmem>>
          %dma_start3A_126 = arith.constant 0 : i32
          %dma_start3A_127 = arith.constant 0 : i32
          %dma_start3A_128 = tpu.memref_slice %arg8[%dma_start3A_126, %dma_start3A_127] : memref<10240x128xf32, #tpu.memory_space<vmem_shared>> -> memref<10240x128xf32, #tpu.memory_space<vmem_shared>>
          tpu.enqueue_indirect_dma source(%dma_start3A_122 : memref<128x128xf32, #tpu.memory_space<vmem>>) target(%dma_start3A_128 : memref<10240x128xf32, #tpu.memory_space<vmem_shared>>) offsets(%dma_start3A_125 : memref<128xi32, #tpu.memory_space<vmem>>) semaphore(%run_scoped3A_118 : memref<!tpu.dma_semaphore, #tpu.memory_space<semaphore_mem>>) {add = true}
          %dma_wait3A_129 = arith.constant 0 : i32
          %dma_wait3A_130 = arith.constant 0 : i32
          %dma_wait3A_131 = tpu.memref_slice %arg6[%run_scoped3A_109, %dma_wait3A_129, %dma_wait3A_130] : memref<2x128x128xf32, #tpu.memory_space<vmem>> -> memref<1x128x128xf32, #tpu.memory_space<vmem>>
          %dma_wait3A_132 = tpu.memref_squeeze %dma_wait3A_131 : memref<1x128x128xf32, #tpu.memory_space<vmem>> -> memref<128x128xf32, #tpu.memory_space<vmem>>
          %dma_wait3A_133 = arith.constant 0 : i32
          %dma_wait3A_134 = tpu.memref_slice %arg5[%add3A_96, %run_scoped3A_110, %dma_wait3A_133] : memref<20x2x128xi32, #tpu.memory_space<vmem>> -> memref<1x1x128xi32, #tpu.memory_space<vmem>>
          %dma_wait3A_135 = tpu.memref_squeeze %dma_wait3A_134 : memref<1x1x128xi32, #tpu.memory_space<vmem>> -> memref<128xi32, #tpu.memory_space<vmem>>
          %dma_wait3A_136 = arith.constant 0 : i32
          %dma_wait3A_137 = arith.constant 0 : i32
          %dma_wait3A_138 = tpu.memref_slice %arg8[%dma_wait3A_136, %dma_wait3A_137] : memref<10240x128xf32, #tpu.memory_space<vmem_shared>> -> memref<10240x128xf32, #tpu.memory_space<vmem_shared>>
          tpu.wait_indirect_dma semaphore(%run_scoped3A_118 : memref<!tpu.dma_semaphore, #tpu.memory_space<semaphore_mem>>) src(%dma_wait3A_132 : memref<128x128xf32, #tpu.memory_space<vmem>>) dst(%dma_wait3A_138 : memref<10240x128xf32, #tpu.memory_space<vmem_shared>>)
          tpu.yield
        }) : () -> ()
        %add3A_111 = arith.constant 2 : i32
        %add3A_112 = arith.addi %add3A_96, %add3A_111 : i32
        %lt3A_113 = arith.constant 20 : i32
        %lt3A_114 = arith.cmpi slt, %add3A_112, %lt3A_113 : i32
        %convert_element_type3A_115 = arith.extui %lt3A_114 : i1 to i32
        %cond3A_116 = arith.constant 0 : i32
        %cond3A_117 = arith.cmpi ne, %convert_element_type3A_115, %cond3A_116 : i32
        scf.if %cond3A_117 {
          %add3A_118 = arith.constant 2 : i32
          %add3A_119 = arith.addi %add3A_96, %add3A_118 : i32
          %dma_start3A_120 = arith.constant 0 : i32
          %dma_start3A_121 = arith.constant 1 : i32
          %dma_start3A_122 = arith.constant 0 : i32
          %dma_start3A_123 = arith.constant 0 : i32
          %dma_start3A_124 = tpu.memref_slice %arg6[%dma_start3A_121, %dma_start3A_122, %dma_start3A_123] : memref<2x128x128xf32, #tpu.memory_space<vmem>> -> memref<1x128x128xf32, #tpu.memory_space<vmem>>
          %dma_start3A_125 = tpu.memref_squeeze %dma_start3A_124 : memref<1x128x128xf32, #tpu.memory_space<vmem>> -> memref<128x128xf32, #tpu.memory_space<vmem>>
          %dma_start3A_126 = arith.constant 0 : i32
          %dma_start3A_127 = tpu.memref_slice %arg5[%add3A_119, %dma_start3A_120, %dma_start3A_126] : memref<20x2x128xi32, #tpu.memory_space<vmem>> -> memref<1x1x128xi32, #tpu.memory_space<vmem>>
          %dma_start3A_128 = tpu.memref_squeeze %dma_start3A_127 : memref<1x1x128xi32, #tpu.memory_space<vmem>> -> memref<128xi32, #tpu.memory_space<vmem>>
          %dma_start3A_129 = arith.constant 0 : i32
          %dma_start3A_130 = arith.constant 0 : i32
          %dma_start3A_131 = tpu.memref_slice %arg2[%dma_start3A_129, %dma_start3A_130] : memref<10240x128xf32, #tpu.memory_space<hbm>> -> memref<10240x128xf32, #tpu.memory_space<hbm>>
          tpu.enqueue_indirect_dma source(%dma_start3A_131 : memref<10240x128xf32, #tpu.memory_space<hbm>>) target(%dma_start3A_125 : memref<128x128xf32, #tpu.memory_space<vmem>>) offsets(%dma_start3A_128 : memref<128xi32, #tpu.memory_space<vmem>>) semaphore(%arg10 : memref<!tpu.dma_semaphore, #tpu.memory_space<semaphore_mem>>)
        } else {
        }
      }
      %scan3A_70 = arith.constant 10 : i32
    }
    %while3A_27 = arith.constant 1 : i32
    scf.for %while3A_33 = %while3A_25 to %while3A_21 step %while3A_27  : i32 {
      %mul3A_34 = arith.muli %while3A_33, %while3A : i32
      %add3A_35 = arith.addi %while3A_18, %mul3A_34 : i32
      %mul3A_36 = arith.constant 80 : i32
      %mul3A_37 = arith.muli %add3A, %mul3A_36 : i32
      %mul3A_38 = arith.constant 20 : i32
      %mul3A_39 = arith.muli %add3A_35, %mul3A_38 : i32
      %add3A_40 = arith.addi %mul3A_37, %mul3A_39 : i32
      "tpu.region"() ({
        %run_scoped3A = tpu.sem_alloc : memref<!tpu.dma_semaphore, #tpu.memory_space<semaphore_mem>>
        %dma_start3A_71 = arith.constant 0 : i32
        %dma_start3A_72 = arith.constant 0 : i32
        %dma_start3A_73 = tpu.memref_slice %arg3[%add3A_40, %dma_start3A_71, %dma_start3A_72] : memref<2500x2x128xi32, #tpu.memory_space<hbm>> -> memref<20x2x128xi32, #tpu.memory_space<hbm>>
        %dma_start3A_74 = arith.constant 0 : i32
        %dma_start3A_75 = arith.constant 0 : i32
        %dma_start3A_76 = tpu.memref_slice %arg3[%add3A_40, %dma_start3A_74, %dma_start3A_75] : memref<2500x2x128xi32, #tpu.memory_space<hbm>> -> memref<20x2x128xi32, #tpu.memory_space<hbm>>
        tpu.enqueue_dma source(%dma_start3A_76 : memref<20x2x128xi32, #tpu.memory_space<hbm>>) target(%arg5 : memref<20x2x128xi32, #tpu.memory_space<vmem>>) target_semaphore(%run_scoped3A : memref<!tpu.dma_semaphore, #tpu.memory_space<semaphore_mem>>)
        %dma_wait3A = arith.constant 0 : i32
        %dma_wait3A_77 = arith.constant 0 : i32
        %dma_wait3A_78 = tpu.memref_slice %arg3[%add3A_40, %dma_wait3A, %dma_wait3A_77] : memref<2500x2x128xi32, #tpu.memory_space<hbm>> -> memref<20x2x128xi32, #tpu.memory_space<hbm>>
        %dma_wait3A_79 = arith.constant 0 : i32
        %dma_wait3A_80 = arith.constant 0 : i32
        %dma_wait3A_81 = tpu.memref_slice %arg3[%add3A_40, %dma_wait3A_79, %dma_wait3A_80] : memref<2500x2x128xi32, #tpu.memory_space<hbm>> -> memref<20x2x128xi32, #tpu.memory_space<hbm>>
        tpu.wait_dma2 semaphore(%run_scoped3A : memref<!tpu.dma_semaphore, #tpu.memory_space<semaphore_mem>>) src(%dma_wait3A_81 : memref<20x2x128xi32, #tpu.memory_space<hbm>>) dst(%arg5 : memref<20x2x128xi32, #tpu.memory_space<vmem>>)
        tpu.yield
      }) : () -> ()
      %dma_start3A = arith.constant 0 : i32
      %dma_start3A_41 = arith.constant 0 : i32
      %dma_start3A_42 = arith.constant 0 : i32
      %dma_start3A_43 = arith.constant 0 : i32
      %dma_start3A_44 = arith.constant 0 : i32
      %dma_start3A_45 = tpu.memref_slice %arg6[%dma_start3A_42, %dma_start3A_43, %dma_start3A_44] : memref<2x128x128xf32, #tpu.memory_space<vmem>> -> memref<1x128x128xf32, #tpu.memory_space<vmem>>
      %dma_start3A_46 = tpu.memref_squeeze %dma_start3A_45 : memref<1x128x128xf32, #tpu.memory_space<vmem>> -> memref<128x128xf32, #tpu.memory_space<vmem>>
      %dma_start3A_47 = arith.constant 0 : i32
      %dma_start3A_48 = tpu.memref_slice %arg5[%dma_start3A, %dma_start3A_41, %dma_start3A_47] : memref<20x2x128xi32, #tpu.memory_space<vmem>> -> memref<1x1x128xi32, #tpu.memory_space<vmem>>
      %dma_start3A_49 = tpu.memref_squeeze %dma_start3A_48 : memref<1x1x128xi32, #tpu.memory_space<vmem>> -> memref<128xi32, #tpu.memory_space<vmem>>
      %dma_start3A_50 = arith.constant 0 : i32
      %dma_start3A_51 = arith.constant 0 : i32
      %dma_start3A_52 = tpu.memref_slice %arg2[%dma_start3A_50, %dma_start3A_51] : memref<10240x128xf32, #tpu.memory_space<hbm>> -> memref<10240x128xf32, #tpu.memory_space<hbm>>
      tpu.enqueue_indirect_dma source(%dma_start3A_52 : memref<10240x128xf32, #tpu.memory_space<hbm>>) target(%dma_start3A_46 : memref<128x128xf32, #tpu.memory_space<vmem>>) offsets(%dma_start3A_49 : memref<128xi32, #tpu.memory_space<vmem>>) semaphore(%arg9 : memref<!tpu.dma_semaphore, #tpu.memory_space<semaphore_mem>>)
      %dma_start3A_53 = arith.constant 1 : i32
      %dma_start3A_54 = arith.constant 0 : i32
      %dma_start3A_55 = arith.constant 1 : i32
      %dma_start3A_56 = arith.constant 0 : i32
      %dma_start3A_57 = arith.constant 0 : i32
      %dma_start3A_58 = tpu.memref_slice %arg6[%dma_start3A_55, %dma_start3A_56, %dma_start3A_57] : memref<2x128x128xf32, #tpu.memory_space<vmem>> -> memref<1x128x128xf32, #tpu.memory_space<vmem>>
      %dma_start3A_59 = tpu.memref_squeeze %dma_start3A_58 : memref<1x128x128xf32, #tpu.memory_space<vmem>> -> memref<128x128xf32, #tpu.memory_space<vmem>>
      %dma_start3A_60 = arith.constant 0 : i32
      %dma_start3A_61 = tpu.memref_slice %arg5[%dma_start3A_53, %dma_start3A_54, %dma_start3A_60] : memref<20x2x128xi32, #tpu.memory_space<vmem>> -> memref<1x1x128xi32, #tpu.memory_space<vmem>>
      %dma_start3A_62 = tpu.memref_squeeze %dma_start3A_61 : memref<1x1x128xi32, #tpu.memory_space<vmem>> -> memref<128xi32, #tpu.memory_space<vmem>>
      %dma_start3A_63 = arith.constant 0 : i32
      %dma_start3A_64 = arith.constant 0 : i32
      %dma_start3A_65 = tpu.memref_slice %arg2[%dma_start3A_63, %dma_start3A_64] : memref<10240x128xf32, #tpu.memory_space<hbm>> -> memref<10240x128xf32, #tpu.memory_space<hbm>>
      tpu.enqueue_indirect_dma source(%dma_start3A_65 : memref<10240x128xf32, #tpu.memory_space<hbm>>) target(%dma_start3A_59 : memref<128x128xf32, #tpu.memory_space<vmem>>) offsets(%dma_start3A_62 : memref<128xi32, #tpu.memory_space<vmem>>) semaphore(%arg10 : memref<!tpu.dma_semaphore, #tpu.memory_space<semaphore_mem>>)
      %scan3A_66 = arith.constant 0 : i32
      %scan3A_67 = arith.constant 10 : i32
      %scan3A_68 = arith.addi %scan3A_66, %scan3A_67 : i32
      %scan3A_69 = arith.constant 1 : i32
      scf.for %scan3A_71 = %scan3A_66 to %scan3A_68 step %scan3A_69  : i32 {
        %mul3A_72 = arith.constant 2 : i32
        %mul3A_73 = arith.muli %scan3A_71, %mul3A_72 : i32
        %add3A_74 = arith.constant 0 : i32
        %add3A_75 = arith.addi %add3A_74, %mul3A_73 : i32
        %add3A_76 = arith.constant 0 : i32
        %add3A_77 = arith.addi %add3A_75, %add3A_76 : i32
        %dma_wait3A = arith.constant 0 : i32
        %dma_wait3A_78 = arith.constant 0 : i32
        %dma_wait3A_79 = arith.constant 0 : i32
        %dma_wait3A_80 = arith.constant 0 : i32
        %dma_wait3A_81 = tpu.memref_slice %arg6[%dma_wait3A_78, %dma_wait3A_79, %dma_wait3A_80] : memref<2x128x128xf32, #tpu.memory_space<vmem>> -> memref<1x128x128xf32, #tpu.memory_space<vmem>>
        %dma_wait3A_82 = tpu.memref_squeeze %dma_wait3A_81 : memref<1x128x128xf32, #tpu.memory_space<vmem>> -> memref<128x128xf32, #tpu.memory_space<vmem>>
        %dma_wait3A_83 = arith.constant 0 : i32
        %dma_wait3A_84 = tpu.memref_slice %arg5[%add3A_77, %dma_wait3A, %dma_wait3A_83] : memref<20x2x128xi32, #tpu.memory_space<vmem>> -> memref<1x1x128xi32, #tpu.memory_space<vmem>>
        %dma_wait3A_85 = tpu.memref_squeeze %dma_wait3A_84 : memref<1x1x128xi32, #tpu.memory_space<vmem>> -> memref<128xi32, #tpu.memory_space<vmem>>
        %dma_wait3A_86 = arith.constant 0 : i32
        %dma_wait3A_87 = arith.constant 0 : i32
        %dma_wait3A_88 = tpu.memref_slice %arg2[%dma_wait3A_86, %dma_wait3A_87] : memref<10240x128xf32, #tpu.memory_space<hbm>> -> memref<10240x128xf32, #tpu.memory_space<hbm>>
        tpu.wait_indirect_dma semaphore(%arg9 : memref<!tpu.dma_semaphore, #tpu.memory_space<semaphore_mem>>) src(%dma_wait3A_88 : memref<10240x128xf32, #tpu.memory_space<hbm>>) dst(%dma_wait3A_82 : memref<128x128xf32, #tpu.memory_space<vmem>>)
        %run_scoped3A = arith.constant 0 : i32
        %run_scoped3A_89 = arith.constant 1 : i32
        "tpu.region"() ({
          %run_scoped3A_118 = tpu.sem_alloc : memref<!tpu.dma_semaphore, #tpu.memory_space<semaphore_mem>>
          %dma_start3A_119 = arith.constant 0 : i32
          %dma_start3A_120 = arith.constant 0 : i32
          %dma_start3A_121 = tpu.memref_slice %arg6[%run_scoped3A, %dma_start3A_119, %dma_start3A_120] : memref<2x128x128xf32, #tpu.memory_space<vmem>> -> memref<1x128x128xf32, #tpu.memory_space<vmem>>
          %dma_start3A_122 = tpu.memref_squeeze %dma_start3A_121 : memref<1x128x128xf32, #tpu.memory_space<vmem>> -> memref<128x128xf32, #tpu.memory_space<vmem>>
          %dma_start3A_123 = arith.constant 0 : i32
          %dma_start3A_124 = tpu.memref_slice %arg5[%add3A_77, %run_scoped3A_89, %dma_start3A_123] : memref<20x2x128xi32, #tpu.memory_space<vmem>> -> memref<1x1x128xi32, #tpu.memory_space<vmem>>
          %dma_start3A_125 = tpu.memref_squeeze %dma_start3A_124 : memref<1x1x128xi32, #tpu.memory_space<vmem>> -> memref<128xi32, #tpu.memory_space<vmem>>
          %dma_start3A_126 = arith.constant 0 : i32
          %dma_start3A_127 = arith.constant 0 : i32
          %dma_start3A_128 = tpu.memref_slice %arg8[%dma_start3A_126, %dma_start3A_127] : memref<10240x128xf32, #tpu.memory_space<vmem_shared>> -> memref<10240x128xf32, #tpu.memory_space<vmem_shared>>
          tpu.enqueue_indirect_dma source(%dma_start3A_122 : memref<128x128xf32, #tpu.memory_space<vmem>>) target(%dma_start3A_128 : memref<10240x128xf32, #tpu.memory_space<vmem_shared>>) offsets(%dma_start3A_125 : memref<128xi32, #tpu.memory_space<vmem>>) semaphore(%run_scoped3A_118 : memref<!tpu.dma_semaphore, #tpu.memory_space<semaphore_mem>>) {add = true}
          %dma_wait3A_129 = arith.constant 0 : i32
          %dma_wait3A_130 = arith.constant 0 : i32
          %dma_wait3A_131 = tpu.memref_slice %arg6[%run_scoped3A, %dma_wait3A_129, %dma_wait3A_130] : memref<2x128x128xf32, #tpu.memory_space<vmem>> -> memref<1x128x128xf32, #tpu.memory_space<vmem>>
          %dma_wait3A_132 = tpu.memref_squeeze %dma_wait3A_131 : memref<1x128x128xf32, #tpu.memory_space<vmem>> -> memref<128x128xf32, #tpu.memory_space<vmem>>
          %dma_wait3A_133 = arith.constant 0 : i32
          %dma_wait3A_134 = tpu.memref_slice %arg5[%add3A_77, %run_scoped3A_89, %dma_wait3A_133] : memref<20x2x128xi32, #tpu.memory_space<vmem>> -> memref<1x1x128xi32, #tpu.memory_space<vmem>>
          %dma_wait3A_135 = tpu.memref_squeeze %dma_wait3A_134 : memref<1x1x128xi32, #tpu.memory_space<vmem>> -> memref<128xi32, #tpu.memory_space<vmem>>
          %dma_wait3A_136 = arith.constant 0 : i32
          %dma_wait3A_137 = arith.constant 0 : i32
          %dma_wait3A_138 = tpu.memref_slice %arg8[%dma_wait3A_136, %dma_wait3A_137] : memref<10240x128xf32, #tpu.memory_space<vmem_shared>> -> memref<10240x128xf32, #tpu.memory_space<vmem_shared>>
          tpu.wait_indirect_dma semaphore(%run_scoped3A_118 : memref<!tpu.dma_semaphore, #tpu.memory_space<semaphore_mem>>) src(%dma_wait3A_132 : memref<128x128xf32, #tpu.memory_space<vmem>>) dst(%dma_wait3A_138 : memref<10240x128xf32, #tpu.memory_space<vmem_shared>>)
          tpu.yield
        }) : () -> ()
        %add3A_90 = arith.constant 2 : i32
        %add3A_91 = arith.addi %add3A_77, %add3A_90 : i32
        %lt3A_92 = arith.constant 20 : i32
        %lt3A_93 = arith.cmpi slt, %add3A_91, %lt3A_92 : i32
        %convert_element_type3A = arith.extui %lt3A_93 : i1 to i32
        %cond3A = arith.constant 0 : i32
        %cond3A_94 = arith.cmpi ne, %convert_element_type3A, %cond3A : i32
        scf.if %cond3A_94 {
          %add3A_118 = arith.constant 2 : i32
          %add3A_119 = arith.addi %add3A_77, %add3A_118 : i32
          %dma_start3A_120 = arith.constant 0 : i32
          %dma_start3A_121 = arith.constant 0 : i32
          %dma_start3A_122 = arith.constant 0 : i32
          %dma_start3A_123 = arith.constant 0 : i32
          %dma_start3A_124 = tpu.memref_slice %arg6[%dma_start3A_121, %dma_start3A_122, %dma_start3A_123] : memref<2x128x128xf32, #tpu.memory_space<vmem>> -> memref<1x128x128xf32, #tpu.memory_space<vmem>>
          %dma_start3A_125 = tpu.memref_squeeze %dma_start3A_124 : memref<1x128x128xf32, #tpu.memory_space<vmem>> -> memref<128x128xf32, #tpu.memory_space<vmem>>
          %dma_start3A_126 = arith.constant 0 : i32
          %dma_start3A_127 = tpu.memref_slice %arg5[%add3A_119, %dma_start3A_120, %dma_start3A_126] : memref<20x2x128xi32, #tpu.memory_space<vmem>> -> memref<1x1x128xi32, #tpu.memory_space<vmem>>
          %dma_start3A_128 = tpu.memref_squeeze %dma_start3A_127 : memref<1x1x128xi32, #tpu.memory_space<vmem>> -> memref<128xi32, #tpu.memory_space<vmem>>
          %dma_start3A_129 = arith.constant 0 : i32
          %dma_start3A_130 = arith.constant 0 : i32
          %dma_start3A_131 = tpu.memref_slice %arg2[%dma_start3A_129, %dma_start3A_130] : memref<10240x128xf32, #tpu.memory_space<hbm>> -> memref<10240x128xf32, #tpu.memory_space<hbm>>
          tpu.enqueue_indirect_dma source(%dma_start3A_131 : memref<10240x128xf32, #tpu.memory_space<hbm>>) target(%dma_start3A_125 : memref<128x128xf32, #tpu.memory_space<vmem>>) offsets(%dma_start3A_128 : memref<128xi32, #tpu.memory_space<vmem>>) semaphore(%arg9 : memref<!tpu.dma_semaphore, #tpu.memory_space<semaphore_mem>>)
        } else {
        }
        %add3A_95 = arith.constant 1 : i32
        %add3A_96 = arith.addi %add3A_75, %add3A_95 : i32
        %dma_wait3A_97 = arith.constant 0 : i32
        %dma_wait3A_98 = arith.constant 1 : i32
        %dma_wait3A_99 = arith.constant 0 : i32
        %dma_wait3A_100 = arith.constant 0 : i32
        %dma_wait3A_101 = tpu.memref_slice %arg6[%dma_wait3A_98, %dma_wait3A_99, %dma_wait3A_100] : memref<2x128x128xf32, #tpu.memory_space<vmem>> -> memref<1x128x128xf32, #tpu.memory_space<vmem>>
        %dma_wait3A_102 = tpu.memref_squeeze %dma_wait3A_101 : memref<1x128x128xf32, #tpu.memory_space<vmem>> -> memref<128x128xf32, #tpu.memory_space<vmem>>
        %dma_wait3A_103 = arith.constant 0 : i32
        %dma_wait3A_104 = tpu.memref_slice %arg5[%add3A_96, %dma_wait3A_97, %dma_wait3A_103] : memref<20x2x128xi32, #tpu.memory_space<vmem>> -> memref<1x1x128xi32, #tpu.memory_space<vmem>>
        %dma_wait3A_105 = tpu.memref_squeeze %dma_wait3A_104 : memref<1x1x128xi32, #tpu.memory_space<vmem>> -> memref<128xi32, #tpu.memory_space<vmem>>
        %dma_wait3A_106 = arith.constant 0 : i32
        %dma_wait3A_107 = arith.constant 0 : i32
        %dma_wait3A_108 = tpu.memref_slice %arg2[%dma_wait3A_106, %dma_wait3A_107] : memref<10240x128xf32, #tpu.memory_space<hbm>> -> memref<10240x128xf32, #tpu.memory_space<hbm>>
        tpu.wait_indirect_dma semaphore(%arg10 : memref<!tpu.dma_semaphore, #tpu.memory_space<semaphore_mem>>) src(%dma_wait3A_108 : memref<10240x128xf32, #tpu.memory_space<hbm>>) dst(%dma_wait3A_102 : memref<128x128xf32, #tpu.memory_space<vmem>>)
        %run_scoped3A_109 = arith.constant 1 : i32
        %run_scoped3A_110 = arith.constant 1 : i32
        "tpu.region"() ({
          %run_scoped3A_118 = tpu.sem_alloc : memref<!tpu.dma_semaphore, #tpu.memory_space<semaphore_mem>>
          %dma_start3A_119 = arith.constant 0 : i32
          %dma_start3A_120 = arith.constant 0 : i32
          %dma_start3A_121 = tpu.memref_slice %arg6[%run_scoped3A_109, %dma_start3A_119, %dma_start3A_120] : memref<2x128x128xf32, #tpu.memory_space<vmem>> -> memref<1x128x128xf32, #tpu.memory_space<vmem>>
          %dma_start3A_122 = tpu.memref_squeeze %dma_start3A_121 : memref<1x128x128xf32, #tpu.memory_space<vmem>> -> memref<128x128xf32, #tpu.memory_space<vmem>>
          %dma_start3A_123 = arith.constant 0 : i32
          %dma_start3A_124 = tpu.memref_slice %arg5[%add3A_96, %run_scoped3A_110, %dma_start3A_123] : memref<20x2x128xi32, #tpu.memory_space<vmem>> -> memref<1x1x128xi32, #tpu.memory_space<vmem>>
          %dma_start3A_125 = tpu.memref_squeeze %dma_start3A_124 : memref<1x1x128xi32, #tpu.memory_space<vmem>> -> memref<128xi32, #tpu.memory_space<vmem>>
          %dma_start3A_126 = arith.constant 0 : i32
          %dma_start3A_127 = arith.constant 0 : i32
          %dma_start3A_128 = tpu.memref_slice %arg8[%dma_start3A_126, %dma_start3A_127] : memref<10240x128xf32, #tpu.memory_space<vmem_shared>> -> memref<10240x128xf32, #tpu.memory_space<vmem_shared>>
          tpu.enqueue_indirect_dma source(%dma_start3A_122 : memref<128x128xf32, #tpu.memory_space<vmem>>) target(%dma_start3A_128 : memref<10240x128xf32, #tpu.memory_space<vmem_shared>>) offsets(%dma_start3A_125 : memref<128xi32, #tpu.memory_space<vmem>>) semaphore(%run_scoped3A_118 : memref<!tpu.dma_semaphore, #tpu.memory_space<semaphore_mem>>) {add = true}
          %dma_wait3A_129 = arith.constant 0 : i32
          %dma_wait3A_130 = arith.constant 0 : i32
          %dma_wait3A_131 = tpu.memref_slice %arg6[%run_scoped3A_109, %dma_wait3A_129, %dma_wait3A_130] : memref<2x128x128xf32, #tpu.memory_space<vmem>> -> memref<1x128x128xf32, #tpu.memory_space<vmem>>
          %dma_wait3A_132 = tpu.memref_squeeze %dma_wait3A_131 : memref<1x128x128xf32, #tpu.memory_space<vmem>> -> memref<128x128xf32, #tpu.memory_space<vmem>>
          %dma_wait3A_133 = arith.constant 0 : i32
          %dma_wait3A_134 = tpu.memref_slice %arg5[%add3A_96, %run_scoped3A_110, %dma_wait3A_133] : memref<20x2x128xi32, #tpu.memory_space<vmem>> -> memref<1x1x128xi32, #tpu.memory_space<vmem>>
          %dma_wait3A_135 = tpu.memref_squeeze %dma_wait3A_134 : memref<1x1x128xi32, #tpu.memory_space<vmem>> -> memref<128xi32, #tpu.memory_space<vmem>>
          %dma_wait3A_136 = arith.constant 0 : i32
          %dma_wait3A_137 = arith.constant 0 : i32
          %dma_wait3A_138 = tpu.memref_slice %arg8[%dma_wait3A_136, %dma_wait3A_137] : memref<10240x128xf32, #tpu.memory_space<vmem_shared>> -> memref<10240x128xf32, #tpu.memory_space<vmem_shared>>
          tpu.wait_indirect_dma semaphore(%run_scoped3A_118 : memref<!tpu.dma_semaphore, #tpu.memory_space<semaphore_mem>>) src(%dma_wait3A_132 : memref<128x128xf32, #tpu.memory_space<vmem>>) dst(%dma_wait3A_138 : memref<10240x128xf32, #tpu.memory_space<vmem_shared>>)
          tpu.yield
        }) : () -> ()
        %add3A_111 = arith.constant 2 : i32
        %add3A_112 = arith.addi %add3A_96, %add3A_111 : i32
        %lt3A_113 = arith.constant 20 : i32
        %lt3A_114 = arith.cmpi slt, %add3A_112, %lt3A_113 : i32
        %convert_element_type3A_115 = arith.extui %lt3A_114 : i1 to i32
        %cond3A_116 = arith.constant 0 : i32
        %cond3A_117 = arith.cmpi ne, %convert_element_type3A_115, %cond3A_116 : i32
        scf.if %cond3A_117 {
          %add3A_118 = arith.constant 2 : i32
          %add3A_119 = arith.addi %add3A_96, %add3A_118 : i32
          %dma_start3A_120 = arith.constant 0 : i32
          %dma_start3A_121 = arith.constant 1 : i32
          %dma_start3A_122 = arith.constant 0 : i32
          %dma_start3A_123 = arith.constant 0 : i32
          %dma_start3A_124 = tpu.memref_slice %arg6[%dma_start3A_121, %dma_start3A_122, %dma_start3A_123] : memref<2x128x128xf32, #tpu.memory_space<vmem>> -> memref<1x128x128xf32, #tpu.memory_space<vmem>>
          %dma_start3A_125 = tpu.memref_squeeze %dma_start3A_124 : memref<1x128x128xf32, #tpu.memory_space<vmem>> -> memref<128x128xf32, #tpu.memory_space<vmem>>
          %dma_start3A_126 = arith.constant 0 : i32
          %dma_start3A_127 = tpu.memref_slice %arg5[%add3A_119, %dma_start3A_120, %dma_start3A_126] : memref<20x2x128xi32, #tpu.memory_space<vmem>> -> memref<1x1x128xi32, #tpu.memory_space<vmem>>
          %dma_start3A_128 = tpu.memref_squeeze %dma_start3A_127 : memref<1x1x128xi32, #tpu.memory_space<vmem>> -> memref<128xi32, #tpu.memory_space<vmem>>
          %dma_start3A_129 = arith.constant 0 : i32
          %dma_start3A_130 = arith.constant 0 : i32
          %dma_start3A_131 = tpu.memref_slice %arg2[%dma_start3A_129, %dma_start3A_130] : memref<10240x128xf32, #tpu.memory_space<hbm>> -> memref<10240x128xf32, #tpu.memory_space<hbm>>
          tpu.enqueue_indirect_dma source(%dma_start3A_131 : memref<10240x128xf32, #tpu.memory_space<hbm>>) target(%dma_start3A_125 : memref<128x128xf32, #tpu.memory_space<vmem>>) offsets(%dma_start3A_128 : memref<128xi32, #tpu.memory_space<vmem>>) semaphore(%arg10 : memref<!tpu.dma_semaphore, #tpu.memory_space<semaphore_mem>>)
        } else {
        }
      }
      %scan3A_70 = arith.constant 10 : i32
    }
    %barrier3A_28 = arith.constant 0 : index
    tpu.barrier barrier_id(%barrier3A_28)
    %mul3A_29 = arith.constant 640 : i32
    %mul3A_30 = arith.muli %arg1, %mul3A_29 : i32
    %mul3A_31 = arith.constant 640 : i32
    %mul3A_32 = arith.muli %arg1, %mul3A_31 : i32
    "tpu.region"() ({
      %run_scoped3A = tpu.sem_alloc : memref<!tpu.dma_semaphore, #tpu.memory_space<semaphore_mem>>
      %dma_start3A = arith.constant 0 : i32
      %dma_start3A_33 = arith.constant 0 : i32
      %dma_start3A_34 = tpu.memref_slice %arg4[%arg0, %dma_start3A, %dma_start3A_33] : memref<2x10240x128xf32, #tpu.memory_space<hbm>> -> memref<1x10240x128xf32, #tpu.memory_space<hbm>>
      %dma_start3A_35 = tpu.memref_squeeze %dma_start3A_34 : memref<1x10240x128xf32, #tpu.memory_space<hbm>> -> memref<10240x128xf32, #tpu.memory_space<hbm>>
      %dma_start3A_36 = arith.constant 0 : i32
      %dma_start3A_37 = tpu.memref_slice %dma_start3A_35[%mul3A_32, %dma_start3A_36] : memref<10240x128xf32, #tpu.memory_space<hbm>> -> memref<640x128xf32, #tpu.memory_space<hbm>>
      %dma_start3A_38 = arith.constant 0 : i32
      %dma_start3A_39 = tpu.memref_slice %arg8[%mul3A_30, %dma_start3A_38] : memref<10240x128xf32, #tpu.memory_space<vmem_shared>> -> memref<640x128xf32, #tpu.memory_space<vmem_shared>>
      tpu.enqueue_dma source(%dma_start3A_39 : memref<640x128xf32, #tpu.memory_space<vmem_shared>>) target(%dma_start3A_37 : memref<640x128xf32, #tpu.memory_space<hbm>>) target_semaphore(%run_scoped3A : memref<!tpu.dma_semaphore, #tpu.memory_space<semaphore_mem>>)
      %dma_wait3A = arith.constant 0 : i32
      %dma_wait3A_40 = arith.constant 0 : i32
      %dma_wait3A_41 = tpu.memref_slice %arg4[%arg0, %dma_wait3A, %dma_wait3A_40] : memref<2x10240x128xf32, #tpu.memory_space<hbm>> -> memref<1x10240x128xf32, #tpu.memory_space<hbm>>
      %dma_wait3A_42 = tpu.memref_squeeze %dma_wait3A_41 : memref<1x10240x128xf32, #tpu.memory_space<hbm>> -> memref<10240x128xf32, #tpu.memory_space<hbm>>
      %dma_wait3A_43 = arith.constant 0 : i32
      %dma_wait3A_44 = tpu.memref_slice %dma_wait3A_42[%mul3A_32, %dma_wait3A_43] : memref<10240x128xf32, #tpu.memory_space<hbm>> -> memref<640x128xf32, #tpu.memory_space<hbm>>
      %dma_wait3A_45 = arith.constant 0 : i32
      %dma_wait3A_46 = tpu.memref_slice %arg8[%mul3A_30, %dma_wait3A_45] : memref<10240x128xf32, #tpu.memory_space<vmem_shared>> -> memref<640x128xf32, #tpu.memory_space<vmem_shared>>
      tpu.wait_dma2 semaphore(%run_scoped3A : memref<!tpu.dma_semaphore, #tpu.memory_space<semaphore_mem>>) src(%dma_wait3A_46 : memref<640x128xf32, #tpu.memory_space<vmem_shared>>) dst(%dma_wait3A_44 : memref<640x128xf32, #tpu.memory_space<hbm>>)
      tpu.yield
    }) : () -> ()
    return
  }
}

module attributes {stable_mosaic.version = 14 : i64} {
  func.func @body(%arg0: i32, %arg1: memref<2560x128xf32, #tpu.memory_space<vmem>>, %arg2: memref<2560x128xf32, #tpu.memory_space<vmem>>) attributes {dimension_semantics = [#tpu.dimension_semantics<arbitrary>], iteration_bounds = array<i64: 4>, scalar_prefetch = 0 : i64, scratch_operands = 0 : i64, tpu.core_type = #tpu.core_type<tc>, window_params = [{transform_indices = @transform_0, window_bounds = array<i64: 2560, 128>}, {transform_indices = @transform_1, window_bounds = array<i64: 2560, 128>}]} {
    %get3A = arith.constant 0 : index
    %get3A_0 = arith.constant 0 : index
    %get3A_1 = vector.load %arg1[%get3A, %get3A_0] : memref<2560x128xf32, #tpu.memory_space<vmem>>, vector<2560x128xf32>
    %mul3A = arith.mulf %get3A_1, %get3A_1 : vector<2560x128xf32>
    %reduce_sum3A = arith.constant dense<0.000000e+00> : vector<2560xf32>
    %reduce_sum3A_2 = vector.multi_reduction <add>, %mul3A, %reduce_sum3A [1] : vector<2560x128xf32> to vector<2560xf32>
    %broadcast_in_dim3A = vector.shape_cast %reduce_sum3A_2 : vector<2560xf32> to vector<2560x1xf32>
    %sqrt3A = math.sqrt %broadcast_in_dim3A : vector<2560x1xf32>
    %max3A = arith.constant 9.99999996E-13 : f32
    %max3A_3 = vector.broadcast %max3A : f32 to vector<2560x1xf32>
    %max3A_4 = arith.maximumf %sqrt3A, %max3A_3 : vector<2560x1xf32>
    %div3A = vector.broadcast %max3A_4 : vector<2560x1xf32> to vector<2560x128xf32>
    %div3A_5 = arith.divf %get3A_1, %div3A : vector<2560x128xf32>
    %swap3A = arith.constant 0 : index
    %swap3A_6 = arith.constant 0 : index
    %swap3A_7 = vector.load %arg2[%swap3A, %swap3A_6] : memref<2560x128xf32, #tpu.memory_space<vmem>>, vector<2560x128xf32>
    tpu.vector_store %arg2[%swap3A, %swap3A_6], %div3A_5 {strides = array<i32>} : memref<2560x128xf32, #tpu.memory_space<vmem>>, vector<2560x128xf32>,
    return
  }
  func.func @transform_0(%arg0: i32) -> (i32, i32) {
    %c0_i32 = arith.constant 0 : i32
    %c0_i32_0 = arith.constant 0 : i32
    return %arg0, %c0_i32 : i32, i32
  }
  func.func @transform_1(%arg0: i32) -> (i32, i32) {
    %c0_i32 = arith.constant 0 : i32
    %c0_i32_0 = arith.constant 0 : i32
    return %arg0, %c0_i32 : i32, i32
  }
}

module attributes {stable_mosaic.version = 14 : i64} {
  func.func @body(%arg0: i32, %arg1: memref<2560x128xf32, #tpu.memory_space<vmem>>, %arg2: memref<2x2560x128xf32, #tpu.memory_space<vmem>>, %arg3: memref<2560x128xf32, #tpu.memory_space<vmem>>, %arg4: memref<128x128xf32, #tpu.memory_space<vmem>>, %arg5: memref<128x128xf32, #tpu.memory_space<vmem>>, %arg6: memref<1x128xf32, #tpu.memory_space<vmem>>, %arg7: memref<2560x128xf32, #tpu.memory_space<vmem>>) attributes {dimension_semantics = [#tpu.dimension_semantics<arbitrary>], iteration_bounds = array<i64: 4>, scalar_prefetch = 0 : i64, scratch_operands = 0 : i64, tpu.core_type = #tpu.core_type<tc>, window_params = [{transform_indices = @transform_0, window_bounds = array<i64: 2560, 128>}, {transform_indices = @transform_1, window_bounds = array<i64: 2, 2560, 128>}, {transform_indices = @transform_2, window_bounds = array<i64: 2560, 128>}, {pipeline_mode = #tpu.pipeline_mode<synchronous>, transform_indices = @transform_3, window_bounds = array<i64: 128, 128>}, {pipeline_mode = #tpu.pipeline_mode<synchronous>, transform_indices = @transform_4, window_bounds = array<i64: 128, 128>}, {pipeline_mode = #tpu.pipeline_mode<synchronous>, transform_indices = @transform_5, window_bounds = array<i64: 1, 128>}, {transform_indices = @transform_6, window_bounds = array<i64: 2560, 128>}]} {
    %get3A = arith.constant 0 : index
    %get3A_0 = arith.constant 0 : index
    %get3A_1 = vector.load %arg1[%get3A, %get3A_0] : memref<2560x128xf32, #tpu.memory_space<vmem>>, vector<2560x128xf32>
    %get3A_2 = arith.constant 0 : index
    %get3A_3 = arith.constant 0 : index
    %get3A_4 = arith.constant 0 : index
    %get3A_5 = vector.load %arg2[%get3A_2, %get3A_3, %get3A_4] : memref<2x2560x128xf32, #tpu.memory_space<vmem>>, vector<1x2560x128xf32>
    %get3A_6 = vector.shape_cast %get3A_5 : vector<1x2560x128xf32> to vector<2560x128xf32>
    %get3A_7 = arith.constant 1 : index
    %get3A_8 = arith.constant 0 : index
    %get3A_9 = arith.constant 0 : index
    %get3A_10 = vector.load %arg2[%get3A_7, %get3A_8, %get3A_9] : memref<2x2560x128xf32, #tpu.memory_space<vmem>>, vector<1x2560x128xf32>
    %get3A_11 = vector.shape_cast %get3A_10 : vector<1x2560x128xf32> to vector<2560x128xf32>
    %add3A = arith.addf %get3A_6, %get3A_11 : vector<2560x128xf32>
    %get3A_12 = arith.constant 0 : index
    %get3A_13 = arith.constant 0 : index
    %get3A_14 = vector.load %arg3[%get3A_12, %get3A_13] : memref<2560x128xf32, #tpu.memory_space<vmem>>, vector<2560x128xf32>
    %mul3A = arith.mulf %add3A, %get3A_14 : vector<2560x128xf32>
    %get3A_15 = arith.constant 0 : index
    %get3A_16 = arith.constant 0 : index
    %get3A_17 = vector.load %arg4[%get3A_15, %get3A_16] : memref<128x128xf32, #tpu.memory_space<vmem>>, vector<128x128xf32>
    %dot_general3A = arith.constant dense<0.000000e+00> : vector<2560x128xf32>
    %dot_general3A_18 = tpu.matmul %get3A_1, %get3A_17, %dot_general3A {dimension_numbers = #tpu.dot_dimension_numbers<[1], [0], [0], [1], [0, 0, 1, 1], [], []>, transpose_lhs_hint = false} : vector<2560x128xf32>, vector<128x128xf32>, vector<2560x128xf32> -> vector<2560x128xf32>
    %get3A_19 = arith.constant 0 : index
    %get3A_20 = arith.constant 0 : index
    %get3A_21 = vector.load %arg5[%get3A_19, %get3A_20] : memref<128x128xf32, #tpu.memory_space<vmem>>, vector<128x128xf32>
    %dot_general3A_22 = arith.constant dense<0.000000e+00> : vector<2560x128xf32>
    %dot_general3A_23 = tpu.matmul %mul3A, %get3A_21, %dot_general3A_22 {dimension_numbers = #tpu.dot_dimension_numbers<[1], [0], [0], [1], [0, 0, 1, 1], [], []>, transpose_lhs_hint = false} : vector<2560x128xf32>, vector<128x128xf32>, vector<2560x128xf32> -> vector<2560x128xf32>
    %add3A_24 = arith.addf %dot_general3A_18, %dot_general3A_23 : vector<2560x128xf32>
    %get3A_25 = arith.constant 0 : index
    %get3A_26 = arith.constant 0 : index
    %get3A_27 = vector.load %arg6[%get3A_25, %get3A_26] : memref<1x128xf32, #tpu.memory_space<vmem>>, vector<1x128xf32>
    %add3A_28 = vector.broadcast %get3A_27 : vector<1x128xf32> to vector<2560x128xf32>
    %add3A_29 = arith.addf %add3A_24, %add3A_28 : vector<2560x128xf32>
    %max3A = arith.constant 0.000000e+00 : f32
    %max3A_30 = vector.broadcast %max3A : f32 to vector<2560x128xf32>
    %max3A_31 = arith.maximumf %add3A_29, %max3A_30 : vector<2560x128xf32>
    %swap3A = arith.constant 0 : index
    %swap3A_32 = arith.constant 0 : index
    %swap3A_33 = vector.load %arg7[%swap3A, %swap3A_32] : memref<2560x128xf32, #tpu.memory_space<vmem>>, vector<2560x128xf32>
    tpu.vector_store %arg7[%swap3A, %swap3A_32], %max3A_31 {strides = array<i32>} : memref<2560x128xf32, #tpu.memory_space<vmem>>, vector<2560x128xf32>,
    return
  }
  func.func @transform_0(%arg0: i32) -> (i32, i32) {
    %c0_i32 = arith.constant 0 : i32
    %c0_i32_0 = arith.constant 0 : i32
    return %arg0, %c0_i32 : i32, i32
  }
  func.func @transform_1(%arg0: i32) -> (i32, i32, i32) {
    %c0_i32 = arith.constant 0 : i32
    %c0_i32_0 = arith.constant 0 : i32
    %c0_i32_1 = arith.constant 0 : i32
    return %c0_i32, %arg0, %c0_i32_0 : i32, i32, i32
  }
  func.func @transform_2(%arg0: i32) -> (i32, i32) {
    %c0_i32 = arith.constant 0 : i32
    %c0_i32_0 = arith.constant 0 : i32
    return %arg0, %c0_i32 : i32, i32
  }
  func.func @transform_3(%arg0: i32) -> (i32, i32) {
    %c0_i32 = arith.constant 0 : i32
    %c0_i32_0 = arith.constant 0 : i32
    %c0_i32_1 = arith.constant 0 : i32
    return %c0_i32, %c0_i32_0 : i32, i32
  }
  func.func @transform_4(%arg0: i32) -> (i32, i32) {
    %c0_i32 = arith.constant 0 : i32
    %c0_i32_0 = arith.constant 0 : i32
    %c0_i32_1 = arith.constant 0 : i32
    return %c0_i32, %c0_i32_0 : i32, i32
  }
  func.func @transform_5(%arg0: i32) -> (i32, i32) {
    %c0_i32 = arith.constant 0 : i32
    %c0_i32_0 = arith.constant 0 : i32
    %c0_i32_1 = arith.constant 0 : i32
    return %c0_i32, %c0_i32_0 : i32, i32
  }
  func.func @transform_6(%arg0: i32) -> (i32, i32) {
    %c0_i32 = arith.constant 0 : i32
    %c0_i32_0 = arith.constant 0 : i32
    return %arg0, %c0_i32 : i32, i32
  }
}

module attributes {stable_mosaic.version = 14 : i64} {
  func.func @body(%arg0: i32, %arg1: memref<2560x128xf32, #tpu.memory_space<vmem>>, %arg2: memref<2x2560x128xf32, #tpu.memory_space<vmem>>, %arg3: memref<2560x128xf32, #tpu.memory_space<vmem>>, %arg4: memref<128x128xf32, #tpu.memory_space<vmem>>, %arg5: memref<1x128xf32, #tpu.memory_space<vmem>>, %arg6: memref<2560x128xf32, #tpu.memory_space<vmem>>) attributes {dimension_semantics = [#tpu.dimension_semantics<arbitrary>], iteration_bounds = array<i64: 4>, scalar_prefetch = 0 : i64, scratch_operands = 0 : i64, tpu.core_type = #tpu.core_type<tc>, window_params = [{transform_indices = @transform_0, window_bounds = array<i64: 2560, 128>}, {transform_indices = @transform_1, window_bounds = array<i64: 2, 2560, 128>}, {transform_indices = @transform_2, window_bounds = array<i64: 2560, 128>}, {pipeline_mode = #tpu.pipeline_mode<synchronous>, transform_indices = @transform_3, window_bounds = array<i64: 128, 128>}, {pipeline_mode = #tpu.pipeline_mode<synchronous>, transform_indices = @transform_4, window_bounds = array<i64: 1, 128>}, {transform_indices = @transform_5, window_bounds = array<i64: 2560, 128>}]} {
    %get3A = arith.constant 0 : index
    %get3A_0 = arith.constant 0 : index
    %get3A_1 = vector.load %arg1[%get3A, %get3A_0] : memref<2560x128xf32, #tpu.memory_space<vmem>>, vector<2560x128xf32>
    %get3A_2 = arith.constant 0 : index
    %get3A_3 = arith.constant 0 : index
    %get3A_4 = arith.constant 0 : index
    %get3A_5 = vector.load %arg2[%get3A_2, %get3A_3, %get3A_4] : memref<2x2560x128xf32, #tpu.memory_space<vmem>>, vector<1x2560x128xf32>
    %get3A_6 = vector.shape_cast %get3A_5 : vector<1x2560x128xf32> to vector<2560x128xf32>
    %add3A = arith.addf %get3A_1, %get3A_6 : vector<2560x128xf32>
    %get3A_7 = arith.constant 1 : index
    %get3A_8 = arith.constant 0 : index
    %get3A_9 = arith.constant 0 : index
    %get3A_10 = vector.load %arg2[%get3A_7, %get3A_8, %get3A_9] : memref<2x2560x128xf32, #tpu.memory_space<vmem>>, vector<1x2560x128xf32>
    %get3A_11 = vector.shape_cast %get3A_10 : vector<1x2560x128xf32> to vector<2560x128xf32>
    %add3A_12 = arith.addf %add3A, %get3A_11 : vector<2560x128xf32>
    %get3A_13 = arith.constant 0 : index
    %get3A_14 = arith.constant 0 : index
    %get3A_15 = vector.load %arg3[%get3A_13, %get3A_14] : memref<2560x128xf32, #tpu.memory_space<vmem>>, vector<2560x128xf32>
    %mul3A = arith.mulf %add3A_12, %get3A_15 : vector<2560x128xf32>
    %get3A_16 = arith.constant 0 : index
    %get3A_17 = arith.constant 0 : index
    %get3A_18 = vector.load %arg4[%get3A_16, %get3A_17] : memref<128x128xf32, #tpu.memory_space<vmem>>, vector<128x128xf32>
    %dot_general3A = arith.constant dense<0.000000e+00> : vector<2560x128xf32>
    %dot_general3A_19 = tpu.matmul %mul3A, %get3A_18, %dot_general3A {dimension_numbers = #tpu.dot_dimension_numbers<[1], [0], [0], [1], [0, 0, 1, 1], [], []>, transpose_lhs_hint = false} : vector<2560x128xf32>, vector<128x128xf32>, vector<2560x128xf32> -> vector<2560x128xf32>
    %get3A_20 = arith.constant 0 : index
    %get3A_21 = arith.constant 0 : index
    %get3A_22 = vector.load %arg5[%get3A_20, %get3A_21] : memref<1x128xf32, #tpu.memory_space<vmem>>, vector<1x128xf32>
    %add3A_23 = vector.broadcast %get3A_22 : vector<1x128xf32> to vector<2560x128xf32>
    %add3A_24 = arith.addf %dot_general3A_19, %add3A_23 : vector<2560x128xf32>
    %max3A = arith.constant 0.000000e+00 : f32
    %max3A_25 = vector.broadcast %max3A : f32 to vector<2560x128xf32>
    %max3A_26 = arith.maximumf %add3A_24, %max3A_25 : vector<2560x128xf32>
    %swap3A = arith.constant 0 : index
    %swap3A_27 = arith.constant 0 : index
    %swap3A_28 = vector.load %arg6[%swap3A, %swap3A_27] : memref<2560x128xf32, #tpu.memory_space<vmem>>, vector<2560x128xf32>
    tpu.vector_store %arg6[%swap3A, %swap3A_27], %max3A_26 {strides = array<i32>} : memref<2560x128xf32, #tpu.memory_space<vmem>>, vector<2560x128xf32>,
    return
  }
  func.func @transform_0(%arg0: i32) -> (i32, i32) {
    %c0_i32 = arith.constant 0 : i32
    %c0_i32_0 = arith.constant 0 : i32
    return %arg0, %c0_i32 : i32, i32
  }
  func.func @transform_1(%arg0: i32) -> (i32, i32, i32) {
    %c0_i32 = arith.constant 0 : i32
    %c0_i32_0 = arith.constant 0 : i32
    %c0_i32_1 = arith.constant 0 : i32
    return %c0_i32, %arg0, %c0_i32_0 : i32, i32, i32
  }
  func.func @transform_2(%arg0: i32) -> (i32, i32) {
    %c0_i32 = arith.constant 0 : i32
    %c0_i32_0 = arith.constant 0 : i32
    return %arg0, %c0_i32 : i32, i32
  }
  func.func @transform_3(%arg0: i32) -> (i32, i32) {
    %c0_i32 = arith.constant 0 : i32
    %c0_i32_0 = arith.constant 0 : i32
    %c0_i32_1 = arith.constant 0 : i32
    return %c0_i32, %c0_i32_0 : i32, i32
  }
  func.func @transform_4(%arg0: i32) -> (i32, i32) {
    %c0_i32 = arith.constant 0 : i32
    %c0_i32_0 = arith.constant 0 : i32
    %c0_i32_1 = arith.constant 0 : i32
    return %c0_i32, %c0_i32_0 : i32, i32
  }
  func.func @transform_5(%arg0: i32) -> (i32, i32) {
    %c0_i32 = arith.constant 0 : i32
    %c0_i32_0 = arith.constant 0 : i32
    return %arg0, %c0_i32 : i32, i32
  }
}

module attributes {stable_mosaic.version = 14 : i64} {
  func.func @body(%arg0: i32, %arg1: memref<2560x128xf32, #tpu.memory_space<vmem>>, %arg2: memref<2x2560x128xf32, #tpu.memory_space<vmem>>, %arg3: memref<2560x128xf32, #tpu.memory_space<vmem>>, %arg4: memref<128x64xf32, #tpu.memory_space<vmem>>, %arg5: memref<128x64xf32, #tpu.memory_space<vmem>>, %arg6: memref<1x64xf32, #tpu.memory_space<vmem>>, %arg7: memref<2560x64xf32, #tpu.memory_space<vmem>>) attributes {dimension_semantics = [#tpu.dimension_semantics<arbitrary>], iteration_bounds = array<i64: 4>, scalar_prefetch = 0 : i64, scratch_operands = 0 : i64, tpu.core_type = #tpu.core_type<tc>, window_params = [{transform_indices = @transform_0, window_bounds = array<i64: 2560, 128>}, {transform_indices = @transform_1, window_bounds = array<i64: 2, 2560, 128>}, {transform_indices = @transform_2, window_bounds = array<i64: 2560, 128>}, {pipeline_mode = #tpu.pipeline_mode<synchronous>, transform_indices = @transform_3, window_bounds = array<i64: 128, 64>}, {pipeline_mode = #tpu.pipeline_mode<synchronous>, transform_indices = @transform_4, window_bounds = array<i64: 128, 64>}, {pipeline_mode = #tpu.pipeline_mode<synchronous>, transform_indices = @transform_5, window_bounds = array<i64: 1, 64>}, {transform_indices = @transform_6, window_bounds = array<i64: 2560, 64>}]} {
    %get3A = arith.constant 0 : index
    %get3A_0 = arith.constant 0 : index
    %get3A_1 = vector.load %arg1[%get3A, %get3A_0] : memref<2560x128xf32, #tpu.memory_space<vmem>>, vector<2560x128xf32>
    %get3A_2 = arith.constant 0 : index
    %get3A_3 = arith.constant 0 : index
    %get3A_4 = arith.constant 0 : index
    %get3A_5 = vector.load %arg2[%get3A_2, %get3A_3, %get3A_4] : memref<2x2560x128xf32, #tpu.memory_space<vmem>>, vector<1x2560x128xf32>
    %get3A_6 = vector.shape_cast %get3A_5 : vector<1x2560x128xf32> to vector<2560x128xf32>
    %get3A_7 = arith.constant 1 : index
    %get3A_8 = arith.constant 0 : index
    %get3A_9 = arith.constant 0 : index
    %get3A_10 = vector.load %arg2[%get3A_7, %get3A_8, %get3A_9] : memref<2x2560x128xf32, #tpu.memory_space<vmem>>, vector<1x2560x128xf32>
    %get3A_11 = vector.shape_cast %get3A_10 : vector<1x2560x128xf32> to vector<2560x128xf32>
    %add3A = arith.addf %get3A_6, %get3A_11 : vector<2560x128xf32>
    %get3A_12 = arith.constant 0 : index
    %get3A_13 = arith.constant 0 : index
    %get3A_14 = vector.load %arg3[%get3A_12, %get3A_13] : memref<2560x128xf32, #tpu.memory_space<vmem>>, vector<2560x128xf32>
    %mul3A = arith.mulf %add3A, %get3A_14 : vector<2560x128xf32>
    %get3A_15 = arith.constant 0 : index
    %get3A_16 = arith.constant 0 : index
    %get3A_17 = vector.load %arg4[%get3A_15, %get3A_16] : memref<128x64xf32, #tpu.memory_space<vmem>>, vector<128x64xf32>
    %dot_general3A = arith.constant dense<0.000000e+00> : vector<2560x64xf32>
    %dot_general3A_18 = tpu.matmul %get3A_1, %get3A_17, %dot_general3A {dimension_numbers = #tpu.dot_dimension_numbers<[1], [0], [0], [1], [0, 0, 1, 1], [], []>, transpose_lhs_hint = false} : vector<2560x128xf32>, vector<128x64xf32>, vector<2560x64xf32> -> vector<2560x64xf32>
    %get3A_19 = arith.constant 0 : index
    %get3A_20 = arith.constant 0 : index
    %get3A_21 = vector.load %arg5[%get3A_19, %get3A_20] : memref<128x64xf32, #tpu.memory_space<vmem>>, vector<128x64xf32>
    %dot_general3A_22 = arith.constant dense<0.000000e+00> : vector<2560x64xf32>
    %dot_general3A_23 = tpu.matmul %mul3A, %get3A_21, %dot_general3A_22 {dimension_numbers = #tpu.dot_dimension_numbers<[1], [0], [0], [1], [0, 0, 1, 1], [], []>, transpose_lhs_hint = false} : vector<2560x128xf32>, vector<128x64xf32>, vector<2560x64xf32> -> vector<2560x64xf32>
    %add3A_24 = arith.addf %dot_general3A_18, %dot_general3A_23 : vector<2560x64xf32>
    %get3A_25 = arith.constant 0 : index
    %get3A_26 = arith.constant 0 : index
    %get3A_27 = vector.load %arg6[%get3A_25, %get3A_26] : memref<1x64xf32, #tpu.memory_space<vmem>>, vector<1x64xf32>
    %add3A_28 = vector.broadcast %get3A_27 : vector<1x64xf32> to vector<2560x64xf32>
    %add3A_29 = arith.addf %add3A_24, %add3A_28 : vector<2560x64xf32>
    %swap3A = arith.constant 0 : index
    %swap3A_30 = arith.constant 0 : index
    %swap3A_31 = vector.load %arg7[%swap3A, %swap3A_30] : memref<2560x64xf32, #tpu.memory_space<vmem>>, vector<2560x64xf32>
    tpu.vector_store %arg7[%swap3A, %swap3A_30], %add3A_29 {strides = array<i32>} : memref<2560x64xf32, #tpu.memory_space<vmem>>, vector<2560x64xf32>,
    return
  }
  func.func @transform_0(%arg0: i32) -> (i32, i32) {
    %c0_i32 = arith.constant 0 : i32
    %c0_i32_0 = arith.constant 0 : i32
    return %arg0, %c0_i32 : i32, i32
  }
  func.func @transform_1(%arg0: i32) -> (i32, i32, i32) {
    %c0_i32 = arith.constant 0 : i32
    %c0_i32_0 = arith.constant 0 : i32
    %c0_i32_1 = arith.constant 0 : i32
    return %c0_i32, %arg0, %c0_i32_0 : i32, i32, i32
  }
  func.func @transform_2(%arg0: i32) -> (i32, i32) {
    %c0_i32 = arith.constant 0 : i32
    %c0_i32_0 = arith.constant 0 : i32
    return %arg0, %c0_i32 : i32, i32
  }
  func.func @transform_3(%arg0: i32) -> (i32, i32) {
    %c0_i32 = arith.constant 0 : i32
    %c0_i32_0 = arith.constant 0 : i32
    %c0_i32_1 = arith.constant 0 : i32
    return %c0_i32, %c0_i32_0 : i32, i32
  }
  func.func @transform_4(%arg0: i32) -> (i32, i32) {
    %c0_i32 = arith.constant 0 : i32
    %c0_i32_0 = arith.constant 0 : i32
    %c0_i32_1 = arith.constant 0 : i32
    return %c0_i32, %c0_i32_0 : i32, i32
  }
  func.func @transform_5(%arg0: i32) -> (i32, i32) {
    %c0_i32 = arith.constant 0 : i32
    %c0_i32_0 = arith.constant 0 : i32
    %c0_i32_1 = arith.constant 0 : i32
    return %c0_i32, %c0_i32_0 : i32, i32
  }
  func.func @transform_6(%arg0: i32) -> (i32, i32) {
    %c0_i32 = arith.constant 0 : i32
    %c0_i32_0 = arith.constant 0 : i32
    return %arg0, %c0_i32 : i32, i32
  }
}

</mosaic_0001>

<sc_bundles>
// kernel: kernel.12.cloned.1.call-start
scs
__scs_entry_jumppad:
0x0: {  	(pc) =	sbr.rel $0x88, $3  }
0x1: {  	(tag) =	ssettag $0x0;
	lr =	simm.s32 $0x1  }
0x2: {  	[smem:$0x3F95] =	sst lr;
	_ =	strace $0xD0000000  }
0x3: {  	_ = 	snop  }
0x4: {  	_ = 	snop  }
0x5: {  	_ = 	snop  }
0x6: {  	_ = 	snop  }
0x7: {  	_ = 	snop  }
__scs_overlays_trampoline_lowered:
0x8: {  	[smem:$0x3FA4] =	sst s0  }
0x9: {  	[smem:$0x3FA5] =	sst s1  }
0xa: {  	[smem:$0x3FA6] =	sst s2  }
0xb: {  	[smem:$0x3FA7] =	sst s3  }
0xc: {  	[smem:$0x3FA8] =	sst s4  }
0xd: {  	[smem:$0x3FA9] =	sst s5  }
0xe: {  	[smem:$0x3FAA] =	sst s6  }
0xf: {  	[smem:$0x3FAB] =	sst s7  }
0x10: {  	[smem:$0x3FAC] =	sst s8  }
0x11: {  	[smem:$0x3FAD] =	sst s9;
	s0 =	simm.s32 @!p0 $0x0  }
0x12: {  	s1 =	sld [smem:$0x3F93];
	s0 =	simm.s32 @p0 $0x1  }
0x13: {  	[smem:$0x3FAE] =	sst s0;
	s0 =	simm.s32 @!p1 $0x0  }
0x14: {  	s2 =	sld [smem:$0x3F92];
	s0 =	simm.s32 @p1 $0x1  }
0x15: {  	[smem:$0x3FAF] =	sst s0;
	s0 =	simm.s32 @!p2 $0x0  }
0x16: {  	s3 =	sld [smem:$0x3FDB];
	s0 =	simm.s32 @p2 $0x1  }
0x17: {  	s4 =	simm.s32 $0x1BF5;
	[smem:$0x3FB1] =	sst s0  }
0x18: {  	s0 =	sld [smem:$0x3F94];
	_ =	swait.ge [sflag:s4], $0x0  }
0x19: {  	s7 =	sld [smem:$0x3F95]  }
0x1a: {  	s8 =	sadd.s32 $0xFFFFE003, lr  }
0x1b: {  	s9 =	sadd.s32 $0xFFFFFEF7, lr;
	s5 =	simm.s32 $0xFFFFFFFF;
	p2 =	slt.u32 s8, $0xFFFFF086  }
0x1c: {  	p1 =	slt.u32 s9, $0xF7A;
	s5 =	simm.s32 @!p2 $0x0  }
0x1d: {  	s5 =	simm.s32 @p1 $0x1;
	p0 =	seq.s32 s7, s2  }
0x1e: {  	s7 =	smul.u32 @!p0 $0xF7A, s2;
	p2 =	seq.s32 @!p0 s5, $0x0  }
0x1f: {  	s9 =	smul.u32 $0xF7A, s1;
	s8 =	simm.s32 @!p0 $0x1BF5;
	p2 =	por !p2, p0  }
0x20: {  	[sflag:s8] =	ssyncset.s32 @!p0 $0xFFFFF086;
	s6 =	sadd.s32 @!p0 s3, s7;
	s7 =	simm.s32 @!p0 $0x108  }
0x21: {  	s3 =	sadd.s32 s3, s9;
	s6 =	sadd.s32 @!p0 $0x88, s6;
	s7 =	simm.s32 @p2 $0x1082  }
0x22: {  	[simem:s7], [sflag:s8] =	dma.local @!p0 [hbm:s6], $0xF7A  }
0x23: {  	s9 =	sor.u32 $0xD0000000, s2;
	s6 =	simm.s32 $0x108;
	_ =	swait.ge @!p0 [sflag:s8], $0x0  }
0x24: {  	s3 =	sadd.s32 $0x88, s3;
	s6 =	simm.s32 @!p1 $0x1082;
	[sflag:s4] =	ssyncset.s32 $0xFFFFF086  }
0x25: {  	[simem:s6], [sflag:s4] =	dma.local [hbm:s3], $0xF7A  }
0x26: {  	[smem:$0x3F95] =	sst s1;
	(tag) =	ssettag s2;
	_ =	strace s9  }
0x27: {  	s1 =	sld [smem:$0x3FA5]  }
0x28: {  	s2 =	sld [smem:$0x3FA6]  }
0x29: {  	s4 =	sld [smem:$0x3FA8]  }
0x2a: {  	p0 =	seq.s32 s5, $0x0;
	s5 =	sld [smem:$0x3FA9]  }
0x2b: {  	s6 =	sld [smem:$0x3FAA]  }
0x2c: {  	s7 =	sld [smem:$0x3FAB]  }
0x2d: {  	s3 =	simm.s32 $0x108;
	s8 =	sld [smem:$0x3FAC]  }
0x2e: {  	s3 =	simm.s32 @!p0 $0x1082;
	s9 =	sld [smem:$0x3FAD]  }
0x2f: {  	lr =	sadd.s32 s0, s3;
	s0 =	sld [smem:$0x3FA4]  }
0x30: {  	s3 =	sld [smem:$0x3FA7]  }
0x31: {  	[smem:$0x3FB0] =	sst s10  }
0x32: {  	s10 =	sld [smem:$0x3FAE];
	_ =	sdelay $0x3  }
0x33: {  	p0 =	seq.s32 s10, $0x1;
	s10 =	sld [smem:$0x3FB0];
	_ =	sdelay $0x3  }
0x34: {  	[smem:$0x3FB0] =	sst s10  }
0x35: {  	s10 =	sld [smem:$0x3FAF];
	_ =	sdelay $0x3  }
0x36: {  	p1 =	seq.s32 s10, $0x1;
	s10 =	sld [smem:$0x3FB0];
	_ =	sdelay $0x3  }
0x37: {  	[smem:$0x3FB0] =	sst s10  }
0x38: {  	s10 =	sld [smem:$0x3FB1]  }
0x39: {  	_ = 	snop;
	(pc) =	sbr.ind lr, $3  }
0x3a: {  	_ = 	snop  }
0x3b: {  	_ = 	snop  }
0x3c: {  	p2 =	seq.s32 s10, $0x1;
	s10 =	sld [smem:$0x3FB0]  }
0x3d: {  	_ =	shalt  }
0x3e: {  	_ =	shalt  }
0x3f: {  	_ =	shalt  }
0x40: {  	_ =	shalt  }
0x41: {  	_ =	shalt  }
0x42: {  	_ =	shalt  }
0x43: {  	_ =	shalt  }
0x44: {  	_ =	shalt  }
0x45: {  	_ =	shalt  }
0x46: {  	_ =	shalt  }
0x47: {  	_ =	shalt  }
0x48: {  	_ =	shalt  }
0x49: {  	_ =	shalt  }
0x4a: {  	_ =	shalt  }
0x4b: {  	_ =	shalt  }
0x4c: {  	_ =	shalt  }
0x4d: {  	_ =	shalt  }
0x4e: {  	_ =	shalt  }
0x4f: {  	_ =	shalt  }
0x50: {  	_ =	shalt  }
0x51: {  	_ =	shalt  }
0x52: {  	_ =	shalt  }
0x53: {  	_ =	shalt  }
0x54: {  	_ =	shalt  }
0x55: {  	_ =	shalt  }
0x56: {  	_ =	shalt  }
0x57: {  	_ =	shalt  }
0x58: {  	_ =	shalt  }
0x59: {  	_ =	shalt  }
0x5a: {  	_ =	shalt  }
0x5b: {  	_ =	shalt  }
0x5c: {  	_ =	shalt  }
0x5d: {  	_ =	shalt  }
0x5e: {  	_ =	shalt  }
0x5f: {  	_ =	shalt  }
0x60: {  	_ =	shalt  }
0x61: {  	_ =	shalt  }
0x62: {  	_ =	shalt  }
0x63: {  	_ =	shalt  }
0x64: {  	_ =	shalt  }
0x65: {  	_ =	shalt  }
0x66: {  	_ =	shalt  }
0x67: {  	_ =	shalt  }
0x68: {  	_ =	shalt  }
0x69: {  	_ =	shalt  }
0x6a: {  	_ =	shalt  }
0x6b: {  	_ =	shalt  }
0x6c: {  	_ =	shalt  }
0x6d: {  	_ =	shalt  }
0x6e: {  	_ =	shalt  }
0x6f: {  	_ =	shalt  }
0x70: {  	_ =	shalt  }
0x71: {  	_ =	shalt  }
0x72: {  	_ =	shalt  }
0x73: {  	_ =	shalt  }
0x74: {  	_ =	shalt  }
0x75: {  	_ =	shalt  }
0x76: {  	_ =	shalt  }
0x77: {  	_ =	shalt  }
0x78: {  	_ =	shalt  }
0x79: {  	_ =	shalt  }
0x7a: {  	_ =	shalt  }
0x7b: {  	_ =	shalt  }
0x7c: {  	_ =	shalt  }
0x7d: {  	_ =	shalt  }
0x7e: {  	_ =	shalt  }
0x7f: {  	_ =	shalt  }
0x80: {  	_ =	shalt  }
0x81: {  	_ =	shalt  }
0x82: {  	_ =	shalt  }
0x83: {  	_ =	shalt  }
0x84: {  	_ =	shalt  }
0x85: {  	_ =	shalt  }
0x86: {  	_ =	shalt  }
0x87: {  	_ =	shalt  }
.Lfunc_end0:
.L_simem_size_0:
called_computation_lowered:
.L_overlay_start_0:
0x88: {  	s2 =	sld [smem:$0x3FD9]  }
0x89: {  	s3 =	sld [smem:$0x3FFE];
	_ =	sdelay $0x1  }
0x8a: {  	s1 =	srdreg.scid  }
0x8b: {  	s0 =	sand.u32 $0x1, s1  }
0x8c: {  	s17 =	sshll.u32 s0, $0xA;
	s2 =	sadd.s32 s3, s2  }
0x8d: {  	s2 =	sadd.s32 s2, s17  }
0x8e: {  	[smem:$0x3FBC] =	sst s2  }
0x8f: {  	_ = 	snop  }
0x90: {  	s2 =	sld [smem:$0x3FC8];
	(tm) =	ssettm $0x1  }
0x91: {  	s18 =	sld [smem:$0x3FFB];
	_ =	sdelay $0x3  }
0x92: {  	_ =	strace s18  }
0x93: {  	s3 =	sld [smem:$0x3FFC];
	_ =	sdelay $0x3  }
0x94: {  	_ =	strace s3  }
0x95: {  	s3 =	sld [smem:$0x3FFD];
	_ =	sdelay $0x3  }
0x96: {  	_ =	strace s3  }
0x97: {  	_ =	strace $0x8FFFFFFF  }
0x98: {  	s19 =	sld [smem:$0x3FDB];
	_ =	sdelay $0x1  }
0x99: {  	s4 =	simm.s32 $_scs_section_size  }
0x9a: {  	s5 =	simm.s32 $_size__tile_overlayer_lowered;
	s6 =	simm.s32 $_tile_overlayer_lowered  }
0x9b: {  	s22 =	simm.s32 $0x1BFF;
	s21 =	sshll.u32 s6, $0x1;
	s3 =	sadd.s32 s4, s19  }
0x9c: {  	s7 =	simm.s32 $0x0;
	s20 =	sshll.u32 s5, $0x1;
	s5 =	sadd.s32 s21, s3  }
0x9d: {  	[timem:s7], [sflag:s22] =	dma.local [hbm:s5], s20  }
0x9e: {  	_ =	swait.ge [sflag:s22], s20  }
0x9f: {  	s4 =	ssub.s32 $0x0, s20;
	[sflag:s22] =	ssyncset.done $0x0  }
0xa0: {  	[sflag:s22] =	ssyncadd.s32 s4;
	_ =	sdelay $0x1  }
0xa1: {  	s23 =	simm.s32 $0x1B8B  }
0xa2: {  	_ =	swait.ge [sflag:s23], $0x1  }
0xa3: {  	[sflag:s23] =	ssyncset.done $0x0  }
0xa4: {  	s25 =	simm.s32 $0x1B8E;
	s24 =	sld [smem:$0x3FFE];
	[sflag:s23] =	ssyncadd.s32 $0xFFFFFFFF  }
0xa5: {  	s26 =	simm.s32 $execute0_lowered;
	[smem:$0x3FD2] =	sst s25  }
0xa6: {  	s5 =	sshll.u32 s26, $0x1;
	_ =	strace $0x80000046;
	[dreg:$0x1] =	wrdreg $0xFFFFFFFF  }
0xa7: {  	s28 =	simm.s32 $_size_execute0_lowered;
	s3 =	sadd.s32 s3, s5;
	[dreg:$0x0] =	wrdreg $0x0  }
0xa8: {  	s5 =	sshll.u32 s28, $0x1;
	[dreg:$0x2] =	wrdreg s3  }
0xa9: {  	[dreg:$0x3] =	wrdreg s5  }
0xaa: {  	[dreg:$0x4] =	wrdreg $0xC0  }
0xab: {  	_ =	task [dreg:s7], $0x5FFFF  }
0xac: {  	[dreg:$0x1] =	wrdreg $0xFFFFFFFF  }
0xad: {  	[dreg:$0x0] =	wrdreg $0x60  }
0xae: {  	[dreg:$0x2] =	wrdreg s2  }
0xaf: {  	[dreg:$0x3] =	wrdreg s24  }
0xb0: {  	[dreg:$0x4] =	wrdreg $0x68000  }
0xb1: {  	[dreg:$0x5] =	wrdreg $0x9  }
0xb2: {  	_ =	task.clear_ibuf [dreg:s7], $0x6FFFF;
	_ =	strace $0x90000046  }
0xb3: {  	s29 =	simm.s32 $0x9;
	_ =	strace $0x80000048  }
0xb4: {  	_ =	swait.ge [sflag:s29], $0x1  }
0xb5: {  	[sflag:s29] =	ssyncadd.s32 $0xFFFFFFFF  }
0xb6: {  	_ =	strace $0x90000048  }
0xb7: {  	_ =	sfence  }
0xb8: {  	s30 =	sld [smem:$0x0];
	_ =	sdelay $0x2  }
0xb9: {  	s31 =	sshll.u32 s1, $0xD;
	s1 =	sshrl.u32 s1, $0x2  }
0xba: {  	s3 =	sand.u32 $0x4000, s31;
	s1 =	sadd.s32 s1, s30  }
0xbb: {  	s0 =	sor.u32 s3, s0;
	s1 =	sshll.u32 s1, $0x11  }
0xbc: {  	s0 =	sor.u32 s1, s0  }
0xbd: {  	s0 =	sadd.s32 $0x8F2B, s0  }
0xbe: {  	[sflag:s0] =	ssyncadd.remote.s32 $0x1  }
0xbf: {  	_ =	sfence.sel $0xFFFF  }
0xc0: {  	[dreg:$0x0] =	wrdreg $0xFFFFFFFF;
	(pc) =	sbr.abs _section_cstart, $3  }
0xc1: {  	[dreg:$0x1] =	wrdreg $0xFFFFFFFF  }
0xc2: {  	_ =	task.clear_ibuf [dreg:s7], $0x2FFFF;
	_ =	strace $0x9FFFFFFF  }
0xc3: {  	(tm) =	ssettm $0x7FFFFFFF  }
tec
execute0_lowered:
.L_overlay_start_1:
0x0: {  	(tag) =	ssettag $0x1  }
0x1: {  	s0 =	rddreg [dreg:$0x0];
	s4 =	srdreg.scid  }
0x2: {  	s3 =	rddreg [dreg:$0x1];
	s9 =	stileid.u32;
	s5 =	sand.u32 $0x1, s4  }
0x3: {  	s1 =	rddreg [dreg:$0x2];
	s8 =	smul.u32 $0x50000, s9;
	s6 =	ssub.s32 $0x2, s5  }
0x4: {  	s2 =	simm.s32 $0x0;
	s4 =	smul.u32 $0x28000, s5;
	s7 =	sshrl.u32 s6, $0x1  }
0x5: {  	[smem:$0x7FF] =	sst s2;
	s8 =	sshrl.u32 s8, $0x2;
	s6 =	ssub.s32 s6, s7  }
0x6: {  	s3 =	sadd.s32 s4, s3;
	s4 =	sadd.s32 s8, s1;
	s6 =	smax.u32 s6, $0x1  }
0x7: {  	_ =	strace $0x80000047;
	s11 =	sadd.s32 $0x1400, s4;
	[dreg:$0x4] =	wrdreg s6  }
0x8: {  	s12 =	sadd.s32 $0x2800, s4;
	[dreg:$0x5] =	wrdreg s11  }
0x9: {  	s13 =	sadd.s32 $0x3C00, s4;
	[dreg:$0x6] =	wrdreg s12  }
0xa: {  	s14 =	sadd.s32 $0x5000, s4;
	[dreg:$0x7] =	wrdreg s13  }
0xb: {  	s28 =	simm.s32 $0x180;
	s15 =	sadd.s32 $0x6400, s4;
	[dreg:$0x8] =	wrdreg s14  }
0xc: {  	s29 =	simm.s32 $0x280;
	s16 =	sadd.s32 $0x7800, s4;
	[dreg:$0x9] =	wrdreg s15  }
0xd: {  	s30 =	simm.s32 $0x380;
	s17 =	sadd.s32 $0x8C00, s4;
	[dreg:$0xa] =	wrdreg s16  }
0xe: {  	s31 =	simm.s32 $0x480;
	s18 =	sadd.s32 $0xA000, s4;
	[dreg:$0xb] =	wrdreg s17  }
0xf: {  	s10 =	smul.u32 $0x2800, s9;
	s19 =	sadd.s32 $0xB400, s4;
	[dreg:$0xc] =	wrdreg s18  }
0x10: {  	s24 =	smul.u32 $0xA00, s9;
	s20 =	sadd.s32 $0xC800, s4;
	[dreg:$0xd] =	wrdreg s19  }
0x11: {  	s7 =	sshll.u32 s5, $0x4;
	s21 =	sadd.s32 $0xDC00, s4;
	[dreg:$0xe] =	wrdreg s20  }
0x12: {  	s5 =	smul.u32 $0xA000, s5;
	s22 =	sadd.s32 $0xF000, s4;
	[dreg:$0xf] =	wrdreg s21  }
0x13: {  	s8 =	simm.s32 $0xA80;
	s23 =	sadd.s32 $0x10400, s4;
	[dreg:$0x10] =	wrdreg s22  }
0x14: {  	s7 =	sor.u32 s9, s7;
	s25 =	sadd.s32 $0x11800, s4;
	[dreg:$0x11] =	wrdreg s23  }
0x15: {  	s3 =	sadd.s32 $0x3200, s3;
	s26 =	sadd.s32 $0x12C00, s4;
	[dreg:$0x12] =	wrdreg s25  }
0x16: {  	s9 =	simm.s32 $0xB80;
	s0 =	sadd.s32 s5, s0;
	[dreg:$0x13] =	wrdreg s26  }
0x17: {  	s22 =	simm.s32 $0x5400;
	p0 =	seq.s32 s7, $0x1F;
	s23 =	simm.s32 $0x1  }
0x18: {  	s25 =	simm.s32 $0x80;
	s26 =	simm.s32 $0x1400;
	s5 =	simm.s32 $0x780  }
0x19: {  	s6 =	simm.s32 $0x880;
	s7 =	simm.s32 $0x980;
	s11 =	simm.s32 $0xD80  }
0x1a: {  	s12 =	simm.s32 $0xE80;
	s13 =	simm.s32 $0xF80;
	s14 =	simm.s32 $0x1080  }
0x1b: {  	s15 =	simm.s32 $0x1180;
	s16 =	simm.s32 $0x1280;
	s17 =	simm.s32 $0x1380  }
0x1c: {  	s18 =	simm.s32 $0x0;
	s19 =	sadd.s32 s24, s0;
	s24 =	sadd.s32 s10, s3  }
0x1d: {  	v0 =	vimm.f32 $1.000000000e+00;
	v1 =	vimm.f32 $0.0e+00;
	s0 =	simm.s32 $0x580;
	s3 =	simm.s32 $0x680;
	s10 =	simm.s32 $0xC80  }
.LBB2_1:
0x1e: {  	s20 =	simm.s32 $0x0;
	s21 =	simm.s32 $0x200  }
.LBB2_2:
0x1f: {  	p1 =	sne.s32 s21, $0xFE00;
	[tilespmem:s20+$0x1470] =	vst v0  }
0x20: {  	[tilespmem:s20+$0x1400] =	vst v0  }
0x21: {  	[tilespmem:s20+$0x1410] =	vst v0  }
.Ltmp0:
0x22: {  	[tilespmem:s20+$0x1420] =	vst v0;
	(pc) =	sbr.rel @p1 .LBB2_2-.Ltmp0, $4  }
0x23: {  	[tilespmem:s20+$0x1430] =	vst v0  }
0x24: {  	[tilespmem:s20+$0x1440] =	vst v0  }
0x25: {  	[tilespmem:s20+$0x1450] =	vst v0  }
0x26: {  	[tilespmem:s20+$0x1460] =	vst v0;
	s20 =	sshra.s32 s21, $0x2;
	s21 =	sadd.s32 $0x200, s21  }
0x27: {  	[tilespmem:s20+$0x1470] =	vst v0  }
0x28: {  	[tilespmem:s20+$0x1400] =	vst v0  }
0x29: {  	[tilespmem:s20+$0x1410] =	vst v0  }
0x2a: {  	[tilespmem:s20+$0x1420] =	vst v0  }
0x2b: {  	[tilespmem:s20+$0x1430] =	vst v0  }
0x2c: {  	[tilespmem:s20+$0x1440] =	vst v0  }
0x2d: {  	[tilespmem:s20+$0x1450] =	vst v0  }
0x2e: {  	[tilespmem:s20+$0x1460] =	vst v0;
	s20 =	simm.s32 $0x0;
	s21 =	simm.s32 $0x200  }
.LBB2_4:
0x2f: {  	p1 =	sne.s32 s21, $0x4E00;
	[tilespmem:s20+$0x5470] =	vst v1  }
0x30: {  	[tilespmem:s20+$0x5400] =	vst v1  }
0x31: {  	[tilespmem:s20+$0x5410] =	vst v1  }
.Ltmp1:
0x32: {  	[tilespmem:s20+$0x5420] =	vst v1;
	(pc) =	sbr.rel @p1 .LBB2_4-.Ltmp1, $4  }
0x33: {  	[tilespmem:s20+$0x5430] =	vst v1  }
0x34: {  	[tilespmem:s20+$0x5440] =	vst v1  }
0x35: {  	[tilespmem:s20+$0x5450] =	vst v1  }
0x36: {  	[tilespmem:s20+$0x5460] =	vst v1;
	s20 =	sshra.s32 s21, $0x2;
	s21 =	sadd.s32 $0x200, s21  }
0x37: {  	[tilespmem:s20+$0x5470] =	vst v1  }
0x38: {  	[tilespmem:s20+$0x5400] =	vst v1  }
0x39: {  	[tilespmem:s20+$0x5410] =	vst v1  }
0x3a: {  	[tilespmem:s20+$0x5420] =	vst v1  }
0x3b: {  	[tilespmem:s20+$0x5430] =	vst v1  }
0x3c: {  	[tilespmem:s20+$0x5440] =	vst v1  }
0x3d: {  	[tilespmem:s20+$0x5450] =	vst v1  }
0x3e: {  	[tilespmem:s20+$0x5460] =	vst v1  }
0x3f: {  	[spmem:s4] =	stream.linear.scatter [tilespmem:s22], [sflag:$0x1], $0x1400, $0x38;
	[tilespmem:$0x1A800] =	vst v63  }
0x40: {  	_ =	swait.ge [sflag:s23], $0x1400  }
0x41: {  	[sflag:s23] =	ssyncset.done $0x0  }
0x42: {  	s21 =	rddreg [dreg:$0x5];
	[sflag:s23] =	ssyncadd.s32 $0xFFFFEC00  }
0x43: {  	[spmem:s21] =	stream.linear.scatter [tilespmem:s22], [sflag:$0x1], $0x1400, $0x38;
	[tilespmem:$0x1A800] =	vst v63  }
0x44: {  	_ =	swait.ge [sflag:s23], $0x1400  }
0x45: {  	[sflag:s23] =	ssyncset.done $0x0  }
0x46: {  	s21 =	rddreg [dreg:$0x6];
	[sflag:s23] =	ssyncadd.s32 $0xFFFFEC00  }
0x47: {  	[spmem:s21] =	stream.linear.scatter [tilespmem:s22], [sflag:$0x1], $0x1400, $0x38;
	[tilespmem:$0x1A800] =	vst v63  }
0x48: {  	_ =	swait.ge [sflag:s23], $0x1400  }
0x49: {  	[sflag:s23] =	ssyncset.done $0x0  }
0x4a: {  	s21 =	rddreg [dreg:$0x7];
	[sflag:s23] =	ssyncadd.s32 $0xFFFFEC00  }
0x4b: {  	[spmem:s21] =	stream.linear.scatter [tilespmem:s22], [sflag:$0x1], $0x1400, $0x38;
	[tilespmem:$0x1A800] =	vst v63  }
0x4c: {  	_ =	swait.ge [sflag:s23], $0x1400  }
0x4d: {  	[sflag:s23] =	ssyncset.done $0x0  }
0x4e: {  	s21 =	rddreg [dreg:$0x8];
	[sflag:s23] =	ssyncadd.s32 $0xFFFFEC00  }
0x4f: {  	[spmem:s21] =	stream.linear.scatter [tilespmem:s22], [sflag:$0x1], $0x1400, $0x38;
	[tilespmem:$0x1A800] =	vst v63  }
0x50: {  	_ =	swait.ge [sflag:s23], $0x1400  }
0x51: {  	[sflag:s23] =	ssyncset.done $0x0  }
0x52: {  	s21 =	rddreg [dreg:$0x9];
	[sflag:s23] =	ssyncadd.s32 $0xFFFFEC00  }
0x53: {  	[spmem:s21] =	stream.linear.scatter [tilespmem:s22], [sflag:$0x1], $0x1400, $0x38;
	[tilespmem:$0x1A800] =	vst v63  }
0x54: {  	_ =	swait.ge [sflag:s23], $0x1400  }
0x55: {  	[sflag:s23] =	ssyncset.done $0x0  }
0x56: {  	s21 =	rddreg [dreg:$0xa];
	[sflag:s23] =	ssyncadd.s32 $0xFFFFEC00  }
0x57: {  	[spmem:s21] =	stream.linear.scatter [tilespmem:s22], [sflag:$0x1], $0x1400, $0x38;
	[tilespmem:$0x1A800] =	vst v63  }
0x58: {  	_ =	swait.ge [sflag:s23], $0x1400  }
0x59: {  	[sflag:s23] =	ssyncset.done $0x0  }
0x5a: {  	s21 =	rddreg [dreg:$0xb];
	[sflag:s23] =	ssyncadd.s32 $0xFFFFEC00  }
0x5b: {  	[spmem:s21] =	stream.linear.scatter [tilespmem:s22], [sflag:$0x1], $0x1400, $0x38;
	[tilespmem:$0x1A800] =	vst v63  }
0x5c: {  	_ =	swait.ge [sflag:s23], $0x1400  }
0x5d: {  	[sflag:s23] =	ssyncset.done $0x0  }
0x5e: {  	s21 =	rddreg [dreg:$0xc];
	[sflag:s23] =	ssyncadd.s32 $0xFFFFEC00  }
0x5f: {  	[spmem:s21] =	stream.linear.scatter [tilespmem:s22], [sflag:$0x1], $0x1400, $0x38;
	[tilespmem:$0x1A800] =	vst v63  }
0x60: {  	_ =	swait.ge [sflag:s23], $0x1400  }
0x61: {  	[sflag:s23] =	ssyncset.done $0x0  }
0x62: {  	s21 =	rddreg [dreg:$0xd];
	[sflag:s23] =	ssyncadd.s32 $0xFFFFEC00  }
0x63: {  	[spmem:s21] =	stream.linear.scatter [tilespmem:s22], [sflag:$0x1], $0x1400, $0x38;
	[tilespmem:$0x1A800] =	vst v63  }
0x64: {  	_ =	swait.ge [sflag:s23], $0x1400  }
0x65: {  	[sflag:s23] =	ssyncset.done $0x0  }
0x66: {  	s21 =	rddreg [dreg:$0xe];
	[sflag:s23] =	ssyncadd.s32 $0xFFFFEC00  }
0x67: {  	[spmem:s21] =	stream.linear.scatter [tilespmem:s22], [sflag:$0x1], $0x1400, $0x38;
	[tilespmem:$0x1A800] =	vst v63  }
0x68: {  	_ =	swait.ge [sflag:s23], $0x1400  }
0x69: {  	[sflag:s23] =	ssyncset.done $0x0  }
0x6a: {  	s21 =	rddreg [dreg:$0xf];
	[sflag:s23] =	ssyncadd.s32 $0xFFFFEC00  }
0x6b: {  	[spmem:s21] =	stream.linear.scatter [tilespmem:s22], [sflag:$0x1], $0x1400, $0x38;
	[tilespmem:$0x1A800] =	vst v63  }
0x6c: {  	_ =	swait.ge [sflag:s23], $0x1400  }
0x6d: {  	[sflag:s23] =	ssyncset.done $0x0  }
0x6e: {  	s21 =	rddreg [dreg:$0x10];
	[sflag:s23] =	ssyncadd.s32 $0xFFFFEC00  }
0x6f: {  	[spmem:s21] =	stream.linear.scatter [tilespmem:s22], [sflag:$0x1], $0x1400, $0x38;
	[tilespmem:$0x1A800] =	vst v63  }
0x70: {  	_ =	swait.ge [sflag:s23], $0x1400  }
0x71: {  	[sflag:s23] =	ssyncset.done $0x0  }
0x72: {  	s21 =	rddreg [dreg:$0x11];
	[sflag:s23] =	ssyncadd.s32 $0xFFFFEC00  }
0x73: {  	[spmem:s21] =	stream.linear.scatter [tilespmem:s22], [sflag:$0x1], $0x1400, $0x38;
	[tilespmem:$0x1A800] =	vst v63  }
0x74: {  	_ =	swait.ge [sflag:s23], $0x1400  }
0x75: {  	[sflag:s23] =	ssyncset.done $0x0  }
0x76: {  	s21 =	rddreg [dreg:$0x12];
	[sflag:s23] =	ssyncadd.s32 $0xFFFFEC00  }
0x77: {  	[spmem:s21] =	stream.linear.scatter [tilespmem:s22], [sflag:$0x1], $0x1400, $0x38;
	[tilespmem:$0x1A800] =	vst v63  }
0x78: {  	_ =	swait.ge [sflag:s23], $0x1400  }
0x79: {  	[sflag:s23] =	ssyncset.done $0x0  }
0x7a: {  	s21 =	rddreg [dreg:$0x13];
	[sflag:s23] =	ssyncadd.s32 $0xFFFFEC00  }
0x7b: {  	[spmem:s21] =	stream.linear.scatter [tilespmem:s22], [sflag:$0x1], $0x1400, $0x38;
	[tilespmem:$0x1A800] =	vst v63  }
0x7c: {  	_ =	swait.ge [sflag:s23], $0x1400  }
0x7d: {  	[sflag:s23] =	ssyncset.done $0x0  }
0x7e: {  	[sflag:s23] =	ssyncadd.s32 $0xFFFFEC00  }
0x7f: {  	s20 =	simm.s32 $0x0;
	s21 =	smov.u32 s19;
	[bflag:$0x0] =	sbarrier.arrive $0xFFFF  }
.LBB2_6:
0x80: {  	[tilespmem:s2], [sflag:$0x1] =	stream.linear.gather [hbm4b:s21+s2], $0x1400, $0x38;
	[tilespmem:$0x1A800] =	vst v63  }
0x81: {  	_ =	swait.ge [sflag:s23], $0x1400  }
0x82: {  	[sflag:s23] =	ssyncset.done $0x0  }
0x83: {  	[sflag:s23] =	ssyncadd.s32 $0xFFFFEC00  }
0x84: {  	[spmem:s1] =	stream.indirect.scatter.add.f32 [tilespmem:s26], [sflag:$0x1], $0x80, s25, s25, $0xb8;
	[tilespmem:$0x1A800] =	vst v63  }
0x85: {  	_ =	swait.ge [sflag:s23], $0x4000  }
0x86: {  	[sflag:s23] =	ssyncset.done $0x0  }
0x87: {  	[sflag:s23] =	ssyncadd.s32 $0xFFFFC000  }
0x88: {  	[spmem:s1] =	stream.indirect.scatter.add.f32 [tilespmem:s26], [sflag:$0x1], $0x80, s28, s25, $0xb8;
	[tilespmem:$0x1A800] =	vst v63  }
0x89: {  	_ =	swait.ge [sflag:s23], $0x4000  }
0x8a: {  	[sflag:s23] =	ssyncset.done $0x0  }
0x8b: {  	[sflag:s23] =	ssyncadd.s32 $0xFFFFC000  }
0x8c: {  	[spmem:s1] =	stream.indirect.scatter.add.f32 [tilespmem:s26], [sflag:$0x1], $0x80, s29, s25, $0xb8;
	[tilespmem:$0x1A800] =	vst v63  }
0x8d: {  	_ =	swait.ge [sflag:s23], $0x4000  }
0x8e: {  	[sflag:s23] =	ssyncset.done $0x0  }
0x8f: {  	[sflag:s23] =	ssyncadd.s32 $0xFFFFC000  }
0x90: {  	[spmem:s1] =	stream.indirect.scatter.add.f32 [tilespmem:s26], [sflag:$0x1], $0x80, s30, s25, $0xb8;
	[tilespmem:$0x1A800] =	vst v63  }
0x91: {  	_ =	swait.ge [sflag:s23], $0x4000  }
0x92: {  	[sflag:s23] =	ssyncset.done $0x0  }
0x93: {  	[sflag:s23] =	ssyncadd.s32 $0xFFFFC000  }
0x94: {  	[spmem:s1] =	stream.indirect.scatter.add.f32 [tilespmem:s26], [sflag:$0x1], $0x80, s31, s25, $0xb8;
	[tilespmem:$0x1A800] =	vst v63  }
0x95: {  	_ =	swait.ge [sflag:s23], $0x4000  }
0x96: {  	[sflag:s23] =	ssyncset.done $0x0  }
0x97: {  	[sflag:s23] =	ssyncadd.s32 $0xFFFFC000  }
0x98: {  	[spmem:s1] =	stream.indirect.scatter.add.f32 [tilespmem:s26], [sflag:$0x1], $0x80, s0, s25, $0xb8;
	[tilespmem:$0x1A800] =	vst v63  }
0x99: {  	_ =	swait.ge [sflag:s23], $0x4000  }
0x9a: {  	[sflag:s23] =	ssyncset.done $0x0  }
0x9b: {  	[sflag:s23] =	ssyncadd.s32 $0xFFFFC000  }
0x9c: {  	[spmem:s1] =	stream.indirect.scatter.add.f32 [tilespmem:s26], [sflag:$0x1], $0x80, s3, s25, $0xb8;
	[tilespmem:$0x1A800] =	vst v63  }
0x9d: {  	_ =	swait.ge [sflag:s23], $0x4000  }
0x9e: {  	[sflag:s23] =	ssyncset.done $0x0  }
0x9f: {  	[sflag:s23] =	ssyncadd.s32 $0xFFFFC000  }
0xa0: {  	[spmem:s1] =	stream.indirect.scatter.add.f32 [tilespmem:s26], [sflag:$0x1], $0x80, s5, s25, $0xb8;
	[tilespmem:$0x1A800] =	vst v63  }
0xa1: {  	_ =	swait.ge [sflag:s23], $0x4000  }
0xa2: {  	[sflag:s23] =	ssyncset.done $0x0  }
0xa3: {  	[sflag:s23] =	ssyncadd.s32 $0xFFFFC000  }
0xa4: {  	[spmem:s1] =	stream.indirect.scatter.add.f32 [tilespmem:s26], [sflag:$0x1], $0x80, s6, s25, $0xb8;
	[tilespmem:$0x1A800] =	vst v63  }
0xa5: {  	_ =	swait.ge [sflag:s23], $0x4000  }
0xa6: {  	[sflag:s23] =	ssyncset.done $0x0  }
0xa7: {  	[sflag:s23] =	ssyncadd.s32 $0xFFFFC000  }
0xa8: {  	[spmem:s1] =	stream.indirect.scatter.add.f32 [tilespmem:s26], [sflag:$0x1], $0x80, s7, s25, $0xb8;
	[tilespmem:$0x1A800] =	vst v63  }
0xa9: {  	_ =	swait.ge [sflag:s23], $0x4000  }
0xaa: {  	[sflag:s23] =	ssyncset.done $0x0  }
0xab: {  	[sflag:s23] =	ssyncadd.s32 $0xFFFFC000  }
0xac: {  	[spmem:s1] =	stream.indirect.scatter.add.f32 [tilespmem:s26], [sflag:$0x1], $0x80, s8, s25, $0xb8;
	[tilespmem:$0x1A800] =	vst v63  }
0xad: {  	_ =	swait.ge [sflag:s23], $0x4000  }
0xae: {  	[sflag:s23] =	ssyncset.done $0x0  }
0xaf: {  	[sflag:s23] =	ssyncadd.s32 $0xFFFFC000  }
0xb0: {  	[spmem:s1] =	stream.indirect.scatter.add.f32 [tilespmem:s26], [sflag:$0x1], $0x80, s9, s25, $0xb8;
	[tilespmem:$0x1A800] =	vst v63  }
0xb1: {  	_ =	swait.ge [sflag:s23], $0x4000  }
0xb2: {  	[sflag:s23] =	ssyncset.done $0x0  }
0xb3: {  	[sflag:s23] =	ssyncadd.s32 $0xFFFFC000  }
0xb4: {  	[spmem:s1] =	stream.indirect.scatter.add.f32 [tilespmem:s26], [sflag:$0x1], $0x80, s10, s25, $0xb8;
	[tilespmem:$0x1A800] =	vst v63  }
0xb5: {  	_ =	swait.ge [sflag:s23], $0x4000  }
0xb6: {  	[sflag:s23] =	ssyncset.done $0x0  }
0xb7: {  	[sflag:s23] =	ssyncadd.s32 $0xFFFFC000  }
0xb8: {  	[spmem:s1] =	stream.indirect.scatter.add.f32 [tilespmem:s26], [sflag:$0x1], $0x80, s11, s25, $0xb8;
	[tilespmem:$0x1A800] =	vst v63  }
0xb9: {  	_ =	swait.ge [sflag:s23], $0x4000  }
0xba: {  	[sflag:s23] =	ssyncset.done $0x0  }
0xbb: {  	[sflag:s23] =	ssyncadd.s32 $0xFFFFC000  }
0xbc: {  	[spmem:s1] =	stream.indirect.scatter.add.f32 [tilespmem:s26], [sflag:$0x1], $0x80, s12, s25, $0xb8;
	[tilespmem:$0x1A800] =	vst v63  }
0xbd: {  	_ =	swait.ge [sflag:s23], $0x4000  }
0xbe: {  	[sflag:s23] =	ssyncset.done $0x0  }
0xbf: {  	[sflag:s23] =	ssyncadd.s32 $0xFFFFC000  }
0xc0: {  	[spmem:s1] =	stream.indirect.scatter.add.f32 [tilespmem:s26], [sflag:$0x1], $0x80, s13, s25, $0xb8;
	[tilespmem:$0x1A800] =	vst v63  }
0xc1: {  	_ =	swait.ge [sflag:s23], $0x4000  }
0xc2: {  	[sflag:s23] =	ssyncset.done $0x0  }
0xc3: {  	[sflag:s23] =	ssyncadd.s32 $0xFFFFC000  }
0xc4: {  	[spmem:s1] =	stream.indirect.scatter.add.f32 [tilespmem:s26], [sflag:$0x1], $0x80, s14, s25, $0xb8;
	[tilespmem:$0x1A800] =	vst v63  }
0xc5: {  	_ =	swait.ge [sflag:s23], $0x4000  }
0xc6: {  	[sflag:s23] =	ssyncset.done $0x0  }
0xc7: {  	[sflag:s23] =	ssyncadd.s32 $0xFFFFC000  }
0xc8: {  	[spmem:s1] =	stream.indirect.scatter.add.f32 [tilespmem:s26], [sflag:$0x1], $0x80, s15, s25, $0xb8;
	[tilespmem:$0x1A800] =	vst v63  }
0xc9: {  	_ =	swait.ge [sflag:s23], $0x4000  }
0xca: {  	[sflag:s23] =	ssyncset.done $0x0  }
0xcb: {  	[sflag:s23] =	ssyncadd.s32 $0xFFFFC000  }
0xcc: {  	[spmem:s1] =	stream.indirect.scatter.add.f32 [tilespmem:s26], [sflag:$0x1], $0x80, s16, s25, $0xb8;
	[tilespmem:$0x1A800] =	vst v63  }
0xcd: {  	p1 =	slt.u32 @!p0 s20, $0x3;
	_ =	swait.ge [sflag:s23], $0x4000  }
0xce: {  	p1 =	por p0, !p1;
	[sflag:s23] =	ssyncset.done $0x0  }
.Ltmp2:
0xcf: {  	[sflag:s23] =	ssyncadd.s32 $0xFFFFC000;
	(pc) =	sbr.rel @!p1 .LBB2_6-.Ltmp2, $4  }
0xd0: {  	[spmem:s1] =	stream.indirect.scatter.add.f32 [tilespmem:s26], [sflag:$0x1], $0x80, s17, s25, $0xb8;
	[tilespmem:$0x1A800] =	vst v63  }
0xd1: {  	_ =	swait.ge [sflag:s23], $0x4000  }
0xd2: {  	[sflag:s23] =	ssyncset.done $0x0  }
0xd3: {  	s20 =	sadd.s32 $0x1, s20;
	s21 =	sadd.s32 $0x280, s21;
	[sflag:s23] =	ssyncadd.s32 $0xFFFFC000  }
0xd4: {  	s20 =	stileid.u32  }
0xd5: {  	s20 =	sshll.u32 s20, $0x6  }
0xd6: {  	[bflag:$0x0] =	sbarrier.arrive $0xFFFF;
	s21 =	sshrl.u32 s4, $0x3;
	s20 =	sor.u32 $0x1C01, s20  }
0xd7: {  	[hbm:s24], [sflag:s20] =	dma.local [spmem:s21], $0x2800  }
0xd8: {  	_ =	swait.ge [sflag:s23], $0x2800  }
0xd9: {  	s18 =	sadd.s32 $0x1, s18;
	s21 =	rddreg [dreg:$0x4]  }
0xda: {  	p1 =	sne.s32 s18, s21  }
.Ltmp3:
0xdb: {  	_ = 	snop;
	(pc) =	sbr.rel @p1 .LBB2_1-.Ltmp3, $3  }
0xdc: {  	_ =	sdelay $0x1  }
0xdd: {  	[sflag:s23] =	ssyncset.done $0x0  }
0xde: {  	[sflag:s23] =	ssyncadd.s32 $0xFFFFD800  }
0xdf: {  	_ =	sfence.sel $0x180000  }
0xe0: {  	[bflag:$0x0] =	sbarrier.arrive $0xFFFF  }
0xe1: {  	_ =	strace $0x90000047  }
0xe2: {  	s0 =	stileid.u32;
	[bflag:$0x2] =	sbarrier.arrive $0xFFFF  }
0xe3: {  	p0 =	sne.s32 s0, $0x0;
	s0 =	rddreg [dreg:$0x3]  }
0xe4: {  	s0 =	sadd.s32 @!p0 $0x100000, s0  }
0xe5: {  	[sflag:s0] =	ssyncadd.tile.s32 @!p0 $0x1;
	_ =	shalt  }
.Lfunc_end2:
_tile_overlayer_lowered:
.L_overlay_start_2:
0xe6: {  	(tag) =	ssettag $0x2  }
0xe7: {  	s0 =	rddreg [dreg:$0x0];
	s2 =	stileid.u32  }
0xe8: {  	s1 =	rddreg [dreg:$0x1];
	p0 =	sne.s32 s2, $0x0  }
0xe9: {  	s3 =	rddreg [dreg:$0x2];
	[bflag:$0x3] =	sbarrier.arrive $0xFFFF;
	s2 =	simm.s32 @!p0 $0x1C01  }
0xea: {  	[timem:s3], [sflag:s2] =	dma.local @!p0 [hbm:s0], s1  }
0xeb: {  	s0 =	simm.s32 @!p0 $0x1  }
0xec: {  	_ =	swait.ge @!p0 [sflag:s0], s1  }
0xed: {  	s1 =	ssub.s32 @!p0 $0x0, s1;
	[sflag:s0] =	ssyncset.done @!p0 $0x0  }
0xee: {  	[sflag:s0] =	ssyncadd.s32 @!p0 s1  }
0xef: {  	[bflag:$0x3] =	sbarrier.arrive $0xFFFF  }
0xf0: {  	_ =	shalt  }

// kernel: kernel.15.cloned.1.call-start
scs
__scs_entry_jumppad:
0x0: {  	(pc) =	sbr.rel $0x88, $3  }
0x1: {  	(tag) =	ssettag $0x0;
	lr =	simm.s32 $0x1  }
0x2: {  	[smem:$0x3F95] =	sst lr;
	_ =	strace $0xD0000000  }
0x3: {  	_ = 	snop  }
0x4: {  	_ = 	snop  }
0x5: {  	_ = 	snop  }
0x6: {  	_ = 	snop  }
0x7: {  	_ = 	snop  }
__scs_overlays_trampoline_lowered:
0x8: {  	[smem:$0x3FA4] =	sst s0  }
0x9: {  	[smem:$0x3FA5] =	sst s1  }
0xa: {  	[smem:$0x3FA6] =	sst s2  }
0xb: {  	[smem:$0x3FA7] =	sst s3  }
0xc: {  	[smem:$0x3FA8] =	sst s4  }
0xd: {  	[smem:$0x3FA9] =	sst s5  }
0xe: {  	[smem:$0x3FAA] =	sst s6  }
0xf: {  	[smem:$0x3FAB] =	sst s7  }
0x10: {  	[smem:$0x3FAC] =	sst s8  }
0x11: {  	[smem:$0x3FAD] =	sst s9;
	s0 =	simm.s32 @!p0 $0x0  }
0x12: {  	s1 =	sld [smem:$0x3F93];
	s0 =	simm.s32 @p0 $0x1  }
0x13: {  	[smem:$0x3FAE] =	sst s0;
	s0 =	simm.s32 @!p1 $0x0  }
0x14: {  	s2 =	sld [smem:$0x3F92];
	s0 =	simm.s32 @p1 $0x1  }
0x15: {  	[smem:$0x3FAF] =	sst s0;
	s0 =	simm.s32 @!p2 $0x0  }
0x16: {  	s3 =	sld [smem:$0x3FDB];
	s0 =	simm.s32 @p2 $0x1  }
0x17: {  	s4 =	simm.s32 $0x1BF5;
	[smem:$0x3FB1] =	sst s0  }
0x18: {  	s0 =	sld [smem:$0x3F94];
	_ =	swait.ge [sflag:s4], $0x0  }
0x19: {  	s7 =	sld [smem:$0x3F95]  }
0x1a: {  	s8 =	sadd.s32 $0xFFFFE003, lr  }
0x1b: {  	s9 =	sadd.s32 $0xFFFFFEF7, lr;
	s5 =	simm.s32 $0xFFFFFFFF;
	p2 =	slt.u32 s8, $0xFFFFF086  }
0x1c: {  	p1 =	slt.u32 s9, $0xF7A;
	s5 =	simm.s32 @!p2 $0x0  }
0x1d: {  	s5 =	simm.s32 @p1 $0x1;
	p0 =	seq.s32 s7, s2  }
0x1e: {  	s7 =	smul.u32 @!p0 $0xF7A, s2;
	p2 =	seq.s32 @!p0 s5, $0x0  }
0x1f: {  	s9 =	smul.u32 $0xF7A, s1;
	s8 =	simm.s32 @!p0 $0x1BF5;
	p2 =	por !p2, p0  }
0x20: {  	[sflag:s8] =	ssyncset.s32 @!p0 $0xFFFFF086;
	s6 =	sadd.s32 @!p0 s3, s7;
	s7 =	simm.s32 @!p0 $0x108  }
0x21: {  	s3 =	sadd.s32 s3, s9;
	s6 =	sadd.s32 @!p0 $0x88, s6;
	s7 =	simm.s32 @p2 $0x1082  }
0x22: {  	[simem:s7], [sflag:s8] =	dma.local @!p0 [hbm:s6], $0xF7A  }
0x23: {  	s9 =	sor.u32 $0xD0000000, s2;
	s6 =	simm.s32 $0x108;
	_ =	swait.ge @!p0 [sflag:s8], $0x0  }
0x24: {  	s3 =	sadd.s32 $0x88, s3;
	s6 =	simm.s32 @!p1 $0x1082;
	[sflag:s4] =	ssyncset.s32 $0xFFFFF086  }
0x25: {  	[simem:s6], [sflag:s4] =	dma.local [hbm:s3], $0xF7A  }
0x26: {  	[smem:$0x3F95] =	sst s1;
	(tag) =	ssettag s2;
	_ =	strace s9  }
0x27: {  	s1 =	sld [smem:$0x3FA5]  }
0x28: {  	s2 =	sld [smem:$0x3FA6]  }
0x29: {  	s4 =	sld [smem:$0x3FA8]  }
0x2a: {  	p0 =	seq.s32 s5, $0x0;
	s5 =	sld [smem:$0x3FA9]  }
0x2b: {  	s6 =	sld [smem:$0x3FAA]  }
0x2c: {  	s7 =	sld [smem:$0x3FAB]  }
0x2d: {  	s3 =	simm.s32 $0x108;
	s8 =	sld [smem:$0x3FAC]  }
0x2e: {  	s3 =	simm.s32 @!p0 $0x1082;
	s9 =	sld [smem:$0x3FAD]  }
0x2f: {  	lr =	sadd.s32 s0, s3;
	s0 =	sld [smem:$0x3FA4]  }
0x30: {  	s3 =	sld [smem:$0x3FA7]  }
0x31: {  	[smem:$0x3FB0] =	sst s10  }
0x32: {  	s10 =	sld [smem:$0x3FAE];
	_ =	sdelay $0x3  }
0x33: {  	p0 =	seq.s32 s10, $0x1;
	s10 =	sld [smem:$0x3FB0];
	_ =	sdelay $0x3  }
0x34: {  	[smem:$0x3FB0] =	sst s10  }
0x35: {  	s10 =	sld [smem:$0x3FAF];
	_ =	sdelay $0x3  }
0x36: {  	p1 =	seq.s32 s10, $0x1;
	s10 =	sld [smem:$0x3FB0];
	_ =	sdelay $0x3  }
0x37: {  	[smem:$0x3FB0] =	sst s10  }
0x38: {  	s10 =	sld [smem:$0x3FB1]  }
0x39: {  	_ = 	snop;
	(pc) =	sbr.ind lr, $3  }
0x3a: {  	_ = 	snop  }
0x3b: {  	_ = 	snop  }
0x3c: {  	p2 =	seq.s32 s10, $0x1;
	s10 =	sld [smem:$0x3FB0]  }
0x3d: {  	_ =	shalt  }
0x3e: {  	_ =	shalt  }
0x3f: {  	_ =	shalt  }
0x40: {  	_ =	shalt  }
0x41: {  	_ =	shalt  }
0x42: {  	_ =	shalt  }
0x43: {  	_ =	shalt  }
0x44: {  	_ =	shalt  }
0x45: {  	_ =	shalt  }
0x46: {  	_ =	shalt  }
0x47: {  	_ =	shalt  }
0x48: {  	_ =	shalt  }
0x49: {  	_ =	shalt  }
0x4a: {  	_ =	shalt  }
0x4b: {  	_ =	shalt  }
0x4c: {  	_ =	shalt  }
0x4d: {  	_ =	shalt  }
0x4e: {  	_ =	shalt  }
0x4f: {  	_ =	shalt  }
0x50: {  	_ =	shalt  }
0x51: {  	_ =	shalt  }
0x52: {  	_ =	shalt  }
0x53: {  	_ =	shalt  }
0x54: {  	_ =	shalt  }
0x55: {  	_ =	shalt  }
0x56: {  	_ =	shalt  }
0x57: {  	_ =	shalt  }
0x58: {  	_ =	shalt  }
0x59: {  	_ =	shalt  }
0x5a: {  	_ =	shalt  }
0x5b: {  	_ =	shalt  }
0x5c: {  	_ =	shalt  }
0x5d: {  	_ =	shalt  }
0x5e: {  	_ =	shalt  }
0x5f: {  	_ =	shalt  }
0x60: {  	_ =	shalt  }
0x61: {  	_ =	shalt  }
0x62: {  	_ =	shalt  }
0x63: {  	_ =	shalt  }
0x64: {  	_ =	shalt  }
0x65: {  	_ =	shalt  }
0x66: {  	_ =	shalt  }
0x67: {  	_ =	shalt  }
0x68: {  	_ =	shalt  }
0x69: {  	_ =	shalt  }
0x6a: {  	_ =	shalt  }
0x6b: {  	_ =	shalt  }
0x6c: {  	_ =	shalt  }
0x6d: {  	_ =	shalt  }
0x6e: {  	_ =	shalt  }
0x6f: {  	_ =	shalt  }
0x70: {  	_ =	shalt  }
0x71: {  	_ =	shalt  }
0x72: {  	_ =	shalt  }
0x73: {  	_ =	shalt  }
0x74: {  	_ =	shalt  }
0x75: {  	_ =	shalt  }
0x76: {  	_ =	shalt  }
0x77: {  	_ =	shalt  }
0x78: {  	_ =	shalt  }
0x79: {  	_ =	shalt  }
0x7a: {  	_ =	shalt  }
0x7b: {  	_ =	shalt  }
0x7c: {  	_ =	shalt  }
0x7d: {  	_ =	shalt  }
0x7e: {  	_ =	shalt  }
0x7f: {  	_ =	shalt  }
0x80: {  	_ =	shalt  }
0x81: {  	_ =	shalt  }
0x82: {  	_ =	shalt  }
0x83: {  	_ =	shalt  }
0x84: {  	_ =	shalt  }
0x85: {  	_ =	shalt  }
0x86: {  	_ =	shalt  }
0x87: {  	_ =	shalt  }
.Lfunc_end0:
.L_simem_size_0:
called_computation.1_lowered:
.L_overlay_start_0:
0x88: {  	s2 =	sld [smem:$0x3FD9]  }
0x89: {  	s3 =	sld [smem:$0x3FFE];
	_ =	sdelay $0x1  }
0x8a: {  	s1 =	srdreg.scid  }
0x8b: {  	s0 =	sand.u32 $0x1, s1  }
0x8c: {  	s17 =	sshll.u32 s0, $0xA;
	s2 =	sadd.s32 s3, s2  }
0x8d: {  	s2 =	sadd.s32 s2, s17  }
0x8e: {  	[smem:$0x3FBC] =	sst s2  }
0x8f: {  	_ = 	snop  }
0x90: {  	s18 =	sld [smem:$0x3FC8];
	(tm) =	ssettm $0x1  }
0x91: {  	s19 =	sld [smem:$0x3FFB];
	_ =	sdelay $0x3  }
0x92: {  	_ =	strace s19  }
0x93: {  	s2 =	sld [smem:$0x3FFC];
	_ =	sdelay $0x3  }
0x94: {  	_ =	strace s2  }
0x95: {  	s2 =	sld [smem:$0x3FFD];
	_ =	sdelay $0x3  }
0x96: {  	_ =	strace s2  }
0x97: {  	_ =	strace $0x8FFFFFFF  }
0x98: {  	s20 =	sld [smem:$0x3FDB];
	_ =	sdelay $0x1  }
0x99: {  	s4 =	simm.s32 $_scs_section_size  }
0x9a: {  	s5 =	simm.s32 $_size__tile_overlayer_lowered;
	s6 =	simm.s32 $_tile_overlayer_lowered  }
0x9b: {  	s7 =	simm.s32 $0x1BFF;
	s21 =	sshll.u32 s6, $0x1;
	s4 =	sadd.s32 s4, s20  }
0x9c: {  	s22 =	simm.s32 $0x0;
	s5 =	sshll.u32 s5, $0x1;
	s6 =	sadd.s32 s21, s4  }
0x9d: {  	[timem:s22], [sflag:s7] =	dma.local [hbm:s6], s5  }
0x9e: {  	_ =	swait.ge [sflag:s7], s5  }
0x9f: {  	s5 =	ssub.s32 $0x0, s5;
	[sflag:s7] =	ssyncset.done $0x0  }
0xa0: {  	[sflag:s7] =	ssyncadd.s32 s5;
	_ =	sdelay $0x1  }
0xa1: {  	s23 =	simm.s32 $0x1B8B  }
0xa2: {  	_ =	swait.ge [sflag:s23], $0x1  }
0xa3: {  	[sflag:s23] =	ssyncset.done $0x0  }
0xa4: {  	[sflag:s23] =	ssyncadd.s32 $0xFFFFFFFF  }
0xa5: {  	s5 =	sld [smem:$0x0]  }
0xa6: {  	s6 =	sand.u32 $0xFFFFFFFE, s1  }
0xa7: {  	p0 =	sne.s32 s1, s6  }
0xa8: {  	s6 =	sshll.u32 @p0 s6, $0xE  }
0xa9: {  	s6 =	sadd.s32 @p0 $0x11B8D, s6;
	s7 =	sshll.u32 @p0 s5, $0x11  }
0xaa: {  	s6 =	sor.u32 @p0 s7, s6  }
0xab: {  	[sflag:s6] =	ssyncadd.remote.s32 @p0 $0x1;
	_ =	sdelay $0x1  }
0xac: {  	s6 =	simm.s32 @p0 $0x1B8D  }
0xad: {  	_ =	swait.eq @p0 [sflag:s6], $0x1  }
0xae: {  	[sflag:s6] =	ssyncadd.s32 @p0 $0xFFFFFFFF  }
0xaf: {  	s7 =	sshll.u32 @!p0 s1, $0xE  }
0xb0: {  	s7 =	sor.u32 @!p0 $0x4000, s7;
	s6 =	simm.s32 @!p0 $0x1B8D  }
0xb1: {  	s5 =	sshll.u32 @!p0 s5, $0x11;
	s7 =	sadd.s32 @!p0 $0x11B8D, s7;
	_ =	swait.eq @!p0 [sflag:s6], $0x1  }
0xb2: {  	s5 =	sor.u32 @!p0 s5, s7;
	[sflag:s6] =	ssyncadd.s32 @!p0 $0xFFFFFFFF  }
0xb3: {  	s25 =	simm.s32 $0x1B8E;
	s24 =	sld [smem:$0x3FFE];
	[sflag:s5] =	ssyncadd.remote.s32 @!p0 $0x1  }
0xb4: {  	s26 =	simm.s32 $execute0_lowered;
	[smem:$0x3FD2] =	sst s25  }
0xb5: {  	s6 =	sshll.u32 s26, $0x1;
	_ =	strace $0x80000049;
	[dreg:$0x1] =	wrdreg $0xFFFFFFFF  }
0xb6: {  	s28 =	simm.s32 $_size_execute0_lowered;
	s4 =	sadd.s32 s4, s6;
	[dreg:$0x0] =	wrdreg $0x0  }
0xb7: {  	s6 =	sshll.u32 s28, $0x1;
	[dreg:$0x2] =	wrdreg s4  }
0xb8: {  	[dreg:$0x3] =	wrdreg s6  }
0xb9: {  	[dreg:$0x4] =	wrdreg $0xC0  }
0xba: {  	_ =	task [dreg:s22], $0x5FFFF  }
0xbb: {  	[dreg:$0x1] =	wrdreg $0xFFFFFFFF  }
0xbc: {  	[dreg:$0x0] =	wrdreg $0x60  }
0xbd: {  	[dreg:$0x2] =	wrdreg s24  }
0xbe: {  	[dreg:$0x3] =	wrdreg s18  }
0xbf: {  	[dreg:$0x4] =	wrdreg $0xA8000  }
0xc0: {  	[dreg:$0x5] =	wrdreg $0xA  }
0xc1: {  	_ =	task.clear_ibuf [dreg:s22], $0x6FFFF;
	_ =	strace $0x90000049  }
0xc2: {  	s29 =	simm.s32 $0xA;
	_ =	strace $0x8000004B  }
0xc3: {  	_ =	swait.ge [sflag:s29], $0x1  }
0xc4: {  	[sflag:s29] =	ssyncadd.s32 $0xFFFFFFFF  }
0xc5: {  	_ =	strace $0x9000004B  }
0xc6: {  	_ =	sfence  }
0xc7: {  	s30 =	sld [smem:$0x0];
	_ =	sdelay $0x2  }
0xc8: {  	s31 =	sshll.u32 s1, $0xD;
	s1 =	sshrl.u32 s1, $0x2  }
0xc9: {  	s4 =	sand.u32 $0x4000, s31;
	s1 =	sadd.s32 s1, s30  }
0xca: {  	s0 =	sor.u32 s4, s0;
	s1 =	sshll.u32 s1, $0x11  }
0xcb: {  	s0 =	sor.u32 s1, s0  }
0xcc: {  	s0 =	sadd.s32 $0x8F2B, s0  }
0xcd: {  	[sflag:s0] =	ssyncadd.remote.s32 $0x1  }
0xce: {  	_ =	sfence.sel $0xFFFF  }
0xcf: {  	[dreg:$0x0] =	wrdreg $0xFFFFFFFF;
	(pc) =	sbr.abs _section_cstart, $3  }
0xd0: {  	[dreg:$0x1] =	wrdreg $0xFFFFFFFF  }
0xd1: {  	_ =	task.clear_ibuf [dreg:s22], $0x2FFFF;
	_ =	strace $0x9FFFFFFF  }
0xd2: {  	(tm) =	ssettm $0x7FFFFFFF  }
0xd3: {  	_ =	shalt  }
tec
execute0_lowered:
.L_overlay_start_1:
0x0: {  	(tag) =	ssettag $0x1  }
0x1: {  	s0 =	rddreg [dreg:$0x0]  }
0x2: {  	s3 =	rddreg [dreg:$0x1]  }
0x3: {  	s1 =	rddreg [dreg:$0x2]  }
0x4: {  	s4 =	srdreg.scid;
	s9 =	stileid.u32  }
0x5: {  	s2 =	simm.s32 $0x0;
	s5 =	sand.u32 $0x1, s4;
	s8 =	smul.u32 $0x50000, s9  }
0x6: {  	[smem:$0x7FF] =	sst s2;
	s6 =	smul.u32 $0x28000, s5;
	s7 =	ssub.s32 $0x2, s5  }
0x7: {  	s4 =	sadd.s32 $0x53200, s0;
	s25 =	sshrl.u32 s7, $0x1;
	s8 =	sshrl.u32 s8, $0x2  }
0x8: {  	s0 =	sadd.s32 s6, s0;
	s6 =	ssub.s32 s7, s25;
	s10 =	sadd.s32 s8, s1  }
0x9: {  	_ =	strace $0x8000004A;
	s6 =	smax.u32 s6, $0x1;
	[dreg:$0x4] =	wrdreg s10  }
0xa: {  	s28 =	simm.s32 $0x1400;
	s11 =	sadd.s32 $0x1400, s10;
	[dreg:$0x5] =	wrdreg s6  }
0xb: {  	s30 =	simm.s32 $0x5400;
	s12 =	sadd.s32 $0x2800, s10;
	[dreg:$0x6] =	wrdreg s11  }
0xc: {  	s31 =	simm.s32 $0x1;
	s13 =	sadd.s32 $0x3C00, s10;
	[dreg:$0x7] =	wrdreg s12  }
0xd: {  	s29 =	simm.s32 $0xC80;
	s14 =	sadd.s32 $0x5000, s10;
	[dreg:$0x8] =	wrdreg s13  }
0xe: {  	s2 =	smul.u32 $0x2800, s9;
	s15 =	sadd.s32 $0x6400, s10;
	[dreg:$0x9] =	wrdreg s14  }
0xf: {  	s22 =	smul.u32 $0xA00, s9;
	s16 =	sadd.s32 $0x7800, s10;
	[dreg:$0xa] =	wrdreg s15  }
0x10: {  	s26 =	sshll.u32 s5, $0x4;
	s17 =	sadd.s32 $0x8C00, s10;
	[dreg:$0xb] =	wrdreg s16  }
0x11: {  	s5 =	smul.u32 $0xA000, s5;
	s18 =	sadd.s32 $0xA000, s10;
	[dreg:$0xc] =	wrdreg s17  }
0x12: {  	s7 =	sor.u32 s9, s26;
	s19 =	sadd.s32 $0xB400, s10;
	[dreg:$0xd] =	wrdreg s18  }
0x13: {  	s3 =	sadd.s32 s5, s3;
	s20 =	sadd.s32 $0xC800, s10;
	[dreg:$0xe] =	wrdreg s19  }
0x14: {  	s5 =	simm.s32 $0xB80;
	s21 =	sadd.s32 $0xDC00, s10;
	[dreg:$0xf] =	wrdreg s20  }
0x15: {  	s8 =	simm.s32 $0xE80;
	s23 =	sadd.s32 $0xF000, s10;
	[dreg:$0x10] =	wrdreg s21  }
0x16: {  	s9 =	simm.s32 $0x1000;
	s24 =	sadd.s32 $0x10400, s10;
	[dreg:$0x11] =	wrdreg s23  }
0x17: {  	s0 =	sadd.s32 $0x7B200, s0;
	s25 =	sadd.s32 $0x11800, s10;
	[dreg:$0x12] =	wrdreg s24  }
0x18: {  	s3 =	sadd.s32 s22, s3;
	s26 =	sadd.s32 $0x12C00, s10;
	[dreg:$0x13] =	wrdreg s25  }
0x19: {  	p0 =	seq.s32 s7, $0x1F;
	s7 =	simm.s32 $0xF00;
	[dreg:$0x14] =	wrdreg s3  }
0x1a: {  	s10 =	simm.s32 $0xF80;
	[dreg:$0x15] =	wrdreg s26;
	s0 =	sadd.s32 s2, s0  }
0x1b: {  	s25 =	simm.s32 $0x3;
	s26 =	simm.s32 $0x80;
	s3 =	simm.s32 $0x2  }
0x1c: {  	s19 =	simm.s32 $0xB00;
	s2 =	simm.s32 $0xA80;
	s21 =	simm.s32 $0x0  }
0x1d: {  	s24 =	simm.s32 $0xC00;
	s23 =	simm.s32 $0xD00;
	s6 =	simm.s32 $0xD80  }
0x1e: {  	s11 =	simm.s32 $0x1100;
	s12 =	simm.s32 $0x1080;
	s13 =	simm.s32 $0x1200  }
0x1f: {  	s14 =	simm.s32 $0x1180;
	s15 =	simm.s32 $0x1300;
	s16 =	simm.s32 $0x1280  }
0x20: {  	v0 =	vimm.f32 $0.0e+00;
	s17 =	simm.s32 $0x1380;
	[dreg:$0x16] =	wrdreg s0;
	s0 =	simm.s32 $0x0  }
.LBB2_1:
0x21: {  	[dreg:$0x17] =	wrdreg s0;
	s20 =	simm.s32 $0x0;
	s22 =	simm.s32 $0x200  }
.LBB2_2:
0x22: {  	p1 =	sne.s32 s22, $0x4E00;
	[tilespmem:s20+$0x9470] =	vst v0  }
0x23: {  	[tilespmem:s20+$0x9400] =	vst v0  }
0x24: {  	[tilespmem:s20+$0x9410] =	vst v0  }
.Ltmp0:
0x25: {  	[tilespmem:s20+$0x9420] =	vst v0;
	(pc) =	sbr.rel @p1 .LBB2_2-.Ltmp0, $4  }
0x26: {  	[tilespmem:s20+$0x9430] =	vst v0  }
0x27: {  	[tilespmem:s20+$0x9440] =	vst v0  }
0x28: {  	[tilespmem:s20+$0x9450] =	vst v0  }
0x29: {  	[tilespmem:s20+$0x9460] =	vst v0;
	s20 =	sshra.s32 s22, $0x2;
	s22 =	sadd.s32 $0x200, s22  }
0x2a: {  	[tilespmem:s20+$0x9470] =	vst v0  }
0x2b: {  	[tilespmem:s20+$0x9400] =	vst v0  }
0x2c: {  	[tilespmem:s20+$0x9410] =	vst v0  }
0x2d: {  	[tilespmem:s20+$0x9420] =	vst v0  }
0x2e: {  	[tilespmem:s20+$0x9430] =	vst v0  }
0x2f: {  	[tilespmem:s20+$0x9440] =	vst v0  }
0x30: {  	[tilespmem:s20+$0x9450] =	vst v0  }
0x31: {  	[tilespmem:s20+$0x9460] =	vst v0;
	s0 =	rddreg [dreg:$0x4];
	s22 =	simm.s32 $0x9400  }
0x32: {  	[spmem:s0] =	stream.linear.scatter [tilespmem:s22], [sflag:$0x3], $0x1400, $0x38;
	[tilespmem:$0x1E800] =	vst v63  }
0x33: {  	_ =	swait.ge [sflag:s25], $0x1400  }
0x34: {  	[sflag:s25] =	ssyncset.done $0x0  }
0x35: {  	s18 =	rddreg [dreg:$0x6];
	[sflag:s25] =	ssyncadd.s32 $0xFFFFEC00  }
0x36: {  	[spmem:s18] =	stream.linear.scatter [tilespmem:s22], [sflag:$0x3], $0x1400, $0x38;
	[tilespmem:$0x1E800] =	vst v63  }
0x37: {  	_ =	swait.ge [sflag:s25], $0x1400  }
0x38: {  	[sflag:s25] =	ssyncset.done $0x0  }
0x39: {  	s0 =	rddreg [dreg:$0x7];
	[sflag:s25] =	ssyncadd.s32 $0xFFFFEC00  }
0x3a: {  	[spmem:s0] =	stream.linear.scatter [tilespmem:s22], [sflag:$0x3], $0x1400, $0x38;
	[tilespmem:$0x1E800] =	vst v63  }
0x3b: {  	_ =	swait.ge [sflag:s25], $0x1400  }
0x3c: {  	[sflag:s25] =	ssyncset.done $0x0  }
0x3d: {  	s18 =	rddreg [dreg:$0x8];
	[sflag:s25] =	ssyncadd.s32 $0xFFFFEC00  }
0x3e: {  	[spmem:s18] =	stream.linear.scatter [tilespmem:s22], [sflag:$0x3], $0x1400, $0x38;
	[tilespmem:$0x1E800] =	vst v63  }
0x3f: {  	_ =	swait.ge [sflag:s25], $0x1400  }
0x40: {  	[sflag:s25] =	ssyncset.done $0x0  }
0x41: {  	s0 =	rddreg [dreg:$0x9];
	[sflag:s25] =	ssyncadd.s32 $0xFFFFEC00  }
0x42: {  	[spmem:s0] =	stream.linear.scatter [tilespmem:s22], [sflag:$0x3], $0x1400, $0x38;
	[tilespmem:$0x1E800] =	vst v63  }
0x43: {  	_ =	swait.ge [sflag:s25], $0x1400  }
0x44: {  	[sflag:s25] =	ssyncset.done $0x0  }
0x45: {  	s18 =	rddreg [dreg:$0xa];
	[sflag:s25] =	ssyncadd.s32 $0xFFFFEC00  }
0x46: {  	[spmem:s18] =	stream.linear.scatter [tilespmem:s22], [sflag:$0x3], $0x1400, $0x38;
	[tilespmem:$0x1E800] =	vst v63  }
0x47: {  	_ =	swait.ge [sflag:s25], $0x1400  }
0x48: {  	[sflag:s25] =	ssyncset.done $0x0  }
0x49: {  	s0 =	rddreg [dreg:$0xb];
	[sflag:s25] =	ssyncadd.s32 $0xFFFFEC00  }
0x4a: {  	[spmem:s0] =	stream.linear.scatter [tilespmem:s22], [sflag:$0x3], $0x1400, $0x38;
	[tilespmem:$0x1E800] =	vst v63  }
0x4b: {  	_ =	swait.ge [sflag:s25], $0x1400  }
0x4c: {  	[sflag:s25] =	ssyncset.done $0x0  }
0x4d: {  	s18 =	rddreg [dreg:$0xc];
	[sflag:s25] =	ssyncadd.s32 $0xFFFFEC00  }
0x4e: {  	[spmem:s18] =	stream.linear.scatter [tilespmem:s22], [sflag:$0x3], $0x1400, $0x38;
	[tilespmem:$0x1E800] =	vst v63  }
0x4f: {  	_ =	swait.ge [sflag:s25], $0x1400  }
0x50: {  	[sflag:s25] =	ssyncset.done $0x0  }
0x51: {  	s0 =	rddreg [dreg:$0xd];
	[sflag:s25] =	ssyncadd.s32 $0xFFFFEC00  }
0x52: {  	[spmem:s0] =	stream.linear.scatter [tilespmem:s22], [sflag:$0x3], $0x1400, $0x38;
	[tilespmem:$0x1E800] =	vst v63  }
0x53: {  	_ =	swait.ge [sflag:s25], $0x1400  }
0x54: {  	[sflag:s25] =	ssyncset.done $0x0  }
0x55: {  	s18 =	rddreg [dreg:$0xe];
	[sflag:s25] =	ssyncadd.s32 $0xFFFFEC00  }
0x56: {  	[spmem:s18] =	stream.linear.scatter [tilespmem:s22], [sflag:$0x3], $0x1400, $0x38;
	[tilespmem:$0x1E800] =	vst v63  }
0x57: {  	_ =	swait.ge [sflag:s25], $0x1400  }
0x58: {  	[sflag:s25] =	ssyncset.done $0x0  }
0x59: {  	s0 =	rddreg [dreg:$0xf];
	[sflag:s25] =	ssyncadd.s32 $0xFFFFEC00  }
0x5a: {  	[spmem:s0] =	stream.linear.scatter [tilespmem:s22], [sflag:$0x3], $0x1400, $0x38;
	[tilespmem:$0x1E800] =	vst v63  }
0x5b: {  	_ =	swait.ge [sflag:s25], $0x1400  }
0x5c: {  	[sflag:s25] =	ssyncset.done $0x0  }
0x5d: {  	s18 =	rddreg [dreg:$0x10];
	[sflag:s25] =	ssyncadd.s32 $0xFFFFEC00  }
0x5e: {  	[spmem:s18] =	stream.linear.scatter [tilespmem:s22], [sflag:$0x3], $0x1400, $0x38;
	[tilespmem:$0x1E800] =	vst v63  }
0x5f: {  	_ =	swait.ge [sflag:s25], $0x1400  }
0x60: {  	[sflag:s25] =	ssyncset.done $0x0  }
0x61: {  	s0 =	rddreg [dreg:$0x11];
	[sflag:s25] =	ssyncadd.s32 $0xFFFFEC00  }
0x62: {  	[spmem:s0] =	stream.linear.scatter [tilespmem:s22], [sflag:$0x3], $0x1400, $0x38;
	[tilespmem:$0x1E800] =	vst v63  }
0x63: {  	_ =	swait.ge [sflag:s25], $0x1400  }
0x64: {  	[sflag:s25] =	ssyncset.done $0x0  }
0x65: {  	s18 =	rddreg [dreg:$0x12];
	[sflag:s25] =	ssyncadd.s32 $0xFFFFEC00  }
0x66: {  	[spmem:s18] =	stream.linear.scatter [tilespmem:s22], [sflag:$0x3], $0x1400, $0x38;
	[tilespmem:$0x1E800] =	vst v63  }
0x67: {  	_ =	swait.ge [sflag:s25], $0x1400  }
0x68: {  	[sflag:s25] =	ssyncset.done $0x0  }
0x69: {  	s0 =	rddreg [dreg:$0x13];
	[sflag:s25] =	ssyncadd.s32 $0xFFFFEC00  }
0x6a: {  	[spmem:s0] =	stream.linear.scatter [tilespmem:s22], [sflag:$0x3], $0x1400, $0x38;
	[tilespmem:$0x1E800] =	vst v63  }
0x6b: {  	_ =	swait.ge [sflag:s25], $0x1400  }
0x6c: {  	[sflag:s25] =	ssyncset.done $0x0  }
0x6d: {  	s18 =	rddreg [dreg:$0x15];
	[sflag:s25] =	ssyncadd.s32 $0xFFFFEC00  }
0x6e: {  	[spmem:s18] =	stream.linear.scatter [tilespmem:s22], [sflag:$0x3], $0x1400, $0x38;
	[tilespmem:$0x1E800] =	vst v63  }
0x6f: {  	_ =	swait.ge [sflag:s25], $0x1400  }
0x70: {  	[sflag:s25] =	ssyncset.done $0x0  }
0x71: {  	[sflag:s25] =	ssyncadd.s32 $0xFFFFEC00  }
0x72: {  	[bflag:$0x0] =	sbarrier.arrive $0xFFFF  }
0x73: {  	s0 =	simm.s32 $0xE00;
	s22 =	simm.s32 $0x0;
	s20 =	rddreg [dreg:$0x14]  }
.LBB2_4:
0x74: {  	[tilespmem:s21], [sflag:$0x3] =	stream.linear.gather [hbm4b:s20+s21], $0x1400, $0x38;
	[tilespmem:$0x1E800] =	vst v63  }
0x75: {  	_ =	swait.ge [sflag:s25], $0x1400  }
0x76: {  	[sflag:s25] =	ssyncset.done $0x0  }
0x77: {  	[sflag:s25] =	ssyncadd.s32 $0xFFFFEC00  }
0x78: {  	[tilespmem:s28], [sflag:$0x1] =	stream.indirect.gather [hbm4b:s4+s26], $0x80, s21, s26, $0xb8;
	[tilespmem:$0x1E800] =	vst v63  }
0x79: {  	s18 =	simm.s32 $0x100  }
0x7a: {  	[tilespmem:s30], [sflag:$0x2] =	stream.indirect.gather [hbm4b:s4+s26], $0x80, s18, s26, $0xb8;
	[tilespmem:$0x1E800] =	vst v63  }
0x7b: {  	_ =	swait.ge [sflag:s31], $0x4000  }
0x7c: {  	[sflag:s31] =	ssyncset.done $0x0  }
0x7d: {  	[sflag:s31] =	ssyncadd.s32 $0xFFFFC000  }
0x7e: {  	[spmem:s1] =	stream.indirect.scatter.add.f32 [tilespmem:s28], [sflag:$0x3], $0x80, s26, s26, $0xb8;
	[tilespmem:$0x1E800] =	vst v63  }
0x7f: {  	_ =	swait.ge [sflag:s25], $0x4000  }
0x80: {  	[sflag:s25] =	ssyncset.done $0x0  }
0x81: {  	s18 =	simm.s32 $0x200;
	[sflag:s25] =	ssyncadd.s32 $0xFFFFC000  }
0x82: {  	[tilespmem:s28], [sflag:$0x1] =	stream.indirect.gather [hbm4b:s4+s26], $0x80, s18, s26, $0xb8;
	[tilespmem:$0x1E800] =	vst v63  }
0x83: {  	_ =	swait.ge [sflag:s3], $0x4000  }
0x84: {  	[sflag:s3] =	ssyncset.done $0x0  }
0x85: {  	s18 =	simm.s32 $0x180;
	[sflag:s3] =	ssyncadd.s32 $0xFFFFC000  }
0x86: {  	[spmem:s1] =	stream.indirect.scatter.add.f32 [tilespmem:s30], [sflag:$0x3], $0x80, s18, s26, $0xb8;
	[tilespmem:$0x1E800] =	vst v63  }
0x87: {  	_ =	swait.ge [sflag:s25], $0x4000  }
0x88: {  	[sflag:s25] =	ssyncset.done $0x0  }
0x89: {  	s18 =	simm.s32 $0x300;
	[sflag:s25] =	ssyncadd.s32 $0xFFFFC000  }
0x8a: {  	[tilespmem:s30], [sflag:$0x2] =	stream.indirect.gather [hbm4b:s4+s26], $0x80, s18, s26, $0xb8;
	[tilespmem:$0x1E800] =	vst v63  }
0x8b: {  	_ =	swait.ge [sflag:s31], $0x4000  }
0x8c: {  	[sflag:s31] =	ssyncset.done $0x0  }
0x8d: {  	s18 =	simm.s32 $0x280;
	[sflag:s31] =	ssyncadd.s32 $0xFFFFC000  }
0x8e: {  	[spmem:s1] =	stream.indirect.scatter.add.f32 [tilespmem:s28], [sflag:$0x3], $0x80, s18, s26, $0xb8;
	[tilespmem:$0x1E800] =	vst v63  }
0x8f: {  	_ =	swait.ge [sflag:s25], $0x4000  }
0x90: {  	[sflag:s25] =	ssyncset.done $0x0  }
0x91: {  	s18 =	simm.s32 $0x400;
	[sflag:s25] =	ssyncadd.s32 $0xFFFFC000  }
0x92: {  	[tilespmem:s28], [sflag:$0x1] =	stream.indirect.gather [hbm4b:s4+s26], $0x80, s18, s26, $0xb8;
	[tilespmem:$0x1E800] =	vst v63  }
0x93: {  	_ =	swait.ge [sflag:s3], $0x4000  }
0x94: {  	[sflag:s3] =	ssyncset.done $0x0  }
0x95: {  	s18 =	simm.s32 $0x380;
	[sflag:s3] =	ssyncadd.s32 $0xFFFFC000  }
0x96: {  	[spmem:s1] =	stream.indirect.scatter.add.f32 [tilespmem:s30], [sflag:$0x3], $0x80, s18, s26, $0xb8;
	[tilespmem:$0x1E800] =	vst v63  }
0x97: {  	_ =	swait.ge [sflag:s25], $0x4000  }
0x98: {  	[sflag:s25] =	ssyncset.done $0x0  }
0x99: {  	s18 =	simm.s32 $0x500;
	[sflag:s25] =	ssyncadd.s32 $0xFFFFC000  }
0x9a: {  	[tilespmem:s30], [sflag:$0x2] =	stream.indirect.gather [hbm4b:s4+s26], $0x80, s18, s26, $0xb8;
	[tilespmem:$0x1E800] =	vst v63  }
0x9b: {  	_ =	swait.ge [sflag:s31], $0x4000  }
0x9c: {  	[sflag:s31] =	ssyncset.done $0x0  }
0x9d: {  	s18 =	simm.s32 $0x480;
	[sflag:s31] =	ssyncadd.s32 $0xFFFFC000  }
0x9e: {  	[spmem:s1] =	stream.indirect.scatter.add.f32 [tilespmem:s28], [sflag:$0x3], $0x80, s18, s26, $0xb8;
	[tilespmem:$0x1E800] =	vst v63  }
0x9f: {  	_ =	swait.ge [sflag:s25], $0x4000  }
0xa0: {  	[sflag:s25] =	ssyncset.done $0x0  }
0xa1: {  	s18 =	simm.s32 $0x600;
	[sflag:s25] =	ssyncadd.s32 $0xFFFFC000  }
0xa2: {  	[tilespmem:s28], [sflag:$0x1] =	stream.indirect.gather [hbm4b:s4+s26], $0x80, s18, s26, $0xb8;
	[tilespmem:$0x1E800] =	vst v63  }
0xa3: {  	_ =	swait.ge [sflag:s3], $0x4000  }
0xa4: {  	[sflag:s3] =	ssyncset.done $0x0  }
0xa5: {  	s18 =	simm.s32 $0x580;
	[sflag:s3] =	ssyncadd.s32 $0xFFFFC000  }
0xa6: {  	[spmem:s1] =	stream.indirect.scatter.add.f32 [tilespmem:s30], [sflag:$0x3], $0x80, s18, s26, $0xb8;
	[tilespmem:$0x1E800] =	vst v63  }
0xa7: {  	_ =	swait.ge [sflag:s25], $0x4000  }
0xa8: {  	[sflag:s25] =	ssyncset.done $0x0  }
0xa9: {  	s18 =	simm.s32 $0x700;
	[sflag:s25] =	ssyncadd.s32 $0xFFFFC000  }
0xaa: {  	[tilespmem:s30], [sflag:$0x2] =	stream.indirect.gather [hbm4b:s4+s26], $0x80, s18, s26, $0xb8;
	[tilespmem:$0x1E800] =	vst v63  }
0xab: {  	_ =	swait.ge [sflag:s31], $0x4000  }
0xac: {  	[sflag:s31] =	ssyncset.done $0x0  }
0xad: {  	s18 =	simm.s32 $0x680;
	[sflag:s31] =	ssyncadd.s32 $0xFFFFC000  }
0xae: {  	[spmem:s1] =	stream.indirect.scatter.add.f32 [tilespmem:s28], [sflag:$0x3], $0x80, s18, s26, $0xb8;
	[tilespmem:$0x1E800] =	vst v63  }
0xaf: {  	_ =	swait.ge [sflag:s25], $0x4000  }
0xb0: {  	[sflag:s25] =	ssyncset.done $0x0  }
0xb1: {  	s18 =	simm.s32 $0x800;
	[sflag:s25] =	ssyncadd.s32 $0xFFFFC000  }
0xb2: {  	[tilespmem:s28], [sflag:$0x1] =	stream.indirect.gather [hbm4b:s4+s26], $0x80, s18, s26, $0xb8;
	[tilespmem:$0x1E800] =	vst v63  }
0xb3: {  	_ =	swait.ge [sflag:s3], $0x4000  }
0xb4: {  	[sflag:s3] =	ssyncset.done $0x0  }
0xb5: {  	s18 =	simm.s32 $0x780;
	[sflag:s3] =	ssyncadd.s32 $0xFFFFC000  }
0xb6: {  	[spmem:s1] =	stream.indirect.scatter.add.f32 [tilespmem:s30], [sflag:$0x3], $0x80, s18, s26, $0xb8;
	[tilespmem:$0x1E800] =	vst v63  }
0xb7: {  	_ =	swait.ge [sflag:s25], $0x4000  }
0xb8: {  	[sflag:s25] =	ssyncset.done $0x0  }
0xb9: {  	s18 =	simm.s32 $0x900;
	[sflag:s25] =	ssyncadd.s32 $0xFFFFC000  }
0xba: {  	[tilespmem:s30], [sflag:$0x2] =	stream.indirect.gather [hbm4b:s4+s26], $0x80, s18, s26, $0xb8;
	[tilespmem:$0x1E800] =	vst v63  }
0xbb: {  	_ =	swait.ge [sflag:s31], $0x4000  }
0xbc: {  	[sflag:s31] =	ssyncset.done $0x0  }
0xbd: {  	s18 =	simm.s32 $0x880;
	[sflag:s31] =	ssyncadd.s32 $0xFFFFC000  }
0xbe: {  	[spmem:s1] =	stream.indirect.scatter.add.f32 [tilespmem:s28], [sflag:$0x3], $0x80, s18, s26, $0xb8;
	[tilespmem:$0x1E800] =	vst v63  }
0xbf: {  	_ =	swait.ge [sflag:s25], $0x4000  }
0xc0: {  	[sflag:s25] =	ssyncset.done $0x0  }
0xc1: {  	s18 =	simm.s32 $0xA00;
	[sflag:s25] =	ssyncadd.s32 $0xFFFFC000  }
0xc2: {  	[tilespmem:s28], [sflag:$0x1] =	stream.indirect.gather [hbm4b:s4+s26], $0x80, s18, s26, $0xb8;
	[tilespmem:$0x1E800] =	vst v63  }
0xc3: {  	_ =	swait.ge [sflag:s3], $0x4000  }
0xc4: {  	[sflag:s3] =	ssyncset.done $0x0  }
0xc5: {  	s18 =	simm.s32 $0x980;
	[sflag:s3] =	ssyncadd.s32 $0xFFFFC000  }
0xc6: {  	[spmem:s1] =	stream.indirect.scatter.add.f32 [tilespmem:s30], [sflag:$0x3], $0x80, s18, s26, $0xb8;
	[tilespmem:$0x1E800] =	vst v63  }
0xc7: {  	_ =	swait.ge [sflag:s25], $0x4000  }
0xc8: {  	[sflag:s25] =	ssyncset.done $0x0  }
0xc9: {  	[sflag:s25] =	ssyncadd.s32 $0xFFFFC000  }
0xca: {  	[tilespmem:s30], [sflag:$0x2] =	stream.indirect.gather [hbm4b:s4+s26], $0x80, s19, s26, $0xb8;
	[tilespmem:$0x1E800] =	vst v63  }
0xcb: {  	_ =	swait.ge [sflag:s31], $0x4000  }
0xcc: {  	[sflag:s31] =	ssyncset.done $0x0  }
0xcd: {  	[sflag:s31] =	ssyncadd.s32 $0xFFFFC000  }
0xce: {  	[spmem:s1] =	stream.indirect.scatter.add.f32 [tilespmem:s28], [sflag:$0x3], $0x80, s2, s26, $0xb8;
	[tilespmem:$0x1E800] =	vst v63  }
0xcf: {  	_ =	swait.ge [sflag:s25], $0x4000  }
0xd0: {  	[sflag:s25] =	ssyncset.done $0x0  }
0xd1: {  	[sflag:s25] =	ssyncadd.s32 $0xFFFFC000  }
0xd2: {  	[tilespmem:s28], [sflag:$0x1] =	stream.indirect.gather [hbm4b:s4+s26], $0x80, s24, s26, $0xb8;
	[tilespmem:$0x1E800] =	vst v63  }
0xd3: {  	_ =	swait.ge [sflag:s3], $0x4000  }
0xd4: {  	[sflag:s3] =	ssyncset.done $0x0  }
0xd5: {  	[sflag:s3] =	ssyncadd.s32 $0xFFFFC000  }
0xd6: {  	[spmem:s1] =	stream.indirect.scatter.add.f32 [tilespmem:s30], [sflag:$0x3], $0x80, s5, s26, $0xb8;
	[tilespmem:$0x1E800] =	vst v63  }
0xd7: {  	_ =	swait.ge [sflag:s25], $0x4000  }
0xd8: {  	[sflag:s25] =	ssyncset.done $0x0  }
0xd9: {  	[sflag:s25] =	ssyncadd.s32 $0xFFFFC000  }
0xda: {  	[tilespmem:s30], [sflag:$0x2] =	stream.indirect.gather [hbm4b:s4+s26], $0x80, s23, s26, $0xb8;
	[tilespmem:$0x1E800] =	vst v63  }
0xdb: {  	_ =	swait.ge [sflag:s31], $0x4000  }
0xdc: {  	[sflag:s31] =	ssyncset.done $0x0  }
0xdd: {  	[sflag:s31] =	ssyncadd.s32 $0xFFFFC000  }
0xde: {  	[spmem:s1] =	stream.indirect.scatter.add.f32 [tilespmem:s28], [sflag:$0x3], $0x80, s29, s26, $0xb8;
	[tilespmem:$0x1E800] =	vst v63  }
0xdf: {  	_ =	swait.ge [sflag:s25], $0x4000  }
0xe0: {  	[sflag:s25] =	ssyncset.done $0x0  }
0xe1: {  	[sflag:s25] =	ssyncadd.s32 $0xFFFFC000  }
0xe2: {  	[tilespmem:s28], [sflag:$0x1] =	stream.indirect.gather [hbm4b:s4+s26], $0x80, s0, s26, $0xb8;
	[tilespmem:$0x1E800] =	vst v63  }
0xe3: {  	_ =	swait.ge [sflag:s3], $0x4000  }
0xe4: {  	[sflag:s3] =	ssyncset.done $0x0  }
0xe5: {  	[sflag:s3] =	ssyncadd.s32 $0xFFFFC000  }
0xe6: {  	[spmem:s1] =	stream.indirect.scatter.add.f32 [tilespmem:s30], [sflag:$0x3], $0x80, s6, s26, $0xb8;
	[tilespmem:$0x1E800] =	vst v63  }
0xe7: {  	_ =	swait.ge [sflag:s25], $0x4000  }
0xe8: {  	[sflag:s25] =	ssyncset.done $0x0  }
0xe9: {  	[sflag:s25] =	ssyncadd.s32 $0xFFFFC000  }
0xea: {  	[tilespmem:s30], [sflag:$0x2] =	stream.indirect.gather [hbm4b:s4+s26], $0x80, s7, s26, $0xb8;
	[tilespmem:$0x1E800] =	vst v63  }
0xeb: {  	_ =	swait.ge [sflag:s31], $0x4000  }
0xec: {  	[sflag:s31] =	ssyncset.done $0x0  }
0xed: {  	[sflag:s31] =	ssyncadd.s32 $0xFFFFC000  }
0xee: {  	[spmem:s1] =	stream.indirect.scatter.add.f32 [tilespmem:s28], [sflag:$0x3], $0x80, s8, s26, $0xb8;
	[tilespmem:$0x1E800] =	vst v63  }
0xef: {  	_ =	swait.ge [sflag:s25], $0x4000  }
0xf0: {  	[sflag:s25] =	ssyncset.done $0x0  }
0xf1: {  	[sflag:s25] =	ssyncadd.s32 $0xFFFFC000  }
0xf2: {  	[tilespmem:s28], [sflag:$0x1] =	stream.indirect.gather [hbm4b:s4+s26], $0x80, s9, s26, $0xb8;
	[tilespmem:$0x1E800] =	vst v63  }
0xf3: {  	_ =	swait.ge [sflag:s3], $0x4000  }
0xf4: {  	[sflag:s3] =	ssyncset.done $0x0  }
0xf5: {  	[sflag:s3] =	ssyncadd.s32 $0xFFFFC000  }
0xf6: {  	[spmem:s1] =	stream.indirect.scatter.add.f32 [tilespmem:s30], [sflag:$0x3], $0x80, s10, s26, $0xb8;
	[tilespmem:$0x1E800] =	vst v63  }
0xf7: {  	_ =	swait.ge [sflag:s25], $0x4000  }
0xf8: {  	[sflag:s25] =	ssyncset.done $0x0  }
0xf9: {  	[sflag:s25] =	ssyncadd.s32 $0xFFFFC000  }
0xfa: {  	[tilespmem:s30], [sflag:$0x2] =	stream.indirect.gather [hbm4b:s4+s26], $0x80, s11, s26, $0xb8;
	[tilespmem:$0x1E800] =	vst v63  }
0xfb: {  	_ =	swait.ge [sflag:s31], $0x4000  }
0xfc: {  	[sflag:s31] =	ssyncset.done $0x0  }
0xfd: {  	[sflag:s31] =	ssyncadd.s32 $0xFFFFC000  }
0xfe: {  	[spmem:s1] =	stream.indirect.scatter.add.f32 [tilespmem:s28], [sflag:$0x3], $0x80, s12, s26, $0xb8;
	[tilespmem:$0x1E800] =	vst v63  }
0xff: {  	_ =	swait.ge [sflag:s25], $0x4000  }
0x100: {  	[sflag:s25] =	ssyncset.done $0x0  }
0x101: {  	[sflag:s25] =	ssyncadd.s32 $0xFFFFC000  }
0x102: {  	[tilespmem:s28], [sflag:$0x1] =	stream.indirect.gather [hbm4b:s4+s26], $0x80, s13, s26, $0xb8;
	[tilespmem:$0x1E800] =	vst v63  }
0x103: {  	_ =	swait.ge [sflag:s3], $0x4000  }
0x104: {  	[sflag:s3] =	ssyncset.done $0x0  }
0x105: {  	[sflag:s3] =	ssyncadd.s32 $0xFFFFC000  }
0x106: {  	[spmem:s1] =	stream.indirect.scatter.add.f32 [tilespmem:s30], [sflag:$0x3], $0x80, s14, s26, $0xb8;
	[tilespmem:$0x1E800] =	vst v63  }
0x107: {  	_ =	swait.ge [sflag:s25], $0x4000  }
0x108: {  	[sflag:s25] =	ssyncset.done $0x0  }
0x109: {  	[sflag:s25] =	ssyncadd.s32 $0xFFFFC000  }
0x10a: {  	[tilespmem:s30], [sflag:$0x2] =	stream.indirect.gather [hbm4b:s4+s26], $0x80, s15, s26, $0xb8;
	[tilespmem:$0x1E800] =	vst v63  }
0x10b: {  	_ =	swait.ge [sflag:s31], $0x4000  }
0x10c: {  	[sflag:s31] =	ssyncset.done $0x0  }
0x10d: {  	[sflag:s31] =	ssyncadd.s32 $0xFFFFC000  }
0x10e: {  	[spmem:s1] =	stream.indirect.scatter.add.f32 [tilespmem:s28], [sflag:$0x3], $0x80, s16, s26, $0xb8;
	[tilespmem:$0x1E800] =	vst v63  }
0x10f: {  	_ =	swait.ge [sflag:s25], $0x4000  }
0x110: {  	[sflag:s25] =	ssyncset.done $0x0  }
0x111: {  	[sflag:s25] =	ssyncadd.s32 $0xFFFFC000  }
0x112: {  	p1 =	slt.u32 @!p0 s22, $0x3;
	_ =	swait.ge [sflag:s3], $0x4000  }
0x113: {  	p1 =	por p0, !p1;
	[sflag:s3] =	ssyncset.done $0x0  }
.Ltmp1:
0x114: {  	[sflag:s3] =	ssyncadd.s32 $0xFFFFC000;
	(pc) =	sbr.rel @!p1 .LBB2_4-.Ltmp1, $4  }
0x115: {  	[spmem:s1] =	stream.indirect.scatter.add.f32 [tilespmem:s30], [sflag:$0x3], $0x80, s17, s26, $0xb8;
	[tilespmem:$0x1E800] =	vst v63  }
0x116: {  	_ =	swait.ge [sflag:s25], $0x4000  }
0x117: {  	[sflag:s25] =	ssyncset.done $0x0  }
0x118: {  	s22 =	sadd.s32 $0x1, s22;
	s20 =	sadd.s32 $0x280, s20;
	[sflag:s25] =	ssyncadd.s32 $0xFFFFC000  }
0x119: {  	s20 =	stileid.u32;
	[bflag:$0x0] =	sbarrier.arrive $0xFFFF  }
0x11a: {  	s20 =	sshll.u32 s20, $0x6;
	s22 =	rddreg [dreg:$0x4]  }
0x11b: {  	s18 =	rddreg [dreg:$0x16];
	s0 =	sor.u32 $0x1C03, s20;
	s22 =	sshrl.u32 s22, $0x3  }
0x11c: {  	[hbm:s18], [sflag:s0] =	dma.local [spmem:s22], $0x2800  }
0x11d: {  	_ =	swait.ge [sflag:s25], $0x2800  }
0x11e: {  	s20 =	rddreg [dreg:$0x17]  }
0x11f: {  	s22 =	rddreg [dreg:$0x5];
	s0 =	sadd.s32 $0x1, s20  }
0x120: {  	p1 =	sne.s32 s0, s22  }
.Ltmp2:
0x121: {  	_ = 	snop;
	(pc) =	sbr.rel @p1 .LBB2_1-.Ltmp2, $3  }
0x122: {  	_ =	sdelay $0x1  }
0x123: {  	[sflag:s25] =	ssyncset.done $0x0  }
0x124: {  	[sflag:s25] =	ssyncadd.s32 $0xFFFFD800  }
0x125: {  	_ =	sfence.sel $0x180000  }
0x126: {  	[bflag:$0x0] =	sbarrier.arrive $0xFFFF  }
0x127: {  	_ =	strace $0x9000004A  }
0x128: {  	s0 =	stileid.u32;
	[bflag:$0x2] =	sbarrier.arrive $0xFFFF  }
0x129: {  	p0 =	sne.s32 s0, $0x0;
	s0 =	rddreg [dreg:$0x3]  }
0x12a: {  	s0 =	sadd.s32 @!p0 $0x100000, s0  }
0x12b: {  	[sflag:s0] =	ssyncadd.tile.s32 @!p0 $0x1;
	_ =	shalt  }
.Lfunc_end2:
_tile_overlayer_lowered:
.L_overlay_start_2:
0x12c: {  	(tag) =	ssettag $0x2  }
0x12d: {  	s0 =	rddreg [dreg:$0x0];
	s2 =	stileid.u32  }
0x12e: {  	s1 =	rddreg [dreg:$0x1];
	p0 =	sne.s32 s2, $0x0  }
0x12f: {  	s3 =	rddreg [dreg:$0x2];
	[bflag:$0x3] =	sbarrier.arrive $0xFFFF;
	s2 =	simm.s32 @!p0 $0x1C03  }
0x130: {  	[timem:s3], [sflag:s2] =	dma.local @!p0 [hbm:s0], s1  }
0x131: {  	s0 =	simm.s32 @!p0 $0x3  }
0x132: {  	_ =	swait.ge @!p0 [sflag:s0], s1  }
0x133: {  	s1 =	ssub.s32 @!p0 $0x0, s1;
	[sflag:s0] =	ssyncset.done @!p0 $0x0  }
0x134: {  	[sflag:s0] =	ssyncadd.s32 @!p0 s1  }
0x135: {  	[bflag:$0x3] =	sbarrier.arrive $0xFFFF  }
0x136: {  	_ =	shalt  }

// kernel: kernel.18.cloned.1.call-start
scs
__scs_entry_jumppad:
0x0: {  	(pc) =	sbr.rel $0x88, $3  }
0x1: {  	(tag) =	ssettag $0x0;
	lr =	simm.s32 $0x1  }
0x2: {  	[smem:$0x3F95] =	sst lr;
	_ =	strace $0xD0000000  }
0x3: {  	_ = 	snop  }
0x4: {  	_ = 	snop  }
0x5: {  	_ = 	snop  }
0x6: {  	_ = 	snop  }
0x7: {  	_ = 	snop  }
__scs_overlays_trampoline_lowered:
0x8: {  	[smem:$0x3FA4] =	sst s0  }
0x9: {  	[smem:$0x3FA5] =	sst s1  }
0xa: {  	[smem:$0x3FA6] =	sst s2  }
0xb: {  	[smem:$0x3FA7] =	sst s3  }
0xc: {  	[smem:$0x3FA8] =	sst s4  }
0xd: {  	[smem:$0x3FA9] =	sst s5  }
0xe: {  	[smem:$0x3FAA] =	sst s6  }
0xf: {  	[smem:$0x3FAB] =	sst s7  }
0x10: {  	[smem:$0x3FAC] =	sst s8  }
0x11: {  	[smem:$0x3FAD] =	sst s9;
	s0 =	simm.s32 @!p0 $0x0  }
0x12: {  	s1 =	sld [smem:$0x3F93];
	s0 =	simm.s32 @p0 $0x1  }
0x13: {  	[smem:$0x3FAE] =	sst s0;
	s0 =	simm.s32 @!p1 $0x0  }
0x14: {  	s2 =	sld [smem:$0x3F92];
	s0 =	simm.s32 @p1 $0x1  }
0x15: {  	[smem:$0x3FAF] =	sst s0;
	s0 =	simm.s32 @!p2 $0x0  }
0x16: {  	s3 =	sld [smem:$0x3FDB];
	s0 =	simm.s32 @p2 $0x1  }
0x17: {  	s4 =	simm.s32 $0x1BF5;
	[smem:$0x3FB1] =	sst s0  }
0x18: {  	s0 =	sld [smem:$0x3F94];
	_ =	swait.ge [sflag:s4], $0x0  }
0x19: {  	s7 =	sld [smem:$0x3F95]  }
0x1a: {  	s8 =	sadd.s32 $0xFFFFE003, lr  }
0x1b: {  	s9 =	sadd.s32 $0xFFFFFEF7, lr;
	s5 =	simm.s32 $0xFFFFFFFF;
	p2 =	slt.u32 s8, $0xFFFFF086  }
0x1c: {  	p1 =	slt.u32 s9, $0xF7A;
	s5 =	simm.s32 @!p2 $0x0  }
0x1d: {  	s5 =	simm.s32 @p1 $0x1;
	p0 =	seq.s32 s7, s2  }
0x1e: {  	s7 =	smul.u32 @!p0 $0xF7A, s2;
	p2 =	seq.s32 @!p0 s5, $0x0  }
0x1f: {  	s9 =	smul.u32 $0xF7A, s1;
	s8 =	simm.s32 @!p0 $0x1BF5;
	p2 =	por !p2, p0  }
0x20: {  	[sflag:s8] =	ssyncset.s32 @!p0 $0xFFFFF086;
	s6 =	sadd.s32 @!p0 s3, s7;
	s7 =	simm.s32 @!p0 $0x108  }
0x21: {  	s3 =	sadd.s32 s3, s9;
	s6 =	sadd.s32 @!p0 $0x88, s6;
	s7 =	simm.s32 @p2 $0x1082  }
0x22: {  	[simem:s7], [sflag:s8] =	dma.local @!p0 [hbm:s6], $0xF7A  }
0x23: {  	s9 =	sor.u32 $0xD0000000, s2;
	s6 =	simm.s32 $0x108;
	_ =	swait.ge @!p0 [sflag:s8], $0x0  }
0x24: {  	s3 =	sadd.s32 $0x88, s3;
	s6 =	simm.s32 @!p1 $0x1082;
	[sflag:s4] =	ssyncset.s32 $0xFFFFF086  }
0x25: {  	[simem:s6], [sflag:s4] =	dma.local [hbm:s3], $0xF7A  }
0x26: {  	[smem:$0x3F95] =	sst s1;
	(tag) =	ssettag s2;
	_ =	strace s9  }
0x27: {  	s1 =	sld [smem:$0x3FA5]  }
0x28: {  	s2 =	sld [smem:$0x3FA6]  }
0x29: {  	s4 =	sld [smem:$0x3FA8]  }
0x2a: {  	p0 =	seq.s32 s5, $0x0;
	s5 =	sld [smem:$0x3FA9]  }
0x2b: {  	s6 =	sld [smem:$0x3FAA]  }
0x2c: {  	s7 =	sld [smem:$0x3FAB]  }
0x2d: {  	s3 =	simm.s32 $0x108;
	s8 =	sld [smem:$0x3FAC]  }
0x2e: {  	s3 =	simm.s32 @!p0 $0x1082;
	s9 =	sld [smem:$0x3FAD]  }
0x2f: {  	lr =	sadd.s32 s0, s3;
	s0 =	sld [smem:$0x3FA4]  }
0x30: {  	s3 =	sld [smem:$0x3FA7]  }
0x31: {  	[smem:$0x3FB0] =	sst s10  }
0x32: {  	s10 =	sld [smem:$0x3FAE];
	_ =	sdelay $0x3  }
0x33: {  	p0 =	seq.s32 s10, $0x1;
	s10 =	sld [smem:$0x3FB0];
	_ =	sdelay $0x3  }
0x34: {  	[smem:$0x3FB0] =	sst s10  }
0x35: {  	s10 =	sld [smem:$0x3FAF];
	_ =	sdelay $0x3  }
0x36: {  	p1 =	seq.s32 s10, $0x1;
	s10 =	sld [smem:$0x3FB0];
	_ =	sdelay $0x3  }
0x37: {  	[smem:$0x3FB0] =	sst s10  }
0x38: {  	s10 =	sld [smem:$0x3FB1]  }
0x39: {  	_ = 	snop;
	(pc) =	sbr.ind lr, $3  }
0x3a: {  	_ = 	snop  }
0x3b: {  	_ = 	snop  }
0x3c: {  	p2 =	seq.s32 s10, $0x1;
	s10 =	sld [smem:$0x3FB0]  }
0x3d: {  	_ =	shalt  }
0x3e: {  	_ =	shalt  }
0x3f: {  	_ =	shalt  }
0x40: {  	_ =	shalt  }
0x41: {  	_ =	shalt  }
0x42: {  	_ =	shalt  }
0x43: {  	_ =	shalt  }
0x44: {  	_ =	shalt  }
0x45: {  	_ =	shalt  }
0x46: {  	_ =	shalt  }
0x47: {  	_ =	shalt  }
0x48: {  	_ =	shalt  }
0x49: {  	_ =	shalt  }
0x4a: {  	_ =	shalt  }
0x4b: {  	_ =	shalt  }
0x4c: {  	_ =	shalt  }
0x4d: {  	_ =	shalt  }
0x4e: {  	_ =	shalt  }
0x4f: {  	_ =	shalt  }
0x50: {  	_ =	shalt  }
0x51: {  	_ =	shalt  }
0x52: {  	_ =	shalt  }
0x53: {  	_ =	shalt  }
0x54: {  	_ =	shalt  }
0x55: {  	_ =	shalt  }
0x56: {  	_ =	shalt  }
0x57: {  	_ =	shalt  }
0x58: {  	_ =	shalt  }
0x59: {  	_ =	shalt  }
0x5a: {  	_ =	shalt  }
0x5b: {  	_ =	shalt  }
0x5c: {  	_ =	shalt  }
0x5d: {  	_ =	shalt  }
0x5e: {  	_ =	shalt  }
0x5f: {  	_ =	shalt  }
0x60: {  	_ =	shalt  }
0x61: {  	_ =	shalt  }
0x62: {  	_ =	shalt  }
0x63: {  	_ =	shalt  }
0x64: {  	_ =	shalt  }
0x65: {  	_ =	shalt  }
0x66: {  	_ =	shalt  }
0x67: {  	_ =	shalt  }
0x68: {  	_ =	shalt  }
0x69: {  	_ =	shalt  }
0x6a: {  	_ =	shalt  }
0x6b: {  	_ =	shalt  }
0x6c: {  	_ =	shalt  }
0x6d: {  	_ =	shalt  }
0x6e: {  	_ =	shalt  }
0x6f: {  	_ =	shalt  }
0x70: {  	_ =	shalt  }
0x71: {  	_ =	shalt  }
0x72: {  	_ =	shalt  }
0x73: {  	_ =	shalt  }
0x74: {  	_ =	shalt  }
0x75: {  	_ =	shalt  }
0x76: {  	_ =	shalt  }
0x77: {  	_ =	shalt  }
0x78: {  	_ =	shalt  }
0x79: {  	_ =	shalt  }
0x7a: {  	_ =	shalt  }
0x7b: {  	_ =	shalt  }
0x7c: {  	_ =	shalt  }
0x7d: {  	_ =	shalt  }
0x7e: {  	_ =	shalt  }
0x7f: {  	_ =	shalt  }
0x80: {  	_ =	shalt  }
0x81: {  	_ =	shalt  }
0x82: {  	_ =	shalt  }
0x83: {  	_ =	shalt  }
0x84: {  	_ =	shalt  }
0x85: {  	_ =	shalt  }
0x86: {  	_ =	shalt  }
0x87: {  	_ =	shalt  }
.Lfunc_end0:
.L_simem_size_0:
called_computation.2_lowered:
.L_overlay_start_0:
0x88: {  	s2 =	sld [smem:$0x3FD9]  }
0x89: {  	s3 =	sld [smem:$0x3FFE];
	_ =	sdelay $0x1  }
0x8a: {  	s1 =	srdreg.scid  }
0x8b: {  	s0 =	sand.u32 $0x1, s1  }
0x8c: {  	s17 =	sshll.u32 s0, $0xA;
	s2 =	sadd.s32 s3, s2  }
0x8d: {  	s2 =	sadd.s32 s2, s17  }
0x8e: {  	[smem:$0x3FBC] =	sst s2  }
0x8f: {  	_ = 	snop  }
0x90: {  	s2 =	sld [smem:$0x3FC8];
	(tm) =	ssettm $0x1  }
0x91: {  	s18 =	sld [smem:$0x3FFB];
	_ =	sdelay $0x3  }
0x92: {  	_ =	strace s18  }
0x93: {  	s3 =	sld [smem:$0x3FFC];
	_ =	sdelay $0x3  }
0x94: {  	_ =	strace s3  }
0x95: {  	s3 =	sld [smem:$0x3FFD];
	_ =	sdelay $0x3  }
0x96: {  	_ =	strace s3  }
0x97: {  	_ =	strace $0x8FFFFFFF  }
0x98: {  	s19 =	sld [smem:$0x3FDB];
	_ =	sdelay $0x1  }
0x99: {  	s4 =	simm.s32 $_scs_section_size  }
0x9a: {  	s5 =	simm.s32 $_size__tile_overlayer_lowered;
	s6 =	simm.s32 $_tile_overlayer_lowered  }
0x9b: {  	s22 =	simm.s32 $0x1BFF;
	s21 =	sshll.u32 s6, $0x1;
	s3 =	sadd.s32 s4, s19  }
0x9c: {  	s7 =	simm.s32 $0x0;
	s20 =	sshll.u32 s5, $0x1;
	s5 =	sadd.s32 s21, s3  }
0x9d: {  	[timem:s7], [sflag:s22] =	dma.local [hbm:s5], s20  }
0x9e: {  	_ =	swait.ge [sflag:s22], s20  }
0x9f: {  	s4 =	ssub.s32 $0x0, s20;
	[sflag:s22] =	ssyncset.done $0x0  }
0xa0: {  	[sflag:s22] =	ssyncadd.s32 s4;
	_ =	sdelay $0x1  }
0xa1: {  	s23 =	simm.s32 $0x1B8B  }
0xa2: {  	_ =	swait.ge [sflag:s23], $0x1  }
0xa3: {  	[sflag:s23] =	ssyncset.done $0x0  }
0xa4: {  	s25 =	simm.s32 $0x1B8E;
	s24 =	sld [smem:$0x3FFE];
	[sflag:s23] =	ssyncadd.s32 $0xFFFFFFFF  }
0xa5: {  	s26 =	simm.s32 $execute0_lowered;
	[smem:$0x3FD2] =	sst s25  }
0xa6: {  	s5 =	sshll.u32 s26, $0x1;
	_ =	strace $0x8000004C;
	[dreg:$0x1] =	wrdreg $0xFFFFFFFF  }
0xa7: {  	s28 =	simm.s32 $_size_execute0_lowered;
	s3 =	sadd.s32 s3, s5;
	[dreg:$0x0] =	wrdreg $0x0  }
0xa8: {  	s5 =	sshll.u32 s28, $0x1;
	[dreg:$0x2] =	wrdreg s3  }
0xa9: {  	[dreg:$0x3] =	wrdreg s5  }
0xaa: {  	[dreg:$0x4] =	wrdreg $0xC0  }
0xab: {  	_ =	task [dreg:s7], $0x5FFFF  }
0xac: {  	[dreg:$0x1] =	wrdreg $0xFFFFFFFF  }
0xad: {  	[dreg:$0x0] =	wrdreg $0x60  }
0xae: {  	[dreg:$0x2] =	wrdreg s24  }
0xaf: {  	[dreg:$0x3] =	wrdreg s2  }
0xb0: {  	[dreg:$0x4] =	wrdreg $0xA8000  }
0xb1: {  	[dreg:$0x5] =	wrdreg $0x9  }
0xb2: {  	_ =	task.clear_ibuf [dreg:s7], $0x6FFFF;
	_ =	strace $0x9000004C  }
0xb3: {  	s29 =	simm.s32 $0x9;
	_ =	strace $0x8000004E  }
0xb4: {  	_ =	swait.ge [sflag:s29], $0x1  }
0xb5: {  	[sflag:s29] =	ssyncadd.s32 $0xFFFFFFFF  }
0xb6: {  	_ =	strace $0x9000004E  }
0xb7: {  	_ =	sfence  }
0xb8: {  	s30 =	sld [smem:$0x0];
	_ =	sdelay $0x2  }
0xb9: {  	s31 =	sshll.u32 s1, $0xD;
	s1 =	sshrl.u32 s1, $0x2  }
0xba: {  	s3 =	sand.u32 $0x4000, s31;
	s1 =	sadd.s32 s1, s30  }
0xbb: {  	s0 =	sor.u32 s3, s0;
	s1 =	sshll.u32 s1, $0x11  }
0xbc: {  	s0 =	sor.u32 s1, s0  }
0xbd: {  	s0 =	sadd.s32 $0x8F2B, s0  }
0xbe: {  	[sflag:s0] =	ssyncadd.remote.s32 $0x1  }
0xbf: {  	_ =	sfence.sel $0xFFFF  }
0xc0: {  	[dreg:$0x0] =	wrdreg $0xFFFFFFFF;
	(pc) =	sbr.abs _section_cstart, $3  }
0xc1: {  	[dreg:$0x1] =	wrdreg $0xFFFFFFFF  }
0xc2: {  	_ =	task.clear_ibuf [dreg:s7], $0x2FFFF;
	_ =	strace $0x9FFFFFFF  }
0xc3: {  	(tm) =	ssettm $0x7FFFFFFF  }
tec
execute0_lowered:
.L_overlay_start_1:
0x0: {  	(tag) =	ssettag $0x1  }
0x1: {  	s0 =	rddreg [dreg:$0x0]  }
0x2: {  	s3 =	rddreg [dreg:$0x1]  }
0x3: {  	s1 =	rddreg [dreg:$0x2]  }
0x4: {  	s4 =	srdreg.scid;
	s9 =	stileid.u32  }
0x5: {  	s2 =	simm.s32 $0x0;
	s5 =	sand.u32 $0x1, s4;
	s8 =	smul.u32 $0x50000, s9  }
0x6: {  	[smem:$0x7FF] =	sst s2;
	s6 =	smul.u32 $0x28000, s5;
	s7 =	ssub.s32 $0x2, s5  }
0x7: {  	s4 =	sadd.s32 $0x3200, s0;
	s25 =	sshrl.u32 s7, $0x1;
	s8 =	sshrl.u32 s8, $0x2  }
0x8: {  	s0 =	sadd.s32 s6, s0;
	s6 =	ssub.s32 s7, s25;
	s10 =	sadd.s32 s8, s1  }
0x9: {  	_ =	strace $0x8000004D;
	s6 =	smax.u32 s6, $0x1;
	[dreg:$0x4] =	wrdreg s10  }
0xa: {  	s28 =	simm.s32 $0x1400;
	s11 =	sadd.s32 $0x1400, s10;
	[dreg:$0x5] =	wrdreg s6  }
0xb: {  	s30 =	simm.s32 $0x5400;
	s12 =	sadd.s32 $0x2800, s10;
	[dreg:$0x6] =	wrdreg s11  }
0xc: {  	s31 =	simm.s32 $0x1;
	s13 =	sadd.s32 $0x3C00, s10;
	[dreg:$0x7] =	wrdreg s12  }
0xd: {  	s29 =	simm.s32 $0xC80;
	s14 =	sadd.s32 $0x5000, s10;
	[dreg:$0x8] =	wrdreg s13  }
0xe: {  	s2 =	smul.u32 $0x2800, s9;
	s15 =	sadd.s32 $0x6400, s10;
	[dreg:$0x9] =	wrdreg s14  }
0xf: {  	s22 =	smul.u32 $0xA00, s9;
	s16 =	sadd.s32 $0x7800, s10;
	[dreg:$0xa] =	wrdreg s15  }
0x10: {  	s26 =	sshll.u32 s5, $0x4;
	s17 =	sadd.s32 $0x8C00, s10;
	[dreg:$0xb] =	wrdreg s16  }
0x11: {  	s5 =	smul.u32 $0xA000, s5;
	s18 =	sadd.s32 $0xA000, s10;
	[dreg:$0xc] =	wrdreg s17  }
0x12: {  	s7 =	sor.u32 s9, s26;
	s19 =	sadd.s32 $0xB400, s10;
	[dreg:$0xd] =	wrdreg s18  }
0x13: {  	s3 =	sadd.s32 s5, s3;
	s20 =	sadd.s32 $0xC800, s10;
	[dreg:$0xe] =	wrdreg s19  }
0x14: {  	s5 =	simm.s32 $0xB80;
	s21 =	sadd.s32 $0xDC00, s10;
	[dreg:$0xf] =	wrdreg s20  }
0x15: {  	s8 =	simm.s32 $0xE80;
	s23 =	sadd.s32 $0xF000, s10;
	[dreg:$0x10] =	wrdreg s21  }
0x16: {  	s9 =	simm.s32 $0x1000;
	s24 =	sadd.s32 $0x10400, s10;
	[dreg:$0x11] =	wrdreg s23  }
0x17: {  	s0 =	sadd.s32 $0x2B200, s0;
	s25 =	sadd.s32 $0x11800, s10;
	[dreg:$0x12] =	wrdreg s24  }
0x18: {  	s3 =	sadd.s32 s22, s3;
	s26 =	sadd.s32 $0x12C00, s10;
	[dreg:$0x13] =	wrdreg s25  }
0x19: {  	p0 =	seq.s32 s7, $0x1F;
	s7 =	simm.s32 $0xF00;
	[dreg:$0x14] =	wrdreg s3  }
0x1a: {  	s10 =	simm.s32 $0xF80;
	[dreg:$0x15] =	wrdreg s26;
	s0 =	sadd.s32 s2, s0  }
0x1b: {  	s25 =	simm.s32 $0x3;
	s26 =	simm.s32 $0x80;
	s3 =	simm.s32 $0x2  }
0x1c: {  	s19 =	simm.s32 $0xB00;
	s2 =	simm.s32 $0xA80;
	s21 =	simm.s32 $0x0  }
0x1d: {  	s24 =	simm.s32 $0xC00;
	s23 =	simm.s32 $0xD00;
	s6 =	simm.s32 $0xD80  }
0x1e: {  	s11 =	simm.s32 $0x1100;
	s12 =	simm.s32 $0x1080;
	s13 =	simm.s32 $0x1200  }
0x1f: {  	s14 =	simm.s32 $0x1180;
	s15 =	simm.s32 $0x1300;
	s16 =	simm.s32 $0x1280  }
0x20: {  	v0 =	vimm.f32 $0.0e+00;
	s17 =	simm.s32 $0x1380;
	[dreg:$0x16] =	wrdreg s0;
	s0 =	simm.s32 $0x0  }
.LBB2_1:
0x21: {  	[dreg:$0x17] =	wrdreg s0;
	s20 =	simm.s32 $0x0;
	s22 =	simm.s32 $0x200  }
.LBB2_2:
0x22: {  	p1 =	sne.s32 s22, $0x4E00;
	[tilespmem:s20+$0x9470] =	vst v0  }
0x23: {  	[tilespmem:s20+$0x9400] =	vst v0  }
0x24: {  	[tilespmem:s20+$0x9410] =	vst v0  }
.Ltmp0:
0x25: {  	[tilespmem:s20+$0x9420] =	vst v0;
	(pc) =	sbr.rel @p1 .LBB2_2-.Ltmp0, $4  }
0x26: {  	[tilespmem:s20+$0x9430] =	vst v0  }
0x27: {  	[tilespmem:s20+$0x9440] =	vst v0  }
0x28: {  	[tilespmem:s20+$0x9450] =	vst v0  }
0x29: {  	[tilespmem:s20+$0x9460] =	vst v0;
	s20 =	sshra.s32 s22, $0x2;
	s22 =	sadd.s32 $0x200, s22  }
0x2a: {  	[tilespmem:s20+$0x9470] =	vst v0  }
0x2b: {  	[tilespmem:s20+$0x9400] =	vst v0  }
0x2c: {  	[tilespmem:s20+$0x9410] =	vst v0  }
0x2d: {  	[tilespmem:s20+$0x9420] =	vst v0  }
0x2e: {  	[tilespmem:s20+$0x9430] =	vst v0  }
0x2f: {  	[tilespmem:s20+$0x9440] =	vst v0  }
0x30: {  	[tilespmem:s20+$0x9450] =	vst v0  }
0x31: {  	[tilespmem:s20+$0x9460] =	vst v0;
	s0 =	rddreg [dreg:$0x4];
	s22 =	simm.s32 $0x9400  }
0x32: {  	[spmem:s0] =	stream.linear.scatter [tilespmem:s22], [sflag:$0x3], $0x1400, $0x38;
	[tilespmem:$0x1E800] =	vst v63  }
0x33: {  	_ =	swait.ge [sflag:s25], $0x1400  }
0x34: {  	[sflag:s25] =	ssyncset.done $0x0  }
0x35: {  	s18 =	rddreg [dreg:$0x6];
	[sflag:s25] =	ssyncadd.s32 $0xFFFFEC00  }
0x36: {  	[spmem:s18] =	stream.linear.scatter [tilespmem:s22], [sflag:$0x3], $0x1400, $0x38;
	[tilespmem:$0x1E800] =	vst v63  }
0x37: {  	_ =	swait.ge [sflag:s25], $0x1400  }
0x38: {  	[sflag:s25] =	ssyncset.done $0x0  }
0x39: {  	s0 =	rddreg [dreg:$0x7];
	[sflag:s25] =	ssyncadd.s32 $0xFFFFEC00  }
0x3a: {  	[spmem:s0] =	stream.linear.scatter [tilespmem:s22], [sflag:$0x3], $0x1400, $0x38;
	[tilespmem:$0x1E800] =	vst v63  }
0x3b: {  	_ =	swait.ge [sflag:s25], $0x1400  }
0x3c: {  	[sflag:s25] =	ssyncset.done $0x0  }
0x3d: {  	s18 =	rddreg [dreg:$0x8];
	[sflag:s25] =	ssyncadd.s32 $0xFFFFEC00  }
0x3e: {  	[spmem:s18] =	stream.linear.scatter [tilespmem:s22], [sflag:$0x3], $0x1400, $0x38;
	[tilespmem:$0x1E800] =	vst v63  }
0x3f: {  	_ =	swait.ge [sflag:s25], $0x1400  }
0x40: {  	[sflag:s25] =	ssyncset.done $0x0  }
0x41: {  	s0 =	rddreg [dreg:$0x9];
	[sflag:s25] =	ssyncadd.s32 $0xFFFFEC00  }
0x42: {  	[spmem:s0] =	stream.linear.scatter [tilespmem:s22], [sflag:$0x3], $0x1400, $0x38;
	[tilespmem:$0x1E800] =	vst v63  }
0x43: {  	_ =	swait.ge [sflag:s25], $0x1400  }
0x44: {  	[sflag:s25] =	ssyncset.done $0x0  }
0x45: {  	s18 =	rddreg [dreg:$0xa];
	[sflag:s25] =	ssyncadd.s32 $0xFFFFEC00  }
0x46: {  	[spmem:s18] =	stream.linear.scatter [tilespmem:s22], [sflag:$0x3], $0x1400, $0x38;
	[tilespmem:$0x1E800] =	vst v63  }
0x47: {  	_ =	swait.ge [sflag:s25], $0x1400  }
0x48: {  	[sflag:s25] =	ssyncset.done $0x0  }
0x49: {  	s0 =	rddreg [dreg:$0xb];
	[sflag:s25] =	ssyncadd.s32 $0xFFFFEC00  }
0x4a: {  	[spmem:s0] =	stream.linear.scatter [tilespmem:s22], [sflag:$0x3], $0x1400, $0x38;
	[tilespmem:$0x1E800] =	vst v63  }
0x4b: {  	_ =	swait.ge [sflag:s25], $0x1400  }
0x4c: {  	[sflag:s25] =	ssyncset.done $0x0  }
0x4d: {  	s18 =	rddreg [dreg:$0xc];
	[sflag:s25] =	ssyncadd.s32 $0xFFFFEC00  }
0x4e: {  	[spmem:s18] =	stream.linear.scatter [tilespmem:s22], [sflag:$0x3], $0x1400, $0x38;
	[tilespmem:$0x1E800] =	vst v63  }
0x4f: {  	_ =	swait.ge [sflag:s25], $0x1400  }
0x50: {  	[sflag:s25] =	ssyncset.done $0x0  }
0x51: {  	s0 =	rddreg [dreg:$0xd];
	[sflag:s25] =	ssyncadd.s32 $0xFFFFEC00  }
0x52: {  	[spmem:s0] =	stream.linear.scatter [tilespmem:s22], [sflag:$0x3], $0x1400, $0x38;
	[tilespmem:$0x1E800] =	vst v63  }
0x53: {  	_ =	swait.ge [sflag:s25], $0x1400  }
0x54: {  	[sflag:s25] =	ssyncset.done $0x0  }
0x55: {  	s18 =	rddreg [dreg:$0xe];
	[sflag:s25] =	ssyncadd.s32 $0xFFFFEC00  }
0x56: {  	[spmem:s18] =	stream.linear.scatter [tilespmem:s22], [sflag:$0x3], $0x1400, $0x38;
	[tilespmem:$0x1E800] =	vst v63  }
0x57: {  	_ =	swait.ge [sflag:s25], $0x1400  }
0x58: {  	[sflag:s25] =	ssyncset.done $0x0  }
0x59: {  	s0 =	rddreg [dreg:$0xf];
	[sflag:s25] =	ssyncadd.s32 $0xFFFFEC00  }
0x5a: {  	[spmem:s0] =	stream.linear.scatter [tilespmem:s22], [sflag:$0x3], $0x1400, $0x38;
	[tilespmem:$0x1E800] =	vst v63  }
0x5b: {  	_ =	swait.ge [sflag:s25], $0x1400  }
0x5c: {  	[sflag:s25] =	ssyncset.done $0x0  }
0x5d: {  	s18 =	rddreg [dreg:$0x10];
	[sflag:s25] =	ssyncadd.s32 $0xFFFFEC00  }
0x5e: {  	[spmem:s18] =	stream.linear.scatter [tilespmem:s22], [sflag:$0x3], $0x1400, $0x38;
	[tilespmem:$0x1E800] =	vst v63  }
0x5f: {  	_ =	swait.ge [sflag:s25], $0x1400  }
0x60: {  	[sflag:s25] =	ssyncset.done $0x0  }
0x61: {  	s0 =	rddreg [dreg:$0x11];
	[sflag:s25] =	ssyncadd.s32 $0xFFFFEC00  }
0x62: {  	[spmem:s0] =	stream.linear.scatter [tilespmem:s22], [sflag:$0x3], $0x1400, $0x38;
	[tilespmem:$0x1E800] =	vst v63  }
0x63: {  	_ =	swait.ge [sflag:s25], $0x1400  }
0x64: {  	[sflag:s25] =	ssyncset.done $0x0  }
0x65: {  	s18 =	rddreg [dreg:$0x12];
	[sflag:s25] =	ssyncadd.s32 $0xFFFFEC00  }
0x66: {  	[spmem:s18] =	stream.linear.scatter [tilespmem:s22], [sflag:$0x3], $0x1400, $0x38;
	[tilespmem:$0x1E800] =	vst v63  }
0x67: {  	_ =	swait.ge [sflag:s25], $0x1400  }
0x68: {  	[sflag:s25] =	ssyncset.done $0x0  }
0x69: {  	s0 =	rddreg [dreg:$0x13];
	[sflag:s25] =	ssyncadd.s32 $0xFFFFEC00  }
0x6a: {  	[spmem:s0] =	stream.linear.scatter [tilespmem:s22], [sflag:$0x3], $0x1400, $0x38;
	[tilespmem:$0x1E800] =	vst v63  }
0x6b: {  	_ =	swait.ge [sflag:s25], $0x1400  }
0x6c: {  	[sflag:s25] =	ssyncset.done $0x0  }
0x6d: {  	s18 =	rddreg [dreg:$0x15];
	[sflag:s25] =	ssyncadd.s32 $0xFFFFEC00  }
0x6e: {  	[spmem:s18] =	stream.linear.scatter [tilespmem:s22], [sflag:$0x3], $0x1400, $0x38;
	[tilespmem:$0x1E800] =	vst v63  }
0x6f: {  	_ =	swait.ge [sflag:s25], $0x1400  }
0x70: {  	[sflag:s25] =	ssyncset.done $0x0  }
0x71: {  	[sflag:s25] =	ssyncadd.s32 $0xFFFFEC00  }
0x72: {  	[bflag:$0x0] =	sbarrier.arrive $0xFFFF  }
0x73: {  	s0 =	simm.s32 $0xE00;
	s22 =	simm.s32 $0x0;
	s20 =	rddreg [dreg:$0x14]  }
.LBB2_4:
0x74: {  	[tilespmem:s21], [sflag:$0x3] =	stream.linear.gather [hbm4b:s20+s21], $0x1400, $0x38;
	[tilespmem:$0x1E800] =	vst v63  }
0x75: {  	_ =	swait.ge [sflag:s25], $0x1400  }
0x76: {  	[sflag:s25] =	ssyncset.done $0x0  }
0x77: {  	[sflag:s25] =	ssyncadd.s32 $0xFFFFEC00  }
0x78: {  	[tilespmem:s28], [sflag:$0x1] =	stream.indirect.gather [hbm4b:s4+s26], $0x80, s21, s26, $0xb8;
	[tilespmem:$0x1E800] =	vst v63  }
0x79: {  	s18 =	simm.s32 $0x100  }
0x7a: {  	[tilespmem:s30], [sflag:$0x2] =	stream.indirect.gather [hbm4b:s4+s26], $0x80, s18, s26, $0xb8;
	[tilespmem:$0x1E800] =	vst v63  }
0x7b: {  	_ =	swait.ge [sflag:s31], $0x4000  }
0x7c: {  	[sflag:s31] =	ssyncset.done $0x0  }
0x7d: {  	[sflag:s31] =	ssyncadd.s32 $0xFFFFC000  }
0x7e: {  	[spmem:s1] =	stream.indirect.scatter.add.f32 [tilespmem:s28], [sflag:$0x3], $0x80, s26, s26, $0xb8;
	[tilespmem:$0x1E800] =	vst v63  }
0x7f: {  	_ =	swait.ge [sflag:s25], $0x4000  }
0x80: {  	[sflag:s25] =	ssyncset.done $0x0  }
0x81: {  	s18 =	simm.s32 $0x200;
	[sflag:s25] =	ssyncadd.s32 $0xFFFFC000  }
0x82: {  	[tilespmem:s28], [sflag:$0x1] =	stream.indirect.gather [hbm4b:s4+s26], $0x80, s18, s26, $0xb8;
	[tilespmem:$0x1E800] =	vst v63  }
0x83: {  	_ =	swait.ge [sflag:s3], $0x4000  }
0x84: {  	[sflag:s3] =	ssyncset.done $0x0  }
0x85: {  	s18 =	simm.s32 $0x180;
	[sflag:s3] =	ssyncadd.s32 $0xFFFFC000  }
0x86: {  	[spmem:s1] =	stream.indirect.scatter.add.f32 [tilespmem:s30], [sflag:$0x3], $0x80, s18, s26, $0xb8;
	[tilespmem:$0x1E800] =	vst v63  }
0x87: {  	_ =	swait.ge [sflag:s25], $0x4000  }
0x88: {  	[sflag:s25] =	ssyncset.done $0x0  }
0x89: {  	s18 =	simm.s32 $0x300;
	[sflag:s25] =	ssyncadd.s32 $0xFFFFC000  }
0x8a: {  	[tilespmem:s30], [sflag:$0x2] =	stream.indirect.gather [hbm4b:s4+s26], $0x80, s18, s26, $0xb8;
	[tilespmem:$0x1E800] =	vst v63  }
0x8b: {  	_ =	swait.ge [sflag:s31], $0x4000  }
0x8c: {  	[sflag:s31] =	ssyncset.done $0x0  }
0x8d: {  	s18 =	simm.s32 $0x280;
	[sflag:s31] =	ssyncadd.s32 $0xFFFFC000  }
0x8e: {  	[spmem:s1] =	stream.indirect.scatter.add.f32 [tilespmem:s28], [sflag:$0x3], $0x80, s18, s26, $0xb8;
	[tilespmem:$0x1E800] =	vst v63  }
0x8f: {  	_ =	swait.ge [sflag:s25], $0x4000  }
0x90: {  	[sflag:s25] =	ssyncset.done $0x0  }
0x91: {  	s18 =	simm.s32 $0x400;
	[sflag:s25] =	ssyncadd.s32 $0xFFFFC000  }
0x92: {  	[tilespmem:s28], [sflag:$0x1] =	stream.indirect.gather [hbm4b:s4+s26], $0x80, s18, s26, $0xb8;
	[tilespmem:$0x1E800] =	vst v63  }
0x93: {  	_ =	swait.ge [sflag:s3], $0x4000  }
0x94: {  	[sflag:s3] =	ssyncset.done $0x0  }
0x95: {  	s18 =	simm.s32 $0x380;
	[sflag:s3] =	ssyncadd.s32 $0xFFFFC000  }
0x96: {  	[spmem:s1] =	stream.indirect.scatter.add.f32 [tilespmem:s30], [sflag:$0x3], $0x80, s18, s26, $0xb8;
	[tilespmem:$0x1E800] =	vst v63  }
0x97: {  	_ =	swait.ge [sflag:s25], $0x4000  }
0x98: {  	[sflag:s25] =	ssyncset.done $0x0  }
0x99: {  	s18 =	simm.s32 $0x500;
	[sflag:s25] =	ssyncadd.s32 $0xFFFFC000  }
0x9a: {  	[tilespmem:s30], [sflag:$0x2] =	stream.indirect.gather [hbm4b:s4+s26], $0x80, s18, s26, $0xb8;
	[tilespmem:$0x1E800] =	vst v63  }
0x9b: {  	_ =	swait.ge [sflag:s31], $0x4000  }
0x9c: {  	[sflag:s31] =	ssyncset.done $0x0  }
0x9d: {  	s18 =	simm.s32 $0x480;
	[sflag:s31] =	ssyncadd.s32 $0xFFFFC000  }
0x9e: {  	[spmem:s1] =	stream.indirect.scatter.add.f32 [tilespmem:s28], [sflag:$0x3], $0x80, s18, s26, $0xb8;
	[tilespmem:$0x1E800] =	vst v63  }
0x9f: {  	_ =	swait.ge [sflag:s25], $0x4000  }
0xa0: {  	[sflag:s25] =	ssyncset.done $0x0  }
0xa1: {  	s18 =	simm.s32 $0x600;
	[sflag:s25] =	ssyncadd.s32 $0xFFFFC000  }
0xa2: {  	[tilespmem:s28], [sflag:$0x1] =	stream.indirect.gather [hbm4b:s4+s26], $0x80, s18, s26, $0xb8;
	[tilespmem:$0x1E800] =	vst v63  }
0xa3: {  	_ =	swait.ge [sflag:s3], $0x4000  }
0xa4: {  	[sflag:s3] =	ssyncset.done $0x0  }
0xa5: {  	s18 =	simm.s32 $0x580;
	[sflag:s3] =	ssyncadd.s32 $0xFFFFC000  }
0xa6: {  	[spmem:s1] =	stream.indirect.scatter.add.f32 [tilespmem:s30], [sflag:$0x3], $0x80, s18, s26, $0xb8;
	[tilespmem:$0x1E800] =	vst v63  }
0xa7: {  	_ =	swait.ge [sflag:s25], $0x4000  }
0xa8: {  	[sflag:s25] =	ssyncset.done $0x0  }
0xa9: {  	s18 =	simm.s32 $0x700;
	[sflag:s25] =	ssyncadd.s32 $0xFFFFC000  }
0xaa: {  	[tilespmem:s30], [sflag:$0x2] =	stream.indirect.gather [hbm4b:s4+s26], $0x80, s18, s26, $0xb8;
	[tilespmem:$0x1E800] =	vst v63  }
0xab: {  	_ =	swait.ge [sflag:s31], $0x4000  }
0xac: {  	[sflag:s31] =	ssyncset.done $0x0  }
0xad: {  	s18 =	simm.s32 $0x680;
	[sflag:s31] =	ssyncadd.s32 $0xFFFFC000  }
0xae: {  	[spmem:s1] =	stream.indirect.scatter.add.f32 [tilespmem:s28], [sflag:$0x3], $0x80, s18, s26, $0xb8;
	[tilespmem:$0x1E800] =	vst v63  }
0xaf: {  	_ =	swait.ge [sflag:s25], $0x4000  }
0xb0: {  	[sflag:s25] =	ssyncset.done $0x0  }
0xb1: {  	s18 =	simm.s32 $0x800;
	[sflag:s25] =	ssyncadd.s32 $0xFFFFC000  }
0xb2: {  	[tilespmem:s28], [sflag:$0x1] =	stream.indirect.gather [hbm4b:s4+s26], $0x80, s18, s26, $0xb8;
	[tilespmem:$0x1E800] =	vst v63  }
0xb3: {  	_ =	swait.ge [sflag:s3], $0x4000  }
0xb4: {  	[sflag:s3] =	ssyncset.done $0x0  }
0xb5: {  	s18 =	simm.s32 $0x780;
	[sflag:s3] =	ssyncadd.s32 $0xFFFFC000  }
0xb6: {  	[spmem:s1] =	stream.indirect.scatter.add.f32 [tilespmem:s30], [sflag:$0x3], $0x80, s18, s26, $0xb8;
	[tilespmem:$0x1E800] =	vst v63  }
0xb7: {  	_ =	swait.ge [sflag:s25], $0x4000  }
0xb8: {  	[sflag:s25] =	ssyncset.done $0x0  }
0xb9: {  	s18 =	simm.s32 $0x900;
	[sflag:s25] =	ssyncadd.s32 $0xFFFFC000  }
0xba: {  	[tilespmem:s30], [sflag:$0x2] =	stream.indirect.gather [hbm4b:s4+s26], $0x80, s18, s26, $0xb8;
	[tilespmem:$0x1E800] =	vst v63  }
0xbb: {  	_ =	swait.ge [sflag:s31], $0x4000  }
0xbc: {  	[sflag:s31] =	ssyncset.done $0x0  }
0xbd: {  	s18 =	simm.s32 $0x880;
	[sflag:s31] =	ssyncadd.s32 $0xFFFFC000  }
0xbe: {  	[spmem:s1] =	stream.indirect.scatter.add.f32 [tilespmem:s28], [sflag:$0x3], $0x80, s18, s26, $0xb8;
	[tilespmem:$0x1E800] =	vst v63  }
0xbf: {  	_ =	swait.ge [sflag:s25], $0x4000  }
0xc0: {  	[sflag:s25] =	ssyncset.done $0x0  }
0xc1: {  	s18 =	simm.s32 $0xA00;
	[sflag:s25] =	ssyncadd.s32 $0xFFFFC000  }
0xc2: {  	[tilespmem:s28], [sflag:$0x1] =	stream.indirect.gather [hbm4b:s4+s26], $0x80, s18, s26, $0xb8;
	[tilespmem:$0x1E800] =	vst v63  }
0xc3: {  	_ =	swait.ge [sflag:s3], $0x4000  }
0xc4: {  	[sflag:s3] =	ssyncset.done $0x0  }
0xc5: {  	s18 =	simm.s32 $0x980;
	[sflag:s3] =	ssyncadd.s32 $0xFFFFC000  }
0xc6: {  	[spmem:s1] =	stream.indirect.scatter.add.f32 [tilespmem:s30], [sflag:$0x3], $0x80, s18, s26, $0xb8;
	[tilespmem:$0x1E800] =	vst v63  }
0xc7: {  	_ =	swait.ge [sflag:s25], $0x4000  }
0xc8: {  	[sflag:s25] =	ssyncset.done $0x0  }
0xc9: {  	[sflag:s25] =	ssyncadd.s32 $0xFFFFC000  }
0xca: {  	[tilespmem:s30], [sflag:$0x2] =	stream.indirect.gather [hbm4b:s4+s26], $0x80, s19, s26, $0xb8;
	[tilespmem:$0x1E800] =	vst v63  }
0xcb: {  	_ =	swait.ge [sflag:s31], $0x4000  }
0xcc: {  	[sflag:s31] =	ssyncset.done $0x0  }
0xcd: {  	[sflag:s31] =	ssyncadd.s32 $0xFFFFC000  }
0xce: {  	[spmem:s1] =	stream.indirect.scatter.add.f32 [tilespmem:s28], [sflag:$0x3], $0x80, s2, s26, $0xb8;
	[tilespmem:$0x1E800] =	vst v63  }
0xcf: {  	_ =	swait.ge [sflag:s25], $0x4000  }
0xd0: {  	[sflag:s25] =	ssyncset.done $0x0  }
0xd1: {  	[sflag:s25] =	ssyncadd.s32 $0xFFFFC000  }
0xd2: {  	[tilespmem:s28], [sflag:$0x1] =	stream.indirect.gather [hbm4b:s4+s26], $0x80, s24, s26, $0xb8;
	[tilespmem:$0x1E800] =	vst v63  }
0xd3: {  	_ =	swait.ge [sflag:s3], $0x4000  }
0xd4: {  	[sflag:s3] =	ssyncset.done $0x0  }
0xd5: {  	[sflag:s3] =	ssyncadd.s32 $0xFFFFC000  }
0xd6: {  	[spmem:s1] =	stream.indirect.scatter.add.f32 [tilespmem:s30], [sflag:$0x3], $0x80, s5, s26, $0xb8;
	[tilespmem:$0x1E800] =	vst v63  }
0xd7: {  	_ =	swait.ge [sflag:s25], $0x4000  }
0xd8: {  	[sflag:s25] =	ssyncset.done $0x0  }
0xd9: {  	[sflag:s25] =	ssyncadd.s32 $0xFFFFC000  }
0xda: {  	[tilespmem:s30], [sflag:$0x2] =	stream.indirect.gather [hbm4b:s4+s26], $0x80, s23, s26, $0xb8;
	[tilespmem:$0x1E800] =	vst v63  }
0xdb: {  	_ =	swait.ge [sflag:s31], $0x4000  }
0xdc: {  	[sflag:s31] =	ssyncset.done $0x0  }
0xdd: {  	[sflag:s31] =	ssyncadd.s32 $0xFFFFC000  }
0xde: {  	[spmem:s1] =	stream.indirect.scatter.add.f32 [tilespmem:s28], [sflag:$0x3], $0x80, s29, s26, $0xb8;
	[tilespmem:$0x1E800] =	vst v63  }
0xdf: {  	_ =	swait.ge [sflag:s25], $0x4000  }
0xe0: {  	[sflag:s25] =	ssyncset.done $0x0  }
0xe1: {  	[sflag:s25] =	ssyncadd.s32 $0xFFFFC000  }
0xe2: {  	[tilespmem:s28], [sflag:$0x1] =	stream.indirect.gather [hbm4b:s4+s26], $0x80, s0, s26, $0xb8;
	[tilespmem:$0x1E800] =	vst v63  }
0xe3: {  	_ =	swait.ge [sflag:s3], $0x4000  }
0xe4: {  	[sflag:s3] =	ssyncset.done $0x0  }
0xe5: {  	[sflag:s3] =	ssyncadd.s32 $0xFFFFC000  }
0xe6: {  	[spmem:s1] =	stream.indirect.scatter.add.f32 [tilespmem:s30], [sflag:$0x3], $0x80, s6, s26, $0xb8;
	[tilespmem:$0x1E800] =	vst v63  }
0xe7: {  	_ =	swait.ge [sflag:s25], $0x4000  }
0xe8: {  	[sflag:s25] =	ssyncset.done $0x0  }
0xe9: {  	[sflag:s25] =	ssyncadd.s32 $0xFFFFC000  }
0xea: {  	[tilespmem:s30], [sflag:$0x2] =	stream.indirect.gather [hbm4b:s4+s26], $0x80, s7, s26, $0xb8;
	[tilespmem:$0x1E800] =	vst v63  }
0xeb: {  	_ =	swait.ge [sflag:s31], $0x4000  }
0xec: {  	[sflag:s31] =	ssyncset.done $0x0  }
0xed: {  	[sflag:s31] =	ssyncadd.s32 $0xFFFFC000  }
0xee: {  	[spmem:s1] =	stream.indirect.scatter.add.f32 [tilespmem:s28], [sflag:$0x3], $0x80, s8, s26, $0xb8;
	[tilespmem:$0x1E800] =	vst v63  }
0xef: {  	_ =	swait.ge [sflag:s25], $0x4000  }
0xf0: {  	[sflag:s25] =	ssyncset.done $0x0  }
0xf1: {  	[sflag:s25] =	ssyncadd.s32 $0xFFFFC000  }
0xf2: {  	[tilespmem:s28], [sflag:$0x1] =	stream.indirect.gather [hbm4b:s4+s26], $0x80, s9, s26, $0xb8;
	[tilespmem:$0x1E800] =	vst v63  }
0xf3: {  	_ =	swait.ge [sflag:s3], $0x4000  }
0xf4: {  	[sflag:s3] =	ssyncset.done $0x0  }
0xf5: {  	[sflag:s3] =	ssyncadd.s32 $0xFFFFC000  }
0xf6: {  	[spmem:s1] =	stream.indirect.scatter.add.f32 [tilespmem:s30], [sflag:$0x3], $0x80, s10, s26, $0xb8;
	[tilespmem:$0x1E800] =	vst v63  }
0xf7: {  	_ =	swait.ge [sflag:s25], $0x4000  }
0xf8: {  	[sflag:s25] =	ssyncset.done $0x0  }
0xf9: {  	[sflag:s25] =	ssyncadd.s32 $0xFFFFC000  }
0xfa: {  	[tilespmem:s30], [sflag:$0x2] =	stream.indirect.gather [hbm4b:s4+s26], $0x80, s11, s26, $0xb8;
	[tilespmem:$0x1E800] =	vst v63  }
0xfb: {  	_ =	swait.ge [sflag:s31], $0x4000  }
0xfc: {  	[sflag:s31] =	ssyncset.done $0x0  }
0xfd: {  	[sflag:s31] =	ssyncadd.s32 $0xFFFFC000  }
0xfe: {  	[spmem:s1] =	stream.indirect.scatter.add.f32 [tilespmem:s28], [sflag:$0x3], $0x80, s12, s26, $0xb8;
	[tilespmem:$0x1E800] =	vst v63  }
0xff: {  	_ =	swait.ge [sflag:s25], $0x4000  }
0x100: {  	[sflag:s25] =	ssyncset.done $0x0  }
0x101: {  	[sflag:s25] =	ssyncadd.s32 $0xFFFFC000  }
0x102: {  	[tilespmem:s28], [sflag:$0x1] =	stream.indirect.gather [hbm4b:s4+s26], $0x80, s13, s26, $0xb8;
	[tilespmem:$0x1E800] =	vst v63  }
0x103: {  	_ =	swait.ge [sflag:s3], $0x4000  }
0x104: {  	[sflag:s3] =	ssyncset.done $0x0  }
0x105: {  	[sflag:s3] =	ssyncadd.s32 $0xFFFFC000  }
0x106: {  	[spmem:s1] =	stream.indirect.scatter.add.f32 [tilespmem:s30], [sflag:$0x3], $0x80, s14, s26, $0xb8;
	[tilespmem:$0x1E800] =	vst v63  }
0x107: {  	_ =	swait.ge [sflag:s25], $0x4000  }
0x108: {  	[sflag:s25] =	ssyncset.done $0x0  }
0x109: {  	[sflag:s25] =	ssyncadd.s32 $0xFFFFC000  }
0x10a: {  	[tilespmem:s30], [sflag:$0x2] =	stream.indirect.gather [hbm4b:s4+s26], $0x80, s15, s26, $0xb8;
	[tilespmem:$0x1E800] =	vst v63  }
0x10b: {  	_ =	swait.ge [sflag:s31], $0x4000  }
0x10c: {  	[sflag:s31] =	ssyncset.done $0x0  }
0x10d: {  	[sflag:s31] =	ssyncadd.s32 $0xFFFFC000  }
0x10e: {  	[spmem:s1] =	stream.indirect.scatter.add.f32 [tilespmem:s28], [sflag:$0x3], $0x80, s16, s26, $0xb8;
	[tilespmem:$0x1E800] =	vst v63  }
0x10f: {  	_ =	swait.ge [sflag:s25], $0x4000  }
0x110: {  	[sflag:s25] =	ssyncset.done $0x0  }
0x111: {  	[sflag:s25] =	ssyncadd.s32 $0xFFFFC000  }
0x112: {  	p1 =	slt.u32 @!p0 s22, $0x3;
	_ =	swait.ge [sflag:s3], $0x4000  }
0x113: {  	p1 =	por p0, !p1;
	[sflag:s3] =	ssyncset.done $0x0  }
.Ltmp1:
0x114: {  	[sflag:s3] =	ssyncadd.s32 $0xFFFFC000;
	(pc) =	sbr.rel @!p1 .LBB2_4-.Ltmp1, $4  }
0x115: {  	[spmem:s1] =	stream.indirect.scatter.add.f32 [tilespmem:s30], [sflag:$0x3], $0x80, s17, s26, $0xb8;
	[tilespmem:$0x1E800] =	vst v63  }
0x116: {  	_ =	swait.ge [sflag:s25], $0x4000  }
0x117: {  	[sflag:s25] =	ssyncset.done $0x0  }
0x118: {  	s22 =	sadd.s32 $0x1, s22;
	s20 =	sadd.s32 $0x280, s20;
	[sflag:s25] =	ssyncadd.s32 $0xFFFFC000  }
0x119: {  	s20 =	stileid.u32;
	[bflag:$0x0] =	sbarrier.arrive $0xFFFF  }
0x11a: {  	s20 =	sshll.u32 s20, $0x6;
	s22 =	rddreg [dreg:$0x4]  }
0x11b: {  	s18 =	rddreg [dreg:$0x16];
	s0 =	sor.u32 $0x1C03, s20;
	s22 =	sshrl.u32 s22, $0x3  }
0x11c: {  	[hbm:s18], [sflag:s0] =	dma.local [spmem:s22], $0x2800  }
0x11d: {  	_ =	swait.ge [sflag:s25], $0x2800  }
0x11e: {  	s20 =	rddreg [dreg:$0x17]  }
0x11f: {  	s22 =	rddreg [dreg:$0x5];
	s0 =	sadd.s32 $0x1, s20  }
0x120: {  	p1 =	sne.s32 s0, s22  }
.Ltmp2:
0x121: {  	_ = 	snop;
	(pc) =	sbr.rel @p1 .LBB2_1-.Ltmp2, $3  }
0x122: {  	_ =	sdelay $0x1  }
0x123: {  	[sflag:s25] =	ssyncset.done $0x0  }
0x124: {  	[sflag:s25] =	ssyncadd.s32 $0xFFFFD800  }
0x125: {  	_ =	sfence.sel $0x180000  }
0x126: {  	[bflag:$0x0] =	sbarrier.arrive $0xFFFF  }
0x127: {  	_ =	strace $0x9000004D  }
0x128: {  	s0 =	stileid.u32;
	[bflag:$0x2] =	sbarrier.arrive $0xFFFF  }
0x129: {  	p0 =	sne.s32 s0, $0x0;
	s0 =	rddreg [dreg:$0x3]  }
0x12a: {  	s0 =	sadd.s32 @!p0 $0x100000, s0  }
0x12b: {  	[sflag:s0] =	ssyncadd.tile.s32 @!p0 $0x1;
	_ =	shalt  }
.Lfunc_end2:
_tile_overlayer_lowered:
.L_overlay_start_2:
0x12c: {  	(tag) =	ssettag $0x2  }
0x12d: {  	s0 =	rddreg [dreg:$0x0];
	s2 =	stileid.u32  }
0x12e: {  	s1 =	rddreg [dreg:$0x1];
	p0 =	sne.s32 s2, $0x0  }
0x12f: {  	s3 =	rddreg [dreg:$0x2];
	[bflag:$0x3] =	sbarrier.arrive $0xFFFF;
	s2 =	simm.s32 @!p0 $0x1C03  }
0x130: {  	[timem:s3], [sflag:s2] =	dma.local @!p0 [hbm:s0], s1  }
0x131: {  	s0 =	simm.s32 @!p0 $0x3  }
0x132: {  	_ =	swait.ge @!p0 [sflag:s0], s1  }
0x133: {  	s1 =	ssub.s32 @!p0 $0x0, s1;
	[sflag:s0] =	ssyncset.done @!p0 $0x0  }
0x134: {  	[sflag:s0] =	ssyncadd.s32 @!p0 s1  }
0x135: {  	[bflag:$0x3] =	sbarrier.arrive $0xFFFF  }
0x136: {  	_ =	shalt  }

// kernel: kernel.21.cloned.1.call-start
scs
__scs_entry_jumppad:
0x0: {  	(pc) =	sbr.rel $0x88, $3  }
0x1: {  	(tag) =	ssettag $0x0;
	lr =	simm.s32 $0x1  }
0x2: {  	[smem:$0x3F95] =	sst lr;
	_ =	strace $0xD0000000  }
0x3: {  	_ = 	snop  }
0x4: {  	_ = 	snop  }
0x5: {  	_ = 	snop  }
0x6: {  	_ = 	snop  }
0x7: {  	_ = 	snop  }
__scs_overlays_trampoline_lowered:
0x8: {  	[smem:$0x3FA4] =	sst s0  }
0x9: {  	[smem:$0x3FA5] =	sst s1  }
0xa: {  	[smem:$0x3FA6] =	sst s2  }
0xb: {  	[smem:$0x3FA7] =	sst s3  }
0xc: {  	[smem:$0x3FA8] =	sst s4  }
0xd: {  	[smem:$0x3FA9] =	sst s5  }
0xe: {  	[smem:$0x3FAA] =	sst s6  }
0xf: {  	[smem:$0x3FAB] =	sst s7  }
0x10: {  	[smem:$0x3FAC] =	sst s8  }
0x11: {  	[smem:$0x3FAD] =	sst s9;
	s0 =	simm.s32 @!p0 $0x0  }
0x12: {  	s1 =	sld [smem:$0x3F93];
	s0 =	simm.s32 @p0 $0x1  }
0x13: {  	[smem:$0x3FAE] =	sst s0;
	s0 =	simm.s32 @!p1 $0x0  }
0x14: {  	s2 =	sld [smem:$0x3F92];
	s0 =	simm.s32 @p1 $0x1  }
0x15: {  	[smem:$0x3FAF] =	sst s0;
	s0 =	simm.s32 @!p2 $0x0  }
0x16: {  	s3 =	sld [smem:$0x3FDB];
	s0 =	simm.s32 @p2 $0x1  }
0x17: {  	s4 =	simm.s32 $0x1BF5;
	[smem:$0x3FB1] =	sst s0  }
0x18: {  	s0 =	sld [smem:$0x3F94];
	_ =	swait.ge [sflag:s4], $0x0  }
0x19: {  	s7 =	sld [smem:$0x3F95]  }
0x1a: {  	s8 =	sadd.s32 $0xFFFFE003, lr  }
0x1b: {  	s9 =	sadd.s32 $0xFFFFFEF7, lr;
	s5 =	simm.s32 $0xFFFFFFFF;
	p2 =	slt.u32 s8, $0xFFFFF086  }
0x1c: {  	p1 =	slt.u32 s9, $0xF7A;
	s5 =	simm.s32 @!p2 $0x0  }
0x1d: {  	s5 =	simm.s32 @p1 $0x1;
	p0 =	seq.s32 s7, s2  }
0x1e: {  	s7 =	smul.u32 @!p0 $0xF7A, s2;
	p2 =	seq.s32 @!p0 s5, $0x0  }
0x1f: {  	s9 =	smul.u32 $0xF7A, s1;
	s8 =	simm.s32 @!p0 $0x1BF5;
	p2 =	por !p2, p0  }
0x20: {  	[sflag:s8] =	ssyncset.s32 @!p0 $0xFFFFF086;
	s6 =	sadd.s32 @!p0 s3, s7;
	s7 =	simm.s32 @!p0 $0x108  }
0x21: {  	s3 =	sadd.s32 s3, s9;
	s6 =	sadd.s32 @!p0 $0x88, s6;
	s7 =	simm.s32 @p2 $0x1082  }
0x22: {  	[simem:s7], [sflag:s8] =	dma.local @!p0 [hbm:s6], $0xF7A  }
0x23: {  	s9 =	sor.u32 $0xD0000000, s2;
	s6 =	simm.s32 $0x108;
	_ =	swait.ge @!p0 [sflag:s8], $0x0  }
0x24: {  	s3 =	sadd.s32 $0x88, s3;
	s6 =	simm.s32 @!p1 $0x1082;
	[sflag:s4] =	ssyncset.s32 $0xFFFFF086  }
0x25: {  	[simem:s6], [sflag:s4] =	dma.local [hbm:s3], $0xF7A  }
0x26: {  	[smem:$0x3F95] =	sst s1;
	(tag) =	ssettag s2;
	_ =	strace s9  }
0x27: {  	s1 =	sld [smem:$0x3FA5]  }
0x28: {  	s2 =	sld [smem:$0x3FA6]  }
0x29: {  	s4 =	sld [smem:$0x3FA8]  }
0x2a: {  	p0 =	seq.s32 s5, $0x0;
	s5 =	sld [smem:$0x3FA9]  }
0x2b: {  	s6 =	sld [smem:$0x3FAA]  }
0x2c: {  	s7 =	sld [smem:$0x3FAB]  }
0x2d: {  	s3 =	simm.s32 $0x108;
	s8 =	sld [smem:$0x3FAC]  }
0x2e: {  	s3 =	simm.s32 @!p0 $0x1082;
	s9 =	sld [smem:$0x3FAD]  }
0x2f: {  	lr =	sadd.s32 s0, s3;
	s0 =	sld [smem:$0x3FA4]  }
0x30: {  	s3 =	sld [smem:$0x3FA7]  }
0x31: {  	[smem:$0x3FB0] =	sst s10  }
0x32: {  	s10 =	sld [smem:$0x3FAE];
	_ =	sdelay $0x3  }
0x33: {  	p0 =	seq.s32 s10, $0x1;
	s10 =	sld [smem:$0x3FB0];
	_ =	sdelay $0x3  }
0x34: {  	[smem:$0x3FB0] =	sst s10  }
0x35: {  	s10 =	sld [smem:$0x3FAF];
	_ =	sdelay $0x3  }
0x36: {  	p1 =	seq.s32 s10, $0x1;
	s10 =	sld [smem:$0x3FB0];
	_ =	sdelay $0x3  }
0x37: {  	[smem:$0x3FB0] =	sst s10  }
0x38: {  	s10 =	sld [smem:$0x3FB1]  }
0x39: {  	_ = 	snop;
	(pc) =	sbr.ind lr, $3  }
0x3a: {  	_ = 	snop  }
0x3b: {  	_ = 	snop  }
0x3c: {  	p2 =	seq.s32 s10, $0x1;
	s10 =	sld [smem:$0x3FB0]  }
0x3d: {  	_ =	shalt  }
0x3e: {  	_ =	shalt  }
0x3f: {  	_ =	shalt  }
0x40: {  	_ =	shalt  }
0x41: {  	_ =	shalt  }
0x42: {  	_ =	shalt  }
0x43: {  	_ =	shalt  }
0x44: {  	_ =	shalt  }
0x45: {  	_ =	shalt  }
0x46: {  	_ =	shalt  }
0x47: {  	_ =	shalt  }
0x48: {  	_ =	shalt  }
0x49: {  	_ =	shalt  }
0x4a: {  	_ =	shalt  }
0x4b: {  	_ =	shalt  }
0x4c: {  	_ =	shalt  }
0x4d: {  	_ =	shalt  }
0x4e: {  	_ =	shalt  }
0x4f: {  	_ =	shalt  }
0x50: {  	_ =	shalt  }
0x51: {  	_ =	shalt  }
0x52: {  	_ =	shalt  }
0x53: {  	_ =	shalt  }
0x54: {  	_ =	shalt  }
0x55: {  	_ =	shalt  }
0x56: {  	_ =	shalt  }
0x57: {  	_ =	shalt  }
0x58: {  	_ =	shalt  }
0x59: {  	_ =	shalt  }
0x5a: {  	_ =	shalt  }
0x5b: {  	_ =	shalt  }
0x5c: {  	_ =	shalt  }
0x5d: {  	_ =	shalt  }
0x5e: {  	_ =	shalt  }
0x5f: {  	_ =	shalt  }
0x60: {  	_ =	shalt  }
0x61: {  	_ =	shalt  }
0x62: {  	_ =	shalt  }
0x63: {  	_ =	shalt  }
0x64: {  	_ =	shalt  }
0x65: {  	_ =	shalt  }
0x66: {  	_ =	shalt  }
0x67: {  	_ =	shalt  }
0x68: {  	_ =	shalt  }
0x69: {  	_ =	shalt  }
0x6a: {  	_ =	shalt  }
0x6b: {  	_ =	shalt  }
0x6c: {  	_ =	shalt  }
0x6d: {  	_ =	shalt  }
0x6e: {  	_ =	shalt  }
0x6f: {  	_ =	shalt  }
0x70: {  	_ =	shalt  }
0x71: {  	_ =	shalt  }
0x72: {  	_ =	shalt  }
0x73: {  	_ =	shalt  }
0x74: {  	_ =	shalt  }
0x75: {  	_ =	shalt  }
0x76: {  	_ =	shalt  }
0x77: {  	_ =	shalt  }
0x78: {  	_ =	shalt  }
0x79: {  	_ =	shalt  }
0x7a: {  	_ =	shalt  }
0x7b: {  	_ =	shalt  }
0x7c: {  	_ =	shalt  }
0x7d: {  	_ =	shalt  }
0x7e: {  	_ =	shalt  }
0x7f: {  	_ =	shalt  }
0x80: {  	_ =	shalt  }
0x81: {  	_ =	shalt  }
0x82: {  	_ =	shalt  }
0x83: {  	_ =	shalt  }
0x84: {  	_ =	shalt  }
0x85: {  	_ =	shalt  }
0x86: {  	_ =	shalt  }
0x87: {  	_ =	shalt  }
.Lfunc_end0:
.L_simem_size_0:
called_computation.3_lowered:
.L_overlay_start_0:
0x88: {  	s2 =	sld [smem:$0x3FD9]  }
0x89: {  	s3 =	sld [smem:$0x3FFE];
	_ =	sdelay $0x1  }
0x8a: {  	s1 =	srdreg.scid  }
0x8b: {  	s0 =	sand.u32 $0x1, s1  }
0x8c: {  	s17 =	sshll.u32 s0, $0xA;
	s2 =	sadd.s32 s3, s2  }
0x8d: {  	s2 =	sadd.s32 s2, s17  }
0x8e: {  	[smem:$0x3FBC] =	sst s2  }
0x8f: {  	_ = 	snop  }
0x90: {  	s2 =	sld [smem:$0x3FC8];
	(tm) =	ssettm $0x1  }
0x91: {  	s18 =	sld [smem:$0x3FFB];
	_ =	sdelay $0x3  }
0x92: {  	_ =	strace s18  }
0x93: {  	s3 =	sld [smem:$0x3FFC];
	_ =	sdelay $0x3  }
0x94: {  	_ =	strace s3  }
0x95: {  	s3 =	sld [smem:$0x3FFD];
	_ =	sdelay $0x3  }
0x96: {  	_ =	strace s3  }
0x97: {  	_ =	strace $0x8FFFFFFF  }
0x98: {  	s19 =	sld [smem:$0x3FDB];
	_ =	sdelay $0x1  }
0x99: {  	s4 =	simm.s32 $_scs_section_size  }
0x9a: {  	s5 =	simm.s32 $_size__tile_overlayer_lowered;
	s6 =	simm.s32 $_tile_overlayer_lowered  }
0x9b: {  	s22 =	simm.s32 $0x1BFF;
	s21 =	sshll.u32 s6, $0x1;
	s3 =	sadd.s32 s4, s19  }
0x9c: {  	s7 =	simm.s32 $0x0;
	s20 =	sshll.u32 s5, $0x1;
	s5 =	sadd.s32 s21, s3  }
0x9d: {  	[timem:s7], [sflag:s22] =	dma.local [hbm:s5], s20  }
0x9e: {  	_ =	swait.ge [sflag:s22], s20  }
0x9f: {  	s4 =	ssub.s32 $0x0, s20;
	[sflag:s22] =	ssyncset.done $0x0  }
0xa0: {  	[sflag:s22] =	ssyncadd.s32 s4;
	_ =	sdelay $0x1  }
0xa1: {  	s23 =	simm.s32 $0x1B8B  }
0xa2: {  	_ =	swait.ge [sflag:s23], $0x1  }
0xa3: {  	[sflag:s23] =	ssyncset.done $0x0  }
0xa4: {  	s25 =	simm.s32 $0x1B8E;
	s24 =	sld [smem:$0x3FFE];
	[sflag:s23] =	ssyncadd.s32 $0xFFFFFFFF  }
0xa5: {  	s26 =	simm.s32 $execute0_lowered;
	[smem:$0x3FD2] =	sst s25  }
0xa6: {  	s5 =	sshll.u32 s26, $0x1;
	_ =	strace $0x8000004F;
	[dreg:$0x1] =	wrdreg $0xFFFFFFFF  }
0xa7: {  	s28 =	simm.s32 $_size_execute0_lowered;
	s3 =	sadd.s32 s3, s5;
	[dreg:$0x0] =	wrdreg $0x0  }
0xa8: {  	s5 =	sshll.u32 s28, $0x1;
	[dreg:$0x2] =	wrdreg s3  }
0xa9: {  	[dreg:$0x3] =	wrdreg s5  }
0xaa: {  	[dreg:$0x4] =	wrdreg $0xC0  }
0xab: {  	_ =	task [dreg:s7], $0x5FFFF  }
0xac: {  	[dreg:$0x1] =	wrdreg $0xFFFFFFFF  }
0xad: {  	[dreg:$0x0] =	wrdreg $0x60  }
0xae: {  	[dreg:$0x2] =	wrdreg s24  }
0xaf: {  	[dreg:$0x3] =	wrdreg s2  }
0xb0: {  	[dreg:$0x4] =	wrdreg $0xA8000  }
0xb1: {  	[dreg:$0x5] =	wrdreg $0x9  }
0xb2: {  	_ =	task.clear_ibuf [dreg:s7], $0x6FFFF;
	_ =	strace $0x9000004F  }
0xb3: {  	s29 =	simm.s32 $0x9;
	_ =	strace $0x80000051  }
0xb4: {  	_ =	swait.ge [sflag:s29], $0x1  }
0xb5: {  	[sflag:s29] =	ssyncadd.s32 $0xFFFFFFFF  }
0xb6: {  	_ =	strace $0x90000051  }
0xb7: {  	_ =	sfence  }
0xb8: {  	s30 =	sld [smem:$0x0];
	_ =	sdelay $0x2  }
0xb9: {  	s31 =	sshll.u32 s1, $0xD;
	s1 =	sshrl.u32 s1, $0x2  }
0xba: {  	s3 =	sand.u32 $0x4000, s31;
	s1 =	sadd.s32 s1, s30  }
0xbb: {  	s0 =	sor.u32 s3, s0;
	s1 =	sshll.u32 s1, $0x11  }
0xbc: {  	s0 =	sor.u32 s1, s0  }
0xbd: {  	s0 =	sadd.s32 $0x8F2B, s0  }
0xbe: {  	[sflag:s0] =	ssyncadd.remote.s32 $0x1  }
0xbf: {  	_ =	sfence.sel $0xFFFF  }
0xc0: {  	[dreg:$0x0] =	wrdreg $0xFFFFFFFF;
	(pc) =	sbr.abs _section_cstart, $3  }
0xc1: {  	[dreg:$0x1] =	wrdreg $0xFFFFFFFF  }
0xc2: {  	_ =	task.clear_ibuf [dreg:s7], $0x2FFFF;
	_ =	strace $0x9FFFFFFF  }
0xc3: {  	(tm) =	ssettm $0x7FFFFFFF  }
tec
execute0_lowered:
.L_overlay_start_1:
0x0: {  	(tag) =	ssettag $0x1  }
0x1: {  	s0 =	rddreg [dreg:$0x0]  }
0x2: {  	s3 =	rddreg [dreg:$0x1]  }
0x3: {  	s1 =	rddreg [dreg:$0x2]  }
0x4: {  	s4 =	srdreg.scid;
	s9 =	stileid.u32  }
0x5: {  	s2 =	simm.s32 $0x0;
	s5 =	sand.u32 $0x1, s4;
	s8 =	smul.u32 $0x50000, s9  }
0x6: {  	[smem:$0x7FF] =	sst s2;
	s6 =	smul.u32 $0x28000, s5;
	s7 =	ssub.s32 $0x2, s5  }
0x7: {  	s4 =	sadd.s32 $0x3200, s0;
	s25 =	sshrl.u32 s7, $0x1;
	s8 =	sshrl.u32 s8, $0x2  }
0x8: {  	s0 =	sadd.s32 s6, s0;
	s6 =	ssub.s32 s7, s25;
	s10 =	sadd.s32 s8, s1  }
0x9: {  	_ =	strace $0x80000050;
	s6 =	smax.u32 s6, $0x1;
	[dreg:$0x4] =	wrdreg s10  }
0xa: {  	s28 =	simm.s32 $0x1400;
	s11 =	sadd.s32 $0x1400, s10;
	[dreg:$0x5] =	wrdreg s6  }
0xb: {  	s30 =	simm.s32 $0x5400;
	s12 =	sadd.s32 $0x2800, s10;
	[dreg:$0x6] =	wrdreg s11  }
0xc: {  	s31 =	simm.s32 $0x1;
	s13 =	sadd.s32 $0x3C00, s10;
	[dreg:$0x7] =	wrdreg s12  }
0xd: {  	s29 =	simm.s32 $0xC80;
	s14 =	sadd.s32 $0x5000, s10;
	[dreg:$0x8] =	wrdreg s13  }
0xe: {  	s2 =	smul.u32 $0x2800, s9;
	s15 =	sadd.s32 $0x6400, s10;
	[dreg:$0x9] =	wrdreg s14  }
0xf: {  	s22 =	smul.u32 $0xA00, s9;
	s16 =	sadd.s32 $0x7800, s10;
	[dreg:$0xa] =	wrdreg s15  }
0x10: {  	s26 =	sshll.u32 s5, $0x4;
	s17 =	sadd.s32 $0x8C00, s10;
	[dreg:$0xb] =	wrdreg s16  }
0x11: {  	s5 =	smul.u32 $0xA000, s5;
	s18 =	sadd.s32 $0xA000, s10;
	[dreg:$0xc] =	wrdreg s17  }
0x12: {  	s7 =	sor.u32 s9, s26;
	s19 =	sadd.s32 $0xB400, s10;
	[dreg:$0xd] =	wrdreg s18  }
0x13: {  	s3 =	sadd.s32 s5, s3;
	s20 =	sadd.s32 $0xC800, s10;
	[dreg:$0xe] =	wrdreg s19  }
0x14: {  	s5 =	simm.s32 $0xB80;
	s21 =	sadd.s32 $0xDC00, s10;
	[dreg:$0xf] =	wrdreg s20  }
0x15: {  	s8 =	simm.s32 $0xE80;
	s23 =	sadd.s32 $0xF000, s10;
	[dreg:$0x10] =	wrdreg s21  }
0x16: {  	s9 =	simm.s32 $0x1000;
	s24 =	sadd.s32 $0x10400, s10;
	[dreg:$0x11] =	wrdreg s23  }
0x17: {  	s0 =	sadd.s32 $0x2B200, s0;
	s25 =	sadd.s32 $0x11800, s10;
	[dreg:$0x12] =	wrdreg s24  }
0x18: {  	s3 =	sadd.s32 s22, s3;
	s26 =	sadd.s32 $0x12C00, s10;
	[dreg:$0x13] =	wrdreg s25  }
0x19: {  	p0 =	seq.s32 s7, $0x1F;
	s7 =	simm.s32 $0xF00;
	[dreg:$0x14] =	wrdreg s3  }
0x1a: {  	s10 =	simm.s32 $0xF80;
	[dreg:$0x15] =	wrdreg s26;
	s0 =	sadd.s32 s2, s0  }
0x1b: {  	s25 =	simm.s32 $0x3;
	s26 =	simm.s32 $0x80;
	s3 =	simm.s32 $0x2  }
0x1c: {  	s19 =	simm.s32 $0xB00;
	s2 =	simm.s32 $0xA80;
	s21 =	simm.s32 $0x0  }
0x1d: {  	s24 =	simm.s32 $0xC00;
	s23 =	simm.s32 $0xD00;
	s6 =	simm.s32 $0xD80  }
0x1e: {  	s11 =	simm.s32 $0x1100;
	s12 =	simm.s32 $0x1080;
	s13 =	simm.s32 $0x1200  }
0x1f: {  	s14 =	simm.s32 $0x1180;
	s15 =	simm.s32 $0x1300;
	s16 =	simm.s32 $0x1280  }
0x20: {  	v0 =	vimm.f32 $0.0e+00;
	s17 =	simm.s32 $0x1380;
	[dreg:$0x16] =	wrdreg s0;
	s0 =	simm.s32 $0x0  }
.LBB2_1:
0x21: {  	[dreg:$0x17] =	wrdreg s0;
	s20 =	simm.s32 $0x0;
	s22 =	simm.s32 $0x200  }
.LBB2_2:
0x22: {  	p1 =	sne.s32 s22, $0x4E00;
	[tilespmem:s20+$0x9470] =	vst v0  }
0x23: {  	[tilespmem:s20+$0x9400] =	vst v0  }
0x24: {  	[tilespmem:s20+$0x9410] =	vst v0  }
.Ltmp0:
0x25: {  	[tilespmem:s20+$0x9420] =	vst v0;
	(pc) =	sbr.rel @p1 .LBB2_2-.Ltmp0, $4  }
0x26: {  	[tilespmem:s20+$0x9430] =	vst v0  }
0x27: {  	[tilespmem:s20+$0x9440] =	vst v0  }
0x28: {  	[tilespmem:s20+$0x9450] =	vst v0  }
0x29: {  	[tilespmem:s20+$0x9460] =	vst v0;
	s20 =	sshra.s32 s22, $0x2;
	s22 =	sadd.s32 $0x200, s22  }
0x2a: {  	[tilespmem:s20+$0x9470] =	vst v0  }
0x2b: {  	[tilespmem:s20+$0x9400] =	vst v0  }
0x2c: {  	[tilespmem:s20+$0x9410] =	vst v0  }
0x2d: {  	[tilespmem:s20+$0x9420] =	vst v0  }
0x2e: {  	[tilespmem:s20+$0x9430] =	vst v0  }
0x2f: {  	[tilespmem:s20+$0x9440] =	vst v0  }
0x30: {  	[tilespmem:s20+$0x9450] =	vst v0  }
0x31: {  	[tilespmem:s20+$0x9460] =	vst v0;
	s0 =	rddreg [dreg:$0x4];
	s22 =	simm.s32 $0x9400  }
0x32: {  	[spmem:s0] =	stream.linear.scatter [tilespmem:s22], [sflag:$0x3], $0x1400, $0x38;
	[tilespmem:$0x1E800] =	vst v63  }
0x33: {  	_ =	swait.ge [sflag:s25], $0x1400  }
0x34: {  	[sflag:s25] =	ssyncset.done $0x0  }
0x35: {  	s18 =	rddreg [dreg:$0x6];
	[sflag:s25] =	ssyncadd.s32 $0xFFFFEC00  }
0x36: {  	[spmem:s18] =	stream.linear.scatter [tilespmem:s22], [sflag:$0x3], $0x1400, $0x38;
	[tilespmem:$0x1E800] =	vst v63  }
0x37: {  	_ =	swait.ge [sflag:s25], $0x1400  }
0x38: {  	[sflag:s25] =	ssyncset.done $0x0  }
0x39: {  	s0 =	rddreg [dreg:$0x7];
	[sflag:s25] =	ssyncadd.s32 $0xFFFFEC00  }
0x3a: {  	[spmem:s0] =	stream.linear.scatter [tilespmem:s22], [sflag:$0x3], $0x1400, $0x38;
	[tilespmem:$0x1E800] =	vst v63  }
0x3b: {  	_ =	swait.ge [sflag:s25], $0x1400  }
0x3c: {  	[sflag:s25] =	ssyncset.done $0x0  }
0x3d: {  	s18 =	rddreg [dreg:$0x8];
	[sflag:s25] =	ssyncadd.s32 $0xFFFFEC00  }
0x3e: {  	[spmem:s18] =	stream.linear.scatter [tilespmem:s22], [sflag:$0x3], $0x1400, $0x38;
	[tilespmem:$0x1E800] =	vst v63  }
0x3f: {  	_ =	swait.ge [sflag:s25], $0x1400  }
0x40: {  	[sflag:s25] =	ssyncset.done $0x0  }
0x41: {  	s0 =	rddreg [dreg:$0x9];
	[sflag:s25] =	ssyncadd.s32 $0xFFFFEC00  }
0x42: {  	[spmem:s0] =	stream.linear.scatter [tilespmem:s22], [sflag:$0x3], $0x1400, $0x38;
	[tilespmem:$0x1E800] =	vst v63  }
0x43: {  	_ =	swait.ge [sflag:s25], $0x1400  }
0x44: {  	[sflag:s25] =	ssyncset.done $0x0  }
0x45: {  	s18 =	rddreg [dreg:$0xa];
	[sflag:s25] =	ssyncadd.s32 $0xFFFFEC00  }
0x46: {  	[spmem:s18] =	stream.linear.scatter [tilespmem:s22], [sflag:$0x3], $0x1400, $0x38;
	[tilespmem:$0x1E800] =	vst v63  }
0x47: {  	_ =	swait.ge [sflag:s25], $0x1400  }
0x48: {  	[sflag:s25] =	ssyncset.done $0x0  }
0x49: {  	s0 =	rddreg [dreg:$0xb];
	[sflag:s25] =	ssyncadd.s32 $0xFFFFEC00  }
0x4a: {  	[spmem:s0] =	stream.linear.scatter [tilespmem:s22], [sflag:$0x3], $0x1400, $0x38;
	[tilespmem:$0x1E800] =	vst v63  }
0x4b: {  	_ =	swait.ge [sflag:s25], $0x1400  }
0x4c: {  	[sflag:s25] =	ssyncset.done $0x0  }
0x4d: {  	s18 =	rddreg [dreg:$0xc];
	[sflag:s25] =	ssyncadd.s32 $0xFFFFEC00  }
0x4e: {  	[spmem:s18] =	stream.linear.scatter [tilespmem:s22], [sflag:$0x3], $0x1400, $0x38;
	[tilespmem:$0x1E800] =	vst v63  }
0x4f: {  	_ =	swait.ge [sflag:s25], $0x1400  }
0x50: {  	[sflag:s25] =	ssyncset.done $0x0  }
0x51: {  	s0 =	rddreg [dreg:$0xd];
	[sflag:s25] =	ssyncadd.s32 $0xFFFFEC00  }
0x52: {  	[spmem:s0] =	stream.linear.scatter [tilespmem:s22], [sflag:$0x3], $0x1400, $0x38;
	[tilespmem:$0x1E800] =	vst v63  }
0x53: {  	_ =	swait.ge [sflag:s25], $0x1400  }
0x54: {  	[sflag:s25] =	ssyncset.done $0x0  }
0x55: {  	s18 =	rddreg [dreg:$0xe];
	[sflag:s25] =	ssyncadd.s32 $0xFFFFEC00  }
0x56: {  	[spmem:s18] =	stream.linear.scatter [tilespmem:s22], [sflag:$0x3], $0x1400, $0x38;
	[tilespmem:$0x1E800] =	vst v63  }
0x57: {  	_ =	swait.ge [sflag:s25], $0x1400  }
0x58: {  	[sflag:s25] =	ssyncset.done $0x0  }
0x59: {  	s0 =	rddreg [dreg:$0xf];
	[sflag:s25] =	ssyncadd.s32 $0xFFFFEC00  }
0x5a: {  	[spmem:s0] =	stream.linear.scatter [tilespmem:s22], [sflag:$0x3], $0x1400, $0x38;
	[tilespmem:$0x1E800] =	vst v63  }
0x5b: {  	_ =	swait.ge [sflag:s25], $0x1400  }
0x5c: {  	[sflag:s25] =	ssyncset.done $0x0  }
0x5d: {  	s18 =	rddreg [dreg:$0x10];
	[sflag:s25] =	ssyncadd.s32 $0xFFFFEC00  }
0x5e: {  	[spmem:s18] =	stream.linear.scatter [tilespmem:s22], [sflag:$0x3], $0x1400, $0x38;
	[tilespmem:$0x1E800] =	vst v63  }
0x5f: {  	_ =	swait.ge [sflag:s25], $0x1400  }
0x60: {  	[sflag:s25] =	ssyncset.done $0x0  }
0x61: {  	s0 =	rddreg [dreg:$0x11];
	[sflag:s25] =	ssyncadd.s32 $0xFFFFEC00  }
0x62: {  	[spmem:s0] =	stream.linear.scatter [tilespmem:s22], [sflag:$0x3], $0x1400, $0x38;
	[tilespmem:$0x1E800] =	vst v63  }
0x63: {  	_ =	swait.ge [sflag:s25], $0x1400  }
0x64: {  	[sflag:s25] =	ssyncset.done $0x0  }
0x65: {  	s18 =	rddreg [dreg:$0x12];
	[sflag:s25] =	ssyncadd.s32 $0xFFFFEC00  }
0x66: {  	[spmem:s18] =	stream.linear.scatter [tilespmem:s22], [sflag:$0x3], $0x1400, $0x38;
	[tilespmem:$0x1E800] =	vst v63  }
0x67: {  	_ =	swait.ge [sflag:s25], $0x1400  }
0x68: {  	[sflag:s25] =	ssyncset.done $0x0  }
0x69: {  	s0 =	rddreg [dreg:$0x13];
	[sflag:s25] =	ssyncadd.s32 $0xFFFFEC00  }
0x6a: {  	[spmem:s0] =	stream.linear.scatter [tilespmem:s22], [sflag:$0x3], $0x1400, $0x38;
	[tilespmem:$0x1E800] =	vst v63  }
0x6b: {  	_ =	swait.ge [sflag:s25], $0x1400  }
0x6c: {  	[sflag:s25] =	ssyncset.done $0x0  }
0x6d: {  	s18 =	rddreg [dreg:$0x15];
	[sflag:s25] =	ssyncadd.s32 $0xFFFFEC00  }
0x6e: {  	[spmem:s18] =	stream.linear.scatter [tilespmem:s22], [sflag:$0x3], $0x1400, $0x38;
	[tilespmem:$0x1E800] =	vst v63  }
0x6f: {  	_ =	swait.ge [sflag:s25], $0x1400  }
0x70: {  	[sflag:s25] =	ssyncset.done $0x0  }
0x71: {  	[sflag:s25] =	ssyncadd.s32 $0xFFFFEC00  }
0x72: {  	[bflag:$0x0] =	sbarrier.arrive $0xFFFF  }
0x73: {  	s0 =	simm.s32 $0xE00;
	s22 =	simm.s32 $0x0;
	s20 =	rddreg [dreg:$0x14]  }
.LBB2_4:
0x74: {  	[tilespmem:s21], [sflag:$0x3] =	stream.linear.gather [hbm4b:s20+s21], $0x1400, $0x38;
	[tilespmem:$0x1E800] =	vst v63  }
0x75: {  	_ =	swait.ge [sflag:s25], $0x1400  }
0x76: {  	[sflag:s25] =	ssyncset.done $0x0  }
0x77: {  	[sflag:s25] =	ssyncadd.s32 $0xFFFFEC00  }
0x78: {  	[tilespmem:s28], [sflag:$0x1] =	stream.indirect.gather [hbm4b:s4+s26], $0x80, s21, s26, $0xb8;
	[tilespmem:$0x1E800] =	vst v63  }
0x79: {  	s18 =	simm.s32 $0x100  }
0x7a: {  	[tilespmem:s30], [sflag:$0x2] =	stream.indirect.gather [hbm4b:s4+s26], $0x80, s18, s26, $0xb8;
	[tilespmem:$0x1E800] =	vst v63  }
0x7b: {  	_ =	swait.ge [sflag:s31], $0x4000  }
0x7c: {  	[sflag:s31] =	ssyncset.done $0x0  }
0x7d: {  	[sflag:s31] =	ssyncadd.s32 $0xFFFFC000  }
0x7e: {  	[spmem:s1] =	stream.indirect.scatter.add.f32 [tilespmem:s28], [sflag:$0x3], $0x80, s26, s26, $0xb8;
	[tilespmem:$0x1E800] =	vst v63  }
0x7f: {  	_ =	swait.ge [sflag:s25], $0x4000  }
0x80: {  	[sflag:s25] =	ssyncset.done $0x0  }
0x81: {  	s18 =	simm.s32 $0x200;
	[sflag:s25] =	ssyncadd.s32 $0xFFFFC000  }
0x82: {  	[tilespmem:s28], [sflag:$0x1] =	stream.indirect.gather [hbm4b:s4+s26], $0x80, s18, s26, $0xb8;
	[tilespmem:$0x1E800] =	vst v63  }
0x83: {  	_ =	swait.ge [sflag:s3], $0x4000  }
0x84: {  	[sflag:s3] =	ssyncset.done $0x0  }
0x85: {  	s18 =	simm.s32 $0x180;
	[sflag:s3] =	ssyncadd.s32 $0xFFFFC000  }
0x86: {  	[spmem:s1] =	stream.indirect.scatter.add.f32 [tilespmem:s30], [sflag:$0x3], $0x80, s18, s26, $0xb8;
	[tilespmem:$0x1E800] =	vst v63  }
0x87: {  	_ =	swait.ge [sflag:s25], $0x4000  }
0x88: {  	[sflag:s25] =	ssyncset.done $0x0  }
0x89: {  	s18 =	simm.s32 $0x300;
	[sflag:s25] =	ssyncadd.s32 $0xFFFFC000  }
0x8a: {  	[tilespmem:s30], [sflag:$0x2] =	stream.indirect.gather [hbm4b:s4+s26], $0x80, s18, s26, $0xb8;
	[tilespmem:$0x1E800] =	vst v63  }
0x8b: {  	_ =	swait.ge [sflag:s31], $0x4000  }
0x8c: {  	[sflag:s31] =	ssyncset.done $0x0  }
0x8d: {  	s18 =	simm.s32 $0x280;
	[sflag:s31] =	ssyncadd.s32 $0xFFFFC000  }
0x8e: {  	[spmem:s1] =	stream.indirect.scatter.add.f32 [tilespmem:s28], [sflag:$0x3], $0x80, s18, s26, $0xb8;
	[tilespmem:$0x1E800] =	vst v63  }
0x8f: {  	_ =	swait.ge [sflag:s25], $0x4000  }
0x90: {  	[sflag:s25] =	ssyncset.done $0x0  }
0x91: {  	s18 =	simm.s32 $0x400;
	[sflag:s25] =	ssyncadd.s32 $0xFFFFC000  }
0x92: {  	[tilespmem:s28], [sflag:$0x1] =	stream.indirect.gather [hbm4b:s4+s26], $0x80, s18, s26, $0xb8;
	[tilespmem:$0x1E800] =	vst v63  }
0x93: {  	_ =	swait.ge [sflag:s3], $0x4000  }
0x94: {  	[sflag:s3] =	ssyncset.done $0x0  }
0x95: {  	s18 =	simm.s32 $0x380;
	[sflag:s3] =	ssyncadd.s32 $0xFFFFC000  }
0x96: {  	[spmem:s1] =	stream.indirect.scatter.add.f32 [tilespmem:s30], [sflag:$0x3], $0x80, s18, s26, $0xb8;
	[tilespmem:$0x1E800] =	vst v63  }
0x97: {  	_ =	swait.ge [sflag:s25], $0x4000  }
0x98: {  	[sflag:s25] =	ssyncset.done $0x0  }
0x99: {  	s18 =	simm.s32 $0x500;
	[sflag:s25] =	ssyncadd.s32 $0xFFFFC000  }
0x9a: {  	[tilespmem:s30], [sflag:$0x2] =	stream.indirect.gather [hbm4b:s4+s26], $0x80, s18, s26, $0xb8;
	[tilespmem:$0x1E800] =	vst v63  }
0x9b: {  	_ =	swait.ge [sflag:s31], $0x4000  }
0x9c: {  	[sflag:s31] =	ssyncset.done $0x0  }
0x9d: {  	s18 =	simm.s32 $0x480;
	[sflag:s31] =	ssyncadd.s32 $0xFFFFC000  }
0x9e: {  	[spmem:s1] =	stream.indirect.scatter.add.f32 [tilespmem:s28], [sflag:$0x3], $0x80, s18, s26, $0xb8;
	[tilespmem:$0x1E800] =	vst v63  }
0x9f: {  	_ =	swait.ge [sflag:s25], $0x4000  }
0xa0: {  	[sflag:s25] =	ssyncset.done $0x0  }
0xa1: {  	s18 =	simm.s32 $0x600;
	[sflag:s25] =	ssyncadd.s32 $0xFFFFC000  }
0xa2: {  	[tilespmem:s28], [sflag:$0x1] =	stream.indirect.gather [hbm4b:s4+s26], $0x80, s18, s26, $0xb8;
	[tilespmem:$0x1E800] =	vst v63  }
0xa3: {  	_ =	swait.ge [sflag:s3], $0x4000  }
0xa4: {  	[sflag:s3] =	ssyncset.done $0x0  }
0xa5: {  	s18 =	simm.s32 $0x580;
	[sflag:s3] =	ssyncadd.s32 $0xFFFFC000  }
0xa6: {  	[spmem:s1] =	stream.indirect.scatter.add.f32 [tilespmem:s30], [sflag:$0x3], $0x80, s18, s26, $0xb8;
	[tilespmem:$0x1E800] =	vst v63  }
0xa7: {  	_ =	swait.ge [sflag:s25], $0x4000  }
0xa8: {  	[sflag:s25] =	ssyncset.done $0x0  }
0xa9: {  	s18 =	simm.s32 $0x700;
	[sflag:s25] =	ssyncadd.s32 $0xFFFFC000  }
0xaa: {  	[tilespmem:s30], [sflag:$0x2] =	stream.indirect.gather [hbm4b:s4+s26], $0x80, s18, s26, $0xb8;
	[tilespmem:$0x1E800] =	vst v63  }
0xab: {  	_ =	swait.ge [sflag:s31], $0x4000  }
0xac: {  	[sflag:s31] =	ssyncset.done $0x0  }
0xad: {  	s18 =	simm.s32 $0x680;
	[sflag:s31] =	ssyncadd.s32 $0xFFFFC000  }
0xae: {  	[spmem:s1] =	stream.indirect.scatter.add.f32 [tilespmem:s28], [sflag:$0x3], $0x80, s18, s26, $0xb8;
	[tilespmem:$0x1E800] =	vst v63  }
0xaf: {  	_ =	swait.ge [sflag:s25], $0x4000  }
0xb0: {  	[sflag:s25] =	ssyncset.done $0x0  }
0xb1: {  	s18 =	simm.s32 $0x800;
	[sflag:s25] =	ssyncadd.s32 $0xFFFFC000  }
0xb2: {  	[tilespmem:s28], [sflag:$0x1] =	stream.indirect.gather [hbm4b:s4+s26], $0x80, s18, s26, $0xb8;
	[tilespmem:$0x1E800] =	vst v63  }
0xb3: {  	_ =	swait.ge [sflag:s3], $0x4000  }
0xb4: {  	[sflag:s3] =	ssyncset.done $0x0  }
0xb5: {  	s18 =	simm.s32 $0x780;
	[sflag:s3] =	ssyncadd.s32 $0xFFFFC000  }
0xb6: {  	[spmem:s1] =	stream.indirect.scatter.add.f32 [tilespmem:s30], [sflag:$0x3], $0x80, s18, s26, $0xb8;
	[tilespmem:$0x1E800] =	vst v63  }
0xb7: {  	_ =	swait.ge [sflag:s25], $0x4000  }
0xb8: {  	[sflag:s25] =	ssyncset.done $0x0  }
0xb9: {  	s18 =	simm.s32 $0x900;
	[sflag:s25] =	ssyncadd.s32 $0xFFFFC000  }
0xba: {  	[tilespmem:s30], [sflag:$0x2] =	stream.indirect.gather [hbm4b:s4+s26], $0x80, s18, s26, $0xb8;
	[tilespmem:$0x1E800] =	vst v63  }
0xbb: {  	_ =	swait.ge [sflag:s31], $0x4000  }
0xbc: {  	[sflag:s31] =	ssyncset.done $0x0  }
0xbd: {  	s18 =	simm.s32 $0x880;
	[sflag:s31] =	ssyncadd.s32 $0xFFFFC000  }
0xbe: {  	[spmem:s1] =	stream.indirect.scatter.add.f32 [tilespmem:s28], [sflag:$0x3], $0x80, s18, s26, $0xb8;
	[tilespmem:$0x1E800] =	vst v63  }
0xbf: {  	_ =	swait.ge [sflag:s25], $0x4000  }
0xc0: {  	[sflag:s25] =	ssyncset.done $0x0  }
0xc1: {  	s18 =	simm.s32 $0xA00;
	[sflag:s25] =	ssyncadd.s32 $0xFFFFC000  }
0xc2: {  	[tilespmem:s28], [sflag:$0x1] =	stream.indirect.gather [hbm4b:s4+s26], $0x80, s18, s26, $0xb8;
	[tilespmem:$0x1E800] =	vst v63  }
0xc3: {  	_ =	swait.ge [sflag:s3], $0x4000  }
0xc4: {  	[sflag:s3] =	ssyncset.done $0x0  }
0xc5: {  	s18 =	simm.s32 $0x980;
	[sflag:s3] =	ssyncadd.s32 $0xFFFFC000  }
0xc6: {  	[spmem:s1] =	stream.indirect.scatter.add.f32 [tilespmem:s30], [sflag:$0x3], $0x80, s18, s26, $0xb8;
	[tilespmem:$0x1E800] =	vst v63  }
0xc7: {  	_ =	swait.ge [sflag:s25], $0x4000  }
0xc8: {  	[sflag:s25] =	ssyncset.done $0x0  }
0xc9: {  	[sflag:s25] =	ssyncadd.s32 $0xFFFFC000  }
0xca: {  	[tilespmem:s30], [sflag:$0x2] =	stream.indirect.gather [hbm4b:s4+s26], $0x80, s19, s26, $0xb8;
	[tilespmem:$0x1E800] =	vst v63  }
0xcb: {  	_ =	swait.ge [sflag:s31], $0x4000  }
0xcc: {  	[sflag:s31] =	ssyncset.done $0x0  }
0xcd: {  	[sflag:s31] =	ssyncadd.s32 $0xFFFFC000  }
0xce: {  	[spmem:s1] =	stream.indirect.scatter.add.f32 [tilespmem:s28], [sflag:$0x3], $0x80, s2, s26, $0xb8;
	[tilespmem:$0x1E800] =	vst v63  }
0xcf: {  	_ =	swait.ge [sflag:s25], $0x4000  }
0xd0: {  	[sflag:s25] =	ssyncset.done $0x0  }
0xd1: {  	[sflag:s25] =	ssyncadd.s32 $0xFFFFC000  }
0xd2: {  	[tilespmem:s28], [sflag:$0x1] =	stream.indirect.gather [hbm4b:s4+s26], $0x80, s24, s26, $0xb8;
	[tilespmem:$0x1E800] =	vst v63  }
0xd3: {  	_ =	swait.ge [sflag:s3], $0x4000  }
0xd4: {  	[sflag:s3] =	ssyncset.done $0x0  }
0xd5: {  	[sflag:s3] =	ssyncadd.s32 $0xFFFFC000  }
0xd6: {  	[spmem:s1] =	stream.indirect.scatter.add.f32 [tilespmem:s30], [sflag:$0x3], $0x80, s5, s26, $0xb8;
	[tilespmem:$0x1E800] =	vst v63  }
0xd7: {  	_ =	swait.ge [sflag:s25], $0x4000  }
0xd8: {  	[sflag:s25] =	ssyncset.done $0x0  }
0xd9: {  	[sflag:s25] =	ssyncadd.s32 $0xFFFFC000  }
0xda: {  	[tilespmem:s30], [sflag:$0x2] =	stream.indirect.gather [hbm4b:s4+s26], $0x80, s23, s26, $0xb8;
	[tilespmem:$0x1E800] =	vst v63  }
0xdb: {  	_ =	swait.ge [sflag:s31], $0x4000  }
0xdc: {  	[sflag:s31] =	ssyncset.done $0x0  }
0xdd: {  	[sflag:s31] =	ssyncadd.s32 $0xFFFFC000  }
0xde: {  	[spmem:s1] =	stream.indirect.scatter.add.f32 [tilespmem:s28], [sflag:$0x3], $0x80, s29, s26, $0xb8;
	[tilespmem:$0x1E800] =	vst v63  }
0xdf: {  	_ =	swait.ge [sflag:s25], $0x4000  }
0xe0: {  	[sflag:s25] =	ssyncset.done $0x0  }
0xe1: {  	[sflag:s25] =	ssyncadd.s32 $0xFFFFC000  }
0xe2: {  	[tilespmem:s28], [sflag:$0x1] =	stream.indirect.gather [hbm4b:s4+s26], $0x80, s0, s26, $0xb8;
	[tilespmem:$0x1E800] =	vst v63  }
0xe3: {  	_ =	swait.ge [sflag:s3], $0x4000  }
0xe4: {  	[sflag:s3] =	ssyncset.done $0x0  }
0xe5: {  	[sflag:s3] =	ssyncadd.s32 $0xFFFFC000  }
0xe6: {  	[spmem:s1] =	stream.indirect.scatter.add.f32 [tilespmem:s30], [sflag:$0x3], $0x80, s6, s26, $0xb8;
	[tilespmem:$0x1E800] =	vst v63  }
0xe7: {  	_ =	swait.ge [sflag:s25], $0x4000  }
0xe8: {  	[sflag:s25] =	ssyncset.done $0x0  }
0xe9: {  	[sflag:s25] =	ssyncadd.s32 $0xFFFFC000  }
0xea: {  	[tilespmem:s30], [sflag:$0x2] =	stream.indirect.gather [hbm4b:s4+s26], $0x80, s7, s26, $0xb8;
	[tilespmem:$0x1E800] =	vst v63  }
0xeb: {  	_ =	swait.ge [sflag:s31], $0x4000  }
0xec: {  	[sflag:s31] =	ssyncset.done $0x0  }
0xed: {  	[sflag:s31] =	ssyncadd.s32 $0xFFFFC000  }
0xee: {  	[spmem:s1] =	stream.indirect.scatter.add.f32 [tilespmem:s28], [sflag:$0x3], $0x80, s8, s26, $0xb8;
	[tilespmem:$0x1E800] =	vst v63  }
0xef: {  	_ =	swait.ge [sflag:s25], $0x4000  }
0xf0: {  	[sflag:s25] =	ssyncset.done $0x0  }
0xf1: {  	[sflag:s25] =	ssyncadd.s32 $0xFFFFC000  }
0xf2: {  	[tilespmem:s28], [sflag:$0x1] =	stream.indirect.gather [hbm4b:s4+s26], $0x80, s9, s26, $0xb8;
	[tilespmem:$0x1E800] =	vst v63  }
0xf3: {  	_ =	swait.ge [sflag:s3], $0x4000  }
0xf4: {  	[sflag:s3] =	ssyncset.done $0x0  }
0xf5: {  	[sflag:s3] =	ssyncadd.s32 $0xFFFFC000  }
0xf6: {  	[spmem:s1] =	stream.indirect.scatter.add.f32 [tilespmem:s30], [sflag:$0x3], $0x80, s10, s26, $0xb8;
	[tilespmem:$0x1E800] =	vst v63  }
0xf7: {  	_ =	swait.ge [sflag:s25], $0x4000  }
0xf8: {  	[sflag:s25] =	ssyncset.done $0x0  }
0xf9: {  	[sflag:s25] =	ssyncadd.s32 $0xFFFFC000  }
0xfa: {  	[tilespmem:s30], [sflag:$0x2] =	stream.indirect.gather [hbm4b:s4+s26], $0x80, s11, s26, $0xb8;
	[tilespmem:$0x1E800] =	vst v63  }
0xfb: {  	_ =	swait.ge [sflag:s31], $0x4000  }
0xfc: {  	[sflag:s31] =	ssyncset.done $0x0  }
0xfd: {  	[sflag:s31] =	ssyncadd.s32 $0xFFFFC000  }
0xfe: {  	[spmem:s1] =	stream.indirect.scatter.add.f32 [tilespmem:s28], [sflag:$0x3], $0x80, s12, s26, $0xb8;
	[tilespmem:$0x1E800] =	vst v63  }
0xff: {  	_ =	swait.ge [sflag:s25], $0x4000  }
0x100: {  	[sflag:s25] =	ssyncset.done $0x0  }
0x101: {  	[sflag:s25] =	ssyncadd.s32 $0xFFFFC000  }
0x102: {  	[tilespmem:s28], [sflag:$0x1] =	stream.indirect.gather [hbm4b:s4+s26], $0x80, s13, s26, $0xb8;
	[tilespmem:$0x1E800] =	vst v63  }
0x103: {  	_ =	swait.ge [sflag:s3], $0x4000  }
0x104: {  	[sflag:s3] =	ssyncset.done $0x0  }
0x105: {  	[sflag:s3] =	ssyncadd.s32 $0xFFFFC000  }
0x106: {  	[spmem:s1] =	stream.indirect.scatter.add.f32 [tilespmem:s30], [sflag:$0x3], $0x80, s14, s26, $0xb8;
	[tilespmem:$0x1E800] =	vst v63  }
0x107: {  	_ =	swait.ge [sflag:s25], $0x4000  }
0x108: {  	[sflag:s25] =	ssyncset.done $0x0  }
0x109: {  	[sflag:s25] =	ssyncadd.s32 $0xFFFFC000  }
0x10a: {  	[tilespmem:s30], [sflag:$0x2] =	stream.indirect.gather [hbm4b:s4+s26], $0x80, s15, s26, $0xb8;
	[tilespmem:$0x1E800] =	vst v63  }
0x10b: {  	_ =	swait.ge [sflag:s31], $0x4000  }
0x10c: {  	[sflag:s31] =	ssyncset.done $0x0  }
0x10d: {  	[sflag:s31] =	ssyncadd.s32 $0xFFFFC000  }
0x10e: {  	[spmem:s1] =	stream.indirect.scatter.add.f32 [tilespmem:s28], [sflag:$0x3], $0x80, s16, s26, $0xb8;
	[tilespmem:$0x1E800] =	vst v63  }
0x10f: {  	_ =	swait.ge [sflag:s25], $0x4000  }
0x110: {  	[sflag:s25] =	ssyncset.done $0x0  }
0x111: {  	[sflag:s25] =	ssyncadd.s32 $0xFFFFC000  }
0x112: {  	p1 =	slt.u32 @!p0 s22, $0x3;
	_ =	swait.ge [sflag:s3], $0x4000  }
0x113: {  	p1 =	por p0, !p1;
	[sflag:s3] =	ssyncset.done $0x0  }
.Ltmp1:
0x114: {  	[sflag:s3] =	ssyncadd.s32 $0xFFFFC000;
	(pc) =	sbr.rel @!p1 .LBB2_4-.Ltmp1, $4  }
0x115: {  	[spmem:s1] =	stream.indirect.scatter.add.f32 [tilespmem:s30], [sflag:$0x3], $0x80, s17, s26, $0xb8;
	[tilespmem:$0x1E800] =	vst v63  }
0x116: {  	_ =	swait.ge [sflag:s25], $0x4000  }
0x117: {  	[sflag:s25] =	ssyncset.done $0x0  }
0x118: {  	s22 =	sadd.s32 $0x1, s22;
	s20 =	sadd.s32 $0x280, s20;
	[sflag:s25] =	ssyncadd.s32 $0xFFFFC000  }
0x119: {  	s20 =	stileid.u32;
	[bflag:$0x0] =	sbarrier.arrive $0xFFFF  }
0x11a: {  	s20 =	sshll.u32 s20, $0x6;
	s22 =	rddreg [dreg:$0x4]  }
0x11b: {  	s18 =	rddreg [dreg:$0x16];
	s0 =	sor.u32 $0x1C03, s20;
	s22 =	sshrl.u32 s22, $0x3  }
0x11c: {  	[hbm:s18], [sflag:s0] =	dma.local [spmem:s22], $0x2800  }
0x11d: {  	_ =	swait.ge [sflag:s25], $0x2800  }
0x11e: {  	s20 =	rddreg [dreg:$0x17]  }
0x11f: {  	s22 =	rddreg [dreg:$0x5];
	s0 =	sadd.s32 $0x1, s20  }
0x120: {  	p1 =	sne.s32 s0, s22  }
.Ltmp2:
0x121: {  	_ = 	snop;
	(pc) =	sbr.rel @p1 .LBB2_1-.Ltmp2, $3  }
0x122: {  	_ =	sdelay $0x1  }
0x123: {  	[sflag:s25] =	ssyncset.done $0x0  }
0x124: {  	[sflag:s25] =	ssyncadd.s32 $0xFFFFD800  }
0x125: {  	_ =	sfence.sel $0x180000  }
0x126: {  	[bflag:$0x0] =	sbarrier.arrive $0xFFFF  }
0x127: {  	_ =	strace $0x90000050  }
0x128: {  	s0 =	stileid.u32;
	[bflag:$0x2] =	sbarrier.arrive $0xFFFF  }
0x129: {  	p0 =	sne.s32 s0, $0x0;
	s0 =	rddreg [dreg:$0x3]  }
0x12a: {  	s0 =	sadd.s32 @!p0 $0x100000, s0  }
0x12b: {  	[sflag:s0] =	ssyncadd.tile.s32 @!p0 $0x1;
	_ =	shalt  }
.Lfunc_end2:
_tile_overlayer_lowered:
.L_overlay_start_2:
0x12c: {  	(tag) =	ssettag $0x2  }
0x12d: {  	s0 =	rddreg [dreg:$0x0];
	s2 =	stileid.u32  }
0x12e: {  	s1 =	rddreg [dreg:$0x1];
	p0 =	sne.s32 s2, $0x0  }
0x12f: {  	s3 =	rddreg [dreg:$0x2];
	[bflag:$0x3] =	sbarrier.arrive $0xFFFF;
	s2 =	simm.s32 @!p0 $0x1C03  }
0x130: {  	[timem:s3], [sflag:s2] =	dma.local @!p0 [hbm:s0], s1  }
0x131: {  	s0 =	simm.s32 @!p0 $0x3  }
0x132: {  	_ =	swait.ge @!p0 [sflag:s0], s1  }
0x133: {  	s1 =	ssub.s32 @!p0 $0x0, s1;
	[sflag:s0] =	ssyncset.done @!p0 $0x0  }
0x134: {  	[sflag:s0] =	ssyncadd.s32 @!p0 s1  }
0x135: {  	[bflag:$0x3] =	sbarrier.arrive $0xFFFF  }
0x136: {  	_ =	shalt  }

// kernel: kernel.24.cloned.1.call-start
scs
__scs_entry_jumppad:
0x0: {  	(pc) =	sbr.rel $0x88, $3  }
0x1: {  	(tag) =	ssettag $0x0;
	lr =	simm.s32 $0x1  }
0x2: {  	[smem:$0x3F95] =	sst lr;
	_ =	strace $0xD0000000  }
0x3: {  	_ = 	snop  }
0x4: {  	_ = 	snop  }
0x5: {  	_ = 	snop  }
0x6: {  	_ = 	snop  }
0x7: {  	_ = 	snop  }
__scs_overlays_trampoline_lowered:
0x8: {  	[smem:$0x3FA4] =	sst s0  }
0x9: {  	[smem:$0x3FA5] =	sst s1  }
0xa: {  	[smem:$0x3FA6] =	sst s2  }
0xb: {  	[smem:$0x3FA7] =	sst s3  }
0xc: {  	[smem:$0x3FA8] =	sst s4  }
0xd: {  	[smem:$0x3FA9] =	sst s5  }
0xe: {  	[smem:$0x3FAA] =	sst s6  }
0xf: {  	[smem:$0x3FAB] =	sst s7  }
0x10: {  	[smem:$0x3FAC] =	sst s8  }
0x11: {  	[smem:$0x3FAD] =	sst s9;
	s0 =	simm.s32 @!p0 $0x0  }
0x12: {  	s1 =	sld [smem:$0x3F93];
	s0 =	simm.s32 @p0 $0x1  }
0x13: {  	[smem:$0x3FAE] =	sst s0;
	s0 =	simm.s32 @!p1 $0x0  }
0x14: {  	s2 =	sld [smem:$0x3F92];
	s0 =	simm.s32 @p1 $0x1  }
0x15: {  	[smem:$0x3FAF] =	sst s0;
	s0 =	simm.s32 @!p2 $0x0  }
0x16: {  	s3 =	sld [smem:$0x3FDB];
	s0 =	simm.s32 @p2 $0x1  }
0x17: {  	s4 =	simm.s32 $0x1BF5;
	[smem:$0x3FB1] =	sst s0  }
0x18: {  	s0 =	sld [smem:$0x3F94];
	_ =	swait.ge [sflag:s4], $0x0  }
0x19: {  	s7 =	sld [smem:$0x3F95]  }
0x1a: {  	s8 =	sadd.s32 $0xFFFFE003, lr  }
0x1b: {  	s9 =	sadd.s32 $0xFFFFFEF7, lr;
	s5 =	simm.s32 $0xFFFFFFFF;
	p2 =	slt.u32 s8, $0xFFFFF086  }
0x1c: {  	p1 =	slt.u32 s9, $0xF7A;
	s5 =	simm.s32 @!p2 $0x0  }
0x1d: {  	s5 =	simm.s32 @p1 $0x1;
	p0 =	seq.s32 s7, s2  }
0x1e: {  	s7 =	smul.u32 @!p0 $0xF7A, s2;
	p2 =	seq.s32 @!p0 s5, $0x0  }
0x1f: {  	s9 =	smul.u32 $0xF7A, s1;
	s8 =	simm.s32 @!p0 $0x1BF5;
	p2 =	por !p2, p0  }
0x20: {  	[sflag:s8] =	ssyncset.s32 @!p0 $0xFFFFF086;
	s6 =	sadd.s32 @!p0 s3, s7;
	s7 =	simm.s32 @!p0 $0x108  }
0x21: {  	s3 =	sadd.s32 s3, s9;
	s6 =	sadd.s32 @!p0 $0x88, s6;
	s7 =	simm.s32 @p2 $0x1082  }
0x22: {  	[simem:s7], [sflag:s8] =	dma.local @!p0 [hbm:s6], $0xF7A  }
0x23: {  	s9 =	sor.u32 $0xD0000000, s2;
	s6 =	simm.s32 $0x108;
	_ =	swait.ge @!p0 [sflag:s8], $0x0  }
0x24: {  	s3 =	sadd.s32 $0x88, s3;
	s6 =	simm.s32 @!p1 $0x1082;
	[sflag:s4] =	ssyncset.s32 $0xFFFFF086  }
0x25: {  	[simem:s6], [sflag:s4] =	dma.local [hbm:s3], $0xF7A  }
0x26: {  	[smem:$0x3F95] =	sst s1;
	(tag) =	ssettag s2;
	_ =	strace s9  }
0x27: {  	s1 =	sld [smem:$0x3FA5]  }
0x28: {  	s2 =	sld [smem:$0x3FA6]  }
0x29: {  	s4 =	sld [smem:$0x3FA8]  }
0x2a: {  	p0 =	seq.s32 s5, $0x0;
	s5 =	sld [smem:$0x3FA9]  }
0x2b: {  	s6 =	sld [smem:$0x3FAA]  }
0x2c: {  	s7 =	sld [smem:$0x3FAB]  }
0x2d: {  	s3 =	simm.s32 $0x108;
	s8 =	sld [smem:$0x3FAC]  }
0x2e: {  	s3 =	simm.s32 @!p0 $0x1082;
	s9 =	sld [smem:$0x3FAD]  }
0x2f: {  	lr =	sadd.s32 s0, s3;
	s0 =	sld [smem:$0x3FA4]  }
0x30: {  	s3 =	sld [smem:$0x3FA7]  }
0x31: {  	[smem:$0x3FB0] =	sst s10  }
0x32: {  	s10 =	sld [smem:$0x3FAE];
	_ =	sdelay $0x3  }
0x33: {  	p0 =	seq.s32 s10, $0x1;
	s10 =	sld [smem:$0x3FB0];
	_ =	sdelay $0x3  }
0x34: {  	[smem:$0x3FB0] =	sst s10  }
0x35: {  	s10 =	sld [smem:$0x3FAF];
	_ =	sdelay $0x3  }
0x36: {  	p1 =	seq.s32 s10, $0x1;
	s10 =	sld [smem:$0x3FB0];
	_ =	sdelay $0x3  }
0x37: {  	[smem:$0x3FB0] =	sst s10  }
0x38: {  	s10 =	sld [smem:$0x3FB1]  }
0x39: {  	_ = 	snop;
	(pc) =	sbr.ind lr, $3  }
0x3a: {  	_ = 	snop  }
0x3b: {  	_ = 	snop  }
0x3c: {  	p2 =	seq.s32 s10, $0x1;
	s10 =	sld [smem:$0x3FB0]  }
0x3d: {  	_ =	shalt  }
0x3e: {  	_ =	shalt  }
0x3f: {  	_ =	shalt  }
0x40: {  	_ =	shalt  }
0x41: {  	_ =	shalt  }
0x42: {  	_ =	shalt  }
0x43: {  	_ =	shalt  }
0x44: {  	_ =	shalt  }
0x45: {  	_ =	shalt  }
0x46: {  	_ =	shalt  }
0x47: {  	_ =	shalt  }
0x48: {  	_ =	shalt  }
0x49: {  	_ =	shalt  }
0x4a: {  	_ =	shalt  }
0x4b: {  	_ =	shalt  }
0x4c: {  	_ =	shalt  }
0x4d: {  	_ =	shalt  }
0x4e: {  	_ =	shalt  }
0x4f: {  	_ =	shalt  }
0x50: {  	_ =	shalt  }
0x51: {  	_ =	shalt  }
0x52: {  	_ =	shalt  }
0x53: {  	_ =	shalt  }
0x54: {  	_ =	shalt  }
0x55: {  	_ =	shalt  }
0x56: {  	_ =	shalt  }
0x57: {  	_ =	shalt  }
0x58: {  	_ =	shalt  }
0x59: {  	_ =	shalt  }
0x5a: {  	_ =	shalt  }
0x5b: {  	_ =	shalt  }
0x5c: {  	_ =	shalt  }
0x5d: {  	_ =	shalt  }
0x5e: {  	_ =	shalt  }
0x5f: {  	_ =	shalt  }
0x60: {  	_ =	shalt  }
0x61: {  	_ =	shalt  }
0x62: {  	_ =	shalt  }
0x63: {  	_ =	shalt  }
0x64: {  	_ =	shalt  }
0x65: {  	_ =	shalt  }
0x66: {  	_ =	shalt  }
0x67: {  	_ =	shalt  }
0x68: {  	_ =	shalt  }
0x69: {  	_ =	shalt  }
0x6a: {  	_ =	shalt  }
0x6b: {  	_ =	shalt  }
0x6c: {  	_ =	shalt  }
0x6d: {  	_ =	shalt  }
0x6e: {  	_ =	shalt  }
0x6f: {  	_ =	shalt  }
0x70: {  	_ =	shalt  }
0x71: {  	_ =	shalt  }
0x72: {  	_ =	shalt  }
0x73: {  	_ =	shalt  }
0x74: {  	_ =	shalt  }
0x75: {  	_ =	shalt  }
0x76: {  	_ =	shalt  }
0x77: {  	_ =	shalt  }
0x78: {  	_ =	shalt  }
0x79: {  	_ =	shalt  }
0x7a: {  	_ =	shalt  }
0x7b: {  	_ =	shalt  }
0x7c: {  	_ =	shalt  }
0x7d: {  	_ =	shalt  }
0x7e: {  	_ =	shalt  }
0x7f: {  	_ =	shalt  }
0x80: {  	_ =	shalt  }
0x81: {  	_ =	shalt  }
0x82: {  	_ =	shalt  }
0x83: {  	_ =	shalt  }
0x84: {  	_ =	shalt  }
0x85: {  	_ =	shalt  }
0x86: {  	_ =	shalt  }
0x87: {  	_ =	shalt  }
.Lfunc_end0:
.L_simem_size_0:
called_computation.4_lowered:
.L_overlay_start_0:
0x88: {  	s2 =	sld [smem:$0x3FD9]  }
0x89: {  	s3 =	sld [smem:$0x3FFE];
	_ =	sdelay $0x1  }
0x8a: {  	s1 =	srdreg.scid  }
0x8b: {  	s0 =	sand.u32 $0x1, s1  }
0x8c: {  	s17 =	sshll.u32 s0, $0xA;
	s2 =	sadd.s32 s3, s2  }
0x8d: {  	s2 =	sadd.s32 s2, s17  }
0x8e: {  	[smem:$0x3FBC] =	sst s2  }
0x8f: {  	_ = 	snop  }
0x90: {  	s2 =	sld [smem:$0x3FC8];
	(tm) =	ssettm $0x1  }
0x91: {  	s18 =	sld [smem:$0x3FFB];
	_ =	sdelay $0x3  }
0x92: {  	_ =	strace s18  }
0x93: {  	s3 =	sld [smem:$0x3FFC];
	_ =	sdelay $0x3  }
0x94: {  	_ =	strace s3  }
0x95: {  	s3 =	sld [smem:$0x3FFD];
	_ =	sdelay $0x3  }
0x96: {  	_ =	strace s3  }
0x97: {  	_ =	strace $0x8FFFFFFF  }
0x98: {  	s19 =	sld [smem:$0x3FDB];
	_ =	sdelay $0x1  }
0x99: {  	s4 =	simm.s32 $_scs_section_size  }
0x9a: {  	s5 =	simm.s32 $_size__tile_overlayer_lowered;
	s6 =	simm.s32 $_tile_overlayer_lowered  }
0x9b: {  	s22 =	simm.s32 $0x1BFF;
	s21 =	sshll.u32 s6, $0x1;
	s3 =	sadd.s32 s4, s19  }
0x9c: {  	s7 =	simm.s32 $0x0;
	s20 =	sshll.u32 s5, $0x1;
	s5 =	sadd.s32 s21, s3  }
0x9d: {  	[timem:s7], [sflag:s22] =	dma.local [hbm:s5], s20  }
0x9e: {  	_ =	swait.ge [sflag:s22], s20  }
0x9f: {  	s4 =	ssub.s32 $0x0, s20;
	[sflag:s22] =	ssyncset.done $0x0  }
0xa0: {  	[sflag:s22] =	ssyncadd.s32 s4;
	_ =	sdelay $0x1  }
0xa1: {  	s23 =	simm.s32 $0x1B8B  }
0xa2: {  	_ =	swait.ge [sflag:s23], $0x1  }
0xa3: {  	[sflag:s23] =	ssyncset.done $0x0  }
0xa4: {  	s25 =	simm.s32 $0x1B8E;
	s24 =	sld [smem:$0x3FFE];
	[sflag:s23] =	ssyncadd.s32 $0xFFFFFFFF  }
0xa5: {  	s26 =	simm.s32 $execute0_lowered;
	[smem:$0x3FD2] =	sst s25  }
0xa6: {  	s5 =	sshll.u32 s26, $0x1;
	_ =	strace $0x80000052;
	[dreg:$0x1] =	wrdreg $0xFFFFFFFF  }
0xa7: {  	s28 =	simm.s32 $_size_execute0_lowered;
	s3 =	sadd.s32 s3, s5;
	[dreg:$0x0] =	wrdreg $0x0  }
0xa8: {  	s5 =	sshll.u32 s28, $0x1;
	[dreg:$0x2] =	wrdreg s3  }
0xa9: {  	[dreg:$0x3] =	wrdreg s5  }
0xaa: {  	[dreg:$0x4] =	wrdreg $0xC0  }
0xab: {  	_ =	task [dreg:s7], $0x5FFFF  }
0xac: {  	[dreg:$0x1] =	wrdreg $0xFFFFFFFF  }
0xad: {  	[dreg:$0x0] =	wrdreg $0x60  }
0xae: {  	[dreg:$0x2] =	wrdreg s24  }
0xaf: {  	[dreg:$0x3] =	wrdreg s2  }
0xb0: {  	[dreg:$0x4] =	wrdreg $0xA8000  }
0xb1: {  	[dreg:$0x5] =	wrdreg $0x9  }
0xb2: {  	_ =	task.clear_ibuf [dreg:s7], $0x6FFFF;
	_ =	strace $0x90000052  }
0xb3: {  	s29 =	simm.s32 $0x9;
	_ =	strace $0x80000054  }
0xb4: {  	_ =	swait.ge [sflag:s29], $0x1  }
0xb5: {  	[sflag:s29] =	ssyncadd.s32 $0xFFFFFFFF  }
0xb6: {  	_ =	strace $0x90000054  }
0xb7: {  	_ =	sfence  }
0xb8: {  	s30 =	sld [smem:$0x0];
	_ =	sdelay $0x2  }
0xb9: {  	s31 =	sshll.u32 s1, $0xD;
	s1 =	sshrl.u32 s1, $0x2  }
0xba: {  	s3 =	sand.u32 $0x4000, s31;
	s1 =	sadd.s32 s1, s30  }
0xbb: {  	s0 =	sor.u32 s3, s0;
	s1 =	sshll.u32 s1, $0x11  }
0xbc: {  	s0 =	sor.u32 s1, s0  }
0xbd: {  	s0 =	sadd.s32 $0x8F2B, s0  }
0xbe: {  	[sflag:s0] =	ssyncadd.remote.s32 $0x1  }
0xbf: {  	_ =	sfence.sel $0xFFFF  }
0xc0: {  	[dreg:$0x0] =	wrdreg $0xFFFFFFFF;
	(pc) =	sbr.abs _section_cstart, $3  }
0xc1: {  	[dreg:$0x1] =	wrdreg $0xFFFFFFFF  }
0xc2: {  	_ =	task.clear_ibuf [dreg:s7], $0x2FFFF;
	_ =	strace $0x9FFFFFFF  }
0xc3: {  	(tm) =	ssettm $0x7FFFFFFF  }
tec
execute0_lowered:
.L_overlay_start_1:
0x0: {  	(tag) =	ssettag $0x1  }
0x1: {  	s0 =	rddreg [dreg:$0x0]  }
0x2: {  	s3 =	rddreg [dreg:$0x1]  }
0x3: {  	s1 =	rddreg [dreg:$0x2]  }
0x4: {  	s4 =	srdreg.scid;
	s9 =	stileid.u32  }
0x5: {  	s2 =	simm.s32 $0x0;
	s5 =	sand.u32 $0x1, s4;
	s8 =	smul.u32 $0x50000, s9  }
0x6: {  	[smem:$0x7FF] =	sst s2;
	s6 =	smul.u32 $0x28000, s5;
	s7 =	ssub.s32 $0x2, s5  }
0x7: {  	s4 =	sadd.s32 $0x3200, s0;
	s25 =	sshrl.u32 s7, $0x1;
	s8 =	sshrl.u32 s8, $0x2  }
0x8: {  	s0 =	sadd.s32 s6, s0;
	s6 =	ssub.s32 s7, s25;
	s10 =	sadd.s32 s8, s1  }
0x9: {  	_ =	strace $0x80000053;
	s6 =	smax.u32 s6, $0x1;
	[dreg:$0x4] =	wrdreg s10  }
0xa: {  	s28 =	simm.s32 $0x1400;
	s11 =	sadd.s32 $0x1400, s10;
	[dreg:$0x5] =	wrdreg s6  }
0xb: {  	s30 =	simm.s32 $0x5400;
	s12 =	sadd.s32 $0x2800, s10;
	[dreg:$0x6] =	wrdreg s11  }
0xc: {  	s31 =	simm.s32 $0x1;
	s13 =	sadd.s32 $0x3C00, s10;
	[dreg:$0x7] =	wrdreg s12  }
0xd: {  	s29 =	simm.s32 $0xC80;
	s14 =	sadd.s32 $0x5000, s10;
	[dreg:$0x8] =	wrdreg s13  }
0xe: {  	s2 =	smul.u32 $0x2800, s9;
	s15 =	sadd.s32 $0x6400, s10;
	[dreg:$0x9] =	wrdreg s14  }
0xf: {  	s22 =	smul.u32 $0xA00, s9;
	s16 =	sadd.s32 $0x7800, s10;
	[dreg:$0xa] =	wrdreg s15  }
0x10: {  	s26 =	sshll.u32 s5, $0x4;
	s17 =	sadd.s32 $0x8C00, s10;
	[dreg:$0xb] =	wrdreg s16  }
0x11: {  	s5 =	smul.u32 $0xA000, s5;
	s18 =	sadd.s32 $0xA000, s10;
	[dreg:$0xc] =	wrdreg s17  }
0x12: {  	s7 =	sor.u32 s9, s26;
	s19 =	sadd.s32 $0xB400, s10;
	[dreg:$0xd] =	wrdreg s18  }
0x13: {  	s3 =	sadd.s32 s5, s3;
	s20 =	sadd.s32 $0xC800, s10;
	[dreg:$0xe] =	wrdreg s19  }
0x14: {  	s5 =	simm.s32 $0xB80;
	s21 =	sadd.s32 $0xDC00, s10;
	[dreg:$0xf] =	wrdreg s20  }
0x15: {  	s8 =	simm.s32 $0xE80;
	s23 =	sadd.s32 $0xF000, s10;
	[dreg:$0x10] =	wrdreg s21  }
0x16: {  	s9 =	simm.s32 $0x1000;
	s24 =	sadd.s32 $0x10400, s10;
	[dreg:$0x11] =	wrdreg s23  }
0x17: {  	s0 =	sadd.s32 $0x2B200, s0;
	s25 =	sadd.s32 $0x11800, s10;
	[dreg:$0x12] =	wrdreg s24  }
0x18: {  	s3 =	sadd.s32 s22, s3;
	s26 =	sadd.s32 $0x12C00, s10;
	[dreg:$0x13] =	wrdreg s25  }
0x19: {  	p0 =	seq.s32 s7, $0x1F;
	s7 =	simm.s32 $0xF00;
	[dreg:$0x14] =	wrdreg s3  }
0x1a: {  	s10 =	simm.s32 $0xF80;
	[dreg:$0x15] =	wrdreg s26;
	s0 =	sadd.s32 s2, s0  }
0x1b: {  	s25 =	simm.s32 $0x3;
	s26 =	simm.s32 $0x80;
	s3 =	simm.s32 $0x2  }
0x1c: {  	s19 =	simm.s32 $0xB00;
	s2 =	simm.s32 $0xA80;
	s21 =	simm.s32 $0x0  }
0x1d: {  	s24 =	simm.s32 $0xC00;
	s23 =	simm.s32 $0xD00;
	s6 =	simm.s32 $0xD80  }
0x1e: {  	s11 =	simm.s32 $0x1100;
	s12 =	simm.s32 $0x1080;
	s13 =	simm.s32 $0x1200  }
0x1f: {  	s14 =	simm.s32 $0x1180;
	s15 =	simm.s32 $0x1300;
	s16 =	simm.s32 $0x1280  }
0x20: {  	v0 =	vimm.f32 $0.0e+00;
	s17 =	simm.s32 $0x1380;
	[dreg:$0x16] =	wrdreg s0;
	s0 =	simm.s32 $0x0  }
.LBB2_1:
0x21: {  	[dreg:$0x17] =	wrdreg s0;
	s20 =	simm.s32 $0x0;
	s22 =	simm.s32 $0x200  }
.LBB2_2:
0x22: {  	p1 =	sne.s32 s22, $0x4E00;
	[tilespmem:s20+$0x9470] =	vst v0  }
0x23: {  	[tilespmem:s20+$0x9400] =	vst v0  }
0x24: {  	[tilespmem:s20+$0x9410] =	vst v0  }
.Ltmp0:
0x25: {  	[tilespmem:s20+$0x9420] =	vst v0;
	(pc) =	sbr.rel @p1 .LBB2_2-.Ltmp0, $4  }
0x26: {  	[tilespmem:s20+$0x9430] =	vst v0  }
0x27: {  	[tilespmem:s20+$0x9440] =	vst v0  }
0x28: {  	[tilespmem:s20+$0x9450] =	vst v0  }
0x29: {  	[tilespmem:s20+$0x9460] =	vst v0;
	s20 =	sshra.s32 s22, $0x2;
	s22 =	sadd.s32 $0x200, s22  }
0x2a: {  	[tilespmem:s20+$0x9470] =	vst v0  }
0x2b: {  	[tilespmem:s20+$0x9400] =	vst v0  }
0x2c: {  	[tilespmem:s20+$0x9410] =	vst v0  }
0x2d: {  	[tilespmem:s20+$0x9420] =	vst v0  }
0x2e: {  	[tilespmem:s20+$0x9430] =	vst v0  }
0x2f: {  	[tilespmem:s20+$0x9440] =	vst v0  }
0x30: {  	[tilespmem:s20+$0x9450] =	vst v0  }
0x31: {  	[tilespmem:s20+$0x9460] =	vst v0;
	s0 =	rddreg [dreg:$0x4];
	s22 =	simm.s32 $0x9400  }
0x32: {  	[spmem:s0] =	stream.linear.scatter [tilespmem:s22], [sflag:$0x3], $0x1400, $0x38;
	[tilespmem:$0x1E800] =	vst v63  }
0x33: {  	_ =	swait.ge [sflag:s25], $0x1400  }
0x34: {  	[sflag:s25] =	ssyncset.done $0x0  }
0x35: {  	s18 =	rddreg [dreg:$0x6];
	[sflag:s25] =	ssyncadd.s32 $0xFFFFEC00  }
0x36: {  	[spmem:s18] =	stream.linear.scatter [tilespmem:s22], [sflag:$0x3], $0x1400, $0x38;
	[tilespmem:$0x1E800] =	vst v63  }
0x37: {  	_ =	swait.ge [sflag:s25], $0x1400  }
0x38: {  	[sflag:s25] =	ssyncset.done $0x0  }
0x39: {  	s0 =	rddreg [dreg:$0x7];
	[sflag:s25] =	ssyncadd.s32 $0xFFFFEC00  }
0x3a: {  	[spmem:s0] =	stream.linear.scatter [tilespmem:s22], [sflag:$0x3], $0x1400, $0x38;
	[tilespmem:$0x1E800] =	vst v63  }
0x3b: {  	_ =	swait.ge [sflag:s25], $0x1400  }
0x3c: {  	[sflag:s25] =	ssyncset.done $0x0  }
0x3d: {  	s18 =	rddreg [dreg:$0x8];
	[sflag:s25] =	ssyncadd.s32 $0xFFFFEC00  }
0x3e: {  	[spmem:s18] =	stream.linear.scatter [tilespmem:s22], [sflag:$0x3], $0x1400, $0x38;
	[tilespmem:$0x1E800] =	vst v63  }
0x3f: {  	_ =	swait.ge [sflag:s25], $0x1400  }
0x40: {  	[sflag:s25] =	ssyncset.done $0x0  }
0x41: {  	s0 =	rddreg [dreg:$0x9];
	[sflag:s25] =	ssyncadd.s32 $0xFFFFEC00  }
0x42: {  	[spmem:s0] =	stream.linear.scatter [tilespmem:s22], [sflag:$0x3], $0x1400, $0x38;
	[tilespmem:$0x1E800] =	vst v63  }
0x43: {  	_ =	swait.ge [sflag:s25], $0x1400  }
0x44: {  	[sflag:s25] =	ssyncset.done $0x0  }
0x45: {  	s18 =	rddreg [dreg:$0xa];
	[sflag:s25] =	ssyncadd.s32 $0xFFFFEC00  }
0x46: {  	[spmem:s18] =	stream.linear.scatter [tilespmem:s22], [sflag:$0x3], $0x1400, $0x38;
	[tilespmem:$0x1E800] =	vst v63  }
0x47: {  	_ =	swait.ge [sflag:s25], $0x1400  }
0x48: {  	[sflag:s25] =	ssyncset.done $0x0  }
0x49: {  	s0 =	rddreg [dreg:$0xb];
	[sflag:s25] =	ssyncadd.s32 $0xFFFFEC00  }
0x4a: {  	[spmem:s0] =	stream.linear.scatter [tilespmem:s22], [sflag:$0x3], $0x1400, $0x38;
	[tilespmem:$0x1E800] =	vst v63  }
0x4b: {  	_ =	swait.ge [sflag:s25], $0x1400  }
0x4c: {  	[sflag:s25] =	ssyncset.done $0x0  }
0x4d: {  	s18 =	rddreg [dreg:$0xc];
	[sflag:s25] =	ssyncadd.s32 $0xFFFFEC00  }
0x4e: {  	[spmem:s18] =	stream.linear.scatter [tilespmem:s22], [sflag:$0x3], $0x1400, $0x38;
	[tilespmem:$0x1E800] =	vst v63  }
0x4f: {  	_ =	swait.ge [sflag:s25], $0x1400  }
0x50: {  	[sflag:s25] =	ssyncset.done $0x0  }
0x51: {  	s0 =	rddreg [dreg:$0xd];
	[sflag:s25] =	ssyncadd.s32 $0xFFFFEC00  }
0x52: {  	[spmem:s0] =	stream.linear.scatter [tilespmem:s22], [sflag:$0x3], $0x1400, $0x38;
	[tilespmem:$0x1E800] =	vst v63  }
0x53: {  	_ =	swait.ge [sflag:s25], $0x1400  }
0x54: {  	[sflag:s25] =	ssyncset.done $0x0  }
0x55: {  	s18 =	rddreg [dreg:$0xe];
	[sflag:s25] =	ssyncadd.s32 $0xFFFFEC00  }
0x56: {  	[spmem:s18] =	stream.linear.scatter [tilespmem:s22], [sflag:$0x3], $0x1400, $0x38;
	[tilespmem:$0x1E800] =	vst v63  }
0x57: {  	_ =	swait.ge [sflag:s25], $0x1400  }
0x58: {  	[sflag:s25] =	ssyncset.done $0x0  }
0x59: {  	s0 =	rddreg [dreg:$0xf];
	[sflag:s25] =	ssyncadd.s32 $0xFFFFEC00  }
0x5a: {  	[spmem:s0] =	stream.linear.scatter [tilespmem:s22], [sflag:$0x3], $0x1400, $0x38;
	[tilespmem:$0x1E800] =	vst v63  }
0x5b: {  	_ =	swait.ge [sflag:s25], $0x1400  }
0x5c: {  	[sflag:s25] =	ssyncset.done $0x0  }
0x5d: {  	s18 =	rddreg [dreg:$0x10];
	[sflag:s25] =	ssyncadd.s32 $0xFFFFEC00  }
0x5e: {  	[spmem:s18] =	stream.linear.scatter [tilespmem:s22], [sflag:$0x3], $0x1400, $0x38;
	[tilespmem:$0x1E800] =	vst v63  }
0x5f: {  	_ =	swait.ge [sflag:s25], $0x1400  }
0x60: {  	[sflag:s25] =	ssyncset.done $0x0  }
0x61: {  	s0 =	rddreg [dreg:$0x11];
	[sflag:s25] =	ssyncadd.s32 $0xFFFFEC00  }
0x62: {  	[spmem:s0] =	stream.linear.scatter [tilespmem:s22], [sflag:$0x3], $0x1400, $0x38;
	[tilespmem:$0x1E800] =	vst v63  }
0x63: {  	_ =	swait.ge [sflag:s25], $0x1400  }
0x64: {  	[sflag:s25] =	ssyncset.done $0x0  }
0x65: {  	s18 =	rddreg [dreg:$0x12];
	[sflag:s25] =	ssyncadd.s32 $0xFFFFEC00  }
0x66: {  	[spmem:s18] =	stream.linear.scatter [tilespmem:s22], [sflag:$0x3], $0x1400, $0x38;
	[tilespmem:$0x1E800] =	vst v63  }
0x67: {  	_ =	swait.ge [sflag:s25], $0x1400  }
0x68: {  	[sflag:s25] =	ssyncset.done $0x0  }
0x69: {  	s0 =	rddreg [dreg:$0x13];
	[sflag:s25] =	ssyncadd.s32 $0xFFFFEC00  }
0x6a: {  	[spmem:s0] =	stream.linear.scatter [tilespmem:s22], [sflag:$0x3], $0x1400, $0x38;
	[tilespmem:$0x1E800] =	vst v63  }
0x6b: {  	_ =	swait.ge [sflag:s25], $0x1400  }
0x6c: {  	[sflag:s25] =	ssyncset.done $0x0  }
0x6d: {  	s18 =	rddreg [dreg:$0x15];
	[sflag:s25] =	ssyncadd.s32 $0xFFFFEC00  }
0x6e: {  	[spmem:s18] =	stream.linear.scatter [tilespmem:s22], [sflag:$0x3], $0x1400, $0x38;
	[tilespmem:$0x1E800] =	vst v63  }
0x6f: {  	_ =	swait.ge [sflag:s25], $0x1400  }
0x70: {  	[sflag:s25] =	ssyncset.done $0x0  }
0x71: {  	[sflag:s25] =	ssyncadd.s32 $0xFFFFEC00  }
0x72: {  	[bflag:$0x0] =	sbarrier.arrive $0xFFFF  }
0x73: {  	s0 =	simm.s32 $0xE00;
	s22 =	simm.s32 $0x0;
	s20 =	rddreg [dreg:$0x14]  }
.LBB2_4:
0x74: {  	[tilespmem:s21], [sflag:$0x3] =	stream.linear.gather [hbm4b:s20+s21], $0x1400, $0x38;
	[tilespmem:$0x1E800] =	vst v63  }
0x75: {  	_ =	swait.ge [sflag:s25], $0x1400  }
0x76: {  	[sflag:s25] =	ssyncset.done $0x0  }
0x77: {  	[sflag:s25] =	ssyncadd.s32 $0xFFFFEC00  }
0x78: {  	[tilespmem:s28], [sflag:$0x1] =	stream.indirect.gather [hbm4b:s4+s26], $0x80, s21, s26, $0xb8;
	[tilespmem:$0x1E800] =	vst v63  }
0x79: {  	s18 =	simm.s32 $0x100  }
0x7a: {  	[tilespmem:s30], [sflag:$0x2] =	stream.indirect.gather [hbm4b:s4+s26], $0x80, s18, s26, $0xb8;
	[tilespmem:$0x1E800] =	vst v63  }
0x7b: {  	_ =	swait.ge [sflag:s31], $0x4000  }
0x7c: {  	[sflag:s31] =	ssyncset.done $0x0  }
0x7d: {  	[sflag:s31] =	ssyncadd.s32 $0xFFFFC000  }
0x7e: {  	[spmem:s1] =	stream.indirect.scatter.add.f32 [tilespmem:s28], [sflag:$0x3], $0x80, s26, s26, $0xb8;
	[tilespmem:$0x1E800] =	vst v63  }
0x7f: {  	_ =	swait.ge [sflag:s25], $0x4000  }
0x80: {  	[sflag:s25] =	ssyncset.done $0x0  }
0x81: {  	s18 =	simm.s32 $0x200;
	[sflag:s25] =	ssyncadd.s32 $0xFFFFC000  }
0x82: {  	[tilespmem:s28], [sflag:$0x1] =	stream.indirect.gather [hbm4b:s4+s26], $0x80, s18, s26, $0xb8;
	[tilespmem:$0x1E800] =	vst v63  }
0x83: {  	_ =	swait.ge [sflag:s3], $0x4000  }
0x84: {  	[sflag:s3] =	ssyncset.done $0x0  }
0x85: {  	s18 =	simm.s32 $0x180;
	[sflag:s3] =	ssyncadd.s32 $0xFFFFC000  }
0x86: {  	[spmem:s1] =	stream.indirect.scatter.add.f32 [tilespmem:s30], [sflag:$0x3], $0x80, s18, s26, $0xb8;
	[tilespmem:$0x1E800] =	vst v63  }
0x87: {  	_ =	swait.ge [sflag:s25], $0x4000  }
0x88: {  	[sflag:s25] =	ssyncset.done $0x0  }
0x89: {  	s18 =	simm.s32 $0x300;
	[sflag:s25] =	ssyncadd.s32 $0xFFFFC000  }
0x8a: {  	[tilespmem:s30], [sflag:$0x2] =	stream.indirect.gather [hbm4b:s4+s26], $0x80, s18, s26, $0xb8;
	[tilespmem:$0x1E800] =	vst v63  }
0x8b: {  	_ =	swait.ge [sflag:s31], $0x4000  }
0x8c: {  	[sflag:s31] =	ssyncset.done $0x0  }
0x8d: {  	s18 =	simm.s32 $0x280;
	[sflag:s31] =	ssyncadd.s32 $0xFFFFC000  }
0x8e: {  	[spmem:s1] =	stream.indirect.scatter.add.f32 [tilespmem:s28], [sflag:$0x3], $0x80, s18, s26, $0xb8;
	[tilespmem:$0x1E800] =	vst v63  }
0x8f: {  	_ =	swait.ge [sflag:s25], $0x4000  }
0x90: {  	[sflag:s25] =	ssyncset.done $0x0  }
0x91: {  	s18 =	simm.s32 $0x400;
	[sflag:s25] =	ssyncadd.s32 $0xFFFFC000  }
0x92: {  	[tilespmem:s28], [sflag:$0x1] =	stream.indirect.gather [hbm4b:s4+s26], $0x80, s18, s26, $0xb8;
	[tilespmem:$0x1E800] =	vst v63  }
0x93: {  	_ =	swait.ge [sflag:s3], $0x4000  }
0x94: {  	[sflag:s3] =	ssyncset.done $0x0  }
0x95: {  	s18 =	simm.s32 $0x380;
	[sflag:s3] =	ssyncadd.s32 $0xFFFFC000  }
0x96: {  	[spmem:s1] =	stream.indirect.scatter.add.f32 [tilespmem:s30], [sflag:$0x3], $0x80, s18, s26, $0xb8;
	[tilespmem:$0x1E800] =	vst v63  }
0x97: {  	_ =	swait.ge [sflag:s25], $0x4000  }
0x98: {  	[sflag:s25] =	ssyncset.done $0x0  }
0x99: {  	s18 =	simm.s32 $0x500;
	[sflag:s25] =	ssyncadd.s32 $0xFFFFC000  }
0x9a: {  	[tilespmem:s30], [sflag:$0x2] =	stream.indirect.gather [hbm4b:s4+s26], $0x80, s18, s26, $0xb8;
	[tilespmem:$0x1E800] =	vst v63  }
0x9b: {  	_ =	swait.ge [sflag:s31], $0x4000  }
0x9c: {  	[sflag:s31] =	ssyncset.done $0x0  }
0x9d: {  	s18 =	simm.s32 $0x480;
	[sflag:s31] =	ssyncadd.s32 $0xFFFFC000  }
0x9e: {  	[spmem:s1] =	stream.indirect.scatter.add.f32 [tilespmem:s28], [sflag:$0x3], $0x80, s18, s26, $0xb8;
	[tilespmem:$0x1E800] =	vst v63  }
0x9f: {  	_ =	swait.ge [sflag:s25], $0x4000  }
0xa0: {  	[sflag:s25] =	ssyncset.done $0x0  }
0xa1: {  	s18 =	simm.s32 $0x600;
	[sflag:s25] =	ssyncadd.s32 $0xFFFFC000  }
0xa2: {  	[tilespmem:s28], [sflag:$0x1] =	stream.indirect.gather [hbm4b:s4+s26], $0x80, s18, s26, $0xb8;
	[tilespmem:$0x1E800] =	vst v63  }
0xa3: {  	_ =	swait.ge [sflag:s3], $0x4000  }
0xa4: {  	[sflag:s3] =	ssyncset.done $0x0  }
0xa5: {  	s18 =	simm.s32 $0x580;
	[sflag:s3] =	ssyncadd.s32 $0xFFFFC000  }
0xa6: {  	[spmem:s1] =	stream.indirect.scatter.add.f32 [tilespmem:s30], [sflag:$0x3], $0x80, s18, s26, $0xb8;
	[tilespmem:$0x1E800] =	vst v63  }
0xa7: {  	_ =	swait.ge [sflag:s25], $0x4000  }
0xa8: {  	[sflag:s25] =	ssyncset.done $0x0  }
0xa9: {  	s18 =	simm.s32 $0x700;
	[sflag:s25] =	ssyncadd.s32 $0xFFFFC000  }
0xaa: {  	[tilespmem:s30], [sflag:$0x2] =	stream.indirect.gather [hbm4b:s4+s26], $0x80, s18, s26, $0xb8;
	[tilespmem:$0x1E800] =	vst v63  }
0xab: {  	_ =	swait.ge [sflag:s31], $0x4000  }
0xac: {  	[sflag:s31] =	ssyncset.done $0x0  }
0xad: {  	s18 =	simm.s32 $0x680;
	[sflag:s31] =	ssyncadd.s32 $0xFFFFC000  }
0xae: {  	[spmem:s1] =	stream.indirect.scatter.add.f32 [tilespmem:s28], [sflag:$0x3], $0x80, s18, s26, $0xb8;
	[tilespmem:$0x1E800] =	vst v63  }
0xaf: {  	_ =	swait.ge [sflag:s25], $0x4000  }
0xb0: {  	[sflag:s25] =	ssyncset.done $0x0  }
0xb1: {  	s18 =	simm.s32 $0x800;
	[sflag:s25] =	ssyncadd.s32 $0xFFFFC000  }
0xb2: {  	[tilespmem:s28], [sflag:$0x1] =	stream.indirect.gather [hbm4b:s4+s26], $0x80, s18, s26, $0xb8;
	[tilespmem:$0x1E800] =	vst v63  }
0xb3: {  	_ =	swait.ge [sflag:s3], $0x4000  }
0xb4: {  	[sflag:s3] =	ssyncset.done $0x0  }
0xb5: {  	s18 =	simm.s32 $0x780;
	[sflag:s3] =	ssyncadd.s32 $0xFFFFC000  }
0xb6: {  	[spmem:s1] =	stream.indirect.scatter.add.f32 [tilespmem:s30], [sflag:$0x3], $0x80, s18, s26, $0xb8;
	[tilespmem:$0x1E800] =	vst v63  }
0xb7: {  	_ =	swait.ge [sflag:s25], $0x4000  }
0xb8: {  	[sflag:s25] =	ssyncset.done $0x0  }
0xb9: {  	s18 =	simm.s32 $0x900;
	[sflag:s25] =	ssyncadd.s32 $0xFFFFC000  }
0xba: {  	[tilespmem:s30], [sflag:$0x2] =	stream.indirect.gather [hbm4b:s4+s26], $0x80, s18, s26, $0xb8;
	[tilespmem:$0x1E800] =	vst v63  }
0xbb: {  	_ =	swait.ge [sflag:s31], $0x4000  }
0xbc: {  	[sflag:s31] =	ssyncset.done $0x0  }
0xbd: {  	s18 =	simm.s32 $0x880;
	[sflag:s31] =	ssyncadd.s32 $0xFFFFC000  }
0xbe: {  	[spmem:s1] =	stream.indirect.scatter.add.f32 [tilespmem:s28], [sflag:$0x3], $0x80, s18, s26, $0xb8;
	[tilespmem:$0x1E800] =	vst v63  }
0xbf: {  	_ =	swait.ge [sflag:s25], $0x4000  }
0xc0: {  	[sflag:s25] =	ssyncset.done $0x0  }
0xc1: {  	s18 =	simm.s32 $0xA00;
	[sflag:s25] =	ssyncadd.s32 $0xFFFFC000  }
0xc2: {  	[tilespmem:s28], [sflag:$0x1] =	stream.indirect.gather [hbm4b:s4+s26], $0x80, s18, s26, $0xb8;
	[tilespmem:$0x1E800] =	vst v63  }
0xc3: {  	_ =	swait.ge [sflag:s3], $0x4000  }
0xc4: {  	[sflag:s3] =	ssyncset.done $0x0  }
0xc5: {  	s18 =	simm.s32 $0x980;
	[sflag:s3] =	ssyncadd.s32 $0xFFFFC000  }
0xc6: {  	[spmem:s1] =	stream.indirect.scatter.add.f32 [tilespmem:s30], [sflag:$0x3], $0x80, s18, s26, $0xb8;
	[tilespmem:$0x1E800] =	vst v63  }
0xc7: {  	_ =	swait.ge [sflag:s25], $0x4000  }
0xc8: {  	[sflag:s25] =	ssyncset.done $0x0  }
0xc9: {  	[sflag:s25] =	ssyncadd.s32 $0xFFFFC000  }
0xca: {  	[tilespmem:s30], [sflag:$0x2] =	stream.indirect.gather [hbm4b:s4+s26], $0x80, s19, s26, $0xb8;
	[tilespmem:$0x1E800] =	vst v63  }
0xcb: {  	_ =	swait.ge [sflag:s31], $0x4000  }
0xcc: {  	[sflag:s31] =	ssyncset.done $0x0  }
0xcd: {  	[sflag:s31] =	ssyncadd.s32 $0xFFFFC000  }
0xce: {  	[spmem:s1] =	stream.indirect.scatter.add.f32 [tilespmem:s28], [sflag:$0x3], $0x80, s2, s26, $0xb8;
	[tilespmem:$0x1E800] =	vst v63  }
0xcf: {  	_ =	swait.ge [sflag:s25], $0x4000  }
0xd0: {  	[sflag:s25] =	ssyncset.done $0x0  }
0xd1: {  	[sflag:s25] =	ssyncadd.s32 $0xFFFFC000  }
0xd2: {  	[tilespmem:s28], [sflag:$0x1] =	stream.indirect.gather [hbm4b:s4+s26], $0x80, s24, s26, $0xb8;
	[tilespmem:$0x1E800] =	vst v63  }
0xd3: {  	_ =	swait.ge [sflag:s3], $0x4000  }
0xd4: {  	[sflag:s3] =	ssyncset.done $0x0  }
0xd5: {  	[sflag:s3] =	ssyncadd.s32 $0xFFFFC000  }
0xd6: {  	[spmem:s1] =	stream.indirect.scatter.add.f32 [tilespmem:s30], [sflag:$0x3], $0x80, s5, s26, $0xb8;
	[tilespmem:$0x1E800] =	vst v63  }
0xd7: {  	_ =	swait.ge [sflag:s25], $0x4000  }
0xd8: {  	[sflag:s25] =	ssyncset.done $0x0  }
0xd9: {  	[sflag:s25] =	ssyncadd.s32 $0xFFFFC000  }
0xda: {  	[tilespmem:s30], [sflag:$0x2] =	stream.indirect.gather [hbm4b:s4+s26], $0x80, s23, s26, $0xb8;
	[tilespmem:$0x1E800] =	vst v63  }
0xdb: {  	_ =	swait.ge [sflag:s31], $0x4000  }
0xdc: {  	[sflag:s31] =	ssyncset.done $0x0  }
0xdd: {  	[sflag:s31] =	ssyncadd.s32 $0xFFFFC000  }
0xde: {  	[spmem:s1] =	stream.indirect.scatter.add.f32 [tilespmem:s28], [sflag:$0x3], $0x80, s29, s26, $0xb8;
	[tilespmem:$0x1E800] =	vst v63  }
0xdf: {  	_ =	swait.ge [sflag:s25], $0x4000  }
0xe0: {  	[sflag:s25] =	ssyncset.done $0x0  }
0xe1: {  	[sflag:s25] =	ssyncadd.s32 $0xFFFFC000  }
0xe2: {  	[tilespmem:s28], [sflag:$0x1] =	stream.indirect.gather [hbm4b:s4+s26], $0x80, s0, s26, $0xb8;
	[tilespmem:$0x1E800] =	vst v63  }
0xe3: {  	_ =	swait.ge [sflag:s3], $0x4000  }
0xe4: {  	[sflag:s3] =	ssyncset.done $0x0  }
0xe5: {  	[sflag:s3] =	ssyncadd.s32 $0xFFFFC000  }
0xe6: {  	[spmem:s1] =	stream.indirect.scatter.add.f32 [tilespmem:s30], [sflag:$0x3], $0x80, s6, s26, $0xb8;
	[tilespmem:$0x1E800] =	vst v63  }
0xe7: {  	_ =	swait.ge [sflag:s25], $0x4000  }
0xe8: {  	[sflag:s25] =	ssyncset.done $0x0  }
0xe9: {  	[sflag:s25] =	ssyncadd.s32 $0xFFFFC000  }
0xea: {  	[tilespmem:s30], [sflag:$0x2] =	stream.indirect.gather [hbm4b:s4+s26], $0x80, s7, s26, $0xb8;
	[tilespmem:$0x1E800] =	vst v63  }
0xeb: {  	_ =	swait.ge [sflag:s31], $0x4000  }
0xec: {  	[sflag:s31] =	ssyncset.done $0x0  }
0xed: {  	[sflag:s31] =	ssyncadd.s32 $0xFFFFC000  }
0xee: {  	[spmem:s1] =	stream.indirect.scatter.add.f32 [tilespmem:s28], [sflag:$0x3], $0x80, s8, s26, $0xb8;
	[tilespmem:$0x1E800] =	vst v63  }
0xef: {  	_ =	swait.ge [sflag:s25], $0x4000  }
0xf0: {  	[sflag:s25] =	ssyncset.done $0x0  }
0xf1: {  	[sflag:s25] =	ssyncadd.s32 $0xFFFFC000  }
0xf2: {  	[tilespmem:s28], [sflag:$0x1] =	stream.indirect.gather [hbm4b:s4+s26], $0x80, s9, s26, $0xb8;
	[tilespmem:$0x1E800] =	vst v63  }
0xf3: {  	_ =	swait.ge [sflag:s3], $0x4000  }
0xf4: {  	[sflag:s3] =	ssyncset.done $0x0  }
0xf5: {  	[sflag:s3] =	ssyncadd.s32 $0xFFFFC000  }
0xf6: {  	[spmem:s1] =	stream.indirect.scatter.add.f32 [tilespmem:s30], [sflag:$0x3], $0x80, s10, s26, $0xb8;
	[tilespmem:$0x1E800] =	vst v63  }
0xf7: {  	_ =	swait.ge [sflag:s25], $0x4000  }
0xf8: {  	[sflag:s25] =	ssyncset.done $0x0  }
0xf9: {  	[sflag:s25] =	ssyncadd.s32 $0xFFFFC000  }
0xfa: {  	[tilespmem:s30], [sflag:$0x2] =	stream.indirect.gather [hbm4b:s4+s26], $0x80, s11, s26, $0xb8;
	[tilespmem:$0x1E800] =	vst v63  }
0xfb: {  	_ =	swait.ge [sflag:s31], $0x4000  }
0xfc: {  	[sflag:s31] =	ssyncset.done $0x0  }
0xfd: {  	[sflag:s31] =	ssyncadd.s32 $0xFFFFC000  }
0xfe: {  	[spmem:s1] =	stream.indirect.scatter.add.f32 [tilespmem:s28], [sflag:$0x3], $0x80, s12, s26, $0xb8;
	[tilespmem:$0x1E800] =	vst v63  }
0xff: {  	_ =	swait.ge [sflag:s25], $0x4000  }
0x100: {  	[sflag:s25] =	ssyncset.done $0x0  }
0x101: {  	[sflag:s25] =	ssyncadd.s32 $0xFFFFC000  }
0x102: {  	[tilespmem:s28], [sflag:$0x1] =	stream.indirect.gather [hbm4b:s4+s26], $0x80, s13, s26, $0xb8;
	[tilespmem:$0x1E800] =	vst v63  }
0x103: {  	_ =	swait.ge [sflag:s3], $0x4000  }
0x104: {  	[sflag:s3] =	ssyncset.done $0x0  }
0x105: {  	[sflag:s3] =	ssyncadd.s32 $0xFFFFC000  }
0x106: {  	[spmem:s1] =	stream.indirect.scatter.add.f32 [tilespmem:s30], [sflag:$0x3], $0x80, s14, s26, $0xb8;
	[tilespmem:$0x1E800] =	vst v63  }
0x107: {  	_ =	swait.ge [sflag:s25], $0x4000  }
0x108: {  	[sflag:s25] =	ssyncset.done $0x0  }
0x109: {  	[sflag:s25] =	ssyncadd.s32 $0xFFFFC000  }
0x10a: {  	[tilespmem:s30], [sflag:$0x2] =	stream.indirect.gather [hbm4b:s4+s26], $0x80, s15, s26, $0xb8;
	[tilespmem:$0x1E800] =	vst v63  }
0x10b: {  	_ =	swait.ge [sflag:s31], $0x4000  }
0x10c: {  	[sflag:s31] =	ssyncset.done $0x0  }
0x10d: {  	[sflag:s31] =	ssyncadd.s32 $0xFFFFC000  }
0x10e: {  	[spmem:s1] =	stream.indirect.scatter.add.f32 [tilespmem:s28], [sflag:$0x3], $0x80, s16, s26, $0xb8;
	[tilespmem:$0x1E800] =	vst v63  }
0x10f: {  	_ =	swait.ge [sflag:s25], $0x4000  }
0x110: {  	[sflag:s25] =	ssyncset.done $0x0  }
0x111: {  	[sflag:s25] =	ssyncadd.s32 $0xFFFFC000  }
0x112: {  	p1 =	slt.u32 @!p0 s22, $0x3;
	_ =	swait.ge [sflag:s3], $0x4000  }
0x113: {  	p1 =	por p0, !p1;
	[sflag:s3] =	ssyncset.done $0x0  }
.Ltmp1:
0x114: {  	[sflag:s3] =	ssyncadd.s32 $0xFFFFC000;
	(pc) =	sbr.rel @!p1 .LBB2_4-.Ltmp1, $4  }
0x115: {  	[spmem:s1] =	stream.indirect.scatter.add.f32 [tilespmem:s30], [sflag:$0x3], $0x80, s17, s26, $0xb8;
	[tilespmem:$0x1E800] =	vst v63  }
0x116: {  	_ =	swait.ge [sflag:s25], $0x4000  }
0x117: {  	[sflag:s25] =	ssyncset.done $0x0  }
0x118: {  	s22 =	sadd.s32 $0x1, s22;
	s20 =	sadd.s32 $0x280, s20;
	[sflag:s25] =	ssyncadd.s32 $0xFFFFC000  }
0x119: {  	s20 =	stileid.u32;
	[bflag:$0x0] =	sbarrier.arrive $0xFFFF  }
0x11a: {  	s20 =	sshll.u32 s20, $0x6;
	s22 =	rddreg [dreg:$0x4]  }
0x11b: {  	s18 =	rddreg [dreg:$0x16];
	s0 =	sor.u32 $0x1C03, s20;
	s22 =	sshrl.u32 s22, $0x3  }
0x11c: {  	[hbm:s18], [sflag:s0] =	dma.local [spmem:s22], $0x2800  }
0x11d: {  	_ =	swait.ge [sflag:s25], $0x2800  }
0x11e: {  	s20 =	rddreg [dreg:$0x17]  }
0x11f: {  	s22 =	rddreg [dreg:$0x5];
	s0 =	sadd.s32 $0x1, s20  }
0x120: {  	p1 =	sne.s32 s0, s22  }
.Ltmp2:
0x121: {  	_ = 	snop;
	(pc) =	sbr.rel @p1 .LBB2_1-.Ltmp2, $3  }
0x122: {  	_ =	sdelay $0x1  }
0x123: {  	[sflag:s25] =	ssyncset.done $0x0  }
0x124: {  	[sflag:s25] =	ssyncadd.s32 $0xFFFFD800  }
0x125: {  	_ =	sfence.sel $0x180000  }
0x126: {  	[bflag:$0x0] =	sbarrier.arrive $0xFFFF  }
0x127: {  	_ =	strace $0x90000053  }
0x128: {  	s0 =	stileid.u32;
	[bflag:$0x2] =	sbarrier.arrive $0xFFFF  }
0x129: {  	p0 =	sne.s32 s0, $0x0;
	s0 =	rddreg [dreg:$0x3]  }
0x12a: {  	s0 =	sadd.s32 @!p0 $0x100000, s0  }
0x12b: {  	[sflag:s0] =	ssyncadd.tile.s32 @!p0 $0x1;
	_ =	shalt  }
.Lfunc_end2:
_tile_overlayer_lowered:
.L_overlay_start_2:
0x12c: {  	(tag) =	ssettag $0x2  }
0x12d: {  	s0 =	rddreg [dreg:$0x0];
	s2 =	stileid.u32  }
0x12e: {  	s1 =	rddreg [dreg:$0x1];
	p0 =	sne.s32 s2, $0x0  }
0x12f: {  	s3 =	rddreg [dreg:$0x2];
	[bflag:$0x3] =	sbarrier.arrive $0xFFFF;
	s2 =	simm.s32 @!p0 $0x1C03  }
0x130: {  	[timem:s3], [sflag:s2] =	dma.local @!p0 [hbm:s0], s1  }
0x131: {  	s0 =	simm.s32 @!p0 $0x3  }
0x132: {  	_ =	swait.ge @!p0 [sflag:s0], s1  }
0x133: {  	s1 =	ssub.s32 @!p0 $0x0, s1;
	[sflag:s0] =	ssyncset.done @!p0 $0x0  }
0x134: {  	[sflag:s0] =	ssyncadd.s32 @!p0 s1  }
0x135: {  	[bflag:$0x3] =	sbarrier.arrive $0xFFFF  }
0x136: {  	_ =	shalt  }

</sc_bundles>
